<compile_context>
chip_gen: v7x
topology: tpu7x:2x2x1
jax: 0.10.2.dev20260603
libtpu: 0.0.44.dev20260713+nightly
codegen_flags: <defaults>
</compile_context>

<pallas_src>
import functools

import jax
import jax.numpy as jnp
import numpy as np
from jax import lax
from jax.experimental import pallas as pl
from jax.experimental.pallas import tpu as pltpu
from jax.experimental.pallas import tpu_sc as plsc

N_NODES = 10000
N_EDGES = 320000
E_HALF = N_EDGES // 2
D_FEAT = 128
D_EDGE = 16
D_OUT = 128

NC = 2
NS = 16
NW = NC * NS
R_PER_W = E_HALF // NW
CHUNK = 40
N_CHUNKS = R_PER_W // CHUNK

_HI_MASK = np.int32(-65536)


_RND = np.int32(0x8000)


def _pack(vlo, vhi):
    blo = lax.bitcast_convert_type(vlo, jnp.int32) + _RND
    bhi = lax.bitcast_convert_type(vhi, jnp.int32) + _RND
    return lax.shift_right_logical(blo, 16) | (bhi & _HI_MASK)


def _tc_body(x_ref, w1_ref, w3_ref, b_ref, ea_lo_ref, ea_hi_ref, w2_ref,
             p1_ref, p3_ref, eap_ref):
    @pl.when(pl.program_id(0) == 0)
    def _():
        xb = x_ref[...]
        p1_ref[...] = (
            jnp.dot(xb, w1_ref[...], preferred_element_type=jnp.float32)
            + b_ref[...]
        )
        p3_ref[...] = jnp.dot(
            xb, w3_ref[...], preferred_element_type=jnp.float32)

    w2 = w2_ref[...]
    eap_ref[...] = _pack(
        jnp.dot(ea_lo_ref[...], w2, preferred_element_type=jnp.float32),
        jnp.dot(ea_hi_ref[...], w2, preferred_element_type=jnp.float32),
    )


def _tc_stage(x, w1, w3, b2d, edge_attr, w2):
    grid = 20
    blk = E_HALF // grid
    return pl.pallas_call(
        _tc_body,
        grid=(grid,),
        in_specs=[
            pl.BlockSpec((N_NODES, D_FEAT), lambda i: (0, 0)),
            pl.BlockSpec((D_FEAT, D_OUT), lambda i: (0, 0)),
            pl.BlockSpec((D_FEAT, D_OUT), lambda i: (0, 0)),
            pl.BlockSpec((1, D_OUT), lambda i: (0, 0)),
            pl.BlockSpec((blk, D_EDGE), lambda i: (i, 0)),
            pl.BlockSpec((blk, D_EDGE), lambda i: (i + 20, 0)),
            pl.BlockSpec((D_EDGE, D_OUT), lambda i: (0, 0)),
        ],
        out_specs=[
            pl.BlockSpec((N_NODES, D_OUT), lambda i: (0, 0)),
            pl.BlockSpec((N_NODES, D_OUT), lambda i: (0, 0)),
            pl.BlockSpec((blk, D_OUT), lambda i: (i, 0)),
        ],
        out_shape=[
            jax.ShapeDtypeStruct((N_NODES, D_OUT), jnp.float32),
            jax.ShapeDtypeStruct((N_NODES, D_OUT), jnp.float32),
            jax.ShapeDtypeStruct((E_HALF, D_OUT), jnp.int32),
        ],
    )(x, w1, w3, b2d, edge_attr, edge_attr, w2)


def _sc_body(p1_hbm, p3_hbm, src_hbm, dst_hbm, eap_hbm, out_hbm,
             i1lo_v, i3lo_v, i1hi_v, i3hi_v,
             g1lo_0, g1lo_1, g3lo_0, g3lo_1, g1hi_0, g1hi_1, g3hi_0, g3hi_1,
             acc_0, acc_1, oblo_0, oblo_1, obhi_0, obhi_1,
             gsem0, gsem1, easem0, easem1, osem0, osem1):
    wid = lax.axis_index("s") * NC + lax.axis_index("c")
    w_base = wid * R_PER_W

    g1lo = (g1lo_0, g1lo_1)
    g3lo = (g3lo_0, g3lo_1)
    g1hi = (g1hi_0, g1hi_1)
    g3hi = (g3hi_0, g3hi_1)
    acc = (acc_0, acc_1)
    oblo = (oblo_0, oblo_1)
    obhi = (obhi_0, obhi_1)
    gsem = (gsem0, gsem1)
    easem = (easem0, easem1)
    osem = (osem0, osem1)

    pltpu.sync_copy(src_hbm.at[pl.ds(w_base, R_PER_W)], i1lo_v)
    pltpu.sync_copy(dst_hbm.at[pl.ds(w_base, R_PER_W)], i3lo_v)
    pltpu.sync_copy(src_hbm.at[pl.ds(E_HALF + w_base, R_PER_W)], i1hi_v)
    pltpu.sync_copy(dst_hbm.at[pl.ds(E_HALF + w_base, R_PER_W)], i3hi_v)

    def in_descs(c, b):
        base = w_base + c * CHUNK
        lb = c * CHUNK
        return (
            pltpu.make_async_copy(
                p1_hbm.at[i1lo_v.at[pl.ds(lb, CHUNK)]], g1lo[b], gsem[b]),
            pltpu.make_async_copy(
                p3_hbm.at[i3lo_v.at[pl.ds(lb, CHUNK)]], g3lo[b], gsem[b]),
            pltpu.make_async_copy(
                p1_hbm.at[i1hi_v.at[pl.ds(lb, CHUNK)]], g1hi[b], gsem[b]),
            pltpu.make_async_copy(
                p3_hbm.at[i3hi_v.at[pl.ds(lb, CHUNK)]], g3hi[b], gsem[b]),
            pltpu.make_async_copy(
                eap_hbm.at[pl.ds(base, CHUNK)], acc[b], easem[b]),
        )

    def out_descs(c, b):
        base = w_base + c * CHUNK
        return (
            pltpu.make_async_copy(
                oblo[b], out_hbm.at[pl.ds(base, CHUNK)], osem[b]),
            pltpu.make_async_copy(
                obhi[b], out_hbm.at[pl.ds(E_HALF + base, CHUNK)], osem[b]),
        )

    def issue(c, b):
        for d in in_descs(c, b):
            d.start()

    def wait_in(c, b):
        for d in in_descs(c, b):
            d.wait()

    def out_start(c, b):
        for d in out_descs(c, b):
            d.start()

    def out_wait(c, b):
        for d in out_descs(c, b):
            d.wait()

    def _lo(w):
        return lax.bitcast_convert_type(w << 16, jnp.float32)

    def _hi(w):
        return lax.bitcast_convert_type(w & _HI_MASK, jnp.float32)

    def compute(b):
        def row_body(r, _):
            for j in range(D_OUT // 16):
                sl = pl.ds(j * 16, 16)
                w = acc[b][r, sl]
                oblo[b][r, sl] = g1lo[b][r, sl] + g3lo[b][r, sl] + _lo(w)
                obhi[b][r, sl] = g1hi[b][r, sl] + g3hi[b][r, sl] + _hi(w)
            return 0

        lax.fori_loop(0, CHUNK, row_body, 0)

    def step(c, b, do_wait_out, do_issue_next):
        wait_in(c, b)
        if do_wait_out:
            out_wait(c - 2, b)
        compute(b)
        if do_issue_next:
            issue(c + 2, b)
        out_start(c, b)

    issue(0, 0)
    issue(1, 1)
    step(0, 0, False, True)
    step(1, 1, False, True)

    def pair_body(i, _):
        step(2 * i, 0, True, True)
        step(2 * i + 1, 1, True, True)
        return 0

    lax.fori_loop(1, (N_CHUNKS - 3) // 2, pair_body, 0)

    step(N_CHUNKS - 3, 0, True, True)
    step(N_CHUNKS - 2, 1, True, False)
    step(N_CHUNKS - 1, 0, True, False)
    out_wait(N_CHUNKS - 2, 1)
    out_wait(N_CHUNKS - 1, 0)


def _sc_combine(p1, p3, src, dst, eap):
    mesh = plsc.VectorSubcoreMesh(core_axis_name="c", subcore_axis_name="s")
    fblk = lambda: pltpu.VMEM((CHUNK, D_OUT), jnp.float32)
    iblk = lambda: pltpu.VMEM((CHUNK, D_OUT), jnp.int32)
    idxb = lambda: pltpu.VMEM((R_PER_W,), jnp.int32)
    f = functools.partial(
        pl.kernel,
        mesh=mesh,
        out_type=jax.ShapeDtypeStruct((N_EDGES, D_OUT), jnp.float32),
        scratch_types=[
            idxb(), idxb(), idxb(), idxb(),
            fblk(), fblk(), fblk(), fblk(),
            fblk(), fblk(), fblk(), fblk(),
            iblk(), iblk(),
            fblk(), fblk(), fblk(), fblk(),
            pltpu.SemaphoreType.DMA,
            pltpu.SemaphoreType.DMA,
            pltpu.SemaphoreType.DMA,
            pltpu.SemaphoreType.DMA,
            pltpu.SemaphoreType.DMA,
            pltpu.SemaphoreType.DMA,
        ],
    )(_sc_body)
    return f(p1, p3, src, dst, eap)


@jax.jit
def kernel(x, edge_attr, edge_index, W, b):
    w1 = W[:D_FEAT]
    w2 = W[D_FEAT:D_FEAT + D_EDGE]
    w3 = W[D_FEAT + D_EDGE:]
    b2d = b.reshape(1, D_OUT)
    p1, p3, eap = _tc_stage(x, w1, w3, b2d, edge_attr, w2)
    return _sc_combine(p1, p3, edge_index[0], edge_index[1], eap)

# --- scband reference (transcript-rebuilt; emitter-appended) ---
"""Pipeline reference for scband-edge-mlp-13116830122419 (READ-ONLY COPY).

The authoritative reference and input builder live on the scoring server;
editing this copy changes nothing except your own understanding.
"""

import jax, jax.numpy as jnp
import numpy as np

N_NODES = 10000
N_EDGES = 320000
D_FEAT = 128
D_EDGE = 16
D_OUT = 128
D_IN = 2 * D_FEAT + D_EDGE  # 272


def setup_inputs(seed: int = 0) -> dict:
    key = jax.random.key(seed)
    k1, k2, k3, k4 = jax.random.split(key, 4)
    x = jax.random.normal(k1, (N_NODES, D_FEAT), dtype=jnp.float32)
    edge_attr = jax.random.normal(k2, (N_EDGES, D_EDGE), dtype=jnp.float32)
    edge_index = jax.random.randint(k3, (2, N_EDGES), 0, N_NODES, dtype=jnp.int32)
    # HeteroDictLinear parameters for the single edge type str(('n','to','n'))
    W = jax.random.normal(k4, (D_IN, D_OUT), dtype=jnp.float32) * (1.0 / np.sqrt(D_IN))
    b = jnp.zeros((D_OUT,), dtype=jnp.float32)
    return {"x": x, "edge_attr": edge_attr, "edge_index": edge_index, "W": W, "b": b}


def reference(x, edge_attr, edge_index, W, b):
    # Single edge type e = ('n','to','n'); node_features = {'n': x};
    # edge_features = {e: edge_attr}; edge_index_dict = {e: edge_index}.
    # Dropout is identity in eval mode (dropout=0.0); norm is None.
    x_i = jnp.take(x, edge_index[0], axis=0)   # source node gather
    x_j = jnp.take(x, edge_index[1], axis=0)   # destination node gather
    h = jnp.concatenate([x_i, edge_attr, x_j], axis=1)  # [E, 2*d_feat + d_edge]
    out = h @ W + b  # per-type HeteroDictLinear
    return out

if __name__ == "__main__":
    import jax
    _d = setup_inputs()
    print(jax.jit(kernel)(*tuple(_d.values())))

</pallas_src>

<mosaic_0001>
#map = affine_map<(d0, d1) -> (0, 0)>
#map1 = affine_map<(d0, d1) -> (0)>
module attributes {stable_mosaic.version = 14 : i64} {
  func.func @_sc_body(%arg0: i32, %arg1: i32, %arg2: memref<10000x128xf32, #tpu.memory_space<hbm>>, %arg3: memref<10000x128xf32, #tpu.memory_space<hbm>>, %arg4: memref<320000xi32, #tpu.memory_space<hbm>>, %arg5: memref<320000xi32, #tpu.memory_space<hbm>>, %arg6: memref<160000x128xi32, #tpu.memory_space<hbm>>, %arg7: memref<320000x128xf32, #tpu.memory_space<hbm>>, %arg8: memref<5000xi32, #tpu.memory_space<vmem>>, %arg9: memref<5000xi32, #tpu.memory_space<vmem>>, %arg10: memref<5000xi32, #tpu.memory_space<vmem>>, %arg11: memref<5000xi32, #tpu.memory_space<vmem>>, %arg12: memref<40x128xf32, #tpu.memory_space<vmem>>, %arg13: memref<40x128xf32, #tpu.memory_space<vmem>>, %arg14: memref<40x128xf32, #tpu.memory_space<vmem>>, %arg15: memref<40x128xf32, #tpu.memory_space<vmem>>, %arg16: memref<40x128xf32, #tpu.memory_space<vmem>>, %arg17: memref<40x128xf32, #tpu.memory_space<vmem>>, %arg18: memref<40x128xf32, #tpu.memory_space<vmem>>, %arg19: memref<40x128xf32, #tpu.memory_space<vmem>>, %arg20: memref<40x128xi32, #tpu.memory_space<vmem>>, %arg21: memref<40x128xi32, #tpu.memory_space<vmem>>, %arg22: memref<40x128xf32, #tpu.memory_space<vmem>>, %arg23: memref<40x128xf32, #tpu.memory_space<vmem>>, %arg24: memref<40x128xf32, #tpu.memory_space<vmem>>, %arg25: memref<40x128xf32, #tpu.memory_space<vmem>>, %arg26: memref<!tpu.dma_semaphore, #tpu.memory_space<semaphore_mem>>, %arg27: memref<!tpu.dma_semaphore, #tpu.memory_space<semaphore_mem>>, %arg28: memref<!tpu.dma_semaphore, #tpu.memory_space<semaphore_mem>>, %arg29: memref<!tpu.dma_semaphore, #tpu.memory_space<semaphore_mem>>, %arg30: memref<!tpu.dma_semaphore, #tpu.memory_space<semaphore_mem>>, %arg31: memref<!tpu.dma_semaphore, #tpu.memory_space<semaphore_mem>>) attributes {dimension_semantics = [#tpu.dimension_semantics<core_parallel>, #tpu.dimension_semantics<subcore_parallel>], iteration_bounds = array<i64: 2, 16>, scalar_prefetch = 0 : i64, scratch_operands = 24 : i64, tpu.core_type = #tpu.core_type<sc_vector_subcore>, window_params = [{transform_indices = #map}, {transform_indices = #map}, {transform_indices = #map1}, {transform_indices = #map1}, {transform_indices = #map}, {transform_indices = #map}]} {
    %mul3A = arith.constant 2 : i32
    %mul3A_0 = arith.muli %arg1, %mul3A : i32
    %add3A = arith.addi %mul3A_0, %arg0 : i32
    %mul3A_1 = arith.constant 5000 : i32
    %mul3A_2 = arith.muli %add3A, %mul3A_1 : i32
    "tpu.region"() ({
      %run_scoped3A = tpu.sem_alloc : memref<!tpu.dma_semaphore, #tpu.memory_space<semaphore_mem>>
      %dma_start3A_426 = tpu.memref_slice %arg4[%mul3A_2] : memref<320000xi32, #tpu.memory_space<hbm>> -> memref<5000xi32, #tpu.memory_space<hbm>>
      %dma_start3A_427 = tpu.memref_slice %arg4[%mul3A_2] : memref<320000xi32, #tpu.memory_space<hbm>> -> memref<5000xi32, #tpu.memory_space<hbm>>
      tpu.enqueue_dma source(%dma_start3A_427 : memref<5000xi32, #tpu.memory_space<hbm>>) target(%arg8 : memref<5000xi32, #tpu.memory_space<vmem>>) target_semaphore(%run_scoped3A : memref<!tpu.dma_semaphore, #tpu.memory_space<semaphore_mem>>)
      %dma_wait3A_428 = tpu.memref_slice %arg4[%mul3A_2] : memref<320000xi32, #tpu.memory_space<hbm>> -> memref<5000xi32, #tpu.memory_space<hbm>>
      %dma_wait3A_429 = tpu.memref_slice %arg4[%mul3A_2] : memref<320000xi32, #tpu.memory_space<hbm>> -> memref<5000xi32, #tpu.memory_space<hbm>>
      tpu.wait_dma2 semaphore(%run_scoped3A : memref<!tpu.dma_semaphore, #tpu.memory_space<semaphore_mem>>) src(%dma_wait3A_429 : memref<5000xi32, #tpu.memory_space<hbm>>) dst(%arg8 : memref<5000xi32, #tpu.memory_space<vmem>>)
      tpu.yield
    }) : () -> ()
    "tpu.region"() ({
      %run_scoped3A = tpu.sem_alloc : memref<!tpu.dma_semaphore, #tpu.memory_space<semaphore_mem>>
      %dma_start3A_426 = tpu.memref_slice %arg5[%mul3A_2] : memref<320000xi32, #tpu.memory_space<hbm>> -> memref<5000xi32, #tpu.memory_space<hbm>>
      %dma_start3A_427 = tpu.memref_slice %arg5[%mul3A_2] : memref<320000xi32, #tpu.memory_space<hbm>> -> memref<5000xi32, #tpu.memory_space<hbm>>
      tpu.enqueue_dma source(%dma_start3A_427 : memref<5000xi32, #tpu.memory_space<hbm>>) target(%arg9 : memref<5000xi32, #tpu.memory_space<vmem>>) target_semaphore(%run_scoped3A : memref<!tpu.dma_semaphore, #tpu.memory_space<semaphore_mem>>)
      %dma_wait3A_428 = tpu.memref_slice %arg5[%mul3A_2] : memref<320000xi32, #tpu.memory_space<hbm>> -> memref<5000xi32, #tpu.memory_space<hbm>>
      %dma_wait3A_429 = tpu.memref_slice %arg5[%mul3A_2] : memref<320000xi32, #tpu.memory_space<hbm>> -> memref<5000xi32, #tpu.memory_space<hbm>>
      tpu.wait_dma2 semaphore(%run_scoped3A : memref<!tpu.dma_semaphore, #tpu.memory_space<semaphore_mem>>) src(%dma_wait3A_429 : memref<5000xi32, #tpu.memory_space<hbm>>) dst(%arg9 : memref<5000xi32, #tpu.memory_space<vmem>>)
      tpu.yield
    }) : () -> ()
    %add3A_3 = arith.constant 160000 : i32
    %add3A_4 = arith.addi %add3A_3, %mul3A_2 : i32
    "tpu.region"() ({
      %run_scoped3A = tpu.sem_alloc : memref<!tpu.dma_semaphore, #tpu.memory_space<semaphore_mem>>
      %dma_start3A_426 = tpu.memref_slice %arg4[%add3A_4] : memref<320000xi32, #tpu.memory_space<hbm>> -> memref<5000xi32, #tpu.memory_space<hbm>>
      %dma_start3A_427 = tpu.memref_slice %arg4[%add3A_4] : memref<320000xi32, #tpu.memory_space<hbm>> -> memref<5000xi32, #tpu.memory_space<hbm>>
      tpu.enqueue_dma source(%dma_start3A_427 : memref<5000xi32, #tpu.memory_space<hbm>>) target(%arg10 : memref<5000xi32, #tpu.memory_space<vmem>>) target_semaphore(%run_scoped3A : memref<!tpu.dma_semaphore, #tpu.memory_space<semaphore_mem>>)
      %dma_wait3A_428 = tpu.memref_slice %arg4[%add3A_4] : memref<320000xi32, #tpu.memory_space<hbm>> -> memref<5000xi32, #tpu.memory_space<hbm>>
      %dma_wait3A_429 = tpu.memref_slice %arg4[%add3A_4] : memref<320000xi32, #tpu.memory_space<hbm>> -> memref<5000xi32, #tpu.memory_space<hbm>>
      tpu.wait_dma2 semaphore(%run_scoped3A : memref<!tpu.dma_semaphore, #tpu.memory_space<semaphore_mem>>) src(%dma_wait3A_429 : memref<5000xi32, #tpu.memory_space<hbm>>) dst(%arg10 : memref<5000xi32, #tpu.memory_space<vmem>>)
      tpu.yield
    }) : () -> ()
    %add3A_5 = arith.constant 160000 : i32
    %add3A_6 = arith.addi %add3A_5, %mul3A_2 : i32
    "tpu.region"() ({
      %run_scoped3A = tpu.sem_alloc : memref<!tpu.dma_semaphore, #tpu.memory_space<semaphore_mem>>
      %dma_start3A_426 = tpu.memref_slice %arg5[%add3A_6] : memref<320000xi32, #tpu.memory_space<hbm>> -> memref<5000xi32, #tpu.memory_space<hbm>>
      %dma_start3A_427 = tpu.memref_slice %arg5[%add3A_6] : memref<320000xi32, #tpu.memory_space<hbm>> -> memref<5000xi32, #tpu.memory_space<hbm>>
      tpu.enqueue_dma source(%dma_start3A_427 : memref<5000xi32, #tpu.memory_space<hbm>>) target(%arg11 : memref<5000xi32, #tpu.memory_space<vmem>>) target_semaphore(%run_scoped3A : memref<!tpu.dma_semaphore, #tpu.memory_space<semaphore_mem>>)
      %dma_wait3A_428 = tpu.memref_slice %arg5[%add3A_6] : memref<320000xi32, #tpu.memory_space<hbm>> -> memref<5000xi32, #tpu.memory_space<hbm>>
      %dma_wait3A_429 = tpu.memref_slice %arg5[%add3A_6] : memref<320000xi32, #tpu.memory_space<hbm>> -> memref<5000xi32, #tpu.memory_space<hbm>>
      tpu.wait_dma2 semaphore(%run_scoped3A : memref<!tpu.dma_semaphore, #tpu.memory_space<semaphore_mem>>) src(%dma_wait3A_429 : memref<5000xi32, #tpu.memory_space<hbm>>) dst(%arg11 : memref<5000xi32, #tpu.memory_space<vmem>>)
      tpu.yield
    }) : () -> ()
    %add3A_7 = arith.constant 0 : i32
    %add3A_8 = arith.addi %mul3A_2, %add3A_7 : i32
    %dma_start3A = arith.constant 0 : i32
    %dma_start3A_9 = tpu.memref_slice %arg8[%dma_start3A] : memref<5000xi32, #tpu.memory_space<vmem>> -> memref<40xi32, #tpu.memory_space<vmem>>
    %dma_start3A_10 = arith.constant 0 : i32
    %dma_start3A_11 = arith.constant 0 : i32
    %dma_start3A_12 = tpu.memref_slice %arg2[%dma_start3A_10, %dma_start3A_11] : memref<10000x128xf32, #tpu.memory_space<hbm>> -> memref<10000x128xf32, #tpu.memory_space<hbm>>
    tpu.enqueue_indirect_dma source(%dma_start3A_12 : memref<10000x128xf32, #tpu.memory_space<hbm>>) target(%arg12 : memref<40x128xf32, #tpu.memory_space<vmem>>) offsets(%dma_start3A_9 : memref<40xi32, #tpu.memory_space<vmem>>) semaphore(%arg26 : memref<!tpu.dma_semaphore, #tpu.memory_space<semaphore_mem>>)
    %dma_start3A_13 = arith.constant 0 : i32
    %dma_start3A_14 = tpu.memref_slice %arg9[%dma_start3A_13] : memref<5000xi32, #tpu.memory_space<vmem>> -> memref<40xi32, #tpu.memory_space<vmem>>
    %dma_start3A_15 = arith.constant 0 : i32
    %dma_start3A_16 = arith.constant 0 : i32
    %dma_start3A_17 = tpu.memref_slice %arg3[%dma_start3A_15, %dma_start3A_16] : memref<10000x128xf32, #tpu.memory_space<hbm>> -> memref<10000x128xf32, #tpu.memory_space<hbm>>
    tpu.enqueue_indirect_dma source(%dma_start3A_17 : memref<10000x128xf32, #tpu.memory_space<hbm>>) target(%arg14 : memref<40x128xf32, #tpu.memory_space<vmem>>) offsets(%dma_start3A_14 : memref<40xi32, #tpu.memory_space<vmem>>) semaphore(%arg26 : memref<!tpu.dma_semaphore, #tpu.memory_space<semaphore_mem>>)
    %dma_start3A_18 = arith.constant 0 : i32
    %dma_start3A_19 = tpu.memref_slice %arg10[%dma_start3A_18] : memref<5000xi32, #tpu.memory_space<vmem>> -> memref<40xi32, #tpu.memory_space<vmem>>
    %dma_start3A_20 = arith.constant 0 : i32
    %dma_start3A_21 = arith.constant 0 : i32
    %dma_start3A_22 = tpu.memref_slice %arg2[%dma_start3A_20, %dma_start3A_21] : memref<10000x128xf32, #tpu.memory_space<hbm>> -> memref<10000x128xf32, #tpu.memory_space<hbm>>
    tpu.enqueue_indirect_dma source(%dma_start3A_22 : memref<10000x128xf32, #tpu.memory_space<hbm>>) target(%arg16 : memref<40x128xf32, #tpu.memory_space<vmem>>) offsets(%dma_start3A_19 : memref<40xi32, #tpu.memory_space<vmem>>) semaphore(%arg26 : memref<!tpu.dma_semaphore, #tpu.memory_space<semaphore_mem>>)
    %dma_start3A_23 = arith.constant 0 : i32
    %dma_start3A_24 = tpu.memref_slice %arg11[%dma_start3A_23] : memref<5000xi32, #tpu.memory_space<vmem>> -> memref<40xi32, #tpu.memory_space<vmem>>
    %dma_start3A_25 = arith.constant 0 : i32
    %dma_start3A_26 = arith.constant 0 : i32
    %dma_start3A_27 = tpu.memref_slice %arg3[%dma_start3A_25, %dma_start3A_26] : memref<10000x128xf32, #tpu.memory_space<hbm>> -> memref<10000x128xf32, #tpu.memory_space<hbm>>
    tpu.enqueue_indirect_dma source(%dma_start3A_27 : memref<10000x128xf32, #tpu.memory_space<hbm>>) target(%arg18 : memref<40x128xf32, #tpu.memory_space<vmem>>) offsets(%dma_start3A_24 : memref<40xi32, #tpu.memory_space<vmem>>) semaphore(%arg26 : memref<!tpu.dma_semaphore, #tpu.memory_space<semaphore_mem>>)
    %dma_start3A_28 = arith.constant 0 : i32
    %dma_start3A_29 = tpu.memref_slice %arg6[%add3A_8, %dma_start3A_28] : memref<160000x128xi32, #tpu.memory_space<hbm>> -> memref<40x128xi32, #tpu.memory_space<hbm>>
    %dma_start3A_30 = arith.constant 0 : i32
    %dma_start3A_31 = tpu.memref_slice %arg6[%add3A_8, %dma_start3A_30] : memref<160000x128xi32, #tpu.memory_space<hbm>> -> memref<40x128xi32, #tpu.memory_space<hbm>>
    tpu.enqueue_dma source(%dma_start3A_31 : memref<40x128xi32, #tpu.memory_space<hbm>>) target(%arg20 : memref<40x128xi32, #tpu.memory_space<vmem>>) target_semaphore(%arg28 : memref<!tpu.dma_semaphore, #tpu.memory_space<semaphore_mem>>)
    %add3A_32 = arith.constant 40 : i32
    %add3A_33 = arith.addi %mul3A_2, %add3A_32 : i32
    %dma_start3A_34 = arith.constant 40 : i32
    %dma_start3A_35 = tpu.memref_slice %arg8[%dma_start3A_34] : memref<5000xi32, #tpu.memory_space<vmem>> -> memref<40xi32, #tpu.memory_space<vmem>>
    %dma_start3A_36 = arith.constant 0 : i32
    %dma_start3A_37 = arith.constant 0 : i32
    %dma_start3A_38 = tpu.memref_slice %arg2[%dma_start3A_36, %dma_start3A_37] : memref<10000x128xf32, #tpu.memory_space<hbm>> -> memref<10000x128xf32, #tpu.memory_space<hbm>>
    tpu.enqueue_indirect_dma source(%dma_start3A_38 : memref<10000x128xf32, #tpu.memory_space<hbm>>) target(%arg13 : memref<40x128xf32, #tpu.memory_space<vmem>>) offsets(%dma_start3A_35 : memref<40xi32, #tpu.memory_space<vmem>>) semaphore(%arg27 : memref<!tpu.dma_semaphore, #tpu.memory_space<semaphore_mem>>)
    %dma_start3A_39 = arith.constant 40 : i32
    %dma_start3A_40 = tpu.memref_slice %arg9[%dma_start3A_39] : memref<5000xi32, #tpu.memory_space<vmem>> -> memref<40xi32, #tpu.memory_space<vmem>>
    %dma_start3A_41 = arith.constant 0 : i32
    %dma_start3A_42 = arith.constant 0 : i32
    %dma_start3A_43 = tpu.memref_slice %arg3[%dma_start3A_41, %dma_start3A_42] : memref<10000x128xf32, #tpu.memory_space<hbm>> -> memref<10000x128xf32, #tpu.memory_space<hbm>>
    tpu.enqueue_indirect_dma source(%dma_start3A_43 : memref<10000x128xf32, #tpu.memory_space<hbm>>) target(%arg15 : memref<40x128xf32, #tpu.memory_space<vmem>>) offsets(%dma_start3A_40 : memref<40xi32, #tpu.memory_space<vmem>>) semaphore(%arg27 : memref<!tpu.dma_semaphore, #tpu.memory_space<semaphore_mem>>)
    %dma_start3A_44 = arith.constant 40 : i32
    %dma_start3A_45 = tpu.memref_slice %arg10[%dma_start3A_44] : memref<5000xi32, #tpu.memory_space<vmem>> -> memref<40xi32, #tpu.memory_space<vmem>>
    %dma_start3A_46 = arith.constant 0 : i32
    %dma_start3A_47 = arith.constant 0 : i32
    %dma_start3A_48 = tpu.memref_slice %arg2[%dma_start3A_46, %dma_start3A_47] : memref<10000x128xf32, #tpu.memory_space<hbm>> -> memref<10000x128xf32, #tpu.memory_space<hbm>>
    tpu.enqueue_indirect_dma source(%dma_start3A_48 : memref<10000x128xf32, #tpu.memory_space<hbm>>) target(%arg17 : memref<40x128xf32, #tpu.memory_space<vmem>>) offsets(%dma_start3A_45 : memref<40xi32, #tpu.memory_space<vmem>>) semaphore(%arg27 : memref<!tpu.dma_semaphore, #tpu.memory_space<semaphore_mem>>)
    %dma_start3A_49 = arith.constant 40 : i32
    %dma_start3A_50 = tpu.memref_slice %arg11[%dma_start3A_49] : memref<5000xi32, #tpu.memory_space<vmem>> -> memref<40xi32, #tpu.memory_space<vmem>>
    %dma_start3A_51 = arith.constant 0 : i32
    %dma_start3A_52 = arith.constant 0 : i32
    %dma_start3A_53 = tpu.memref_slice %arg3[%dma_start3A_51, %dma_start3A_52] : memref<10000x128xf32, #tpu.memory_space<hbm>> -> memref<10000x128xf32, #tpu.memory_space<hbm>>
    tpu.enqueue_indirect_dma source(%dma_start3A_53 : memref<10000x128xf32, #tpu.memory_space<hbm>>) target(%arg19 : memref<40x128xf32, #tpu.memory_space<vmem>>) offsets(%dma_start3A_50 : memref<40xi32, #tpu.memory_space<vmem>>) semaphore(%arg27 : memref<!tpu.dma_semaphore, #tpu.memory_space<semaphore_mem>>)
    %dma_start3A_54 = arith.constant 0 : i32
    %dma_start3A_55 = tpu.memref_slice %arg6[%add3A_33, %dma_start3A_54] : memref<160000x128xi32, #tpu.memory_space<hbm>> -> memref<40x128xi32, #tpu.memory_space<hbm>>
    %dma_start3A_56 = arith.constant 0 : i32
    %dma_start3A_57 = tpu.memref_slice %arg6[%add3A_33, %dma_start3A_56] : memref<160000x128xi32, #tpu.memory_space<hbm>> -> memref<40x128xi32, #tpu.memory_space<hbm>>
    tpu.enqueue_dma source(%dma_start3A_57 : memref<40x128xi32, #tpu.memory_space<hbm>>) target(%arg21 : memref<40x128xi32, #tpu.memory_space<vmem>>) target_semaphore(%arg29 : memref<!tpu.dma_semaphore, #tpu.memory_space<semaphore_mem>>)
    %add3A_58 = arith.constant 0 : i32
    %add3A_59 = arith.addi %mul3A_2, %add3A_58 : i32
    %dma_wait3A = arith.constant 0 : i32
    %dma_wait3A_60 = tpu.memref_slice %arg8[%dma_wait3A] : memref<5000xi32, #tpu.memory_space<vmem>> -> memref<40xi32, #tpu.memory_space<vmem>>
    %dma_wait3A_61 = arith.constant 0 : i32
    %dma_wait3A_62 = arith.constant 0 : i32
    %dma_wait3A_63 = tpu.memref_slice %arg2[%dma_wait3A_61, %dma_wait3A_62] : memref<10000x128xf32, #tpu.memory_space<hbm>> -> memref<10000x128xf32, #tpu.memory_space<hbm>>
    tpu.wait_indirect_dma semaphore(%arg26 : memref<!tpu.dma_semaphore, #tpu.memory_space<semaphore_mem>>) src(%dma_wait3A_63 : memref<10000x128xf32, #tpu.memory_space<hbm>>) dst(%arg12 : memref<40x128xf32, #tpu.memory_space<vmem>>)
    %dma_wait3A_64 = arith.constant 0 : i32
    %dma_wait3A_65 = tpu.memref_slice %arg9[%dma_wait3A_64] : memref<5000xi32, #tpu.memory_space<vmem>> -> memref<40xi32, #tpu.memory_space<vmem>>
    %dma_wait3A_66 = arith.constant 0 : i32
    %dma_wait3A_67 = arith.constant 0 : i32
    %dma_wait3A_68 = tpu.memref_slice %arg3[%dma_wait3A_66, %dma_wait3A_67] : memref<10000x128xf32, #tpu.memory_space<hbm>> -> memref<10000x128xf32, #tpu.memory_space<hbm>>
    tpu.wait_indirect_dma semaphore(%arg26 : memref<!tpu.dma_semaphore, #tpu.memory_space<semaphore_mem>>) src(%dma_wait3A_68 : memref<10000x128xf32, #tpu.memory_space<hbm>>) dst(%arg14 : memref<40x128xf32, #tpu.memory_space<vmem>>)
    %dma_wait3A_69 = arith.constant 0 : i32
    %dma_wait3A_70 = tpu.memref_slice %arg10[%dma_wait3A_69] : memref<5000xi32, #tpu.memory_space<vmem>> -> memref<40xi32, #tpu.memory_space<vmem>>
    %dma_wait3A_71 = arith.constant 0 : i32
    %dma_wait3A_72 = arith.constant 0 : i32
    %dma_wait3A_73 = tpu.memref_slice %arg2[%dma_wait3A_71, %dma_wait3A_72] : memref<10000x128xf32, #tpu.memory_space<hbm>> -> memref<10000x128xf32, #tpu.memory_space<hbm>>
    tpu.wait_indirect_dma semaphore(%arg26 : memref<!tpu.dma_semaphore, #tpu.memory_space<semaphore_mem>>) src(%dma_wait3A_73 : memref<10000x128xf32, #tpu.memory_space<hbm>>) dst(%arg16 : memref<40x128xf32, #tpu.memory_space<vmem>>)
    %dma_wait3A_74 = arith.constant 0 : i32
    %dma_wait3A_75 = tpu.memref_slice %arg11[%dma_wait3A_74] : memref<5000xi32, #tpu.memory_space<vmem>> -> memref<40xi32, #tpu.memory_space<vmem>>
    %dma_wait3A_76 = arith.constant 0 : i32
    %dma_wait3A_77 = arith.constant 0 : i32
    %dma_wait3A_78 = tpu.memref_slice %arg3[%dma_wait3A_76, %dma_wait3A_77] : memref<10000x128xf32, #tpu.memory_space<hbm>> -> memref<10000x128xf32, #tpu.memory_space<hbm>>
    tpu.wait_indirect_dma semaphore(%arg26 : memref<!tpu.dma_semaphore, #tpu.memory_space<semaphore_mem>>) src(%dma_wait3A_78 : memref<10000x128xf32, #tpu.memory_space<hbm>>) dst(%arg18 : memref<40x128xf32, #tpu.memory_space<vmem>>)
    %dma_wait3A_79 = arith.constant 0 : i32
    %dma_wait3A_80 = tpu.memref_slice %arg6[%add3A_59, %dma_wait3A_79] : memref<160000x128xi32, #tpu.memory_space<hbm>> -> memref<40x128xi32, #tpu.memory_space<hbm>>
    %dma_wait3A_81 = arith.constant 0 : i32
    %dma_wait3A_82 = tpu.memref_slice %arg6[%add3A_59, %dma_wait3A_81] : memref<160000x128xi32, #tpu.memory_space<hbm>> -> memref<40x128xi32, #tpu.memory_space<hbm>>
    tpu.wait_dma2 semaphore(%arg28 : memref<!tpu.dma_semaphore, #tpu.memory_space<semaphore_mem>>) src(%dma_wait3A_82 : memref<40x128xi32, #tpu.memory_space<hbm>>) dst(%arg20 : memref<40x128xi32, #tpu.memory_space<vmem>>)
    %scan3A = arith.constant 0 : i32
    %scan3A_83 = arith.constant 0 : i32
    %scan3A_84 = arith.constant 40 : i32
    %scan3A_85 = arith.addi %scan3A_83, %scan3A_84 : i32
    %scan3A_86 = arith.constant 1 : i32
    %scan3A_87 = scf.for %scan3A_426 = %scan3A_83 to %scan3A_85 step %scan3A_86 iter_args(%scan3A_427 = %scan3A) -> (i32)  : i32 {
      %get3A = arith.index_cast %scan3A_426 : i32 to index
      %get3A_428 = arith.constant 0 : index
      %get3A_429 = tpu.vector_load %arg20[%get3A, %get3A_428] {strides = array<i32>} : memref<40x128xi32, #tpu.memory_space<vmem>>, vector<1x16xi32>,
      %get3A_430 = vector.shape_cast %get3A_429 : vector<1x16xi32> to vector<16xi32>
      %get3A_431 = arith.index_cast %scan3A_426 : i32 to index
      %get3A_432 = arith.constant 0 : index
      %get3A_433 = tpu.vector_load %arg12[%get3A_431, %get3A_432] {strides = array<i32>} : memref<40x128xf32, #tpu.memory_space<vmem>>, vector<1x16xf32>,
      %get3A_434 = vector.shape_cast %get3A_433 : vector<1x16xf32> to vector<16xf32>
      %get3A_435 = arith.index_cast %scan3A_426 : i32 to index
      %get3A_436 = arith.constant 0 : index
      %get3A_437 = tpu.vector_load %arg14[%get3A_435, %get3A_436] {strides = array<i32>} : memref<40x128xf32, #tpu.memory_space<vmem>>, vector<1x16xf32>,
      %get3A_438 = vector.shape_cast %get3A_437 : vector<1x16xf32> to vector<16xf32>
      %add3A_439 = arith.addf %get3A_434, %get3A_438 : vector<16xf32>
      %shift_left3A = arith.constant 16 : i32
      %shift_left3A_440 = vector.broadcast %shift_left3A : i32 to vector<16xi32>
      %shift_left3A_441 = arith.shli %get3A_430, %shift_left3A_440 : vector<16xi32>
      %bitcast_convert_type3A = tpu.bitcast %shift_left3A_441 : vector<16xi32> -> vector<16xf32>
      %add3A_442 = arith.addf %add3A_439, %bitcast_convert_type3A : vector<16xf32>
      %swap3A = arith.index_cast %scan3A_426 : i32 to index
      %swap3A_443 = arith.constant 0 : index
      %swap3A_444 = tpu.vector_load %arg22[%swap3A, %swap3A_443] {strides = array<i32>} : memref<40x128xf32, #tpu.memory_space<vmem>>, vector<1x16xf32>,
      %swap3A_445 = vector.shape_cast %swap3A_444 : vector<1x16xf32> to vector<16xf32>
      %swap3A_446 = vector.shape_cast %add3A_442 : vector<16xf32> to vector<1x16xf32>
      tpu.vector_store %arg22[%swap3A, %swap3A_443], %swap3A_446 {strides = array<i32>} : memref<40x128xf32, #tpu.memory_space<vmem>>, vector<1x16xf32>,
      %get3A_447 = arith.index_cast %scan3A_426 : i32 to index
      %get3A_448 = arith.constant 0 : index
      %get3A_449 = tpu.vector_load %arg16[%get3A_447, %get3A_448] {strides = array<i32>} : memref<40x128xf32, #tpu.memory_space<vmem>>, vector<1x16xf32>,
      %get3A_450 = vector.shape_cast %get3A_449 : vector<1x16xf32> to vector<16xf32>
      %get3A_451 = arith.index_cast %scan3A_426 : i32 to index
      %get3A_452 = arith.constant 0 : index
      %get3A_453 = tpu.vector_load %arg18[%get3A_451, %get3A_452] {strides = array<i32>} : memref<40x128xf32, #tpu.memory_space<vmem>>, vector<1x16xf32>,
      %get3A_454 = vector.shape_cast %get3A_453 : vector<1x16xf32> to vector<16xf32>
      %add3A_455 = arith.addf %get3A_450, %get3A_454 : vector<16xf32>
      %and3A = arith.constant -65536 : i32
      %and3A_456 = vector.broadcast %and3A : i32 to vector<16xi32>
      %and3A_457 = arith.andi %get3A_430, %and3A_456 : vector<16xi32>
      %bitcast_convert_type3A_458 = tpu.bitcast %and3A_457 : vector<16xi32> -> vector<16xf32>
      %add3A_459 = arith.addf %add3A_455, %bitcast_convert_type3A_458 : vector<16xf32>
      %swap3A_460 = arith.index_cast %scan3A_426 : i32 to index
      %swap3A_461 = arith.constant 0 : index
      %swap3A_462 = tpu.vector_load %arg24[%swap3A_460, %swap3A_461] {strides = array<i32>} : memref<40x128xf32, #tpu.memory_space<vmem>>, vector<1x16xf32>,
      %swap3A_463 = vector.shape_cast %swap3A_462 : vector<1x16xf32> to vector<16xf32>
      %swap3A_464 = vector.shape_cast %add3A_459 : vector<16xf32> to vector<1x16xf32>
      tpu.vector_store %arg24[%swap3A_460, %swap3A_461], %swap3A_464 {strides = array<i32>} : memref<40x128xf32, #tpu.memory_space<vmem>>, vector<1x16xf32>,
      %get3A_465 = arith.index_cast %scan3A_426 : i32 to index
      %get3A_466 = arith.constant 16 : index
      %get3A_467 = tpu.vector_load %arg20[%get3A_465, %get3A_466] {strides = array<i32>} : memref<40x128xi32, #tpu.memory_space<vmem>>, vector<1x16xi32>,
      %get3A_468 = vector.shape_cast %get3A_467 : vector<1x16xi32> to vector<16xi32>
      %get3A_469 = arith.index_cast %scan3A_426 : i32 to index
      %get3A_470 = arith.constant 16 : index
      %get3A_471 = tpu.vector_load %arg12[%get3A_469, %get3A_470] {strides = array<i32>} : memref<40x128xf32, #tpu.memory_space<vmem>>, vector<1x16xf32>,
      %get3A_472 = vector.shape_cast %get3A_471 : vector<1x16xf32> to vector<16xf32>
      %get3A_473 = arith.index_cast %scan3A_426 : i32 to index
      %get3A_474 = arith.constant 16 : index
      %get3A_475 = tpu.vector_load %arg14[%get3A_473, %get3A_474] {strides = array<i32>} : memref<40x128xf32, #tpu.memory_space<vmem>>, vector<1x16xf32>,
      %get3A_476 = vector.shape_cast %get3A_475 : vector<1x16xf32> to vector<16xf32>
      %add3A_477 = arith.addf %get3A_472, %get3A_476 : vector<16xf32>
      %shift_left3A_478 = arith.constant 16 : i32
      %shift_left3A_479 = vector.broadcast %shift_left3A_478 : i32 to vector<16xi32>
      %shift_left3A_480 = arith.shli %get3A_468, %shift_left3A_479 : vector<16xi32>
      %bitcast_convert_type3A_481 = tpu.bitcast %shift_left3A_480 : vector<16xi32> -> vector<16xf32>
      %add3A_482 = arith.addf %add3A_477, %bitcast_convert_type3A_481 : vector<16xf32>
      %swap3A_483 = arith.index_cast %scan3A_426 : i32 to index
      %swap3A_484 = arith.constant 16 : index
      %swap3A_485 = tpu.vector_load %arg22[%swap3A_483, %swap3A_484] {strides = array<i32>} : memref<40x128xf32, #tpu.memory_space<vmem>>, vector<1x16xf32>,
      %swap3A_486 = vector.shape_cast %swap3A_485 : vector<1x16xf32> to vector<16xf32>
      %swap3A_487 = vector.shape_cast %add3A_482 : vector<16xf32> to vector<1x16xf32>
      tpu.vector_store %arg22[%swap3A_483, %swap3A_484], %swap3A_487 {strides = array<i32>} : memref<40x128xf32, #tpu.memory_space<vmem>>, vector<1x16xf32>,
      %get3A_488 = arith.index_cast %scan3A_426 : i32 to index
      %get3A_489 = arith.constant 16 : index
      %get3A_490 = tpu.vector_load %arg16[%get3A_488, %get3A_489] {strides = array<i32>} : memref<40x128xf32, #tpu.memory_space<vmem>>, vector<1x16xf32>,
      %get3A_491 = vector.shape_cast %get3A_490 : vector<1x16xf32> to vector<16xf32>
      %get3A_492 = arith.index_cast %scan3A_426 : i32 to index
      %get3A_493 = arith.constant 16 : index
      %get3A_494 = tpu.vector_load %arg18[%get3A_492, %get3A_493] {strides = array<i32>} : memref<40x128xf32, #tpu.memory_space<vmem>>, vector<1x16xf32>,
      %get3A_495 = vector.shape_cast %get3A_494 : vector<1x16xf32> to vector<16xf32>
      %add3A_496 = arith.addf %get3A_491, %get3A_495 : vector<16xf32>
      %and3A_497 = arith.constant -65536 : i32
      %and3A_498 = vector.broadcast %and3A_497 : i32 to vector<16xi32>
      %and3A_499 = arith.andi %get3A_468, %and3A_498 : vector<16xi32>
      %bitcast_convert_type3A_500 = tpu.bitcast %and3A_499 : vector<16xi32> -> vector<16xf32>
      %add3A_501 = arith.addf %add3A_496, %bitcast_convert_type3A_500 : vector<16xf32>
      %swap3A_502 = arith.index_cast %scan3A_426 : i32 to index
      %swap3A_503 = arith.constant 16 : index
      %swap3A_504 = tpu.vector_load %arg24[%swap3A_502, %swap3A_503] {strides = array<i32>} : memref<40x128xf32, #tpu.memory_space<vmem>>, vector<1x16xf32>,
      %swap3A_505 = vector.shape_cast %swap3A_504 : vector<1x16xf32> to vector<16xf32>
      %swap3A_506 = vector.shape_cast %add3A_501 : vector<16xf32> to vector<1x16xf32>
      tpu.vector_store %arg24[%swap3A_502, %swap3A_503], %swap3A_506 {strides = array<i32>} : memref<40x128xf32, #tpu.memory_space<vmem>>, vector<1x16xf32>,
      %get3A_507 = arith.index_cast %scan3A_426 : i32 to index
      %get3A_508 = arith.constant 32 : index
      %get3A_509 = tpu.vector_load %arg20[%get3A_507, %get3A_508] {strides = array<i32>} : memref<40x128xi32, #tpu.memory_space<vmem>>, vector<1x16xi32>,
      %get3A_510 = vector.shape_cast %get3A_509 : vector<1x16xi32> to vector<16xi32>
      %get3A_511 = arith.index_cast %scan3A_426 : i32 to index
      %get3A_512 = arith.constant 32 : index
      %get3A_513 = tpu.vector_load %arg12[%get3A_511, %get3A_512] {strides = array<i32>} : memref<40x128xf32, #tpu.memory_space<vmem>>, vector<1x16xf32>,
      %get3A_514 = vector.shape_cast %get3A_513 : vector<1x16xf32> to vector<16xf32>
      %get3A_515 = arith.index_cast %scan3A_426 : i32 to index
      %get3A_516 = arith.constant 32 : index
      %get3A_517 = tpu.vector_load %arg14[%get3A_515, %get3A_516] {strides = array<i32>} : memref<40x128xf32, #tpu.memory_space<vmem>>, vector<1x16xf32>,
      %get3A_518 = vector.shape_cast %get3A_517 : vector<1x16xf32> to vector<16xf32>
      %add3A_519 = arith.addf %get3A_514, %get3A_518 : vector<16xf32>
      %shift_left3A_520 = arith.constant 16 : i32
      %shift_left3A_521 = vector.broadcast %shift_left3A_520 : i32 to vector<16xi32>
      %shift_left3A_522 = arith.shli %get3A_510, %shift_left3A_521 : vector<16xi32>
      %bitcast_convert_type3A_523 = tpu.bitcast %shift_left3A_522 : vector<16xi32> -> vector<16xf32>
      %add3A_524 = arith.addf %add3A_519, %bitcast_convert_type3A_523 : vector<16xf32>
      %swap3A_525 = arith.index_cast %scan3A_426 : i32 to index
      %swap3A_526 = arith.constant 32 : index
      %swap3A_527 = tpu.vector_load %arg22[%swap3A_525, %swap3A_526] {strides = array<i32>} : memref<40x128xf32, #tpu.memory_space<vmem>>, vector<1x16xf32>,
      %swap3A_528 = vector.shape_cast %swap3A_527 : vector<1x16xf32> to vector<16xf32>
      %swap3A_529 = vector.shape_cast %add3A_524 : vector<16xf32> to vector<1x16xf32>
      tpu.vector_store %arg22[%swap3A_525, %swap3A_526], %swap3A_529 {strides = array<i32>} : memref<40x128xf32, #tpu.memory_space<vmem>>, vector<1x16xf32>,
      %get3A_530 = arith.index_cast %scan3A_426 : i32 to index
      %get3A_531 = arith.constant 32 : index
      %get3A_532 = tpu.vector_load %arg16[%get3A_530, %get3A_531] {strides = array<i32>} : memref<40x128xf32, #tpu.memory_space<vmem>>, vector<1x16xf32>,
      %get3A_533 = vector.shape_cast %get3A_532 : vector<1x16xf32> to vector<16xf32>
      %get3A_534 = arith.index_cast %scan3A_426 : i32 to index
      %get3A_535 = arith.constant 32 : index
      %get3A_536 = tpu.vector_load %arg18[%get3A_534, %get3A_535] {strides = array<i32>} : memref<40x128xf32, #tpu.memory_space<vmem>>, vector<1x16xf32>,
      %get3A_537 = vector.shape_cast %get3A_536 : vector<1x16xf32> to vector<16xf32>
      %add3A_538 = arith.addf %get3A_533, %get3A_537 : vector<16xf32>
      %and3A_539 = arith.constant -65536 : i32
      %and3A_540 = vector.broadcast %and3A_539 : i32 to vector<16xi32>
      %and3A_541 = arith.andi %get3A_510, %and3A_540 : vector<16xi32>
      %bitcast_convert_type3A_542 = tpu.bitcast %and3A_541 : vector<16xi32> -> vector<16xf32>
      %add3A_543 = arith.addf %add3A_538, %bitcast_convert_type3A_542 : vector<16xf32>
      %swap3A_544 = arith.index_cast %scan3A_426 : i32 to index
      %swap3A_545 = arith.constant 32 : index
      %swap3A_546 = tpu.vector_load %arg24[%swap3A_544, %swap3A_545] {strides = array<i32>} : memref<40x128xf32, #tpu.memory_space<vmem>>, vector<1x16xf32>,
      %swap3A_547 = vector.shape_cast %swap3A_546 : vector<1x16xf32> to vector<16xf32>
      %swap3A_548 = vector.shape_cast %add3A_543 : vector<16xf32> to vector<1x16xf32>
      tpu.vector_store %arg24[%swap3A_544, %swap3A_545], %swap3A_548 {strides = array<i32>} : memref<40x128xf32, #tpu.memory_space<vmem>>, vector<1x16xf32>,
      %get3A_549 = arith.index_cast %scan3A_426 : i32 to index
      %get3A_550 = arith.constant 48 : index
      %get3A_551 = tpu.vector_load %arg20[%get3A_549, %get3A_550] {strides = array<i32>} : memref<40x128xi32, #tpu.memory_space<vmem>>, vector<1x16xi32>,
      %get3A_552 = vector.shape_cast %get3A_551 : vector<1x16xi32> to vector<16xi32>
      %get3A_553 = arith.index_cast %scan3A_426 : i32 to index
      %get3A_554 = arith.constant 48 : index
      %get3A_555 = tpu.vector_load %arg12[%get3A_553, %get3A_554] {strides = array<i32>} : memref<40x128xf32, #tpu.memory_space<vmem>>, vector<1x16xf32>,
      %get3A_556 = vector.shape_cast %get3A_555 : vector<1x16xf32> to vector<16xf32>
      %get3A_557 = arith.index_cast %scan3A_426 : i32 to index
      %get3A_558 = arith.constant 48 : index
      %get3A_559 = tpu.vector_load %arg14[%get3A_557, %get3A_558] {strides = array<i32>} : memref<40x128xf32, #tpu.memory_space<vmem>>, vector<1x16xf32>,
      %get3A_560 = vector.shape_cast %get3A_559 : vector<1x16xf32> to vector<16xf32>
      %add3A_561 = arith.addf %get3A_556, %get3A_560 : vector<16xf32>
      %shift_left3A_562 = arith.constant 16 : i32
      %shift_left3A_563 = vector.broadcast %shift_left3A_562 : i32 to vector<16xi32>
      %shift_left3A_564 = arith.shli %get3A_552, %shift_left3A_563 : vector<16xi32>
      %bitcast_convert_type3A_565 = tpu.bitcast %shift_left3A_564 : vector<16xi32> -> vector<16xf32>
      %add3A_566 = arith.addf %add3A_561, %bitcast_convert_type3A_565 : vector<16xf32>
      %swap3A_567 = arith.index_cast %scan3A_426 : i32 to index
      %swap3A_568 = arith.constant 48 : index
      %swap3A_569 = tpu.vector_load %arg22[%swap3A_567, %swap3A_568] {strides = array<i32>} : memref<40x128xf32, #tpu.memory_space<vmem>>, vector<1x16xf32>,
      %swap3A_570 = vector.shape_cast %swap3A_569 : vector<1x16xf32> to vector<16xf32>
      %swap3A_571 = vector.shape_cast %add3A_566 : vector<16xf32> to vector<1x16xf32>
      tpu.vector_store %arg22[%swap3A_567, %swap3A_568], %swap3A_571 {strides = array<i32>} : memref<40x128xf32, #tpu.memory_space<vmem>>, vector<1x16xf32>,
      %get3A_572 = arith.index_cast %scan3A_426 : i32 to index
      %get3A_573 = arith.constant 48 : index
      %get3A_574 = tpu.vector_load %arg16[%get3A_572, %get3A_573] {strides = array<i32>} : memref<40x128xf32, #tpu.memory_space<vmem>>, vector<1x16xf32>,
      %get3A_575 = vector.shape_cast %get3A_574 : vector<1x16xf32> to vector<16xf32>
      %get3A_576 = arith.index_cast %scan3A_426 : i32 to index
      %get3A_577 = arith.constant 48 : index
      %get3A_578 = tpu.vector_load %arg18[%get3A_576, %get3A_577] {strides = array<i32>} : memref<40x128xf32, #tpu.memory_space<vmem>>, vector<1x16xf32>,
      %get3A_579 = vector.shape_cast %get3A_578 : vector<1x16xf32> to vector<16xf32>
      %add3A_580 = arith.addf %get3A_575, %get3A_579 : vector<16xf32>
      %and3A_581 = arith.constant -65536 : i32
      %and3A_582 = vector.broadcast %and3A_581 : i32 to vector<16xi32>
      %and3A_583 = arith.andi %get3A_552, %and3A_582 : vector<16xi32>
      %bitcast_convert_type3A_584 = tpu.bitcast %and3A_583 : vector<16xi32> -> vector<16xf32>
      %add3A_585 = arith.addf %add3A_580, %bitcast_convert_type3A_584 : vector<16xf32>
      %swap3A_586 = arith.index_cast %scan3A_426 : i32 to index
      %swap3A_587 = arith.constant 48 : index
      %swap3A_588 = tpu.vector_load %arg24[%swap3A_586, %swap3A_587] {strides = array<i32>} : memref<40x128xf32, #tpu.memory_space<vmem>>, vector<1x16xf32>,
      %swap3A_589 = vector.shape_cast %swap3A_588 : vector<1x16xf32> to vector<16xf32>
      %swap3A_590 = vector.shape_cast %add3A_585 : vector<16xf32> to vector<1x16xf32>
      tpu.vector_store %arg24[%swap3A_586, %swap3A_587], %swap3A_590 {strides = array<i32>} : memref<40x128xf32, #tpu.memory_space<vmem>>, vector<1x16xf32>,
      %get3A_591 = arith.index_cast %scan3A_426 : i32 to index
      %get3A_592 = arith.constant 64 : index
      %get3A_593 = tpu.vector_load %arg20[%get3A_591, %get3A_592] {strides = array<i32>} : memref<40x128xi32, #tpu.memory_space<vmem>>, vector<1x16xi32>,
      %get3A_594 = vector.shape_cast %get3A_593 : vector<1x16xi32> to vector<16xi32>
      %get3A_595 = arith.index_cast %scan3A_426 : i32 to index
      %get3A_596 = arith.constant 64 : index
      %get3A_597 = tpu.vector_load %arg12[%get3A_595, %get3A_596] {strides = array<i32>} : memref<40x128xf32, #tpu.memory_space<vmem>>, vector<1x16xf32>,
      %get3A_598 = vector.shape_cast %get3A_597 : vector<1x16xf32> to vector<16xf32>
      %get3A_599 = arith.index_cast %scan3A_426 : i32 to index
      %get3A_600 = arith.constant 64 : index
      %get3A_601 = tpu.vector_load %arg14[%get3A_599, %get3A_600] {strides = array<i32>} : memref<40x128xf32, #tpu.memory_space<vmem>>, vector<1x16xf32>,
      %get3A_602 = vector.shape_cast %get3A_601 : vector<1x16xf32> to vector<16xf32>
      %add3A_603 = arith.addf %get3A_598, %get3A_602 : vector<16xf32>
      %shift_left3A_604 = arith.constant 16 : i32
      %shift_left3A_605 = vector.broadcast %shift_left3A_604 : i32 to vector<16xi32>
      %shift_left3A_606 = arith.shli %get3A_594, %shift_left3A_605 : vector<16xi32>
      %bitcast_convert_type3A_607 = tpu.bitcast %shift_left3A_606 : vector<16xi32> -> vector<16xf32>
      %add3A_608 = arith.addf %add3A_603, %bitcast_convert_type3A_607 : vector<16xf32>
      %swap3A_609 = arith.index_cast %scan3A_426 : i32 to index
      %swap3A_610 = arith.constant 64 : index
      %swap3A_611 = tpu.vector_load %arg22[%swap3A_609, %swap3A_610] {strides = array<i32>} : memref<40x128xf32, #tpu.memory_space<vmem>>, vector<1x16xf32>,
      %swap3A_612 = vector.shape_cast %swap3A_611 : vector<1x16xf32> to vector<16xf32>
      %swap3A_613 = vector.shape_cast %add3A_608 : vector<16xf32> to vector<1x16xf32>
      tpu.vector_store %arg22[%swap3A_609, %swap3A_610], %swap3A_613 {strides = array<i32>} : memref<40x128xf32, #tpu.memory_space<vmem>>, vector<1x16xf32>,
      %get3A_614 = arith.index_cast %scan3A_426 : i32 to index
      %get3A_615 = arith.constant 64 : index
      %get3A_616 = tpu.vector_load %arg16[%get3A_614, %get3A_615] {strides = array<i32>} : memref<40x128xf32, #tpu.memory_space<vmem>>, vector<1x16xf32>,
      %get3A_617 = vector.shape_cast %get3A_616 : vector<1x16xf32> to vector<16xf32>
      %get3A_618 = arith.index_cast %scan3A_426 : i32 to index
      %get3A_619 = arith.constant 64 : index
      %get3A_620 = tpu.vector_load %arg18[%get3A_618, %get3A_619] {strides = array<i32>} : memref<40x128xf32, #tpu.memory_space<vmem>>, vector<1x16xf32>,
      %get3A_621 = vector.shape_cast %get3A_620 : vector<1x16xf32> to vector<16xf32>
      %add3A_622 = arith.addf %get3A_617, %get3A_621 : vector<16xf32>
      %and3A_623 = arith.constant -65536 : i32
      %and3A_624 = vector.broadcast %and3A_623 : i32 to vector<16xi32>
      %and3A_625 = arith.andi %get3A_594, %and3A_624 : vector<16xi32>
      %bitcast_convert_type3A_626 = tpu.bitcast %and3A_625 : vector<16xi32> -> vector<16xf32>
      %add3A_627 = arith.addf %add3A_622, %bitcast_convert_type3A_626 : vector<16xf32>
      %swap3A_628 = arith.index_cast %scan3A_426 : i32 to index
      %swap3A_629 = arith.constant 64 : index
      %swap3A_630 = tpu.vector_load %arg24[%swap3A_628, %swap3A_629] {strides = array<i32>} : memref<40x128xf32, #tpu.memory_space<vmem>>, vector<1x16xf32>,
      %swap3A_631 = vector.shape_cast %swap3A_630 : vector<1x16xf32> to vector<16xf32>
      %swap3A_632 = vector.shape_cast %add3A_627 : vector<16xf32> to vector<1x16xf32>
      tpu.vector_store %arg24[%swap3A_628, %swap3A_629], %swap3A_632 {strides = array<i32>} : memref<40x128xf32, #tpu.memory_space<vmem>>, vector<1x16xf32>,
      %get3A_633 = arith.index_cast %scan3A_426 : i32 to index
      %get3A_634 = arith.constant 80 : index
      %get3A_635 = tpu.vector_load %arg20[%get3A_633, %get3A_634] {strides = array<i32>} : memref<40x128xi32, #tpu.memory_space<vmem>>, vector<1x16xi32>,
      %get3A_636 = vector.shape_cast %get3A_635 : vector<1x16xi32> to vector<16xi32>
      %get3A_637 = arith.index_cast %scan3A_426 : i32 to index
      %get3A_638 = arith.constant 80 : index
      %get3A_639 = tpu.vector_load %arg12[%get3A_637, %get3A_638] {strides = array<i32>} : memref<40x128xf32, #tpu.memory_space<vmem>>, vector<1x16xf32>,
      %get3A_640 = vector.shape_cast %get3A_639 : vector<1x16xf32> to vector<16xf32>
      %get3A_641 = arith.index_cast %scan3A_426 : i32 to index
      %get3A_642 = arith.constant 80 : index
      %get3A_643 = tpu.vector_load %arg14[%get3A_641, %get3A_642] {strides = array<i32>} : memref<40x128xf32, #tpu.memory_space<vmem>>, vector<1x16xf32>,
      %get3A_644 = vector.shape_cast %get3A_643 : vector<1x16xf32> to vector<16xf32>
      %add3A_645 = arith.addf %get3A_640, %get3A_644 : vector<16xf32>
      %shift_left3A_646 = arith.constant 16 : i32
      %shift_left3A_647 = vector.broadcast %shift_left3A_646 : i32 to vector<16xi32>
      %shift_left3A_648 = arith.shli %get3A_636, %shift_left3A_647 : vector<16xi32>
      %bitcast_convert_type3A_649 = tpu.bitcast %shift_left3A_648 : vector<16xi32> -> vector<16xf32>
      %add3A_650 = arith.addf %add3A_645, %bitcast_convert_type3A_649 : vector<16xf32>
      %swap3A_651 = arith.index_cast %scan3A_426 : i32 to index
      %swap3A_652 = arith.constant 80 : index
      %swap3A_653 = tpu.vector_load %arg22[%swap3A_651, %swap3A_652] {strides = array<i32>} : memref<40x128xf32, #tpu.memory_space<vmem>>, vector<1x16xf32>,
      %swap3A_654 = vector.shape_cast %swap3A_653 : vector<1x16xf32> to vector<16xf32>
      %swap3A_655 = vector.shape_cast %add3A_650 : vector<16xf32> to vector<1x16xf32>
      tpu.vector_store %arg22[%swap3A_651, %swap3A_652], %swap3A_655 {strides = array<i32>} : memref<40x128xf32, #tpu.memory_space<vmem>>, vector<1x16xf32>,
      %get3A_656 = arith.index_cast %scan3A_426 : i32 to index
      %get3A_657 = arith.constant 80 : index
      %get3A_658 = tpu.vector_load %arg16[%get3A_656, %get3A_657] {strides = array<i32>} : memref<40x128xf32, #tpu.memory_space<vmem>>, vector<1x16xf32>,
      %get3A_659 = vector.shape_cast %get3A_658 : vector<1x16xf32> to vector<16xf32>
      %get3A_660 = arith.index_cast %scan3A_426 : i32 to index
      %get3A_661 = arith.constant 80 : index
      %get3A_662 = tpu.vector_load %arg18[%get3A_660, %get3A_661] {strides = array<i32>} : memref<40x128xf32, #tpu.memory_space<vmem>>, vector<1x16xf32>,
      %get3A_663 = vector.shape_cast %get3A_662 : vector<1x16xf32> to vector<16xf32>
      %add3A_664 = arith.addf %get3A_659, %get3A_663 : vector<16xf32>
      %and3A_665 = arith.constant -65536 : i32
      %and3A_666 = vector.broadcast %and3A_665 : i32 to vector<16xi32>
      %and3A_667 = arith.andi %get3A_636, %and3A_666 : vector<16xi32>
      %bitcast_convert_type3A_668 = tpu.bitcast %and3A_667 : vector<16xi32> -> vector<16xf32>
      %add3A_669 = arith.addf %add3A_664, %bitcast_convert_type3A_668 : vector<16xf32>
      %swap3A_670 = arith.index_cast %scan3A_426 : i32 to index
      %swap3A_671 = arith.constant 80 : index
      %swap3A_672 = tpu.vector_load %arg24[%swap3A_670, %swap3A_671] {strides = array<i32>} : memref<40x128xf32, #tpu.memory_space<vmem>>, vector<1x16xf32>,
      %swap3A_673 = vector.shape_cast %swap3A_672 : vector<1x16xf32> to vector<16xf32>
      %swap3A_674 = vector.shape_cast %add3A_669 : vector<16xf32> to vector<1x16xf32>
      tpu.vector_store %arg24[%swap3A_670, %swap3A_671], %swap3A_674 {strides = array<i32>} : memref<40x128xf32, #tpu.memory_space<vmem>>, vector<1x16xf32>,
      %get3A_675 = arith.index_cast %scan3A_426 : i32 to index
      %get3A_676 = arith.constant 96 : index
      %get3A_677 = tpu.vector_load %arg20[%get3A_675, %get3A_676] {strides = array<i32>} : memref<40x128xi32, #tpu.memory_space<vmem>>, vector<1x16xi32>,
      %get3A_678 = vector.shape_cast %get3A_677 : vector<1x16xi32> to vector<16xi32>
      %get3A_679 = arith.index_cast %scan3A_426 : i32 to index
      %get3A_680 = arith.constant 96 : index
      %get3A_681 = tpu.vector_load %arg12[%get3A_679, %get3A_680] {strides = array<i32>} : memref<40x128xf32, #tpu.memory_space<vmem>>, vector<1x16xf32>,
      %get3A_682 = vector.shape_cast %get3A_681 : vector<1x16xf32> to vector<16xf32>
      %get3A_683 = arith.index_cast %scan3A_426 : i32 to index
      %get3A_684 = arith.constant 96 : index
      %get3A_685 = tpu.vector_load %arg14[%get3A_683, %get3A_684] {strides = array<i32>} : memref<40x128xf32, #tpu.memory_space<vmem>>, vector<1x16xf32>,
      %get3A_686 = vector.shape_cast %get3A_685 : vector<1x16xf32> to vector<16xf32>
      %add3A_687 = arith.addf %get3A_682, %get3A_686 : vector<16xf32>
      %shift_left3A_688 = arith.constant 16 : i32
      %shift_left3A_689 = vector.broadcast %shift_left3A_688 : i32 to vector<16xi32>
      %shift_left3A_690 = arith.shli %get3A_678, %shift_left3A_689 : vector<16xi32>
      %bitcast_convert_type3A_691 = tpu.bitcast %shift_left3A_690 : vector<16xi32> -> vector<16xf32>
      %add3A_692 = arith.addf %add3A_687, %bitcast_convert_type3A_691 : vector<16xf32>
      %swap3A_693 = arith.index_cast %scan3A_426 : i32 to index
      %swap3A_694 = arith.constant 96 : index
      %swap3A_695 = tpu.vector_load %arg22[%swap3A_693, %swap3A_694] {strides = array<i32>} : memref<40x128xf32, #tpu.memory_space<vmem>>, vector<1x16xf32>,
      %swap3A_696 = vector.shape_cast %swap3A_695 : vector<1x16xf32> to vector<16xf32>
      %swap3A_697 = vector.shape_cast %add3A_692 : vector<16xf32> to vector<1x16xf32>
      tpu.vector_store %arg22[%swap3A_693, %swap3A_694], %swap3A_697 {strides = array<i32>} : memref<40x128xf32, #tpu.memory_space<vmem>>, vector<1x16xf32>,
      %get3A_698 = arith.index_cast %scan3A_426 : i32 to index
      %get3A_699 = arith.constant 96 : index
      %get3A_700 = tpu.vector_load %arg16[%get3A_698, %get3A_699] {strides = array<i32>} : memref<40x128xf32, #tpu.memory_space<vmem>>, vector<1x16xf32>,
      %get3A_701 = vector.shape_cast %get3A_700 : vector<1x16xf32> to vector<16xf32>
      %get3A_702 = arith.index_cast %scan3A_426 : i32 to index
      %get3A_703 = arith.constant 96 : index
      %get3A_704 = tpu.vector_load %arg18[%get3A_702, %get3A_703] {strides = array<i32>} : memref<40x128xf32, #tpu.memory_space<vmem>>, vector<1x16xf32>,
      %get3A_705 = vector.shape_cast %get3A_704 : vector<1x16xf32> to vector<16xf32>
      %add3A_706 = arith.addf %get3A_701, %get3A_705 : vector<16xf32>
      %and3A_707 = arith.constant -65536 : i32
      %and3A_708 = vector.broadcast %and3A_707 : i32 to vector<16xi32>
      %and3A_709 = arith.andi %get3A_678, %and3A_708 : vector<16xi32>
      %bitcast_convert_type3A_710 = tpu.bitcast %and3A_709 : vector<16xi32> -> vector<16xf32>
      %add3A_711 = arith.addf %add3A_706, %bitcast_convert_type3A_710 : vector<16xf32>
      %swap3A_712 = arith.index_cast %scan3A_426 : i32 to index
      %swap3A_713 = arith.constant 96 : index
      %swap3A_714 = tpu.vector_load %arg24[%swap3A_712, %swap3A_713] {strides = array<i32>} : memref<40x128xf32, #tpu.memory_space<vmem>>, vector<1x16xf32>,
      %swap3A_715 = vector.shape_cast %swap3A_714 : vector<1x16xf32> to vector<16xf32>
      %swap3A_716 = vector.shape_cast %add3A_711 : vector<16xf32> to vector<1x16xf32>
      tpu.vector_store %arg24[%swap3A_712, %swap3A_713], %swap3A_716 {strides = array<i32>} : memref<40x128xf32, #tpu.memory_space<vmem>>, vector<1x16xf32>,
      %get3A_717 = arith.index_cast %scan3A_426 : i32 to index
      %get3A_718 = arith.constant 112 : index
      %get3A_719 = tpu.vector_load %arg20[%get3A_717, %get3A_718] {strides = array<i32>} : memref<40x128xi32, #tpu.memory_space<vmem>>, vector<1x16xi32>,
      %get3A_720 = vector.shape_cast %get3A_719 : vector<1x16xi32> to vector<16xi32>
      %get3A_721 = arith.index_cast %scan3A_426 : i32 to index
      %get3A_722 = arith.constant 112 : index
      %get3A_723 = tpu.vector_load %arg12[%get3A_721, %get3A_722] {strides = array<i32>} : memref<40x128xf32, #tpu.memory_space<vmem>>, vector<1x16xf32>,
      %get3A_724 = vector.shape_cast %get3A_723 : vector<1x16xf32> to vector<16xf32>
      %get3A_725 = arith.index_cast %scan3A_426 : i32 to index
      %get3A_726 = arith.constant 112 : index
      %get3A_727 = tpu.vector_load %arg14[%get3A_725, %get3A_726] {strides = array<i32>} : memref<40x128xf32, #tpu.memory_space<vmem>>, vector<1x16xf32>,
      %get3A_728 = vector.shape_cast %get3A_727 : vector<1x16xf32> to vector<16xf32>
      %add3A_729 = arith.addf %get3A_724, %get3A_728 : vector<16xf32>
      %shift_left3A_730 = arith.constant 16 : i32
      %shift_left3A_731 = vector.broadcast %shift_left3A_730 : i32 to vector<16xi32>
      %shift_left3A_732 = arith.shli %get3A_720, %shift_left3A_731 : vector<16xi32>
      %bitcast_convert_type3A_733 = tpu.bitcast %shift_left3A_732 : vector<16xi32> -> vector<16xf32>
      %add3A_734 = arith.addf %add3A_729, %bitcast_convert_type3A_733 : vector<16xf32>
      %swap3A_735 = arith.index_cast %scan3A_426 : i32 to index
      %swap3A_736 = arith.constant 112 : index
      %swap3A_737 = tpu.vector_load %arg22[%swap3A_735, %swap3A_736] {strides = array<i32>} : memref<40x128xf32, #tpu.memory_space<vmem>>, vector<1x16xf32>,
      %swap3A_738 = vector.shape_cast %swap3A_737 : vector<1x16xf32> to vector<16xf32>
      %swap3A_739 = vector.shape_cast %add3A_734 : vector<16xf32> to vector<1x16xf32>
      tpu.vector_store %arg22[%swap3A_735, %swap3A_736], %swap3A_739 {strides = array<i32>} : memref<40x128xf32, #tpu.memory_space<vmem>>, vector<1x16xf32>,
      %get3A_740 = arith.index_cast %scan3A_426 : i32 to index
      %get3A_741 = arith.constant 112 : index
      %get3A_742 = tpu.vector_load %arg16[%get3A_740, %get3A_741] {strides = array<i32>} : memref<40x128xf32, #tpu.memory_space<vmem>>, vector<1x16xf32>,
      %get3A_743 = vector.shape_cast %get3A_742 : vector<1x16xf32> to vector<16xf32>
      %get3A_744 = arith.index_cast %scan3A_426 : i32 to index
      %get3A_745 = arith.constant 112 : index
      %get3A_746 = tpu.vector_load %arg18[%get3A_744, %get3A_745] {strides = array<i32>} : memref<40x128xf32, #tpu.memory_space<vmem>>, vector<1x16xf32>,
      %get3A_747 = vector.shape_cast %get3A_746 : vector<1x16xf32> to vector<16xf32>
      %add3A_748 = arith.addf %get3A_743, %get3A_747 : vector<16xf32>
      %and3A_749 = arith.constant -65536 : i32
      %and3A_750 = vector.broadcast %and3A_749 : i32 to vector<16xi32>
      %and3A_751 = arith.andi %get3A_720, %and3A_750 : vector<16xi32>
      %bitcast_convert_type3A_752 = tpu.bitcast %and3A_751 : vector<16xi32> -> vector<16xf32>
      %add3A_753 = arith.addf %add3A_748, %bitcast_convert_type3A_752 : vector<16xf32>
      %swap3A_754 = arith.index_cast %scan3A_426 : i32 to index
      %swap3A_755 = arith.constant 112 : index
      %swap3A_756 = tpu.vector_load %arg24[%swap3A_754, %swap3A_755] {strides = array<i32>} : memref<40x128xf32, #tpu.memory_space<vmem>>, vector<1x16xf32>,
      %swap3A_757 = vector.shape_cast %swap3A_756 : vector<1x16xf32> to vector<16xf32>
      %swap3A_758 = vector.shape_cast %add3A_753 : vector<16xf32> to vector<1x16xf32>
      tpu.vector_store %arg24[%swap3A_754, %swap3A_755], %swap3A_758 {strides = array<i32>} : memref<40x128xf32, #tpu.memory_space<vmem>>, vector<1x16xf32>,
      %scan3A_759 = arith.constant 0 : i32
      scf.yield %scan3A_759 : i32
    }
    %scan3A_88 = arith.constant 40 : i32
    %add3A_89 = arith.constant 80 : i32
    %add3A_90 = arith.addi %mul3A_2, %add3A_89 : i32
    %dma_start3A_91 = arith.constant 80 : i32
    %dma_start3A_92 = tpu.memref_slice %arg8[%dma_start3A_91] : memref<5000xi32, #tpu.memory_space<vmem>> -> memref<40xi32, #tpu.memory_space<vmem>>
    %dma_start3A_93 = arith.constant 0 : i32
    %dma_start3A_94 = arith.constant 0 : i32
    %dma_start3A_95 = tpu.memref_slice %arg2[%dma_start3A_93, %dma_start3A_94] : memref<10000x128xf32, #tpu.memory_space<hbm>> -> memref<10000x128xf32, #tpu.memory_space<hbm>>
    tpu.enqueue_indirect_dma source(%dma_start3A_95 : memref<10000x128xf32, #tpu.memory_space<hbm>>) target(%arg12 : memref<40x128xf32, #tpu.memory_space<vmem>>) offsets(%dma_start3A_92 : memref<40xi32, #tpu.memory_space<vmem>>) semaphore(%arg26 : memref<!tpu.dma_semaphore, #tpu.memory_space<semaphore_mem>>)
    %dma_start3A_96 = arith.constant 80 : i32
    %dma_start3A_97 = tpu.memref_slice %arg9[%dma_start3A_96] : memref<5000xi32, #tpu.memory_space<vmem>> -> memref<40xi32, #tpu.memory_space<vmem>>
    %dma_start3A_98 = arith.constant 0 : i32
    %dma_start3A_99 = arith.constant 0 : i32
    %dma_start3A_100 = tpu.memref_slice %arg3[%dma_start3A_98, %dma_start3A_99] : memref<10000x128xf32, #tpu.memory_space<hbm>> -> memref<10000x128xf32, #tpu.memory_space<hbm>>
    tpu.enqueue_indirect_dma source(%dma_start3A_100 : memref<10000x128xf32, #tpu.memory_space<hbm>>) target(%arg14 : memref<40x128xf32, #tpu.memory_space<vmem>>) offsets(%dma_start3A_97 : memref<40xi32, #tpu.memory_space<vmem>>) semaphore(%arg26 : memref<!tpu.dma_semaphore, #tpu.memory_space<semaphore_mem>>)
    %dma_start3A_101 = arith.constant 80 : i32
    %dma_start3A_102 = tpu.memref_slice %arg10[%dma_start3A_101] : memref<5000xi32, #tpu.memory_space<vmem>> -> memref<40xi32, #tpu.memory_space<vmem>>
    %dma_start3A_103 = arith.constant 0 : i32
    %dma_start3A_104 = arith.constant 0 : i32
    %dma_start3A_105 = tpu.memref_slice %arg2[%dma_start3A_103, %dma_start3A_104] : memref<10000x128xf32, #tpu.memory_space<hbm>> -> memref<10000x128xf32, #tpu.memory_space<hbm>>
    tpu.enqueue_indirect_dma source(%dma_start3A_105 : memref<10000x128xf32, #tpu.memory_space<hbm>>) target(%arg16 : memref<40x128xf32, #tpu.memory_space<vmem>>) offsets(%dma_start3A_102 : memref<40xi32, #tpu.memory_space<vmem>>) semaphore(%arg26 : memref<!tpu.dma_semaphore, #tpu.memory_space<semaphore_mem>>)
    %dma_start3A_106 = arith.constant 80 : i32
    %dma_start3A_107 = tpu.memref_slice %arg11[%dma_start3A_106] : memref<5000xi32, #tpu.memory_space<vmem>> -> memref<40xi32, #tpu.memory_space<vmem>>
    %dma_start3A_108 = arith.constant 0 : i32
    %dma_start3A_109 = arith.constant 0 : i32
    %dma_start3A_110 = tpu.memref_slice %arg3[%dma_start3A_108, %dma_start3A_109] : memref<10000x128xf32, #tpu.memory_space<hbm>> -> memref<10000x128xf32, #tpu.memory_space<hbm>>
    tpu.enqueue_indirect_dma source(%dma_start3A_110 : memref<10000x128xf32, #tpu.memory_space<hbm>>) target(%arg18 : memref<40x128xf32, #tpu.memory_space<vmem>>) offsets(%dma_start3A_107 : memref<40xi32, #tpu.memory_space<vmem>>) semaphore(%arg26 : memref<!tpu.dma_semaphore, #tpu.memory_space<semaphore_mem>>)
    %dma_start3A_111 = arith.constant 0 : i32
    %dma_start3A_112 = tpu.memref_slice %arg6[%add3A_90, %dma_start3A_111] : memref<160000x128xi32, #tpu.memory_space<hbm>> -> memref<40x128xi32, #tpu.memory_space<hbm>>
    %dma_start3A_113 = arith.constant 0 : i32
    %dma_start3A_114 = tpu.memref_slice %arg6[%add3A_90, %dma_start3A_113] : memref<160000x128xi32, #tpu.memory_space<hbm>> -> memref<40x128xi32, #tpu.memory_space<hbm>>
    tpu.enqueue_dma source(%dma_start3A_114 : memref<40x128xi32, #tpu.memory_space<hbm>>) target(%arg20 : memref<40x128xi32, #tpu.memory_space<vmem>>) target_semaphore(%arg28 : memref<!tpu.dma_semaphore, #tpu.memory_space<semaphore_mem>>)
    %add3A_115 = arith.constant 0 : i32
    %add3A_116 = arith.addi %mul3A_2, %add3A_115 : i32
    %add3A_117 = arith.constant 160000 : i32
    %add3A_118 = arith.addi %add3A_117, %add3A_116 : i32
    %dma_start3A_119 = arith.constant 0 : i32
    %dma_start3A_120 = tpu.memref_slice %arg7[%add3A_116, %dma_start3A_119] : memref<320000x128xf32, #tpu.memory_space<hbm>> -> memref<40x128xf32, #tpu.memory_space<hbm>>
    %dma_start3A_121 = arith.constant 0 : i32
    %dma_start3A_122 = tpu.memref_slice %arg7[%add3A_116, %dma_start3A_121] : memref<320000x128xf32, #tpu.memory_space<hbm>> -> memref<40x128xf32, #tpu.memory_space<hbm>>
    tpu.enqueue_dma source(%arg22 : memref<40x128xf32, #tpu.memory_space<vmem>>) target(%dma_start3A_122 : memref<40x128xf32, #tpu.memory_space<hbm>>) target_semaphore(%arg30 : memref<!tpu.dma_semaphore, #tpu.memory_space<semaphore_mem>>)
    %dma_start3A_123 = arith.constant 0 : i32
    %dma_start3A_124 = tpu.memref_slice %arg7[%add3A_118, %dma_start3A_123] : memref<320000x128xf32, #tpu.memory_space<hbm>> -> memref<40x128xf32, #tpu.memory_space<hbm>>
    %dma_start3A_125 = arith.constant 0 : i32
    %dma_start3A_126 = tpu.memref_slice %arg7[%add3A_118, %dma_start3A_125] : memref<320000x128xf32, #tpu.memory_space<hbm>> -> memref<40x128xf32, #tpu.memory_space<hbm>>
    tpu.enqueue_dma source(%arg24 : memref<40x128xf32, #tpu.memory_space<vmem>>) target(%dma_start3A_126 : memref<40x128xf32, #tpu.memory_space<hbm>>) target_semaphore(%arg30 : memref<!tpu.dma_semaphore, #tpu.memory_space<semaphore_mem>>)
    %add3A_127 = arith.constant 40 : i32
    %add3A_128 = arith.addi %mul3A_2, %add3A_127 : i32
    %dma_wait3A_129 = arith.constant 40 : i32
    %dma_wait3A_130 = tpu.memref_slice %arg8[%dma_wait3A_129] : memref<5000xi32, #tpu.memory_space<vmem>> -> memref<40xi32, #tpu.memory_space<vmem>>
    %dma_wait3A_131 = arith.constant 0 : i32
    %dma_wait3A_132 = arith.constant 0 : i32
    %dma_wait3A_133 = tpu.memref_slice %arg2[%dma_wait3A_131, %dma_wait3A_132] : memref<10000x128xf32, #tpu.memory_space<hbm>> -> memref<10000x128xf32, #tpu.memory_space<hbm>>
    tpu.wait_indirect_dma semaphore(%arg27 : memref<!tpu.dma_semaphore, #tpu.memory_space<semaphore_mem>>) src(%dma_wait3A_133 : memref<10000x128xf32, #tpu.memory_space<hbm>>) dst(%arg13 : memref<40x128xf32, #tpu.memory_space<vmem>>)
    %dma_wait3A_134 = arith.constant 40 : i32
    %dma_wait3A_135 = tpu.memref_slice %arg9[%dma_wait3A_134] : memref<5000xi32, #tpu.memory_space<vmem>> -> memref<40xi32, #tpu.memory_space<vmem>>
    %dma_wait3A_136 = arith.constant 0 : i32
    %dma_wait3A_137 = arith.constant 0 : i32
    %dma_wait3A_138 = tpu.memref_slice %arg3[%dma_wait3A_136, %dma_wait3A_137] : memref<10000x128xf32, #tpu.memory_space<hbm>> -> memref<10000x128xf32, #tpu.memory_space<hbm>>
    tpu.wait_indirect_dma semaphore(%arg27 : memref<!tpu.dma_semaphore, #tpu.memory_space<semaphore_mem>>) src(%dma_wait3A_138 : memref<10000x128xf32, #tpu.memory_space<hbm>>) dst(%arg15 : memref<40x128xf32, #tpu.memory_space<vmem>>)
    %dma_wait3A_139 = arith.constant 40 : i32
    %dma_wait3A_140 = tpu.memref_slice %arg10[%dma_wait3A_139] : memref<5000xi32, #tpu.memory_space<vmem>> -> memref<40xi32, #tpu.memory_space<vmem>>
    %dma_wait3A_141 = arith.constant 0 : i32
    %dma_wait3A_142 = arith.constant 0 : i32
    %dma_wait3A_143 = tpu.memref_slice %arg2[%dma_wait3A_141, %dma_wait3A_142] : memref<10000x128xf32, #tpu.memory_space<hbm>> -> memref<10000x128xf32, #tpu.memory_space<hbm>>
    tpu.wait_indirect_dma semaphore(%arg27 : memref<!tpu.dma_semaphore, #tpu.memory_space<semaphore_mem>>) src(%dma_wait3A_143 : memref<10000x128xf32, #tpu.memory_space<hbm>>) dst(%arg17 : memref<40x128xf32, #tpu.memory_space<vmem>>)
    %dma_wait3A_144 = arith.constant 40 : i32
    %dma_wait3A_145 = tpu.memref_slice %arg11[%dma_wait3A_144] : memref<5000xi32, #tpu.memory_space<vmem>> -> memref<40xi32, #tpu.memory_space<vmem>>
    %dma_wait3A_146 = arith.constant 0 : i32
    %dma_wait3A_147 = arith.constant 0 : i32
    %dma_wait3A_148 = tpu.memref_slice %arg3[%dma_wait3A_146, %dma_wait3A_147] : memref<10000x128xf32, #tpu.memory_space<hbm>> -> memref<10000x128xf32, #tpu.memory_space<hbm>>
    tpu.wait_indirect_dma semaphore(%arg27 : memref<!tpu.dma_semaphore, #tpu.memory_space<semaphore_mem>>) src(%dma_wait3A_148 : memref<10000x128xf32, #tpu.memory_space<hbm>>) dst(%arg19 : memref<40x128xf32, #tpu.memory_space<vmem>>)
    %dma_wait3A_149 = arith.constant 0 : i32
    %dma_wait3A_150 = tpu.memref_slice %arg6[%add3A_128, %dma_wait3A_149] : memref<160000x128xi32, #tpu.memory_space<hbm>> -> memref<40x128xi32, #tpu.memory_space<hbm>>
    %dma_wait3A_151 = arith.constant 0 : i32
    %dma_wait3A_152 = tpu.memref_slice %arg6[%add3A_128, %dma_wait3A_151] : memref<160000x128xi32, #tpu.memory_space<hbm>> -> memref<40x128xi32, #tpu.memory_space<hbm>>
    tpu.wait_dma2 semaphore(%arg29 : memref<!tpu.dma_semaphore, #tpu.memory_space<semaphore_mem>>) src(%dma_wait3A_152 : memref<40x128xi32, #tpu.memory_space<hbm>>) dst(%arg21 : memref<40x128xi32, #tpu.memory_space<vmem>>)
    %scan3A_153 = arith.constant 0 : i32
    %scan3A_154 = arith.constant 0 : i32
    %scan3A_155 = arith.constant 40 : i32
    %scan3A_156 = arith.addi %scan3A_154, %scan3A_155 : i32
    %scan3A_157 = arith.constant 1 : i32
    %scan3A_158 = scf.for %scan3A_426 = %scan3A_154 to %scan3A_156 step %scan3A_157 iter_args(%scan3A_427 = %scan3A_153) -> (i32)  : i32 {
      %get3A = arith.index_cast %scan3A_426 : i32 to index
      %get3A_428 = arith.constant 0 : index
      %get3A_429 = tpu.vector_load %arg21[%get3A, %get3A_428] {strides = array<i32>} : memref<40x128xi32, #tpu.memory_space<vmem>>, vector<1x16xi32>,
      %get3A_430 = vector.shape_cast %get3A_429 : vector<1x16xi32> to vector<16xi32>
      %get3A_431 = arith.index_cast %scan3A_426 : i32 to index
      %get3A_432 = arith.constant 0 : index
      %get3A_433 = tpu.vector_load %arg13[%get3A_431, %get3A_432] {strides = array<i32>} : memref<40x128xf32, #tpu.memory_space<vmem>>, vector<1x16xf32>,
      %get3A_434 = vector.shape_cast %get3A_433 : vector<1x16xf32> to vector<16xf32>
      %get3A_435 = arith.index_cast %scan3A_426 : i32 to index
      %get3A_436 = arith.constant 0 : index
      %get3A_437 = tpu.vector_load %arg15[%get3A_435, %get3A_436] {strides = array<i32>} : memref<40x128xf32, #tpu.memory_space<vmem>>, vector<1x16xf32>,
      %get3A_438 = vector.shape_cast %get3A_437 : vector<1x16xf32> to vector<16xf32>
      %add3A_439 = arith.addf %get3A_434, %get3A_438 : vector<16xf32>
      %shift_left3A = arith.constant 16 : i32
      %shift_left3A_440 = vector.broadcast %shift_left3A : i32 to vector<16xi32>
      %shift_left3A_441 = arith.shli %get3A_430, %shift_left3A_440 : vector<16xi32>
      %bitcast_convert_type3A = tpu.bitcast %shift_left3A_441 : vector<16xi32> -> vector<16xf32>
      %add3A_442 = arith.addf %add3A_439, %bitcast_convert_type3A : vector<16xf32>
      %swap3A = arith.index_cast %scan3A_426 : i32 to index
      %swap3A_443 = arith.constant 0 : index
      %swap3A_444 = tpu.vector_load %arg23[%swap3A, %swap3A_443] {strides = array<i32>} : memref<40x128xf32, #tpu.memory_space<vmem>>, vector<1x16xf32>,
      %swap3A_445 = vector.shape_cast %swap3A_444 : vector<1x16xf32> to vector<16xf32>
      %swap3A_446 = vector.shape_cast %add3A_442 : vector<16xf32> to vector<1x16xf32>
      tpu.vector_store %arg23[%swap3A, %swap3A_443], %swap3A_446 {strides = array<i32>} : memref<40x128xf32, #tpu.memory_space<vmem>>, vector<1x16xf32>,
      %get3A_447 = arith.index_cast %scan3A_426 : i32 to index
      %get3A_448 = arith.constant 0 : index
      %get3A_449 = tpu.vector_load %arg17[%get3A_447, %get3A_448] {strides = array<i32>} : memref<40x128xf32, #tpu.memory_space<vmem>>, vector<1x16xf32>,
      %get3A_450 = vector.shape_cast %get3A_449 : vector<1x16xf32> to vector<16xf32>
      %get3A_451 = arith.index_cast %scan3A_426 : i32 to index
      %get3A_452 = arith.constant 0 : index
      %get3A_453 = tpu.vector_load %arg19[%get3A_451, %get3A_452] {strides = array<i32>} : memref<40x128xf32, #tpu.memory_space<vmem>>, vector<1x16xf32>,
      %get3A_454 = vector.shape_cast %get3A_453 : vector<1x16xf32> to vector<16xf32>
      %add3A_455 = arith.addf %get3A_450, %get3A_454 : vector<16xf32>
      %and3A = arith.constant -65536 : i32
      %and3A_456 = vector.broadcast %and3A : i32 to vector<16xi32>
      %and3A_457 = arith.andi %get3A_430, %and3A_456 : vector<16xi32>
      %bitcast_convert_type3A_458 = tpu.bitcast %and3A_457 : vector<16xi32> -> vector<16xf32>
      %add3A_459 = arith.addf %add3A_455, %bitcast_convert_type3A_458 : vector<16xf32>
      %swap3A_460 = arith.index_cast %scan3A_426 : i32 to index
      %swap3A_461 = arith.constant 0 : index
      %swap3A_462 = tpu.vector_load %arg25[%swap3A_460, %swap3A_461] {strides = array<i32>} : memref<40x128xf32, #tpu.memory_space<vmem>>, vector<1x16xf32>,
      %swap3A_463 = vector.shape_cast %swap3A_462 : vector<1x16xf32> to vector<16xf32>
      %swap3A_464 = vector.shape_cast %add3A_459 : vector<16xf32> to vector<1x16xf32>
      tpu.vector_store %arg25[%swap3A_460, %swap3A_461], %swap3A_464 {strides = array<i32>} : memref<40x128xf32, #tpu.memory_space<vmem>>, vector<1x16xf32>,
      %get3A_465 = arith.index_cast %scan3A_426 : i32 to index
      %get3A_466 = arith.constant 16 : index
      %get3A_467 = tpu.vector_load %arg21[%get3A_465, %get3A_466] {strides = array<i32>} : memref<40x128xi32, #tpu.memory_space<vmem>>, vector<1x16xi32>,
      %get3A_468 = vector.shape_cast %get3A_467 : vector<1x16xi32> to vector<16xi32>
      %get3A_469 = arith.index_cast %scan3A_426 : i32 to index
      %get3A_470 = arith.constant 16 : index
      %get3A_471 = tpu.vector_load %arg13[%get3A_469, %get3A_470] {strides = array<i32>} : memref<40x128xf32, #tpu.memory_space<vmem>>, vector<1x16xf32>,
      %get3A_472 = vector.shape_cast %get3A_471 : vector<1x16xf32> to vector<16xf32>
      %get3A_473 = arith.index_cast %scan3A_426 : i32 to index
      %get3A_474 = arith.constant 16 : index
      %get3A_475 = tpu.vector_load %arg15[%get3A_473, %get3A_474] {strides = array<i32>} : memref<40x128xf32, #tpu.memory_space<vmem>>, vector<1x16xf32>,
      %get3A_476 = vector.shape_cast %get3A_475 : vector<1x16xf32> to vector<16xf32>
      %add3A_477 = arith.addf %get3A_472, %get3A_476 : vector<16xf32>
      %shift_left3A_478 = arith.constant 16 : i32
      %shift_left3A_479 = vector.broadcast %shift_left3A_478 : i32 to vector<16xi32>
      %shift_left3A_480 = arith.shli %get3A_468, %shift_left3A_479 : vector<16xi32>
      %bitcast_convert_type3A_481 = tpu.bitcast %shift_left3A_480 : vector<16xi32> -> vector<16xf32>
      %add3A_482 = arith.addf %add3A_477, %bitcast_convert_type3A_481 : vector<16xf32>
      %swap3A_483 = arith.index_cast %scan3A_426 : i32 to index
      %swap3A_484 = arith.constant 16 : index
      %swap3A_485 = tpu.vector_load %arg23[%swap3A_483, %swap3A_484] {strides = array<i32>} : memref<40x128xf32, #tpu.memory_space<vmem>>, vector<1x16xf32>,
      %swap3A_486 = vector.shape_cast %swap3A_485 : vector<1x16xf32> to vector<16xf32>
      %swap3A_487 = vector.shape_cast %add3A_482 : vector<16xf32> to vector<1x16xf32>
      tpu.vector_store %arg23[%swap3A_483, %swap3A_484], %swap3A_487 {strides = array<i32>} : memref<40x128xf32, #tpu.memory_space<vmem>>, vector<1x16xf32>,
      %get3A_488 = arith.index_cast %scan3A_426 : i32 to index
      %get3A_489 = arith.constant 16 : index
      %get3A_490 = tpu.vector_load %arg17[%get3A_488, %get3A_489] {strides = array<i32>} : memref<40x128xf32, #tpu.memory_space<vmem>>, vector<1x16xf32>,
      %get3A_491 = vector.shape_cast %get3A_490 : vector<1x16xf32> to vector<16xf32>
      %get3A_492 = arith.index_cast %scan3A_426 : i32 to index
      %get3A_493 = arith.constant 16 : index
      %get3A_494 = tpu.vector_load %arg19[%get3A_492, %get3A_493] {strides = array<i32>} : memref<40x128xf32, #tpu.memory_space<vmem>>, vector<1x16xf32>,
      %get3A_495 = vector.shape_cast %get3A_494 : vector<1x16xf32> to vector<16xf32>
      %add3A_496 = arith.addf %get3A_491, %get3A_495 : vector<16xf32>
      %and3A_497 = arith.constant -65536 : i32
      %and3A_498 = vector.broadcast %and3A_497 : i32 to vector<16xi32>
      %and3A_499 = arith.andi %get3A_468, %and3A_498 : vector<16xi32>
      %bitcast_convert_type3A_500 = tpu.bitcast %and3A_499 : vector<16xi32> -> vector<16xf32>
      %add3A_501 = arith.addf %add3A_496, %bitcast_convert_type3A_500 : vector<16xf32>
      %swap3A_502 = arith.index_cast %scan3A_426 : i32 to index
      %swap3A_503 = arith.constant 16 : index
      %swap3A_504 = tpu.vector_load %arg25[%swap3A_502, %swap3A_503] {strides = array<i32>} : memref<40x128xf32, #tpu.memory_space<vmem>>, vector<1x16xf32>,
      %swap3A_505 = vector.shape_cast %swap3A_504 : vector<1x16xf32> to vector<16xf32>
      %swap3A_506 = vector.shape_cast %add3A_501 : vector<16xf32> to vector<1x16xf32>
      tpu.vector_store %arg25[%swap3A_502, %swap3A_503], %swap3A_506 {strides = array<i32>} : memref<40x128xf32, #tpu.memory_space<vmem>>, vector<1x16xf32>,
      %get3A_507 = arith.index_cast %scan3A_426 : i32 to index
      %get3A_508 = arith.constant 32 : index
      %get3A_509 = tpu.vector_load %arg21[%get3A_507, %get3A_508] {strides = array<i32>} : memref<40x128xi32, #tpu.memory_space<vmem>>, vector<1x16xi32>,
      %get3A_510 = vector.shape_cast %get3A_509 : vector<1x16xi32> to vector<16xi32>
      %get3A_511 = arith.index_cast %scan3A_426 : i32 to index
      %get3A_512 = arith.constant 32 : index
      %get3A_513 = tpu.vector_load %arg13[%get3A_511, %get3A_512] {strides = array<i32>} : memref<40x128xf32, #tpu.memory_space<vmem>>, vector<1x16xf32>,
      %get3A_514 = vector.shape_cast %get3A_513 : vector<1x16xf32> to vector<16xf32>
      %get3A_515 = arith.index_cast %scan3A_426 : i32 to index
      %get3A_516 = arith.constant 32 : index
      %get3A_517 = tpu.vector_load %arg15[%get3A_515, %get3A_516] {strides = array<i32>} : memref<40x128xf32, #tpu.memory_space<vmem>>, vector<1x16xf32>,
      %get3A_518 = vector.shape_cast %get3A_517 : vector<1x16xf32> to vector<16xf32>
      %add3A_519 = arith.addf %get3A_514, %get3A_518 : vector<16xf32>
      %shift_left3A_520 = arith.constant 16 : i32
      %shift_left3A_521 = vector.broadcast %shift_left3A_520 : i32 to vector<16xi32>
      %shift_left3A_522 = arith.shli %get3A_510, %shift_left3A_521 : vector<16xi32>
      %bitcast_convert_type3A_523 = tpu.bitcast %shift_left3A_522 : vector<16xi32> -> vector<16xf32>
      %add3A_524 = arith.addf %add3A_519, %bitcast_convert_type3A_523 : vector<16xf32>
      %swap3A_525 = arith.index_cast %scan3A_426 : i32 to index
      %swap3A_526 = arith.constant 32 : index
      %swap3A_527 = tpu.vector_load %arg23[%swap3A_525, %swap3A_526] {strides = array<i32>} : memref<40x128xf32, #tpu.memory_space<vmem>>, vector<1x16xf32>,
      %swap3A_528 = vector.shape_cast %swap3A_527 : vector<1x16xf32> to vector<16xf32>
      %swap3A_529 = vector.shape_cast %add3A_524 : vector<16xf32> to vector<1x16xf32>
      tpu.vector_store %arg23[%swap3A_525, %swap3A_526], %swap3A_529 {strides = array<i32>} : memref<40x128xf32, #tpu.memory_space<vmem>>, vector<1x16xf32>,
      %get3A_530 = arith.index_cast %scan3A_426 : i32 to index
      %get3A_531 = arith.constant 32 : index
      %get3A_532 = tpu.vector_load %arg17[%get3A_530, %get3A_531] {strides = array<i32>} : memref<40x128xf32, #tpu.memory_space<vmem>>, vector<1x16xf32>,
      %get3A_533 = vector.shape_cast %get3A_532 : vector<1x16xf32> to vector<16xf32>
      %get3A_534 = arith.index_cast %scan3A_426 : i32 to index
      %get3A_535 = arith.constant 32 : index
      %get3A_536 = tpu.vector_load %arg19[%get3A_534, %get3A_535] {strides = array<i32>} : memref<40x128xf32, #tpu.memory_space<vmem>>, vector<1x16xf32>,
      %get3A_537 = vector.shape_cast %get3A_536 : vector<1x16xf32> to vector<16xf32>
      %add3A_538 = arith.addf %get3A_533, %get3A_537 : vector<16xf32>
      %and3A_539 = arith.constant -65536 : i32
      %and3A_540 = vector.broadcast %and3A_539 : i32 to vector<16xi32>
      %and3A_541 = arith.andi %get3A_510, %and3A_540 : vector<16xi32>
      %bitcast_convert_type3A_542 = tpu.bitcast %and3A_541 : vector<16xi32> -> vector<16xf32>
      %add3A_543 = arith.addf %add3A_538, %bitcast_convert_type3A_542 : vector<16xf32>
      %swap3A_544 = arith.index_cast %scan3A_426 : i32 to index
      %swap3A_545 = arith.constant 32 : index
      %swap3A_546 = tpu.vector_load %arg25[%swap3A_544, %swap3A_545] {strides = array<i32>} : memref<40x128xf32, #tpu.memory_space<vmem>>, vector<1x16xf32>,
      %swap3A_547 = vector.shape_cast %swap3A_546 : vector<1x16xf32> to vector<16xf32>
      %swap3A_548 = vector.shape_cast %add3A_543 : vector<16xf32> to vector<1x16xf32>
      tpu.vector_store %arg25[%swap3A_544, %swap3A_545], %swap3A_548 {strides = array<i32>} : memref<40x128xf32, #tpu.memory_space<vmem>>, vector<1x16xf32>,
      %get3A_549 = arith.index_cast %scan3A_426 : i32 to index
      %get3A_550 = arith.constant 48 : index
      %get3A_551 = tpu.vector_load %arg21[%get3A_549, %get3A_550] {strides = array<i32>} : memref<40x128xi32, #tpu.memory_space<vmem>>, vector<1x16xi32>,
      %get3A_552 = vector.shape_cast %get3A_551 : vector<1x16xi32> to vector<16xi32>
      %get3A_553 = arith.index_cast %scan3A_426 : i32 to index
      %get3A_554 = arith.constant 48 : index
      %get3A_555 = tpu.vector_load %arg13[%get3A_553, %get3A_554] {strides = array<i32>} : memref<40x128xf32, #tpu.memory_space<vmem>>, vector<1x16xf32>,
      %get3A_556 = vector.shape_cast %get3A_555 : vector<1x16xf32> to vector<16xf32>
      %get3A_557 = arith.index_cast %scan3A_426 : i32 to index
      %get3A_558 = arith.constant 48 : index
      %get3A_559 = tpu.vector_load %arg15[%get3A_557, %get3A_558] {strides = array<i32>} : memref<40x128xf32, #tpu.memory_space<vmem>>, vector<1x16xf32>,
      %get3A_560 = vector.shape_cast %get3A_559 : vector<1x16xf32> to vector<16xf32>
      %add3A_561 = arith.addf %get3A_556, %get3A_560 : vector<16xf32>
      %shift_left3A_562 = arith.constant 16 : i32
      %shift_left3A_563 = vector.broadcast %shift_left3A_562 : i32 to vector<16xi32>
      %shift_left3A_564 = arith.shli %get3A_552, %shift_left3A_563 : vector<16xi32>
      %bitcast_convert_type3A_565 = tpu.bitcast %shift_left3A_564 : vector<16xi32> -> vector<16xf32>
      %add3A_566 = arith.addf %add3A_561, %bitcast_convert_type3A_565 : vector<16xf32>
      %swap3A_567 = arith.index_cast %scan3A_426 : i32 to index
      %swap3A_568 = arith.constant 48 : index
      %swap3A_569 = tpu.vector_load %arg23[%swap3A_567, %swap3A_568] {strides = array<i32>} : memref<40x128xf32, #tpu.memory_space<vmem>>, vector<1x16xf32>,
      %swap3A_570 = vector.shape_cast %swap3A_569 : vector<1x16xf32> to vector<16xf32>
      %swap3A_571 = vector.shape_cast %add3A_566 : vector<16xf32> to vector<1x16xf32>
      tpu.vector_store %arg23[%swap3A_567, %swap3A_568], %swap3A_571 {strides = array<i32>} : memref<40x128xf32, #tpu.memory_space<vmem>>, vector<1x16xf32>,
      %get3A_572 = arith.index_cast %scan3A_426 : i32 to index
      %get3A_573 = arith.constant 48 : index
      %get3A_574 = tpu.vector_load %arg17[%get3A_572, %get3A_573] {strides = array<i32>} : memref<40x128xf32, #tpu.memory_space<vmem>>, vector<1x16xf32>,
      %get3A_575 = vector.shape_cast %get3A_574 : vector<1x16xf32> to vector<16xf32>
      %get3A_576 = arith.index_cast %scan3A_426 : i32 to index
      %get3A_577 = arith.constant 48 : index
      %get3A_578 = tpu.vector_load %arg19[%get3A_576, %get3A_577] {strides = array<i32>} : memref<40x128xf32, #tpu.memory_space<vmem>>, vector<1x16xf32>,
      %get3A_579 = vector.shape_cast %get3A_578 : vector<1x16xf32> to vector<16xf32>
      %add3A_580 = arith.addf %get3A_575, %get3A_579 : vector<16xf32>
      %and3A_581 = arith.constant -65536 : i32
      %and3A_582 = vector.broadcast %and3A_581 : i32 to vector<16xi32>
      %and3A_583 = arith.andi %get3A_552, %and3A_582 : vector<16xi32>
      %bitcast_convert_type3A_584 = tpu.bitcast %and3A_583 : vector<16xi32> -> vector<16xf32>
      %add3A_585 = arith.addf %add3A_580, %bitcast_convert_type3A_584 : vector<16xf32>
      %swap3A_586 = arith.index_cast %scan3A_426 : i32 to index
      %swap3A_587 = arith.constant 48 : index
      %swap3A_588 = tpu.vector_load %arg25[%swap3A_586, %swap3A_587] {strides = array<i32>} : memref<40x128xf32, #tpu.memory_space<vmem>>, vector<1x16xf32>,
      %swap3A_589 = vector.shape_cast %swap3A_588 : vector<1x16xf32> to vector<16xf32>
      %swap3A_590 = vector.shape_cast %add3A_585 : vector<16xf32> to vector<1x16xf32>
      tpu.vector_store %arg25[%swap3A_586, %swap3A_587], %swap3A_590 {strides = array<i32>} : memref<40x128xf32, #tpu.memory_space<vmem>>, vector<1x16xf32>,
      %get3A_591 = arith.index_cast %scan3A_426 : i32 to index
      %get3A_592 = arith.constant 64 : index
      %get3A_593 = tpu.vector_load %arg21[%get3A_591, %get3A_592] {strides = array<i32>} : memref<40x128xi32, #tpu.memory_space<vmem>>, vector<1x16xi32>,
      %get3A_594 = vector.shape_cast %get3A_593 : vector<1x16xi32> to vector<16xi32>
      %get3A_595 = arith.index_cast %scan3A_426 : i32 to index
      %get3A_596 = arith.constant 64 : index
      %get3A_597 = tpu.vector_load %arg13[%get3A_595, %get3A_596] {strides = array<i32>} : memref<40x128xf32, #tpu.memory_space<vmem>>, vector<1x16xf32>,
      %get3A_598 = vector.shape_cast %get3A_597 : vector<1x16xf32> to vector<16xf32>
      %get3A_599 = arith.index_cast %scan3A_426 : i32 to index
      %get3A_600 = arith.constant 64 : index
      %get3A_601 = tpu.vector_load %arg15[%get3A_599, %get3A_600] {strides = array<i32>} : memref<40x128xf32, #tpu.memory_space<vmem>>, vector<1x16xf32>,
      %get3A_602 = vector.shape_cast %get3A_601 : vector<1x16xf32> to vector<16xf32>
      %add3A_603 = arith.addf %get3A_598, %get3A_602 : vector<16xf32>
      %shift_left3A_604 = arith.constant 16 : i32
      %shift_left3A_605 = vector.broadcast %shift_left3A_604 : i32 to vector<16xi32>
      %shift_left3A_606 = arith.shli %get3A_594, %shift_left3A_605 : vector<16xi32>
      %bitcast_convert_type3A_607 = tpu.bitcast %shift_left3A_606 : vector<16xi32> -> vector<16xf32>
      %add3A_608 = arith.addf %add3A_603, %bitcast_convert_type3A_607 : vector<16xf32>
      %swap3A_609 = arith.index_cast %scan3A_426 : i32 to index
      %swap3A_610 = arith.constant 64 : index
      %swap3A_611 = tpu.vector_load %arg23[%swap3A_609, %swap3A_610] {strides = array<i32>} : memref<40x128xf32, #tpu.memory_space<vmem>>, vector<1x16xf32>,
      %swap3A_612 = vector.shape_cast %swap3A_611 : vector<1x16xf32> to vector<16xf32>
      %swap3A_613 = vector.shape_cast %add3A_608 : vector<16xf32> to vector<1x16xf32>
      tpu.vector_store %arg23[%swap3A_609, %swap3A_610], %swap3A_613 {strides = array<i32>} : memref<40x128xf32, #tpu.memory_space<vmem>>, vector<1x16xf32>,
      %get3A_614 = arith.index_cast %scan3A_426 : i32 to index
      %get3A_615 = arith.constant 64 : index
      %get3A_616 = tpu.vector_load %arg17[%get3A_614, %get3A_615] {strides = array<i32>} : memref<40x128xf32, #tpu.memory_space<vmem>>, vector<1x16xf32>,
      %get3A_617 = vector.shape_cast %get3A_616 : vector<1x16xf32> to vector<16xf32>
      %get3A_618 = arith.index_cast %scan3A_426 : i32 to index
      %get3A_619 = arith.constant 64 : index
      %get3A_620 = tpu.vector_load %arg19[%get3A_618, %get3A_619] {strides = array<i32>} : memref<40x128xf32, #tpu.memory_space<vmem>>, vector<1x16xf32>,
      %get3A_621 = vector.shape_cast %get3A_620 : vector<1x16xf32> to vector<16xf32>
      %add3A_622 = arith.addf %get3A_617, %get3A_621 : vector<16xf32>
      %and3A_623 = arith.constant -65536 : i32
      %and3A_624 = vector.broadcast %and3A_623 : i32 to vector<16xi32>
      %and3A_625 = arith.andi %get3A_594, %and3A_624 : vector<16xi32>
      %bitcast_convert_type3A_626 = tpu.bitcast %and3A_625 : vector<16xi32> -> vector<16xf32>
      %add3A_627 = arith.addf %add3A_622, %bitcast_convert_type3A_626 : vector<16xf32>
      %swap3A_628 = arith.index_cast %scan3A_426 : i32 to index
      %swap3A_629 = arith.constant 64 : index
      %swap3A_630 = tpu.vector_load %arg25[%swap3A_628, %swap3A_629] {strides = array<i32>} : memref<40x128xf32, #tpu.memory_space<vmem>>, vector<1x16xf32>,
      %swap3A_631 = vector.shape_cast %swap3A_630 : vector<1x16xf32> to vector<16xf32>
      %swap3A_632 = vector.shape_cast %add3A_627 : vector<16xf32> to vector<1x16xf32>
      tpu.vector_store %arg25[%swap3A_628, %swap3A_629], %swap3A_632 {strides = array<i32>} : memref<40x128xf32, #tpu.memory_space<vmem>>, vector<1x16xf32>,
      %get3A_633 = arith.index_cast %scan3A_426 : i32 to index
      %get3A_634 = arith.constant 80 : index
      %get3A_635 = tpu.vector_load %arg21[%get3A_633, %get3A_634] {strides = array<i32>} : memref<40x128xi32, #tpu.memory_space<vmem>>, vector<1x16xi32>,
      %get3A_636 = vector.shape_cast %get3A_635 : vector<1x16xi32> to vector<16xi32>
      %get3A_637 = arith.index_cast %scan3A_426 : i32 to index
      %get3A_638 = arith.constant 80 : index
      %get3A_639 = tpu.vector_load %arg13[%get3A_637, %get3A_638] {strides = array<i32>} : memref<40x128xf32, #tpu.memory_space<vmem>>, vector<1x16xf32>,
      %get3A_640 = vector.shape_cast %get3A_639 : vector<1x16xf32> to vector<16xf32>
      %get3A_641 = arith.index_cast %scan3A_426 : i32 to index
      %get3A_642 = arith.constant 80 : index
      %get3A_643 = tpu.vector_load %arg15[%get3A_641, %get3A_642] {strides = array<i32>} : memref<40x128xf32, #tpu.memory_space<vmem>>, vector<1x16xf32>,
      %get3A_644 = vector.shape_cast %get3A_643 : vector<1x16xf32> to vector<16xf32>
      %add3A_645 = arith.addf %get3A_640, %get3A_644 : vector<16xf32>
      %shift_left3A_646 = arith.constant 16 : i32
      %shift_left3A_647 = vector.broadcast %shift_left3A_646 : i32 to vector<16xi32>
      %shift_left3A_648 = arith.shli %get3A_636, %shift_left3A_647 : vector<16xi32>
      %bitcast_convert_type3A_649 = tpu.bitcast %shift_left3A_648 : vector<16xi32> -> vector<16xf32>
      %add3A_650 = arith.addf %add3A_645, %bitcast_convert_type3A_649 : vector<16xf32>
      %swap3A_651 = arith.index_cast %scan3A_426 : i32 to index
      %swap3A_652 = arith.constant 80 : index
      %swap3A_653 = tpu.vector_load %arg23[%swap3A_651, %swap3A_652] {strides = array<i32>} : memref<40x128xf32, #tpu.memory_space<vmem>>, vector<1x16xf32>,
      %swap3A_654 = vector.shape_cast %swap3A_653 : vector<1x16xf32> to vector<16xf32>
      %swap3A_655 = vector.shape_cast %add3A_650 : vector<16xf32> to vector<1x16xf32>
      tpu.vector_store %arg23[%swap3A_651, %swap3A_652], %swap3A_655 {strides = array<i32>} : memref<40x128xf32, #tpu.memory_space<vmem>>, vector<1x16xf32>,
      %get3A_656 = arith.index_cast %scan3A_426 : i32 to index
      %get3A_657 = arith.constant 80 : index
      %get3A_658 = tpu.vector_load %arg17[%get3A_656, %get3A_657] {strides = array<i32>} : memref<40x128xf32, #tpu.memory_space<vmem>>, vector<1x16xf32>,
      %get3A_659 = vector.shape_cast %get3A_658 : vector<1x16xf32> to vector<16xf32>
      %get3A_660 = arith.index_cast %scan3A_426 : i32 to index
      %get3A_661 = arith.constant 80 : index
      %get3A_662 = tpu.vector_load %arg19[%get3A_660, %get3A_661] {strides = array<i32>} : memref<40x128xf32, #tpu.memory_space<vmem>>, vector<1x16xf32>,
      %get3A_663 = vector.shape_cast %get3A_662 : vector<1x16xf32> to vector<16xf32>
      %add3A_664 = arith.addf %get3A_659, %get3A_663 : vector<16xf32>
      %and3A_665 = arith.constant -65536 : i32
      %and3A_666 = vector.broadcast %and3A_665 : i32 to vector<16xi32>
      %and3A_667 = arith.andi %get3A_636, %and3A_666 : vector<16xi32>
      %bitcast_convert_type3A_668 = tpu.bitcast %and3A_667 : vector<16xi32> -> vector<16xf32>
      %add3A_669 = arith.addf %add3A_664, %bitcast_convert_type3A_668 : vector<16xf32>
      %swap3A_670 = arith.index_cast %scan3A_426 : i32 to index
      %swap3A_671 = arith.constant 80 : index
      %swap3A_672 = tpu.vector_load %arg25[%swap3A_670, %swap3A_671] {strides = array<i32>} : memref<40x128xf32, #tpu.memory_space<vmem>>, vector<1x16xf32>,
      %swap3A_673 = vector.shape_cast %swap3A_672 : vector<1x16xf32> to vector<16xf32>
      %swap3A_674 = vector.shape_cast %add3A_669 : vector<16xf32> to vector<1x16xf32>
      tpu.vector_store %arg25[%swap3A_670, %swap3A_671], %swap3A_674 {strides = array<i32>} : memref<40x128xf32, #tpu.memory_space<vmem>>, vector<1x16xf32>,
      %get3A_675 = arith.index_cast %scan3A_426 : i32 to index
      %get3A_676 = arith.constant 96 : index
      %get3A_677 = tpu.vector_load %arg21[%get3A_675, %get3A_676] {strides = array<i32>} : memref<40x128xi32, #tpu.memory_space<vmem>>, vector<1x16xi32>,
      %get3A_678 = vector.shape_cast %get3A_677 : vector<1x16xi32> to vector<16xi32>
      %get3A_679 = arith.index_cast %scan3A_426 : i32 to index
      %get3A_680 = arith.constant 96 : index
      %get3A_681 = tpu.vector_load %arg13[%get3A_679, %get3A_680] {strides = array<i32>} : memref<40x128xf32, #tpu.memory_space<vmem>>, vector<1x16xf32>,
      %get3A_682 = vector.shape_cast %get3A_681 : vector<1x16xf32> to vector<16xf32>
      %get3A_683 = arith.index_cast %scan3A_426 : i32 to index
      %get3A_684 = arith.constant 96 : index
      %get3A_685 = tpu.vector_load %arg15[%get3A_683, %get3A_684] {strides = array<i32>} : memref<40x128xf32, #tpu.memory_space<vmem>>, vector<1x16xf32>,
      %get3A_686 = vector.shape_cast %get3A_685 : vector<1x16xf32> to vector<16xf32>
      %add3A_687 = arith.addf %get3A_682, %get3A_686 : vector<16xf32>
      %shift_left3A_688 = arith.constant 16 : i32
      %shift_left3A_689 = vector.broadcast %shift_left3A_688 : i32 to vector<16xi32>
      %shift_left3A_690 = arith.shli %get3A_678, %shift_left3A_689 : vector<16xi32>
      %bitcast_convert_type3A_691 = tpu.bitcast %shift_left3A_690 : vector<16xi32> -> vector<16xf32>
      %add3A_692 = arith.addf %add3A_687, %bitcast_convert_type3A_691 : vector<16xf32>
      %swap3A_693 = arith.index_cast %scan3A_426 : i32 to index
      %swap3A_694 = arith.constant 96 : index
      %swap3A_695 = tpu.vector_load %arg23[%swap3A_693, %swap3A_694] {strides = array<i32>} : memref<40x128xf32, #tpu.memory_space<vmem>>, vector<1x16xf32>,
      %swap3A_696 = vector.shape_cast %swap3A_695 : vector<1x16xf32> to vector<16xf32>
      %swap3A_697 = vector.shape_cast %add3A_692 : vector<16xf32> to vector<1x16xf32>
      tpu.vector_store %arg23[%swap3A_693, %swap3A_694], %swap3A_697 {strides = array<i32>} : memref<40x128xf32, #tpu.memory_space<vmem>>, vector<1x16xf32>,
      %get3A_698 = arith.index_cast %scan3A_426 : i32 to index
      %get3A_699 = arith.constant 96 : index
      %get3A_700 = tpu.vector_load %arg17[%get3A_698, %get3A_699] {strides = array<i32>} : memref<40x128xf32, #tpu.memory_space<vmem>>, vector<1x16xf32>,
      %get3A_701 = vector.shape_cast %get3A_700 : vector<1x16xf32> to vector<16xf32>
      %get3A_702 = arith.index_cast %scan3A_426 : i32 to index
      %get3A_703 = arith.constant 96 : index
      %get3A_704 = tpu.vector_load %arg19[%get3A_702, %get3A_703] {strides = array<i32>} : memref<40x128xf32, #tpu.memory_space<vmem>>, vector<1x16xf32>,
      %get3A_705 = vector.shape_cast %get3A_704 : vector<1x16xf32> to vector<16xf32>
      %add3A_706 = arith.addf %get3A_701, %get3A_705 : vector<16xf32>
      %and3A_707 = arith.constant -65536 : i32
      %and3A_708 = vector.broadcast %and3A_707 : i32 to vector<16xi32>
      %and3A_709 = arith.andi %get3A_678, %and3A_708 : vector<16xi32>
      %bitcast_convert_type3A_710 = tpu.bitcast %and3A_709 : vector<16xi32> -> vector<16xf32>
      %add3A_711 = arith.addf %add3A_706, %bitcast_convert_type3A_710 : vector<16xf32>
      %swap3A_712 = arith.index_cast %scan3A_426 : i32 to index
      %swap3A_713 = arith.constant 96 : index
      %swap3A_714 = tpu.vector_load %arg25[%swap3A_712, %swap3A_713] {strides = array<i32>} : memref<40x128xf32, #tpu.memory_space<vmem>>, vector<1x16xf32>,
      %swap3A_715 = vector.shape_cast %swap3A_714 : vector<1x16xf32> to vector<16xf32>
      %swap3A_716 = vector.shape_cast %add3A_711 : vector<16xf32> to vector<1x16xf32>
      tpu.vector_store %arg25[%swap3A_712, %swap3A_713], %swap3A_716 {strides = array<i32>} : memref<40x128xf32, #tpu.memory_space<vmem>>, vector<1x16xf32>,
      %get3A_717 = arith.index_cast %scan3A_426 : i32 to index
      %get3A_718 = arith.constant 112 : index
      %get3A_719 = tpu.vector_load %arg21[%get3A_717, %get3A_718] {strides = array<i32>} : memref<40x128xi32, #tpu.memory_space<vmem>>, vector<1x16xi32>,
      %get3A_720 = vector.shape_cast %get3A_719 : vector<1x16xi32> to vector<16xi32>
      %get3A_721 = arith.index_cast %scan3A_426 : i32 to index
      %get3A_722 = arith.constant 112 : index
      %get3A_723 = tpu.vector_load %arg13[%get3A_721, %get3A_722] {strides = array<i32>} : memref<40x128xf32, #tpu.memory_space<vmem>>, vector<1x16xf32>,
      %get3A_724 = vector.shape_cast %get3A_723 : vector<1x16xf32> to vector<16xf32>
      %get3A_725 = arith.index_cast %scan3A_426 : i32 to index
      %get3A_726 = arith.constant 112 : index
      %get3A_727 = tpu.vector_load %arg15[%get3A_725, %get3A_726] {strides = array<i32>} : memref<40x128xf32, #tpu.memory_space<vmem>>, vector<1x16xf32>,
      %get3A_728 = vector.shape_cast %get3A_727 : vector<1x16xf32> to vector<16xf32>
      %add3A_729 = arith.addf %get3A_724, %get3A_728 : vector<16xf32>
      %shift_left3A_730 = arith.constant 16 : i32
      %shift_left3A_731 = vector.broadcast %shift_left3A_730 : i32 to vector<16xi32>
      %shift_left3A_732 = arith.shli %get3A_720, %shift_left3A_731 : vector<16xi32>
      %bitcast_convert_type3A_733 = tpu.bitcast %shift_left3A_732 : vector<16xi32> -> vector<16xf32>
      %add3A_734 = arith.addf %add3A_729, %bitcast_convert_type3A_733 : vector<16xf32>
      %swap3A_735 = arith.index_cast %scan3A_426 : i32 to index
      %swap3A_736 = arith.constant 112 : index
      %swap3A_737 = tpu.vector_load %arg23[%swap3A_735, %swap3A_736] {strides = array<i32>} : memref<40x128xf32, #tpu.memory_space<vmem>>, vector<1x16xf32>,
      %swap3A_738 = vector.shape_cast %swap3A_737 : vector<1x16xf32> to vector<16xf32>
      %swap3A_739 = vector.shape_cast %add3A_734 : vector<16xf32> to vector<1x16xf32>
      tpu.vector_store %arg23[%swap3A_735, %swap3A_736], %swap3A_739 {strides = array<i32>} : memref<40x128xf32, #tpu.memory_space<vmem>>, vector<1x16xf32>,
      %get3A_740 = arith.index_cast %scan3A_426 : i32 to index
      %get3A_741 = arith.constant 112 : index
      %get3A_742 = tpu.vector_load %arg17[%get3A_740, %get3A_741] {strides = array<i32>} : memref<40x128xf32, #tpu.memory_space<vmem>>, vector<1x16xf32>,
      %get3A_743 = vector.shape_cast %get3A_742 : vector<1x16xf32> to vector<16xf32>
      %get3A_744 = arith.index_cast %scan3A_426 : i32 to index
      %get3A_745 = arith.constant 112 : index
      %get3A_746 = tpu.vector_load %arg19[%get3A_744, %get3A_745] {strides = array<i32>} : memref<40x128xf32, #tpu.memory_space<vmem>>, vector<1x16xf32>,
      %get3A_747 = vector.shape_cast %get3A_746 : vector<1x16xf32> to vector<16xf32>
      %add3A_748 = arith.addf %get3A_743, %get3A_747 : vector<16xf32>
      %and3A_749 = arith.constant -65536 : i32
      %and3A_750 = vector.broadcast %and3A_749 : i32 to vector<16xi32>
      %and3A_751 = arith.andi %get3A_720, %and3A_750 : vector<16xi32>
      %bitcast_convert_type3A_752 = tpu.bitcast %and3A_751 : vector<16xi32> -> vector<16xf32>
      %add3A_753 = arith.addf %add3A_748, %bitcast_convert_type3A_752 : vector<16xf32>
      %swap3A_754 = arith.index_cast %scan3A_426 : i32 to index
      %swap3A_755 = arith.constant 112 : index
      %swap3A_756 = tpu.vector_load %arg25[%swap3A_754, %swap3A_755] {strides = array<i32>} : memref<40x128xf32, #tpu.memory_space<vmem>>, vector<1x16xf32>,
      %swap3A_757 = vector.shape_cast %swap3A_756 : vector<1x16xf32> to vector<16xf32>
      %swap3A_758 = vector.shape_cast %add3A_753 : vector<16xf32> to vector<1x16xf32>
      tpu.vector_store %arg25[%swap3A_754, %swap3A_755], %swap3A_758 {strides = array<i32>} : memref<40x128xf32, #tpu.memory_space<vmem>>, vector<1x16xf32>,
      %scan3A_759 = arith.constant 0 : i32
      scf.yield %scan3A_759 : i32
    }
    %scan3A_159 = arith.constant 40 : i32
    %add3A_160 = arith.constant 120 : i32
    %add3A_161 = arith.addi %mul3A_2, %add3A_160 : i32
    %dma_start3A_162 = arith.constant 120 : i32
    %dma_start3A_163 = tpu.memref_slice %arg8[%dma_start3A_162] : memref<5000xi32, #tpu.memory_space<vmem>> -> memref<40xi32, #tpu.memory_space<vmem>>
    %dma_start3A_164 = arith.constant 0 : i32
    %dma_start3A_165 = arith.constant 0 : i32
    %dma_start3A_166 = tpu.memref_slice %arg2[%dma_start3A_164, %dma_start3A_165] : memref<10000x128xf32, #tpu.memory_space<hbm>> -> memref<10000x128xf32, #tpu.memory_space<hbm>>
    tpu.enqueue_indirect_dma source(%dma_start3A_166 : memref<10000x128xf32, #tpu.memory_space<hbm>>) target(%arg13 : memref<40x128xf32, #tpu.memory_space<vmem>>) offsets(%dma_start3A_163 : memref<40xi32, #tpu.memory_space<vmem>>) semaphore(%arg27 : memref<!tpu.dma_semaphore, #tpu.memory_space<semaphore_mem>>)
    %dma_start3A_167 = arith.constant 120 : i32
    %dma_start3A_168 = tpu.memref_slice %arg9[%dma_start3A_167] : memref<5000xi32, #tpu.memory_space<vmem>> -> memref<40xi32, #tpu.memory_space<vmem>>
    %dma_start3A_169 = arith.constant 0 : i32
    %dma_start3A_170 = arith.constant 0 : i32
    %dma_start3A_171 = tpu.memref_slice %arg3[%dma_start3A_169, %dma_start3A_170] : memref<10000x128xf32, #tpu.memory_space<hbm>> -> memref<10000x128xf32, #tpu.memory_space<hbm>>
    tpu.enqueue_indirect_dma source(%dma_start3A_171 : memref<10000x128xf32, #tpu.memory_space<hbm>>) target(%arg15 : memref<40x128xf32, #tpu.memory_space<vmem>>) offsets(%dma_start3A_168 : memref<40xi32, #tpu.memory_space<vmem>>) semaphore(%arg27 : memref<!tpu.dma_semaphore, #tpu.memory_space<semaphore_mem>>)
    %dma_start3A_172 = arith.constant 120 : i32
    %dma_start3A_173 = tpu.memref_slice %arg10[%dma_start3A_172] : memref<5000xi32, #tpu.memory_space<vmem>> -> memref<40xi32, #tpu.memory_space<vmem>>
    %dma_start3A_174 = arith.constant 0 : i32
    %dma_start3A_175 = arith.constant 0 : i32
    %dma_start3A_176 = tpu.memref_slice %arg2[%dma_start3A_174, %dma_start3A_175] : memref<10000x128xf32, #tpu.memory_space<hbm>> -> memref<10000x128xf32, #tpu.memory_space<hbm>>
    tpu.enqueue_indirect_dma source(%dma_start3A_176 : memref<10000x128xf32, #tpu.memory_space<hbm>>) target(%arg17 : memref<40x128xf32, #tpu.memory_space<vmem>>) offsets(%dma_start3A_173 : memref<40xi32, #tpu.memory_space<vmem>>) semaphore(%arg27 : memref<!tpu.dma_semaphore, #tpu.memory_space<semaphore_mem>>)
    %dma_start3A_177 = arith.constant 120 : i32
    %dma_start3A_178 = tpu.memref_slice %arg11[%dma_start3A_177] : memref<5000xi32, #tpu.memory_space<vmem>> -> memref<40xi32, #tpu.memory_space<vmem>>
    %dma_start3A_179 = arith.constant 0 : i32
    %dma_start3A_180 = arith.constant 0 : i32
    %dma_start3A_181 = tpu.memref_slice %arg3[%dma_start3A_179, %dma_start3A_180] : memref<10000x128xf32, #tpu.memory_space<hbm>> -> memref<10000x128xf32, #tpu.memory_space<hbm>>
    tpu.enqueue_indirect_dma source(%dma_start3A_181 : memref<10000x128xf32, #tpu.memory_space<hbm>>) target(%arg19 : memref<40x128xf32, #tpu.memory_space<vmem>>) offsets(%dma_start3A_178 : memref<40xi32, #tpu.memory_space<vmem>>) semaphore(%arg27 : memref<!tpu.dma_semaphore, #tpu.memory_space<semaphore_mem>>)
    %dma_start3A_182 = arith.constant 0 : i32
    %dma_start3A_183 = tpu.memref_slice %arg6[%add3A_161, %dma_start3A_182] : memref<160000x128xi32, #tpu.memory_space<hbm>> -> memref<40x128xi32, #tpu.memory_space<hbm>>
    %dma_start3A_184 = arith.constant 0 : i32
    %dma_start3A_185 = tpu.memref_slice %arg6[%add3A_161, %dma_start3A_184] : memref<160000x128xi32, #tpu.memory_space<hbm>> -> memref<40x128xi32, #tpu.memory_space<hbm>>
    tpu.enqueue_dma source(%dma_start3A_185 : memref<40x128xi32, #tpu.memory_space<hbm>>) target(%arg21 : memref<40x128xi32, #tpu.memory_space<vmem>>) target_semaphore(%arg29 : memref<!tpu.dma_semaphore, #tpu.memory_space<semaphore_mem>>)
    %add3A_186 = arith.constant 40 : i32
    %add3A_187 = arith.addi %mul3A_2, %add3A_186 : i32
    %add3A_188 = arith.constant 160000 : i32
    %add3A_189 = arith.addi %add3A_188, %add3A_187 : i32
    %dma_start3A_190 = arith.constant 0 : i32
    %dma_start3A_191 = tpu.memref_slice %arg7[%add3A_187, %dma_start3A_190] : memref<320000x128xf32, #tpu.memory_space<hbm>> -> memref<40x128xf32, #tpu.memory_space<hbm>>
    %dma_start3A_192 = arith.constant 0 : i32
    %dma_start3A_193 = tpu.memref_slice %arg7[%add3A_187, %dma_start3A_192] : memref<320000x128xf32, #tpu.memory_space<hbm>> -> memref<40x128xf32, #tpu.memory_space<hbm>>
    tpu.enqueue_dma source(%arg23 : memref<40x128xf32, #tpu.memory_space<vmem>>) target(%dma_start3A_193 : memref<40x128xf32, #tpu.memory_space<hbm>>) target_semaphore(%arg31 : memref<!tpu.dma_semaphore, #tpu.memory_space<semaphore_mem>>)
    %dma_start3A_194 = arith.constant 0 : i32
    %dma_start3A_195 = tpu.memref_slice %arg7[%add3A_189, %dma_start3A_194] : memref<320000x128xf32, #tpu.memory_space<hbm>> -> memref<40x128xf32, #tpu.memory_space<hbm>>
    %dma_start3A_196 = arith.constant 0 : i32
    %dma_start3A_197 = tpu.memref_slice %arg7[%add3A_189, %dma_start3A_196] : memref<320000x128xf32, #tpu.memory_space<hbm>> -> memref<40x128xf32, #tpu.memory_space<hbm>>
    tpu.enqueue_dma source(%arg25 : memref<40x128xf32, #tpu.memory_space<vmem>>) target(%dma_start3A_197 : memref<40x128xf32, #tpu.memory_space<hbm>>) target_semaphore(%arg31 : memref<!tpu.dma_semaphore, #tpu.memory_space<semaphore_mem>>)
    %scan3A_198 = arith.constant 0 : i32
    %scan3A_199 = arith.constant 1 : i32
    %scan3A_200 = arith.constant 60 : i32
    %scan3A_201 = arith.addi %scan3A_199, %scan3A_200 : i32
    %scan3A_202 = arith.constant 1 : i32
    %scan3A_203 = scf.for %scan3A_426 = %scan3A_199 to %scan3A_201 step %scan3A_202 iter_args(%scan3A_427 = %scan3A_198) -> (i32)  : i32 {
      %mul3A_428 = arith.constant 2 : i32
      %mul3A_429 = arith.muli %mul3A_428, %scan3A_426 : i32
      %mul3A_430 = arith.constant 40 : i32
      %mul3A_431 = arith.muli %mul3A_429, %mul3A_430 : i32
      %add3A_432 = arith.addi %mul3A_2, %mul3A_431 : i32
      %mul3A_433 = arith.constant 40 : i32
      %mul3A_434 = arith.muli %mul3A_429, %mul3A_433 : i32
      %dma_wait3A_435 = tpu.memref_slice %arg8[%mul3A_434] : memref<5000xi32, #tpu.memory_space<vmem>> -> memref<40xi32, #tpu.memory_space<vmem>>
      %dma_wait3A_436 = arith.constant 0 : i32
      %dma_wait3A_437 = arith.constant 0 : i32
      %dma_wait3A_438 = tpu.memref_slice %arg2[%dma_wait3A_436, %dma_wait3A_437] : memref<10000x128xf32, #tpu.memory_space<hbm>> -> memref<10000x128xf32, #tpu.memory_space<hbm>>
      tpu.wait_indirect_dma semaphore(%arg26 : memref<!tpu.dma_semaphore, #tpu.memory_space<semaphore_mem>>) src(%dma_wait3A_438 : memref<10000x128xf32, #tpu.memory_space<hbm>>) dst(%arg12 : memref<40x128xf32, #tpu.memory_space<vmem>>)
      %dma_wait3A_439 = tpu.memref_slice %arg9[%mul3A_434] : memref<5000xi32, #tpu.memory_space<vmem>> -> memref<40xi32, #tpu.memory_space<vmem>>
      %dma_wait3A_440 = arith.constant 0 : i32
      %dma_wait3A_441 = arith.constant 0 : i32
      %dma_wait3A_442 = tpu.memref_slice %arg3[%dma_wait3A_440, %dma_wait3A_441] : memref<10000x128xf32, #tpu.memory_space<hbm>> -> memref<10000x128xf32, #tpu.memory_space<hbm>>
      tpu.wait_indirect_dma semaphore(%arg26 : memref<!tpu.dma_semaphore, #tpu.memory_space<semaphore_mem>>) src(%dma_wait3A_442 : memref<10000x128xf32, #tpu.memory_space<hbm>>) dst(%arg14 : memref<40x128xf32, #tpu.memory_space<vmem>>)
      %dma_wait3A_443 = tpu.memref_slice %arg10[%mul3A_434] : memref<5000xi32, #tpu.memory_space<vmem>> -> memref<40xi32, #tpu.memory_space<vmem>>
      %dma_wait3A_444 = arith.constant 0 : i32
      %dma_wait3A_445 = arith.constant 0 : i32
      %dma_wait3A_446 = tpu.memref_slice %arg2[%dma_wait3A_444, %dma_wait3A_445] : memref<10000x128xf32, #tpu.memory_space<hbm>> -> memref<10000x128xf32, #tpu.memory_space<hbm>>
      tpu.wait_indirect_dma semaphore(%arg26 : memref<!tpu.dma_semaphore, #tpu.memory_space<semaphore_mem>>) src(%dma_wait3A_446 : memref<10000x128xf32, #tpu.memory_space<hbm>>) dst(%arg16 : memref<40x128xf32, #tpu.memory_space<vmem>>)
      %dma_wait3A_447 = tpu.memref_slice %arg11[%mul3A_434] : memref<5000xi32, #tpu.memory_space<vmem>> -> memref<40xi32, #tpu.memory_space<vmem>>
      %dma_wait3A_448 = arith.constant 0 : i32
      %dma_wait3A_449 = arith.constant 0 : i32
      %dma_wait3A_450 = tpu.memref_slice %arg3[%dma_wait3A_448, %dma_wait3A_449] : memref<10000x128xf32, #tpu.memory_space<hbm>> -> memref<10000x128xf32, #tpu.memory_space<hbm>>
      tpu.wait_indirect_dma semaphore(%arg26 : memref<!tpu.dma_semaphore, #tpu.memory_space<semaphore_mem>>) src(%dma_wait3A_450 : memref<10000x128xf32, #tpu.memory_space<hbm>>) dst(%arg18 : memref<40x128xf32, #tpu.memory_space<vmem>>)
      %dma_wait3A_451 = arith.constant 0 : i32
      %dma_wait3A_452 = tpu.memref_slice %arg6[%add3A_432, %dma_wait3A_451] : memref<160000x128xi32, #tpu.memory_space<hbm>> -> memref<40x128xi32, #tpu.memory_space<hbm>>
      %dma_wait3A_453 = arith.constant 0 : i32
      %dma_wait3A_454 = tpu.memref_slice %arg6[%add3A_432, %dma_wait3A_453] : memref<160000x128xi32, #tpu.memory_space<hbm>> -> memref<40x128xi32, #tpu.memory_space<hbm>>
      tpu.wait_dma2 semaphore(%arg28 : memref<!tpu.dma_semaphore, #tpu.memory_space<semaphore_mem>>) src(%dma_wait3A_454 : memref<40x128xi32, #tpu.memory_space<hbm>>) dst(%arg20 : memref<40x128xi32, #tpu.memory_space<vmem>>)
      %sub3A = arith.constant 2 : i32
      %sub3A_455 = arith.subi %mul3A_429, %sub3A : i32
      %mul3A_456 = arith.constant 40 : i32
      %mul3A_457 = arith.muli %sub3A_455, %mul3A_456 : i32
      %add3A_458 = arith.addi %mul3A_2, %mul3A_457 : i32
      %add3A_459 = arith.constant 160000 : i32
      %add3A_460 = arith.addi %add3A_459, %add3A_458 : i32
      %dma_wait3A_461 = arith.constant 0 : i32
      %dma_wait3A_462 = tpu.memref_slice %arg7[%add3A_458, %dma_wait3A_461] : memref<320000x128xf32, #tpu.memory_space<hbm>> -> memref<40x128xf32, #tpu.memory_space<hbm>>
      %dma_wait3A_463 = arith.constant 0 : i32
      %dma_wait3A_464 = tpu.memref_slice %arg7[%add3A_458, %dma_wait3A_463] : memref<320000x128xf32, #tpu.memory_space<hbm>> -> memref<40x128xf32, #tpu.memory_space<hbm>>
      tpu.wait_dma2 semaphore(%arg30 : memref<!tpu.dma_semaphore, #tpu.memory_space<semaphore_mem>>) src(%arg22 : memref<40x128xf32, #tpu.memory_space<vmem>>) dst(%dma_wait3A_464 : memref<40x128xf32, #tpu.memory_space<hbm>>)
      %dma_wait3A_465 = arith.constant 0 : i32
      %dma_wait3A_466 = tpu.memref_slice %arg7[%add3A_460, %dma_wait3A_465] : memref<320000x128xf32, #tpu.memory_space<hbm>> -> memref<40x128xf32, #tpu.memory_space<hbm>>
      %dma_wait3A_467 = arith.constant 0 : i32
      %dma_wait3A_468 = tpu.memref_slice %arg7[%add3A_460, %dma_wait3A_467] : memref<320000x128xf32, #tpu.memory_space<hbm>> -> memref<40x128xf32, #tpu.memory_space<hbm>>
      tpu.wait_dma2 semaphore(%arg30 : memref<!tpu.dma_semaphore, #tpu.memory_space<semaphore_mem>>) src(%arg24 : memref<40x128xf32, #tpu.memory_space<vmem>>) dst(%dma_wait3A_468 : memref<40x128xf32, #tpu.memory_space<hbm>>)
      %scan3A_469 = arith.constant 0 : i32
      %scan3A_470 = arith.constant 0 : i32
      %scan3A_471 = arith.constant 40 : i32
      %scan3A_472 = arith.addi %scan3A_470, %scan3A_471 : i32
      %scan3A_473 = arith.constant 1 : i32
      %scan3A_474 = scf.for %scan3A_608 = %scan3A_470 to %scan3A_472 step %scan3A_473 iter_args(%scan3A_609 = %scan3A_469) -> (i32)  : i32 {
        %get3A = arith.index_cast %scan3A_608 : i32 to index
        %get3A_610 = arith.constant 0 : index
        %get3A_611 = tpu.vector_load %arg20[%get3A, %get3A_610] {strides = array<i32>} : memref<40x128xi32, #tpu.memory_space<vmem>>, vector<1x16xi32>,
        %get3A_612 = vector.shape_cast %get3A_611 : vector<1x16xi32> to vector<16xi32>
        %get3A_613 = arith.index_cast %scan3A_608 : i32 to index
        %get3A_614 = arith.constant 0 : index
        %get3A_615 = tpu.vector_load %arg12[%get3A_613, %get3A_614] {strides = array<i32>} : memref<40x128xf32, #tpu.memory_space<vmem>>, vector<1x16xf32>,
        %get3A_616 = vector.shape_cast %get3A_615 : vector<1x16xf32> to vector<16xf32>
        %get3A_617 = arith.index_cast %scan3A_608 : i32 to index
        %get3A_618 = arith.constant 0 : index
        %get3A_619 = tpu.vector_load %arg14[%get3A_617, %get3A_618] {strides = array<i32>} : memref<40x128xf32, #tpu.memory_space<vmem>>, vector<1x16xf32>,
        %get3A_620 = vector.shape_cast %get3A_619 : vector<1x16xf32> to vector<16xf32>
        %add3A_621 = arith.addf %get3A_616, %get3A_620 : vector<16xf32>
        %shift_left3A = arith.constant 16 : i32
        %shift_left3A_622 = vector.broadcast %shift_left3A : i32 to vector<16xi32>
        %shift_left3A_623 = arith.shli %get3A_612, %shift_left3A_622 : vector<16xi32>
        %bitcast_convert_type3A = tpu.bitcast %shift_left3A_623 : vector<16xi32> -> vector<16xf32>
        %add3A_624 = arith.addf %add3A_621, %bitcast_convert_type3A : vector<16xf32>
        %swap3A = arith.index_cast %scan3A_608 : i32 to index
        %swap3A_625 = arith.constant 0 : index
        %swap3A_626 = tpu.vector_load %arg22[%swap3A, %swap3A_625] {strides = array<i32>} : memref<40x128xf32, #tpu.memory_space<vmem>>, vector<1x16xf32>,
        %swap3A_627 = vector.shape_cast %swap3A_626 : vector<1x16xf32> to vector<16xf32>
        %swap3A_628 = vector.shape_cast %add3A_624 : vector<16xf32> to vector<1x16xf32>
        tpu.vector_store %arg22[%swap3A, %swap3A_625], %swap3A_628 {strides = array<i32>} : memref<40x128xf32, #tpu.memory_space<vmem>>, vector<1x16xf32>,
        %get3A_629 = arith.index_cast %scan3A_608 : i32 to index
        %get3A_630 = arith.constant 0 : index
        %get3A_631 = tpu.vector_load %arg16[%get3A_629, %get3A_630] {strides = array<i32>} : memref<40x128xf32, #tpu.memory_space<vmem>>, vector<1x16xf32>,
        %get3A_632 = vector.shape_cast %get3A_631 : vector<1x16xf32> to vector<16xf32>
        %get3A_633 = arith.index_cast %scan3A_608 : i32 to index
        %get3A_634 = arith.constant 0 : index
        %get3A_635 = tpu.vector_load %arg18[%get3A_633, %get3A_634] {strides = array<i32>} : memref<40x128xf32, #tpu.memory_space<vmem>>, vector<1x16xf32>,
        %get3A_636 = vector.shape_cast %get3A_635 : vector<1x16xf32> to vector<16xf32>
        %add3A_637 = arith.addf %get3A_632, %get3A_636 : vector<16xf32>
        %and3A = arith.constant -65536 : i32
        %and3A_638 = vector.broadcast %and3A : i32 to vector<16xi32>
        %and3A_639 = arith.andi %get3A_612, %and3A_638 : vector<16xi32>
        %bitcast_convert_type3A_640 = tpu.bitcast %and3A_639 : vector<16xi32> -> vector<16xf32>
        %add3A_641 = arith.addf %add3A_637, %bitcast_convert_type3A_640 : vector<16xf32>
        %swap3A_642 = arith.index_cast %scan3A_608 : i32 to index
        %swap3A_643 = arith.constant 0 : index
        %swap3A_644 = tpu.vector_load %arg24[%swap3A_642, %swap3A_643] {strides = array<i32>} : memref<40x128xf32, #tpu.memory_space<vmem>>, vector<1x16xf32>,
        %swap3A_645 = vector.shape_cast %swap3A_644 : vector<1x16xf32> to vector<16xf32>
        %swap3A_646 = vector.shape_cast %add3A_641 : vector<16xf32> to vector<1x16xf32>
        tpu.vector_store %arg24[%swap3A_642, %swap3A_643], %swap3A_646 {strides = array<i32>} : memref<40x128xf32, #tpu.memory_space<vmem>>, vector<1x16xf32>,
        %get3A_647 = arith.index_cast %scan3A_608 : i32 to index
        %get3A_648 = arith.constant 16 : index
        %get3A_649 = tpu.vector_load %arg20[%get3A_647, %get3A_648] {strides = array<i32>} : memref<40x128xi32, #tpu.memory_space<vmem>>, vector<1x16xi32>,
        %get3A_650 = vector.shape_cast %get3A_649 : vector<1x16xi32> to vector<16xi32>
        %get3A_651 = arith.index_cast %scan3A_608 : i32 to index
        %get3A_652 = arith.constant 16 : index
        %get3A_653 = tpu.vector_load %arg12[%get3A_651, %get3A_652] {strides = array<i32>} : memref<40x128xf32, #tpu.memory_space<vmem>>, vector<1x16xf32>,
        %get3A_654 = vector.shape_cast %get3A_653 : vector<1x16xf32> to vector<16xf32>
        %get3A_655 = arith.index_cast %scan3A_608 : i32 to index
        %get3A_656 = arith.constant 16 : index
        %get3A_657 = tpu.vector_load %arg14[%get3A_655, %get3A_656] {strides = array<i32>} : memref<40x128xf32, #tpu.memory_space<vmem>>, vector<1x16xf32>,
        %get3A_658 = vector.shape_cast %get3A_657 : vector<1x16xf32> to vector<16xf32>
        %add3A_659 = arith.addf %get3A_654, %get3A_658 : vector<16xf32>
        %shift_left3A_660 = arith.constant 16 : i32
        %shift_left3A_661 = vector.broadcast %shift_left3A_660 : i32 to vector<16xi32>
        %shift_left3A_662 = arith.shli %get3A_650, %shift_left3A_661 : vector<16xi32>
        %bitcast_convert_type3A_663 = tpu.bitcast %shift_left3A_662 : vector<16xi32> -> vector<16xf32>
        %add3A_664 = arith.addf %add3A_659, %bitcast_convert_type3A_663 : vector<16xf32>
        %swap3A_665 = arith.index_cast %scan3A_608 : i32 to index
        %swap3A_666 = arith.constant 16 : index
        %swap3A_667 = tpu.vector_load %arg22[%swap3A_665, %swap3A_666] {strides = array<i32>} : memref<40x128xf32, #tpu.memory_space<vmem>>, vector<1x16xf32>,
        %swap3A_668 = vector.shape_cast %swap3A_667 : vector<1x16xf32> to vector<16xf32>
        %swap3A_669 = vector.shape_cast %add3A_664 : vector<16xf32> to vector<1x16xf32>
        tpu.vector_store %arg22[%swap3A_665, %swap3A_666], %swap3A_669 {strides = array<i32>} : memref<40x128xf32, #tpu.memory_space<vmem>>, vector<1x16xf32>,
        %get3A_670 = arith.index_cast %scan3A_608 : i32 to index
        %get3A_671 = arith.constant 16 : index
        %get3A_672 = tpu.vector_load %arg16[%get3A_670, %get3A_671] {strides = array<i32>} : memref<40x128xf32, #tpu.memory_space<vmem>>, vector<1x16xf32>,
        %get3A_673 = vector.shape_cast %get3A_672 : vector<1x16xf32> to vector<16xf32>
        %get3A_674 = arith.index_cast %scan3A_608 : i32 to index
        %get3A_675 = arith.constant 16 : index
        %get3A_676 = tpu.vector_load %arg18[%get3A_674, %get3A_675] {strides = array<i32>} : memref<40x128xf32, #tpu.memory_space<vmem>>, vector<1x16xf32>,
        %get3A_677 = vector.shape_cast %get3A_676 : vector<1x16xf32> to vector<16xf32>
        %add3A_678 = arith.addf %get3A_673, %get3A_677 : vector<16xf32>
        %and3A_679 = arith.constant -65536 : i32
        %and3A_680 = vector.broadcast %and3A_679 : i32 to vector<16xi32>
        %and3A_681 = arith.andi %get3A_650, %and3A_680 : vector<16xi32>
        %bitcast_convert_type3A_682 = tpu.bitcast %and3A_681 : vector<16xi32> -> vector<16xf32>
        %add3A_683 = arith.addf %add3A_678, %bitcast_convert_type3A_682 : vector<16xf32>
        %swap3A_684 = arith.index_cast %scan3A_608 : i32 to index
        %swap3A_685 = arith.constant 16 : index
        %swap3A_686 = tpu.vector_load %arg24[%swap3A_684, %swap3A_685] {strides = array<i32>} : memref<40x128xf32, #tpu.memory_space<vmem>>, vector<1x16xf32>,
        %swap3A_687 = vector.shape_cast %swap3A_686 : vector<1x16xf32> to vector<16xf32>
        %swap3A_688 = vector.shape_cast %add3A_683 : vector<16xf32> to vector<1x16xf32>
        tpu.vector_store %arg24[%swap3A_684, %swap3A_685], %swap3A_688 {strides = array<i32>} : memref<40x128xf32, #tpu.memory_space<vmem>>, vector<1x16xf32>,
        %get3A_689 = arith.index_cast %scan3A_608 : i32 to index
        %get3A_690 = arith.constant 32 : index
        %get3A_691 = tpu.vector_load %arg20[%get3A_689, %get3A_690] {strides = array<i32>} : memref<40x128xi32, #tpu.memory_space<vmem>>, vector<1x16xi32>,
        %get3A_692 = vector.shape_cast %get3A_691 : vector<1x16xi32> to vector<16xi32>
        %get3A_693 = arith.index_cast %scan3A_608 : i32 to index
        %get3A_694 = arith.constant 32 : index
        %get3A_695 = tpu.vector_load %arg12[%get3A_693, %get3A_694] {strides = array<i32>} : memref<40x128xf32, #tpu.memory_space<vmem>>, vector<1x16xf32>,
        %get3A_696 = vector.shape_cast %get3A_695 : vector<1x16xf32> to vector<16xf32>
        %get3A_697 = arith.index_cast %scan3A_608 : i32 to index
        %get3A_698 = arith.constant 32 : index
        %get3A_699 = tpu.vector_load %arg14[%get3A_697, %get3A_698] {strides = array<i32>} : memref<40x128xf32, #tpu.memory_space<vmem>>, vector<1x16xf32>,
        %get3A_700 = vector.shape_cast %get3A_699 : vector<1x16xf32> to vector<16xf32>
        %add3A_701 = arith.addf %get3A_696, %get3A_700 : vector<16xf32>
        %shift_left3A_702 = arith.constant 16 : i32
        %shift_left3A_703 = vector.broadcast %shift_left3A_702 : i32 to vector<16xi32>
        %shift_left3A_704 = arith.shli %get3A_692, %shift_left3A_703 : vector<16xi32>
        %bitcast_convert_type3A_705 = tpu.bitcast %shift_left3A_704 : vector<16xi32> -> vector<16xf32>
        %add3A_706 = arith.addf %add3A_701, %bitcast_convert_type3A_705 : vector<16xf32>
        %swap3A_707 = arith.index_cast %scan3A_608 : i32 to index
        %swap3A_708 = arith.constant 32 : index
        %swap3A_709 = tpu.vector_load %arg22[%swap3A_707, %swap3A_708] {strides = array<i32>} : memref<40x128xf32, #tpu.memory_space<vmem>>, vector<1x16xf32>,
        %swap3A_710 = vector.shape_cast %swap3A_709 : vector<1x16xf32> to vector<16xf32>
        %swap3A_711 = vector.shape_cast %add3A_706 : vector<16xf32> to vector<1x16xf32>
        tpu.vector_store %arg22[%swap3A_707, %swap3A_708], %swap3A_711 {strides = array<i32>} : memref<40x128xf32, #tpu.memory_space<vmem>>, vector<1x16xf32>,
        %get3A_712 = arith.index_cast %scan3A_608 : i32 to index
        %get3A_713 = arith.constant 32 : index
        %get3A_714 = tpu.vector_load %arg16[%get3A_712, %get3A_713] {strides = array<i32>} : memref<40x128xf32, #tpu.memory_space<vmem>>, vector<1x16xf32>,
        %get3A_715 = vector.shape_cast %get3A_714 : vector<1x16xf32> to vector<16xf32>
        %get3A_716 = arith.index_cast %scan3A_608 : i32 to index
        %get3A_717 = arith.constant 32 : index
        %get3A_718 = tpu.vector_load %arg18[%get3A_716, %get3A_717] {strides = array<i32>} : memref<40x128xf32, #tpu.memory_space<vmem>>, vector<1x16xf32>,
        %get3A_719 = vector.shape_cast %get3A_718 : vector<1x16xf32> to vector<16xf32>
        %add3A_720 = arith.addf %get3A_715, %get3A_719 : vector<16xf32>
        %and3A_721 = arith.constant -65536 : i32
        %and3A_722 = vector.broadcast %and3A_721 : i32 to vector<16xi32>
        %and3A_723 = arith.andi %get3A_692, %and3A_722 : vector<16xi32>
        %bitcast_convert_type3A_724 = tpu.bitcast %and3A_723 : vector<16xi32> -> vector<16xf32>
        %add3A_725 = arith.addf %add3A_720, %bitcast_convert_type3A_724 : vector<16xf32>
        %swap3A_726 = arith.index_cast %scan3A_608 : i32 to index
        %swap3A_727 = arith.constant 32 : index
        %swap3A_728 = tpu.vector_load %arg24[%swap3A_726, %swap3A_727] {strides = array<i32>} : memref<40x128xf32, #tpu.memory_space<vmem>>, vector<1x16xf32>,
        %swap3A_729 = vector.shape_cast %swap3A_728 : vector<1x16xf32> to vector<16xf32>
        %swap3A_730 = vector.shape_cast %add3A_725 : vector<16xf32> to vector<1x16xf32>
        tpu.vector_store %arg24[%swap3A_726, %swap3A_727], %swap3A_730 {strides = array<i32>} : memref<40x128xf32, #tpu.memory_space<vmem>>, vector<1x16xf32>,
        %get3A_731 = arith.index_cast %scan3A_608 : i32 to index
        %get3A_732 = arith.constant 48 : index
        %get3A_733 = tpu.vector_load %arg20[%get3A_731, %get3A_732] {strides = array<i32>} : memref<40x128xi32, #tpu.memory_space<vmem>>, vector<1x16xi32>,
        %get3A_734 = vector.shape_cast %get3A_733 : vector<1x16xi32> to vector<16xi32>
        %get3A_735 = arith.index_cast %scan3A_608 : i32 to index
        %get3A_736 = arith.constant 48 : index
        %get3A_737 = tpu.vector_load %arg12[%get3A_735, %get3A_736] {strides = array<i32>} : memref<40x128xf32, #tpu.memory_space<vmem>>, vector<1x16xf32>,
        %get3A_738 = vector.shape_cast %get3A_737 : vector<1x16xf32> to vector<16xf32>
        %get3A_739 = arith.index_cast %scan3A_608 : i32 to index
        %get3A_740 = arith.constant 48 : index
        %get3A_741 = tpu.vector_load %arg14[%get3A_739, %get3A_740] {strides = array<i32>} : memref<40x128xf32, #tpu.memory_space<vmem>>, vector<1x16xf32>,
        %get3A_742 = vector.shape_cast %get3A_741 : vector<1x16xf32> to vector<16xf32>
        %add3A_743 = arith.addf %get3A_738, %get3A_742 : vector<16xf32>
        %shift_left3A_744 = arith.constant 16 : i32
        %shift_left3A_745 = vector.broadcast %shift_left3A_744 : i32 to vector<16xi32>
        %shift_left3A_746 = arith.shli %get3A_734, %shift_left3A_745 : vector<16xi32>
        %bitcast_convert_type3A_747 = tpu.bitcast %shift_left3A_746 : vector<16xi32> -> vector<16xf32>
        %add3A_748 = arith.addf %add3A_743, %bitcast_convert_type3A_747 : vector<16xf32>
        %swap3A_749 = arith.index_cast %scan3A_608 : i32 to index
        %swap3A_750 = arith.constant 48 : index
        %swap3A_751 = tpu.vector_load %arg22[%swap3A_749, %swap3A_750] {strides = array<i32>} : memref<40x128xf32, #tpu.memory_space<vmem>>, vector<1x16xf32>,
        %swap3A_752 = vector.shape_cast %swap3A_751 : vector<1x16xf32> to vector<16xf32>
        %swap3A_753 = vector.shape_cast %add3A_748 : vector<16xf32> to vector<1x16xf32>
        tpu.vector_store %arg22[%swap3A_749, %swap3A_750], %swap3A_753 {strides = array<i32>} : memref<40x128xf32, #tpu.memory_space<vmem>>, vector<1x16xf32>,
        %get3A_754 = arith.index_cast %scan3A_608 : i32 to index
        %get3A_755 = arith.constant 48 : index
        %get3A_756 = tpu.vector_load %arg16[%get3A_754, %get3A_755] {strides = array<i32>} : memref<40x128xf32, #tpu.memory_space<vmem>>, vector<1x16xf32>,
        %get3A_757 = vector.shape_cast %get3A_756 : vector<1x16xf32> to vector<16xf32>
        %get3A_758 = arith.index_cast %scan3A_608 : i32 to index
        %get3A_759 = arith.constant 48 : index
        %get3A_760 = tpu.vector_load %arg18[%get3A_758, %get3A_759] {strides = array<i32>} : memref<40x128xf32, #tpu.memory_space<vmem>>, vector<1x16xf32>,
        %get3A_761 = vector.shape_cast %get3A_760 : vector<1x16xf32> to vector<16xf32>
        %add3A_762 = arith.addf %get3A_757, %get3A_761 : vector<16xf32>
        %and3A_763 = arith.constant -65536 : i32
        %and3A_764 = vector.broadcast %and3A_763 : i32 to vector<16xi32>
        %and3A_765 = arith.andi %get3A_734, %and3A_764 : vector<16xi32>
        %bitcast_convert_type3A_766 = tpu.bitcast %and3A_765 : vector<16xi32> -> vector<16xf32>
        %add3A_767 = arith.addf %add3A_762, %bitcast_convert_type3A_766 : vector<16xf32>
        %swap3A_768 = arith.index_cast %scan3A_608 : i32 to index
        %swap3A_769 = arith.constant 48 : index
        %swap3A_770 = tpu.vector_load %arg24[%swap3A_768, %swap3A_769] {strides = array<i32>} : memref<40x128xf32, #tpu.memory_space<vmem>>, vector<1x16xf32>,
        %swap3A_771 = vector.shape_cast %swap3A_770 : vector<1x16xf32> to vector<16xf32>
        %swap3A_772 = vector.shape_cast %add3A_767 : vector<16xf32> to vector<1x16xf32>
        tpu.vector_store %arg24[%swap3A_768, %swap3A_769], %swap3A_772 {strides = array<i32>} : memref<40x128xf32, #tpu.memory_space<vmem>>, vector<1x16xf32>,
        %get3A_773 = arith.index_cast %scan3A_608 : i32 to index
        %get3A_774 = arith.constant 64 : index
        %get3A_775 = tpu.vector_load %arg20[%get3A_773, %get3A_774] {strides = array<i32>} : memref<40x128xi32, #tpu.memory_space<vmem>>, vector<1x16xi32>,
        %get3A_776 = vector.shape_cast %get3A_775 : vector<1x16xi32> to vector<16xi32>
        %get3A_777 = arith.index_cast %scan3A_608 : i32 to index
        %get3A_778 = arith.constant 64 : index
        %get3A_779 = tpu.vector_load %arg12[%get3A_777, %get3A_778] {strides = array<i32>} : memref<40x128xf32, #tpu.memory_space<vmem>>, vector<1x16xf32>,
        %get3A_780 = vector.shape_cast %get3A_779 : vector<1x16xf32> to vector<16xf32>
        %get3A_781 = arith.index_cast %scan3A_608 : i32 to index
        %get3A_782 = arith.constant 64 : index
        %get3A_783 = tpu.vector_load %arg14[%get3A_781, %get3A_782] {strides = array<i32>} : memref<40x128xf32, #tpu.memory_space<vmem>>, vector<1x16xf32>,
        %get3A_784 = vector.shape_cast %get3A_783 : vector<1x16xf32> to vector<16xf32>
        %add3A_785 = arith.addf %get3A_780, %get3A_784 : vector<16xf32>
        %shift_left3A_786 = arith.constant 16 : i32
        %shift_left3A_787 = vector.broadcast %shift_left3A_786 : i32 to vector<16xi32>
        %shift_left3A_788 = arith.shli %get3A_776, %shift_left3A_787 : vector<16xi32>
        %bitcast_convert_type3A_789 = tpu.bitcast %shift_left3A_788 : vector<16xi32> -> vector<16xf32>
        %add3A_790 = arith.addf %add3A_785, %bitcast_convert_type3A_789 : vector<16xf32>
        %swap3A_791 = arith.index_cast %scan3A_608 : i32 to index
        %swap3A_792 = arith.constant 64 : index
        %swap3A_793 = tpu.vector_load %arg22[%swap3A_791, %swap3A_792] {strides = array<i32>} : memref<40x128xf32, #tpu.memory_space<vmem>>, vector<1x16xf32>,
        %swap3A_794 = vector.shape_cast %swap3A_793 : vector<1x16xf32> to vector<16xf32>
        %swap3A_795 = vector.shape_cast %add3A_790 : vector<16xf32> to vector<1x16xf32>
        tpu.vector_store %arg22[%swap3A_791, %swap3A_792], %swap3A_795 {strides = array<i32>} : memref<40x128xf32, #tpu.memory_space<vmem>>, vector<1x16xf32>,
        %get3A_796 = arith.index_cast %scan3A_608 : i32 to index
        %get3A_797 = arith.constant 64 : index
        %get3A_798 = tpu.vector_load %arg16[%get3A_796, %get3A_797] {strides = array<i32>} : memref<40x128xf32, #tpu.memory_space<vmem>>, vector<1x16xf32>,
        %get3A_799 = vector.shape_cast %get3A_798 : vector<1x16xf32> to vector<16xf32>
        %get3A_800 = arith.index_cast %scan3A_608 : i32 to index
        %get3A_801 = arith.constant 64 : index
        %get3A_802 = tpu.vector_load %arg18[%get3A_800, %get3A_801] {strides = array<i32>} : memref<40x128xf32, #tpu.memory_space<vmem>>, vector<1x16xf32>,
        %get3A_803 = vector.shape_cast %get3A_802 : vector<1x16xf32> to vector<16xf32>
        %add3A_804 = arith.addf %get3A_799, %get3A_803 : vector<16xf32>
        %and3A_805 = arith.constant -65536 : i32
        %and3A_806 = vector.broadcast %and3A_805 : i32 to vector<16xi32>
        %and3A_807 = arith.andi %get3A_776, %and3A_806 : vector<16xi32>
        %bitcast_convert_type3A_808 = tpu.bitcast %and3A_807 : vector<16xi32> -> vector<16xf32>
        %add3A_809 = arith.addf %add3A_804, %bitcast_convert_type3A_808 : vector<16xf32>
        %swap3A_810 = arith.index_cast %scan3A_608 : i32 to index
        %swap3A_811 = arith.constant 64 : index
        %swap3A_812 = tpu.vector_load %arg24[%swap3A_810, %swap3A_811] {strides = array<i32>} : memref<40x128xf32, #tpu.memory_space<vmem>>, vector<1x16xf32>,
        %swap3A_813 = vector.shape_cast %swap3A_812 : vector<1x16xf32> to vector<16xf32>
        %swap3A_814 = vector.shape_cast %add3A_809 : vector<16xf32> to vector<1x16xf32>
        tpu.vector_store %arg24[%swap3A_810, %swap3A_811], %swap3A_814 {strides = array<i32>} : memref<40x128xf32, #tpu.memory_space<vmem>>, vector<1x16xf32>,
        %get3A_815 = arith.index_cast %scan3A_608 : i32 to index
        %get3A_816 = arith.constant 80 : index
        %get3A_817 = tpu.vector_load %arg20[%get3A_815, %get3A_816] {strides = array<i32>} : memref<40x128xi32, #tpu.memory_space<vmem>>, vector<1x16xi32>,
        %get3A_818 = vector.shape_cast %get3A_817 : vector<1x16xi32> to vector<16xi32>
        %get3A_819 = arith.index_cast %scan3A_608 : i32 to index
        %get3A_820 = arith.constant 80 : index
        %get3A_821 = tpu.vector_load %arg12[%get3A_819, %get3A_820] {strides = array<i32>} : memref<40x128xf32, #tpu.memory_space<vmem>>, vector<1x16xf32>,
        %get3A_822 = vector.shape_cast %get3A_821 : vector<1x16xf32> to vector<16xf32>
        %get3A_823 = arith.index_cast %scan3A_608 : i32 to index
        %get3A_824 = arith.constant 80 : index
        %get3A_825 = tpu.vector_load %arg14[%get3A_823, %get3A_824] {strides = array<i32>} : memref<40x128xf32, #tpu.memory_space<vmem>>, vector<1x16xf32>,
        %get3A_826 = vector.shape_cast %get3A_825 : vector<1x16xf32> to vector<16xf32>
        %add3A_827 = arith.addf %get3A_822, %get3A_826 : vector<16xf32>
        %shift_left3A_828 = arith.constant 16 : i32
        %shift_left3A_829 = vector.broadcast %shift_left3A_828 : i32 to vector<16xi32>
        %shift_left3A_830 = arith.shli %get3A_818, %shift_left3A_829 : vector<16xi32>
        %bitcast_convert_type3A_831 = tpu.bitcast %shift_left3A_830 : vector<16xi32> -> vector<16xf32>
        %add3A_832 = arith.addf %add3A_827, %bitcast_convert_type3A_831 : vector<16xf32>
        %swap3A_833 = arith.index_cast %scan3A_608 : i32 to index
        %swap3A_834 = arith.constant 80 : index
        %swap3A_835 = tpu.vector_load %arg22[%swap3A_833, %swap3A_834] {strides = array<i32>} : memref<40x128xf32, #tpu.memory_space<vmem>>, vector<1x16xf32>,
        %swap3A_836 = vector.shape_cast %swap3A_835 : vector<1x16xf32> to vector<16xf32>
        %swap3A_837 = vector.shape_cast %add3A_832 : vector<16xf32> to vector<1x16xf32>
        tpu.vector_store %arg22[%swap3A_833, %swap3A_834], %swap3A_837 {strides = array<i32>} : memref<40x128xf32, #tpu.memory_space<vmem>>, vector<1x16xf32>,
        %get3A_838 = arith.index_cast %scan3A_608 : i32 to index
        %get3A_839 = arith.constant 80 : index
        %get3A_840 = tpu.vector_load %arg16[%get3A_838, %get3A_839] {strides = array<i32>} : memref<40x128xf32, #tpu.memory_space<vmem>>, vector<1x16xf32>,
        %get3A_841 = vector.shape_cast %get3A_840 : vector<1x16xf32> to vector<16xf32>
        %get3A_842 = arith.index_cast %scan3A_608 : i32 to index
        %get3A_843 = arith.constant 80 : index
        %get3A_844 = tpu.vector_load %arg18[%get3A_842, %get3A_843] {strides = array<i32>} : memref<40x128xf32, #tpu.memory_space<vmem>>, vector<1x16xf32>,
        %get3A_845 = vector.shape_cast %get3A_844 : vector<1x16xf32> to vector<16xf32>
        %add3A_846 = arith.addf %get3A_841, %get3A_845 : vector<16xf32>
        %and3A_847 = arith.constant -65536 : i32
        %and3A_848 = vector.broadcast %and3A_847 : i32 to vector<16xi32>
        %and3A_849 = arith.andi %get3A_818, %and3A_848 : vector<16xi32>
        %bitcast_convert_type3A_850 = tpu.bitcast %and3A_849 : vector<16xi32> -> vector<16xf32>
        %add3A_851 = arith.addf %add3A_846, %bitcast_convert_type3A_850 : vector<16xf32>
        %swap3A_852 = arith.index_cast %scan3A_608 : i32 to index
        %swap3A_853 = arith.constant 80 : index
        %swap3A_854 = tpu.vector_load %arg24[%swap3A_852, %swap3A_853] {strides = array<i32>} : memref<40x128xf32, #tpu.memory_space<vmem>>, vector<1x16xf32>,
        %swap3A_855 = vector.shape_cast %swap3A_854 : vector<1x16xf32> to vector<16xf32>
        %swap3A_856 = vector.shape_cast %add3A_851 : vector<16xf32> to vector<1x16xf32>
        tpu.vector_store %arg24[%swap3A_852, %swap3A_853], %swap3A_856 {strides = array<i32>} : memref<40x128xf32, #tpu.memory_space<vmem>>, vector<1x16xf32>,
        %get3A_857 = arith.index_cast %scan3A_608 : i32 to index
        %get3A_858 = arith.constant 96 : index
        %get3A_859 = tpu.vector_load %arg20[%get3A_857, %get3A_858] {strides = array<i32>} : memref<40x128xi32, #tpu.memory_space<vmem>>, vector<1x16xi32>,
        %get3A_860 = vector.shape_cast %get3A_859 : vector<1x16xi32> to vector<16xi32>
        %get3A_861 = arith.index_cast %scan3A_608 : i32 to index
        %get3A_862 = arith.constant 96 : index
        %get3A_863 = tpu.vector_load %arg12[%get3A_861, %get3A_862] {strides = array<i32>} : memref<40x128xf32, #tpu.memory_space<vmem>>, vector<1x16xf32>,
        %get3A_864 = vector.shape_cast %get3A_863 : vector<1x16xf32> to vector<16xf32>
        %get3A_865 = arith.index_cast %scan3A_608 : i32 to index
        %get3A_866 = arith.constant 96 : index
        %get3A_867 = tpu.vector_load %arg14[%get3A_865, %get3A_866] {strides = array<i32>} : memref<40x128xf32, #tpu.memory_space<vmem>>, vector<1x16xf32>,
        %get3A_868 = vector.shape_cast %get3A_867 : vector<1x16xf32> to vector<16xf32>
        %add3A_869 = arith.addf %get3A_864, %get3A_868 : vector<16xf32>
        %shift_left3A_870 = arith.constant 16 : i32
        %shift_left3A_871 = vector.broadcast %shift_left3A_870 : i32 to vector<16xi32>
        %shift_left3A_872 = arith.shli %get3A_860, %shift_left3A_871 : vector<16xi32>
        %bitcast_convert_type3A_873 = tpu.bitcast %shift_left3A_872 : vector<16xi32> -> vector<16xf32>
        %add3A_874 = arith.addf %add3A_869, %bitcast_convert_type3A_873 : vector<16xf32>
        %swap3A_875 = arith.index_cast %scan3A_608 : i32 to index
        %swap3A_876 = arith.constant 96 : index
        %swap3A_877 = tpu.vector_load %arg22[%swap3A_875, %swap3A_876] {strides = array<i32>} : memref<40x128xf32, #tpu.memory_space<vmem>>, vector<1x16xf32>,
        %swap3A_878 = vector.shape_cast %swap3A_877 : vector<1x16xf32> to vector<16xf32>
        %swap3A_879 = vector.shape_cast %add3A_874 : vector<16xf32> to vector<1x16xf32>
        tpu.vector_store %arg22[%swap3A_875, %swap3A_876], %swap3A_879 {strides = array<i32>} : memref<40x128xf32, #tpu.memory_space<vmem>>, vector<1x16xf32>,
        %get3A_880 = arith.index_cast %scan3A_608 : i32 to index
        %get3A_881 = arith.constant 96 : index
        %get3A_882 = tpu.vector_load %arg16[%get3A_880, %get3A_881] {strides = array<i32>} : memref<40x128xf32, #tpu.memory_space<vmem>>, vector<1x16xf32>,
        %get3A_883 = vector.shape_cast %get3A_882 : vector<1x16xf32> to vector<16xf32>
        %get3A_884 = arith.index_cast %scan3A_608 : i32 to index
        %get3A_885 = arith.constant 96 : index
        %get3A_886 = tpu.vector_load %arg18[%get3A_884, %get3A_885] {strides = array<i32>} : memref<40x128xf32, #tpu.memory_space<vmem>>, vector<1x16xf32>,
        %get3A_887 = vector.shape_cast %get3A_886 : vector<1x16xf32> to vector<16xf32>
        %add3A_888 = arith.addf %get3A_883, %get3A_887 : vector<16xf32>
        %and3A_889 = arith.constant -65536 : i32
        %and3A_890 = vector.broadcast %and3A_889 : i32 to vector<16xi32>
        %and3A_891 = arith.andi %get3A_860, %and3A_890 : vector<16xi32>
        %bitcast_convert_type3A_892 = tpu.bitcast %and3A_891 : vector<16xi32> -> vector<16xf32>
        %add3A_893 = arith.addf %add3A_888, %bitcast_convert_type3A_892 : vector<16xf32>
        %swap3A_894 = arith.index_cast %scan3A_608 : i32 to index
        %swap3A_895 = arith.constant 96 : index
        %swap3A_896 = tpu.vector_load %arg24[%swap3A_894, %swap3A_895] {strides = array<i32>} : memref<40x128xf32, #tpu.memory_space<vmem>>, vector<1x16xf32>,
        %swap3A_897 = vector.shape_cast %swap3A_896 : vector<1x16xf32> to vector<16xf32>
        %swap3A_898 = vector.shape_cast %add3A_893 : vector<16xf32> to vector<1x16xf32>
        tpu.vector_store %arg24[%swap3A_894, %swap3A_895], %swap3A_898 {strides = array<i32>} : memref<40x128xf32, #tpu.memory_space<vmem>>, vector<1x16xf32>,
        %get3A_899 = arith.index_cast %scan3A_608 : i32 to index
        %get3A_900 = arith.constant 112 : index
        %get3A_901 = tpu.vector_load %arg20[%get3A_899, %get3A_900] {strides = array<i32>} : memref<40x128xi32, #tpu.memory_space<vmem>>, vector<1x16xi32>,
        %get3A_902 = vector.shape_cast %get3A_901 : vector<1x16xi32> to vector<16xi32>
        %get3A_903 = arith.index_cast %scan3A_608 : i32 to index
        %get3A_904 = arith.constant 112 : index
        %get3A_905 = tpu.vector_load %arg12[%get3A_903, %get3A_904] {strides = array<i32>} : memref<40x128xf32, #tpu.memory_space<vmem>>, vector<1x16xf32>,
        %get3A_906 = vector.shape_cast %get3A_905 : vector<1x16xf32> to vector<16xf32>
        %get3A_907 = arith.index_cast %scan3A_608 : i32 to index
        %get3A_908 = arith.constant 112 : index
        %get3A_909 = tpu.vector_load %arg14[%get3A_907, %get3A_908] {strides = array<i32>} : memref<40x128xf32, #tpu.memory_space<vmem>>, vector<1x16xf32>,
        %get3A_910 = vector.shape_cast %get3A_909 : vector<1x16xf32> to vector<16xf32>
        %add3A_911 = arith.addf %get3A_906, %get3A_910 : vector<16xf32>
        %shift_left3A_912 = arith.constant 16 : i32
        %shift_left3A_913 = vector.broadcast %shift_left3A_912 : i32 to vector<16xi32>
        %shift_left3A_914 = arith.shli %get3A_902, %shift_left3A_913 : vector<16xi32>
        %bitcast_convert_type3A_915 = tpu.bitcast %shift_left3A_914 : vector<16xi32> -> vector<16xf32>
        %add3A_916 = arith.addf %add3A_911, %bitcast_convert_type3A_915 : vector<16xf32>
        %swap3A_917 = arith.index_cast %scan3A_608 : i32 to index
        %swap3A_918 = arith.constant 112 : index
        %swap3A_919 = tpu.vector_load %arg22[%swap3A_917, %swap3A_918] {strides = array<i32>} : memref<40x128xf32, #tpu.memory_space<vmem>>, vector<1x16xf32>,
        %swap3A_920 = vector.shape_cast %swap3A_919 : vector<1x16xf32> to vector<16xf32>
        %swap3A_921 = vector.shape_cast %add3A_916 : vector<16xf32> to vector<1x16xf32>
        tpu.vector_store %arg22[%swap3A_917, %swap3A_918], %swap3A_921 {strides = array<i32>} : memref<40x128xf32, #tpu.memory_space<vmem>>, vector<1x16xf32>,
        %get3A_922 = arith.index_cast %scan3A_608 : i32 to index
        %get3A_923 = arith.constant 112 : index
        %get3A_924 = tpu.vector_load %arg16[%get3A_922, %get3A_923] {strides = array<i32>} : memref<40x128xf32, #tpu.memory_space<vmem>>, vector<1x16xf32>,
        %get3A_925 = vector.shape_cast %get3A_924 : vector<1x16xf32> to vector<16xf32>
        %get3A_926 = arith.index_cast %scan3A_608 : i32 to index
        %get3A_927 = arith.constant 112 : index
        %get3A_928 = tpu.vector_load %arg18[%get3A_926, %get3A_927] {strides = array<i32>} : memref<40x128xf32, #tpu.memory_space<vmem>>, vector<1x16xf32>,
        %get3A_929 = vector.shape_cast %get3A_928 : vector<1x16xf32> to vector<16xf32>
        %add3A_930 = arith.addf %get3A_925, %get3A_929 : vector<16xf32>
        %and3A_931 = arith.constant -65536 : i32
        %and3A_932 = vector.broadcast %and3A_931 : i32 to vector<16xi32>
        %and3A_933 = arith.andi %get3A_902, %and3A_932 : vector<16xi32>
        %bitcast_convert_type3A_934 = tpu.bitcast %and3A_933 : vector<16xi32> -> vector<16xf32>
        %add3A_935 = arith.addf %add3A_930, %bitcast_convert_type3A_934 : vector<16xf32>
        %swap3A_936 = arith.index_cast %scan3A_608 : i32 to index
        %swap3A_937 = arith.constant 112 : index
        %swap3A_938 = tpu.vector_load %arg24[%swap3A_936, %swap3A_937] {strides = array<i32>} : memref<40x128xf32, #tpu.memory_space<vmem>>, vector<1x16xf32>,
        %swap3A_939 = vector.shape_cast %swap3A_938 : vector<1x16xf32> to vector<16xf32>
        %swap3A_940 = vector.shape_cast %add3A_935 : vector<16xf32> to vector<1x16xf32>
        tpu.vector_store %arg24[%swap3A_936, %swap3A_937], %swap3A_940 {strides = array<i32>} : memref<40x128xf32, #tpu.memory_space<vmem>>, vector<1x16xf32>,
        %scan3A_941 = arith.constant 0 : i32
        scf.yield %scan3A_941 : i32
      }
      %scan3A_475 = arith.constant 40 : i32
      %add3A_476 = arith.constant 2 : i32
      %add3A_477 = arith.addi %mul3A_429, %add3A_476 : i32
      %mul3A_478 = arith.constant 40 : i32
      %mul3A_479 = arith.muli %add3A_477, %mul3A_478 : i32
      %add3A_480 = arith.addi %mul3A_2, %mul3A_479 : i32
      %mul3A_481 = arith.constant 40 : i32
      %mul3A_482 = arith.muli %add3A_477, %mul3A_481 : i32
      %dma_start3A_483 = tpu.memref_slice %arg8[%mul3A_482] : memref<5000xi32, #tpu.memory_space<vmem>> -> memref<40xi32, #tpu.memory_space<vmem>>
      %dma_start3A_484 = arith.constant 0 : i32
      %dma_start3A_485 = arith.constant 0 : i32
      %dma_start3A_486 = tpu.memref_slice %arg2[%dma_start3A_484, %dma_start3A_485] : memref<10000x128xf32, #tpu.memory_space<hbm>> -> memref<10000x128xf32, #tpu.memory_space<hbm>>
      tpu.enqueue_indirect_dma source(%dma_start3A_486 : memref<10000x128xf32, #tpu.memory_space<hbm>>) target(%arg12 : memref<40x128xf32, #tpu.memory_space<vmem>>) offsets(%dma_start3A_483 : memref<40xi32, #tpu.memory_space<vmem>>) semaphore(%arg26 : memref<!tpu.dma_semaphore, #tpu.memory_space<semaphore_mem>>)
      %dma_start3A_487 = tpu.memref_slice %arg9[%mul3A_482] : memref<5000xi32, #tpu.memory_space<vmem>> -> memref<40xi32, #tpu.memory_space<vmem>>
      %dma_start3A_488 = arith.constant 0 : i32
      %dma_start3A_489 = arith.constant 0 : i32
      %dma_start3A_490 = tpu.memref_slice %arg3[%dma_start3A_488, %dma_start3A_489] : memref<10000x128xf32, #tpu.memory_space<hbm>> -> memref<10000x128xf32, #tpu.memory_space<hbm>>
      tpu.enqueue_indirect_dma source(%dma_start3A_490 : memref<10000x128xf32, #tpu.memory_space<hbm>>) target(%arg14 : memref<40x128xf32, #tpu.memory_space<vmem>>) offsets(%dma_start3A_487 : memref<40xi32, #tpu.memory_space<vmem>>) semaphore(%arg26 : memref<!tpu.dma_semaphore, #tpu.memory_space<semaphore_mem>>)
      %dma_start3A_491 = tpu.memref_slice %arg10[%mul3A_482] : memref<5000xi32, #tpu.memory_space<vmem>> -> memref<40xi32, #tpu.memory_space<vmem>>
      %dma_start3A_492 = arith.constant 0 : i32
      %dma_start3A_493 = arith.constant 0 : i32
      %dma_start3A_494 = tpu.memref_slice %arg2[%dma_start3A_492, %dma_start3A_493] : memref<10000x128xf32, #tpu.memory_space<hbm>> -> memref<10000x128xf32, #tpu.memory_space<hbm>>
      tpu.enqueue_indirect_dma source(%dma_start3A_494 : memref<10000x128xf32, #tpu.memory_space<hbm>>) target(%arg16 : memref<40x128xf32, #tpu.memory_space<vmem>>) offsets(%dma_start3A_491 : memref<40xi32, #tpu.memory_space<vmem>>) semaphore(%arg26 : memref<!tpu.dma_semaphore, #tpu.memory_space<semaphore_mem>>)
      %dma_start3A_495 = tpu.memref_slice %arg11[%mul3A_482] : memref<5000xi32, #tpu.memory_space<vmem>> -> memref<40xi32, #tpu.memory_space<vmem>>
      %dma_start3A_496 = arith.constant 0 : i32
      %dma_start3A_497 = arith.constant 0 : i32
      %dma_start3A_498 = tpu.memref_slice %arg3[%dma_start3A_496, %dma_start3A_497] : memref<10000x128xf32, #tpu.memory_space<hbm>> -> memref<10000x128xf32, #tpu.memory_space<hbm>>
      tpu.enqueue_indirect_dma source(%dma_start3A_498 : memref<10000x128xf32, #tpu.memory_space<hbm>>) target(%arg18 : memref<40x128xf32, #tpu.memory_space<vmem>>) offsets(%dma_start3A_495 : memref<40xi32, #tpu.memory_space<vmem>>) semaphore(%arg26 : memref<!tpu.dma_semaphore, #tpu.memory_space<semaphore_mem>>)
      %dma_start3A_499 = arith.constant 0 : i32
      %dma_start3A_500 = tpu.memref_slice %arg6[%add3A_480, %dma_start3A_499] : memref<160000x128xi32, #tpu.memory_space<hbm>> -> memref<40x128xi32, #tpu.memory_space<hbm>>
      %dma_start3A_501 = arith.constant 0 : i32
      %dma_start3A_502 = tpu.memref_slice %arg6[%add3A_480, %dma_start3A_501] : memref<160000x128xi32, #tpu.memory_space<hbm>> -> memref<40x128xi32, #tpu.memory_space<hbm>>
      tpu.enqueue_dma source(%dma_start3A_502 : memref<40x128xi32, #tpu.memory_space<hbm>>) target(%arg20 : memref<40x128xi32, #tpu.memory_space<vmem>>) target_semaphore(%arg28 : memref<!tpu.dma_semaphore, #tpu.memory_space<semaphore_mem>>)
      %mul3A_503 = arith.constant 40 : i32
      %mul3A_504 = arith.muli %mul3A_429, %mul3A_503 : i32
      %add3A_505 = arith.addi %mul3A_2, %mul3A_504 : i32
      %add3A_506 = arith.constant 160000 : i32
      %add3A_507 = arith.addi %add3A_506, %add3A_505 : i32
      %dma_start3A_508 = arith.constant 0 : i32
      %dma_start3A_509 = tpu.memref_slice %arg7[%add3A_505, %dma_start3A_508] : memref<320000x128xf32, #tpu.memory_space<hbm>> -> memref<40x128xf32, #tpu.memory_space<hbm>>
      %dma_start3A_510 = arith.constant 0 : i32
      %dma_start3A_511 = tpu.memref_slice %arg7[%add3A_505, %dma_start3A_510] : memref<320000x128xf32, #tpu.memory_space<hbm>> -> memref<40x128xf32, #tpu.memory_space<hbm>>
      tpu.enqueue_dma source(%arg22 : memref<40x128xf32, #tpu.memory_space<vmem>>) target(%dma_start3A_511 : memref<40x128xf32, #tpu.memory_space<hbm>>) target_semaphore(%arg30 : memref<!tpu.dma_semaphore, #tpu.memory_space<semaphore_mem>>)
      %dma_start3A_512 = arith.constant 0 : i32
      %dma_start3A_513 = tpu.memref_slice %arg7[%add3A_507, %dma_start3A_512] : memref<320000x128xf32, #tpu.memory_space<hbm>> -> memref<40x128xf32, #tpu.memory_space<hbm>>
      %dma_start3A_514 = arith.constant 0 : i32
      %dma_start3A_515 = tpu.memref_slice %arg7[%add3A_507, %dma_start3A_514] : memref<320000x128xf32, #tpu.memory_space<hbm>> -> memref<40x128xf32, #tpu.memory_space<hbm>>
      tpu.enqueue_dma source(%arg24 : memref<40x128xf32, #tpu.memory_space<vmem>>) target(%dma_start3A_515 : memref<40x128xf32, #tpu.memory_space<hbm>>) target_semaphore(%arg30 : memref<!tpu.dma_semaphore, #tpu.memory_space<semaphore_mem>>)
      %mul3A_516 = arith.constant 2 : i32
      %mul3A_517 = arith.muli %mul3A_516, %scan3A_426 : i32
      %add3A_518 = arith.constant 1 : i32
      %add3A_519 = arith.addi %mul3A_517, %add3A_518 : i32
      %mul3A_520 = arith.constant 40 : i32
      %mul3A_521 = arith.muli %add3A_519, %mul3A_520 : i32
      %add3A_522 = arith.addi %mul3A_2, %mul3A_521 : i32
      %mul3A_523 = arith.constant 40 : i32
      %mul3A_524 = arith.muli %add3A_519, %mul3A_523 : i32
      %dma_wait3A_525 = tpu.memref_slice %arg8[%mul3A_524] : memref<5000xi32, #tpu.memory_space<vmem>> -> memref<40xi32, #tpu.memory_space<vmem>>
      %dma_wait3A_526 = arith.constant 0 : i32
      %dma_wait3A_527 = arith.constant 0 : i32
      %dma_wait3A_528 = tpu.memref_slice %arg2[%dma_wait3A_526, %dma_wait3A_527] : memref<10000x128xf32, #tpu.memory_space<hbm>> -> memref<10000x128xf32, #tpu.memory_space<hbm>>
      tpu.wait_indirect_dma semaphore(%arg27 : memref<!tpu.dma_semaphore, #tpu.memory_space<semaphore_mem>>) src(%dma_wait3A_528 : memref<10000x128xf32, #tpu.memory_space<hbm>>) dst(%arg13 : memref<40x128xf32, #tpu.memory_space<vmem>>)
      %dma_wait3A_529 = tpu.memref_slice %arg9[%mul3A_524] : memref<5000xi32, #tpu.memory_space<vmem>> -> memref<40xi32, #tpu.memory_space<vmem>>
      %dma_wait3A_530 = arith.constant 0 : i32
      %dma_wait3A_531 = arith.constant 0 : i32
      %dma_wait3A_532 = tpu.memref_slice %arg3[%dma_wait3A_530, %dma_wait3A_531] : memref<10000x128xf32, #tpu.memory_space<hbm>> -> memref<10000x128xf32, #tpu.memory_space<hbm>>
      tpu.wait_indirect_dma semaphore(%arg27 : memref<!tpu.dma_semaphore, #tpu.memory_space<semaphore_mem>>) src(%dma_wait3A_532 : memref<10000x128xf32, #tpu.memory_space<hbm>>) dst(%arg15 : memref<40x128xf32, #tpu.memory_space<vmem>>)
      %dma_wait3A_533 = tpu.memref_slice %arg10[%mul3A_524] : memref<5000xi32, #tpu.memory_space<vmem>> -> memref<40xi32, #tpu.memory_space<vmem>>
      %dma_wait3A_534 = arith.constant 0 : i32
      %dma_wait3A_535 = arith.constant 0 : i32
      %dma_wait3A_536 = tpu.memref_slice %arg2[%dma_wait3A_534, %dma_wait3A_535] : memref<10000x128xf32, #tpu.memory_space<hbm>> -> memref<10000x128xf32, #tpu.memory_space<hbm>>
      tpu.wait_indirect_dma semaphore(%arg27 : memref<!tpu.dma_semaphore, #tpu.memory_space<semaphore_mem>>) src(%dma_wait3A_536 : memref<10000x128xf32, #tpu.memory_space<hbm>>) dst(%arg17 : memref<40x128xf32, #tpu.memory_space<vmem>>)
      %dma_wait3A_537 = tpu.memref_slice %arg11[%mul3A_524] : memref<5000xi32, #tpu.memory_space<vmem>> -> memref<40xi32, #tpu.memory_space<vmem>>
      %dma_wait3A_538 = arith.constant 0 : i32
      %dma_wait3A_539 = arith.constant 0 : i32
      %dma_wait3A_540 = tpu.memref_slice %arg3[%dma_wait3A_538, %dma_wait3A_539] : memref<10000x128xf32, #tpu.memory_space<hbm>> -> memref<10000x128xf32, #tpu.memory_space<hbm>>
      tpu.wait_indirect_dma semaphore(%arg27 : memref<!tpu.dma_semaphore, #tpu.memory_space<semaphore_mem>>) src(%dma_wait3A_540 : memref<10000x128xf32, #tpu.memory_space<hbm>>) dst(%arg19 : memref<40x128xf32, #tpu.memory_space<vmem>>)
      %dma_wait3A_541 = arith.constant 0 : i32
      %dma_wait3A_542 = tpu.memref_slice %arg6[%add3A_522, %dma_wait3A_541] : memref<160000x128xi32, #tpu.memory_space<hbm>> -> memref<40x128xi32, #tpu.memory_space<hbm>>
      %dma_wait3A_543 = arith.constant 0 : i32
      %dma_wait3A_544 = tpu.memref_slice %arg6[%add3A_522, %dma_wait3A_543] : memref<160000x128xi32, #tpu.memory_space<hbm>> -> memref<40x128xi32, #tpu.memory_space<hbm>>
      tpu.wait_dma2 semaphore(%arg29 : memref<!tpu.dma_semaphore, #tpu.memory_space<semaphore_mem>>) src(%dma_wait3A_544 : memref<40x128xi32, #tpu.memory_space<hbm>>) dst(%arg21 : memref<40x128xi32, #tpu.memory_space<vmem>>)
      %sub3A_545 = arith.constant 2 : i32
      %sub3A_546 = arith.subi %add3A_519, %sub3A_545 : i32
      %mul3A_547 = arith.constant 40 : i32
      %mul3A_548 = arith.muli %sub3A_546, %mul3A_547 : i32
      %add3A_549 = arith.addi %mul3A_2, %mul3A_548 : i32
      %add3A_550 = arith.constant 160000 : i32
      %add3A_551 = arith.addi %add3A_550, %add3A_549 : i32
      %dma_wait3A_552 = arith.constant 0 : i32
      %dma_wait3A_553 = tpu.memref_slice %arg7[%add3A_549, %dma_wait3A_552] : memref<320000x128xf32, #tpu.memory_space<hbm>> -> memref<40x128xf32, #tpu.memory_space<hbm>>
      %dma_wait3A_554 = arith.constant 0 : i32
      %dma_wait3A_555 = tpu.memref_slice %arg7[%add3A_549, %dma_wait3A_554] : memref<320000x128xf32, #tpu.memory_space<hbm>> -> memref<40x128xf32, #tpu.memory_space<hbm>>
      tpu.wait_dma2 semaphore(%arg31 : memref<!tpu.dma_semaphore, #tpu.memory_space<semaphore_mem>>) src(%arg23 : memref<40x128xf32, #tpu.memory_space<vmem>>) dst(%dma_wait3A_555 : memref<40x128xf32, #tpu.memory_space<hbm>>)
      %dma_wait3A_556 = arith.constant 0 : i32
      %dma_wait3A_557 = tpu.memref_slice %arg7[%add3A_551, %dma_wait3A_556] : memref<320000x128xf32, #tpu.memory_space<hbm>> -> memref<40x128xf32, #tpu.memory_space<hbm>>
      %dma_wait3A_558 = arith.constant 0 : i32
      %dma_wait3A_559 = tpu.memref_slice %arg7[%add3A_551, %dma_wait3A_558] : memref<320000x128xf32, #tpu.memory_space<hbm>> -> memref<40x128xf32, #tpu.memory_space<hbm>>
      tpu.wait_dma2 semaphore(%arg31 : memref<!tpu.dma_semaphore, #tpu.memory_space<semaphore_mem>>) src(%arg25 : memref<40x128xf32, #tpu.memory_space<vmem>>) dst(%dma_wait3A_559 : memref<40x128xf32, #tpu.memory_space<hbm>>)
      %scan3A_560 = arith.constant 0 : i32
      %scan3A_561 = arith.constant 0 : i32
      %scan3A_562 = arith.constant 40 : i32
      %scan3A_563 = arith.addi %scan3A_561, %scan3A_562 : i32
      %scan3A_564 = arith.constant 1 : i32
      %scan3A_565 = scf.for %scan3A_608 = %scan3A_561 to %scan3A_563 step %scan3A_564 iter_args(%scan3A_609 = %scan3A_560) -> (i32)  : i32 {
        %get3A = arith.index_cast %scan3A_608 : i32 to index
        %get3A_610 = arith.constant 0 : index
        %get3A_611 = tpu.vector_load %arg21[%get3A, %get3A_610] {strides = array<i32>} : memref<40x128xi32, #tpu.memory_space<vmem>>, vector<1x16xi32>,
        %get3A_612 = vector.shape_cast %get3A_611 : vector<1x16xi32> to vector<16xi32>
        %get3A_613 = arith.index_cast %scan3A_608 : i32 to index
        %get3A_614 = arith.constant 0 : index
        %get3A_615 = tpu.vector_load %arg13[%get3A_613, %get3A_614] {strides = array<i32>} : memref<40x128xf32, #tpu.memory_space<vmem>>, vector<1x16xf32>,
        %get3A_616 = vector.shape_cast %get3A_615 : vector<1x16xf32> to vector<16xf32>
        %get3A_617 = arith.index_cast %scan3A_608 : i32 to index
        %get3A_618 = arith.constant 0 : index
        %get3A_619 = tpu.vector_load %arg15[%get3A_617, %get3A_618] {strides = array<i32>} : memref<40x128xf32, #tpu.memory_space<vmem>>, vector<1x16xf32>,
        %get3A_620 = vector.shape_cast %get3A_619 : vector<1x16xf32> to vector<16xf32>
        %add3A_621 = arith.addf %get3A_616, %get3A_620 : vector<16xf32>
        %shift_left3A = arith.constant 16 : i32
        %shift_left3A_622 = vector.broadcast %shift_left3A : i32 to vector<16xi32>
        %shift_left3A_623 = arith.shli %get3A_612, %shift_left3A_622 : vector<16xi32>
        %bitcast_convert_type3A = tpu.bitcast %shift_left3A_623 : vector<16xi32> -> vector<16xf32>
        %add3A_624 = arith.addf %add3A_621, %bitcast_convert_type3A : vector<16xf32>
        %swap3A = arith.index_cast %scan3A_608 : i32 to index
        %swap3A_625 = arith.constant 0 : index
        %swap3A_626 = tpu.vector_load %arg23[%swap3A, %swap3A_625] {strides = array<i32>} : memref<40x128xf32, #tpu.memory_space<vmem>>, vector<1x16xf32>,
        %swap3A_627 = vector.shape_cast %swap3A_626 : vector<1x16xf32> to vector<16xf32>
        %swap3A_628 = vector.shape_cast %add3A_624 : vector<16xf32> to vector<1x16xf32>
        tpu.vector_store %arg23[%swap3A, %swap3A_625], %swap3A_628 {strides = array<i32>} : memref<40x128xf32, #tpu.memory_space<vmem>>, vector<1x16xf32>,
        %get3A_629 = arith.index_cast %scan3A_608 : i32 to index
        %get3A_630 = arith.constant 0 : index
        %get3A_631 = tpu.vector_load %arg17[%get3A_629, %get3A_630] {strides = array<i32>} : memref<40x128xf32, #tpu.memory_space<vmem>>, vector<1x16xf32>,
        %get3A_632 = vector.shape_cast %get3A_631 : vector<1x16xf32> to vector<16xf32>
        %get3A_633 = arith.index_cast %scan3A_608 : i32 to index
        %get3A_634 = arith.constant 0 : index
        %get3A_635 = tpu.vector_load %arg19[%get3A_633, %get3A_634] {strides = array<i32>} : memref<40x128xf32, #tpu.memory_space<vmem>>, vector<1x16xf32>,
        %get3A_636 = vector.shape_cast %get3A_635 : vector<1x16xf32> to vector<16xf32>
        %add3A_637 = arith.addf %get3A_632, %get3A_636 : vector<16xf32>
        %and3A = arith.constant -65536 : i32
        %and3A_638 = vector.broadcast %and3A : i32 to vector<16xi32>
        %and3A_639 = arith.andi %get3A_612, %and3A_638 : vector<16xi32>
        %bitcast_convert_type3A_640 = tpu.bitcast %and3A_639 : vector<16xi32> -> vector<16xf32>
        %add3A_641 = arith.addf %add3A_637, %bitcast_convert_type3A_640 : vector<16xf32>
        %swap3A_642 = arith.index_cast %scan3A_608 : i32 to index
        %swap3A_643 = arith.constant 0 : index
        %swap3A_644 = tpu.vector_load %arg25[%swap3A_642, %swap3A_643] {strides = array<i32>} : memref<40x128xf32, #tpu.memory_space<vmem>>, vector<1x16xf32>,
        %swap3A_645 = vector.shape_cast %swap3A_644 : vector<1x16xf32> to vector<16xf32>
        %swap3A_646 = vector.shape_cast %add3A_641 : vector<16xf32> to vector<1x16xf32>
        tpu.vector_store %arg25[%swap3A_642, %swap3A_643], %swap3A_646 {strides = array<i32>} : memref<40x128xf32, #tpu.memory_space<vmem>>, vector<1x16xf32>,
        %get3A_647 = arith.index_cast %scan3A_608 : i32 to index
        %get3A_648 = arith.constant 16 : index
        %get3A_649 = tpu.vector_load %arg21[%get3A_647, %get3A_648] {strides = array<i32>} : memref<40x128xi32, #tpu.memory_space<vmem>>, vector<1x16xi32>,
        %get3A_650 = vector.shape_cast %get3A_649 : vector<1x16xi32> to vector<16xi32>
        %get3A_651 = arith.index_cast %scan3A_608 : i32 to index
        %get3A_652 = arith.constant 16 : index
        %get3A_653 = tpu.vector_load %arg13[%get3A_651, %get3A_652] {strides = array<i32>} : memref<40x128xf32, #tpu.memory_space<vmem>>, vector<1x16xf32>,
        %get3A_654 = vector.shape_cast %get3A_653 : vector<1x16xf32> to vector<16xf32>
        %get3A_655 = arith.index_cast %scan3A_608 : i32 to index
        %get3A_656 = arith.constant 16 : index
        %get3A_657 = tpu.vector_load %arg15[%get3A_655, %get3A_656] {strides = array<i32>} : memref<40x128xf32, #tpu.memory_space<vmem>>, vector<1x16xf32>,
        %get3A_658 = vector.shape_cast %get3A_657 : vector<1x16xf32> to vector<16xf32>
        %add3A_659 = arith.addf %get3A_654, %get3A_658 : vector<16xf32>
        %shift_left3A_660 = arith.constant 16 : i32
        %shift_left3A_661 = vector.broadcast %shift_left3A_660 : i32 to vector<16xi32>
        %shift_left3A_662 = arith.shli %get3A_650, %shift_left3A_661 : vector<16xi32>
        %bitcast_convert_type3A_663 = tpu.bitcast %shift_left3A_662 : vector<16xi32> -> vector<16xf32>
        %add3A_664 = arith.addf %add3A_659, %bitcast_convert_type3A_663 : vector<16xf32>
        %swap3A_665 = arith.index_cast %scan3A_608 : i32 to index
        %swap3A_666 = arith.constant 16 : index
        %swap3A_667 = tpu.vector_load %arg23[%swap3A_665, %swap3A_666] {strides = array<i32>} : memref<40x128xf32, #tpu.memory_space<vmem>>, vector<1x16xf32>,
        %swap3A_668 = vector.shape_cast %swap3A_667 : vector<1x16xf32> to vector<16xf32>
        %swap3A_669 = vector.shape_cast %add3A_664 : vector<16xf32> to vector<1x16xf32>
        tpu.vector_store %arg23[%swap3A_665, %swap3A_666], %swap3A_669 {strides = array<i32>} : memref<40x128xf32, #tpu.memory_space<vmem>>, vector<1x16xf32>,
        %get3A_670 = arith.index_cast %scan3A_608 : i32 to index
        %get3A_671 = arith.constant 16 : index
        %get3A_672 = tpu.vector_load %arg17[%get3A_670, %get3A_671] {strides = array<i32>} : memref<40x128xf32, #tpu.memory_space<vmem>>, vector<1x16xf32>,
        %get3A_673 = vector.shape_cast %get3A_672 : vector<1x16xf32> to vector<16xf32>
        %get3A_674 = arith.index_cast %scan3A_608 : i32 to index
        %get3A_675 = arith.constant 16 : index
        %get3A_676 = tpu.vector_load %arg19[%get3A_674, %get3A_675] {strides = array<i32>} : memref<40x128xf32, #tpu.memory_space<vmem>>, vector<1x16xf32>,
        %get3A_677 = vector.shape_cast %get3A_676 : vector<1x16xf32> to vector<16xf32>
        %add3A_678 = arith.addf %get3A_673, %get3A_677 : vector<16xf32>
        %and3A_679 = arith.constant -65536 : i32
        %and3A_680 = vector.broadcast %and3A_679 : i32 to vector<16xi32>
        %and3A_681 = arith.andi %get3A_650, %and3A_680 : vector<16xi32>
        %bitcast_convert_type3A_682 = tpu.bitcast %and3A_681 : vector<16xi32> -> vector<16xf32>
        %add3A_683 = arith.addf %add3A_678, %bitcast_convert_type3A_682 : vector<16xf32>
        %swap3A_684 = arith.index_cast %scan3A_608 : i32 to index
        %swap3A_685 = arith.constant 16 : index
        %swap3A_686 = tpu.vector_load %arg25[%swap3A_684, %swap3A_685] {strides = array<i32>} : memref<40x128xf32, #tpu.memory_space<vmem>>, vector<1x16xf32>,
        %swap3A_687 = vector.shape_cast %swap3A_686 : vector<1x16xf32> to vector<16xf32>
        %swap3A_688 = vector.shape_cast %add3A_683 : vector<16xf32> to vector<1x16xf32>
        tpu.vector_store %arg25[%swap3A_684, %swap3A_685], %swap3A_688 {strides = array<i32>} : memref<40x128xf32, #tpu.memory_space<vmem>>, vector<1x16xf32>,
        %get3A_689 = arith.index_cast %scan3A_608 : i32 to index
        %get3A_690 = arith.constant 32 : index
        %get3A_691 = tpu.vector_load %arg21[%get3A_689, %get3A_690] {strides = array<i32>} : memref<40x128xi32, #tpu.memory_space<vmem>>, vector<1x16xi32>,
        %get3A_692 = vector.shape_cast %get3A_691 : vector<1x16xi32> to vector<16xi32>
        %get3A_693 = arith.index_cast %scan3A_608 : i32 to index
        %get3A_694 = arith.constant 32 : index
        %get3A_695 = tpu.vector_load %arg13[%get3A_693, %get3A_694] {strides = array<i32>} : memref<40x128xf32, #tpu.memory_space<vmem>>, vector<1x16xf32>,
        %get3A_696 = vector.shape_cast %get3A_695 : vector<1x16xf32> to vector<16xf32>
        %get3A_697 = arith.index_cast %scan3A_608 : i32 to index
        %get3A_698 = arith.constant 32 : index
        %get3A_699 = tpu.vector_load %arg15[%get3A_697, %get3A_698] {strides = array<i32>} : memref<40x128xf32, #tpu.memory_space<vmem>>, vector<1x16xf32>,
        %get3A_700 = vector.shape_cast %get3A_699 : vector<1x16xf32> to vector<16xf32>
        %add3A_701 = arith.addf %get3A_696, %get3A_700 : vector<16xf32>
        %shift_left3A_702 = arith.constant 16 : i32
        %shift_left3A_703 = vector.broadcast %shift_left3A_702 : i32 to vector<16xi32>
        %shift_left3A_704 = arith.shli %get3A_692, %shift_left3A_703 : vector<16xi32>
        %bitcast_convert_type3A_705 = tpu.bitcast %shift_left3A_704 : vector<16xi32> -> vector<16xf32>
        %add3A_706 = arith.addf %add3A_701, %bitcast_convert_type3A_705 : vector<16xf32>
        %swap3A_707 = arith.index_cast %scan3A_608 : i32 to index
        %swap3A_708 = arith.constant 32 : index
        %swap3A_709 = tpu.vector_load %arg23[%swap3A_707, %swap3A_708] {strides = array<i32>} : memref<40x128xf32, #tpu.memory_space<vmem>>, vector<1x16xf32>,
        %swap3A_710 = vector.shape_cast %swap3A_709 : vector<1x16xf32> to vector<16xf32>
        %swap3A_711 = vector.shape_cast %add3A_706 : vector<16xf32> to vector<1x16xf32>
        tpu.vector_store %arg23[%swap3A_707, %swap3A_708], %swap3A_711 {strides = array<i32>} : memref<40x128xf32, #tpu.memory_space<vmem>>, vector<1x16xf32>,
        %get3A_712 = arith.index_cast %scan3A_608 : i32 to index
        %get3A_713 = arith.constant 32 : index
        %get3A_714 = tpu.vector_load %arg17[%get3A_712, %get3A_713] {strides = array<i32>} : memref<40x128xf32, #tpu.memory_space<vmem>>, vector<1x16xf32>,
        %get3A_715 = vector.shape_cast %get3A_714 : vector<1x16xf32> to vector<16xf32>
        %get3A_716 = arith.index_cast %scan3A_608 : i32 to index
        %get3A_717 = arith.constant 32 : index
        %get3A_718 = tpu.vector_load %arg19[%get3A_716, %get3A_717] {strides = array<i32>} : memref<40x128xf32, #tpu.memory_space<vmem>>, vector<1x16xf32>,
        %get3A_719 = vector.shape_cast %get3A_718 : vector<1x16xf32> to vector<16xf32>
        %add3A_720 = arith.addf %get3A_715, %get3A_719 : vector<16xf32>
        %and3A_721 = arith.constant -65536 : i32
        %and3A_722 = vector.broadcast %and3A_721 : i32 to vector<16xi32>
        %and3A_723 = arith.andi %get3A_692, %and3A_722 : vector<16xi32>
        %bitcast_convert_type3A_724 = tpu.bitcast %and3A_723 : vector<16xi32> -> vector<16xf32>
        %add3A_725 = arith.addf %add3A_720, %bitcast_convert_type3A_724 : vector<16xf32>
        %swap3A_726 = arith.index_cast %scan3A_608 : i32 to index
        %swap3A_727 = arith.constant 32 : index
        %swap3A_728 = tpu.vector_load %arg25[%swap3A_726, %swap3A_727] {strides = array<i32>} : memref<40x128xf32, #tpu.memory_space<vmem>>, vector<1x16xf32>,
        %swap3A_729 = vector.shape_cast %swap3A_728 : vector<1x16xf32> to vector<16xf32>
        %swap3A_730 = vector.shape_cast %add3A_725 : vector<16xf32> to vector<1x16xf32>
        tpu.vector_store %arg25[%swap3A_726, %swap3A_727], %swap3A_730 {strides = array<i32>} : memref<40x128xf32, #tpu.memory_space<vmem>>, vector<1x16xf32>,
        %get3A_731 = arith.index_cast %scan3A_608 : i32 to index
        %get3A_732 = arith.constant 48 : index
        %get3A_733 = tpu.vector_load %arg21[%get3A_731, %get3A_732] {strides = array<i32>} : memref<40x128xi32, #tpu.memory_space<vmem>>, vector<1x16xi32>,
        %get3A_734 = vector.shape_cast %get3A_733 : vector<1x16xi32> to vector<16xi32>
        %get3A_735 = arith.index_cast %scan3A_608 : i32 to index
        %get3A_736 = arith.constant 48 : index
        %get3A_737 = tpu.vector_load %arg13[%get3A_735, %get3A_736] {strides = array<i32>} : memref<40x128xf32, #tpu.memory_space<vmem>>, vector<1x16xf32>,
        %get3A_738 = vector.shape_cast %get3A_737 : vector<1x16xf32> to vector<16xf32>
        %get3A_739 = arith.index_cast %scan3A_608 : i32 to index
        %get3A_740 = arith.constant 48 : index
        %get3A_741 = tpu.vector_load %arg15[%get3A_739, %get3A_740] {strides = array<i32>} : memref<40x128xf32, #tpu.memory_space<vmem>>, vector<1x16xf32>,
        %get3A_742 = vector.shape_cast %get3A_741 : vector<1x16xf32> to vector<16xf32>
        %add3A_743 = arith.addf %get3A_738, %get3A_742 : vector<16xf32>
        %shift_left3A_744 = arith.constant 16 : i32
        %shift_left3A_745 = vector.broadcast %shift_left3A_744 : i32 to vector<16xi32>
        %shift_left3A_746 = arith.shli %get3A_734, %shift_left3A_745 : vector<16xi32>
        %bitcast_convert_type3A_747 = tpu.bitcast %shift_left3A_746 : vector<16xi32> -> vector<16xf32>
        %add3A_748 = arith.addf %add3A_743, %bitcast_convert_type3A_747 : vector<16xf32>
        %swap3A_749 = arith.index_cast %scan3A_608 : i32 to index
        %swap3A_750 = arith.constant 48 : index
        %swap3A_751 = tpu.vector_load %arg23[%swap3A_749, %swap3A_750] {strides = array<i32>} : memref<40x128xf32, #tpu.memory_space<vmem>>, vector<1x16xf32>,
        %swap3A_752 = vector.shape_cast %swap3A_751 : vector<1x16xf32> to vector<16xf32>
        %swap3A_753 = vector.shape_cast %add3A_748 : vector<16xf32> to vector<1x16xf32>
        tpu.vector_store %arg23[%swap3A_749, %swap3A_750], %swap3A_753 {strides = array<i32>} : memref<40x128xf32, #tpu.memory_space<vmem>>, vector<1x16xf32>,
        %get3A_754 = arith.index_cast %scan3A_608 : i32 to index
        %get3A_755 = arith.constant 48 : index
        %get3A_756 = tpu.vector_load %arg17[%get3A_754, %get3A_755] {strides = array<i32>} : memref<40x128xf32, #tpu.memory_space<vmem>>, vector<1x16xf32>,
        %get3A_757 = vector.shape_cast %get3A_756 : vector<1x16xf32> to vector<16xf32>
        %get3A_758 = arith.index_cast %scan3A_608 : i32 to index
        %get3A_759 = arith.constant 48 : index
        %get3A_760 = tpu.vector_load %arg19[%get3A_758, %get3A_759] {strides = array<i32>} : memref<40x128xf32, #tpu.memory_space<vmem>>, vector<1x16xf32>,
        %get3A_761 = vector.shape_cast %get3A_760 : vector<1x16xf32> to vector<16xf32>
        %add3A_762 = arith.addf %get3A_757, %get3A_761 : vector<16xf32>
        %and3A_763 = arith.constant -65536 : i32
        %and3A_764 = vector.broadcast %and3A_763 : i32 to vector<16xi32>
        %and3A_765 = arith.andi %get3A_734, %and3A_764 : vector<16xi32>
        %bitcast_convert_type3A_766 = tpu.bitcast %and3A_765 : vector<16xi32> -> vector<16xf32>
        %add3A_767 = arith.addf %add3A_762, %bitcast_convert_type3A_766 : vector<16xf32>
        %swap3A_768 = arith.index_cast %scan3A_608 : i32 to index
        %swap3A_769 = arith.constant 48 : index
        %swap3A_770 = tpu.vector_load %arg25[%swap3A_768, %swap3A_769] {strides = array<i32>} : memref<40x128xf32, #tpu.memory_space<vmem>>, vector<1x16xf32>,
        %swap3A_771 = vector.shape_cast %swap3A_770 : vector<1x16xf32> to vector<16xf32>
        %swap3A_772 = vector.shape_cast %add3A_767 : vector<16xf32> to vector<1x16xf32>
        tpu.vector_store %arg25[%swap3A_768, %swap3A_769], %swap3A_772 {strides = array<i32>} : memref<40x128xf32, #tpu.memory_space<vmem>>, vector<1x16xf32>,
        %get3A_773 = arith.index_cast %scan3A_608 : i32 to index
        %get3A_774 = arith.constant 64 : index
        %get3A_775 = tpu.vector_load %arg21[%get3A_773, %get3A_774] {strides = array<i32>} : memref<40x128xi32, #tpu.memory_space<vmem>>, vector<1x16xi32>,
        %get3A_776 = vector.shape_cast %get3A_775 : vector<1x16xi32> to vector<16xi32>
        %get3A_777 = arith.index_cast %scan3A_608 : i32 to index
        %get3A_778 = arith.constant 64 : index
        %get3A_779 = tpu.vector_load %arg13[%get3A_777, %get3A_778] {strides = array<i32>} : memref<40x128xf32, #tpu.memory_space<vmem>>, vector<1x16xf32>,
        %get3A_780 = vector.shape_cast %get3A_779 : vector<1x16xf32> to vector<16xf32>
        %get3A_781 = arith.index_cast %scan3A_608 : i32 to index
        %get3A_782 = arith.constant 64 : index
        %get3A_783 = tpu.vector_load %arg15[%get3A_781, %get3A_782] {strides = array<i32>} : memref<40x128xf32, #tpu.memory_space<vmem>>, vector<1x16xf32>,
        %get3A_784 = vector.shape_cast %get3A_783 : vector<1x16xf32> to vector<16xf32>
        %add3A_785 = arith.addf %get3A_780, %get3A_784 : vector<16xf32>
        %shift_left3A_786 = arith.constant 16 : i32
        %shift_left3A_787 = vector.broadcast %shift_left3A_786 : i32 to vector<16xi32>
        %shift_left3A_788 = arith.shli %get3A_776, %shift_left3A_787 : vector<16xi32>
        %bitcast_convert_type3A_789 = tpu.bitcast %shift_left3A_788 : vector<16xi32> -> vector<16xf32>
        %add3A_790 = arith.addf %add3A_785, %bitcast_convert_type3A_789 : vector<16xf32>
        %swap3A_791 = arith.index_cast %scan3A_608 : i32 to index
        %swap3A_792 = arith.constant 64 : index
        %swap3A_793 = tpu.vector_load %arg23[%swap3A_791, %swap3A_792] {strides = array<i32>} : memref<40x128xf32, #tpu.memory_space<vmem>>, vector<1x16xf32>,
        %swap3A_794 = vector.shape_cast %swap3A_793 : vector<1x16xf32> to vector<16xf32>
        %swap3A_795 = vector.shape_cast %add3A_790 : vector<16xf32> to vector<1x16xf32>
        tpu.vector_store %arg23[%swap3A_791, %swap3A_792], %swap3A_795 {strides = array<i32>} : memref<40x128xf32, #tpu.memory_space<vmem>>, vector<1x16xf32>,
        %get3A_796 = arith.index_cast %scan3A_608 : i32 to index
        %get3A_797 = arith.constant 64 : index
        %get3A_798 = tpu.vector_load %arg17[%get3A_796, %get3A_797] {strides = array<i32>} : memref<40x128xf32, #tpu.memory_space<vmem>>, vector<1x16xf32>,
        %get3A_799 = vector.shape_cast %get3A_798 : vector<1x16xf32> to vector<16xf32>
        %get3A_800 = arith.index_cast %scan3A_608 : i32 to index
        %get3A_801 = arith.constant 64 : index
        %get3A_802 = tpu.vector_load %arg19[%get3A_800, %get3A_801] {strides = array<i32>} : memref<40x128xf32, #tpu.memory_space<vmem>>, vector<1x16xf32>,
        %get3A_803 = vector.shape_cast %get3A_802 : vector<1x16xf32> to vector<16xf32>
        %add3A_804 = arith.addf %get3A_799, %get3A_803 : vector<16xf32>
        %and3A_805 = arith.constant -65536 : i32
        %and3A_806 = vector.broadcast %and3A_805 : i32 to vector<16xi32>
        %and3A_807 = arith.andi %get3A_776, %and3A_806 : vector<16xi32>
        %bitcast_convert_type3A_808 = tpu.bitcast %and3A_807 : vector<16xi32> -> vector<16xf32>
        %add3A_809 = arith.addf %add3A_804, %bitcast_convert_type3A_808 : vector<16xf32>
        %swap3A_810 = arith.index_cast %scan3A_608 : i32 to index
        %swap3A_811 = arith.constant 64 : index
        %swap3A_812 = tpu.vector_load %arg25[%swap3A_810, %swap3A_811] {strides = array<i32>} : memref<40x128xf32, #tpu.memory_space<vmem>>, vector<1x16xf32>,
        %swap3A_813 = vector.shape_cast %swap3A_812 : vector<1x16xf32> to vector<16xf32>
        %swap3A_814 = vector.shape_cast %add3A_809 : vector<16xf32> to vector<1x16xf32>
        tpu.vector_store %arg25[%swap3A_810, %swap3A_811], %swap3A_814 {strides = array<i32>} : memref<40x128xf32, #tpu.memory_space<vmem>>, vector<1x16xf32>,
        %get3A_815 = arith.index_cast %scan3A_608 : i32 to index
        %get3A_816 = arith.constant 80 : index
        %get3A_817 = tpu.vector_load %arg21[%get3A_815, %get3A_816] {strides = array<i32>} : memref<40x128xi32, #tpu.memory_space<vmem>>, vector<1x16xi32>,
        %get3A_818 = vector.shape_cast %get3A_817 : vector<1x16xi32> to vector<16xi32>
        %get3A_819 = arith.index_cast %scan3A_608 : i32 to index
        %get3A_820 = arith.constant 80 : index
        %get3A_821 = tpu.vector_load %arg13[%get3A_819, %get3A_820] {strides = array<i32>} : memref<40x128xf32, #tpu.memory_space<vmem>>, vector<1x16xf32>,
        %get3A_822 = vector.shape_cast %get3A_821 : vector<1x16xf32> to vector<16xf32>
        %get3A_823 = arith.index_cast %scan3A_608 : i32 to index
        %get3A_824 = arith.constant 80 : index
        %get3A_825 = tpu.vector_load %arg15[%get3A_823, %get3A_824] {strides = array<i32>} : memref<40x128xf32, #tpu.memory_space<vmem>>, vector<1x16xf32>,
        %get3A_826 = vector.shape_cast %get3A_825 : vector<1x16xf32> to vector<16xf32>
        %add3A_827 = arith.addf %get3A_822, %get3A_826 : vector<16xf32>
        %shift_left3A_828 = arith.constant 16 : i32
        %shift_left3A_829 = vector.broadcast %shift_left3A_828 : i32 to vector<16xi32>
        %shift_left3A_830 = arith.shli %get3A_818, %shift_left3A_829 : vector<16xi32>
        %bitcast_convert_type3A_831 = tpu.bitcast %shift_left3A_830 : vector<16xi32> -> vector<16xf32>
        %add3A_832 = arith.addf %add3A_827, %bitcast_convert_type3A_831 : vector<16xf32>
        %swap3A_833 = arith.index_cast %scan3A_608 : i32 to index
        %swap3A_834 = arith.constant 80 : index
        %swap3A_835 = tpu.vector_load %arg23[%swap3A_833, %swap3A_834] {strides = array<i32>} : memref<40x128xf32, #tpu.memory_space<vmem>>, vector<1x16xf32>,
        %swap3A_836 = vector.shape_cast %swap3A_835 : vector<1x16xf32> to vector<16xf32>
        %swap3A_837 = vector.shape_cast %add3A_832 : vector<16xf32> to vector<1x16xf32>
        tpu.vector_store %arg23[%swap3A_833, %swap3A_834], %swap3A_837 {strides = array<i32>} : memref<40x128xf32, #tpu.memory_space<vmem>>, vector<1x16xf32>,
        %get3A_838 = arith.index_cast %scan3A_608 : i32 to index
        %get3A_839 = arith.constant 80 : index
        %get3A_840 = tpu.vector_load %arg17[%get3A_838, %get3A_839] {strides = array<i32>} : memref<40x128xf32, #tpu.memory_space<vmem>>, vector<1x16xf32>,
        %get3A_841 = vector.shape_cast %get3A_840 : vector<1x16xf32> to vector<16xf32>
        %get3A_842 = arith.index_cast %scan3A_608 : i32 to index
        %get3A_843 = arith.constant 80 : index
        %get3A_844 = tpu.vector_load %arg19[%get3A_842, %get3A_843] {strides = array<i32>} : memref<40x128xf32, #tpu.memory_space<vmem>>, vector<1x16xf32>,
        %get3A_845 = vector.shape_cast %get3A_844 : vector<1x16xf32> to vector<16xf32>
        %add3A_846 = arith.addf %get3A_841, %get3A_845 : vector<16xf32>
        %and3A_847 = arith.constant -65536 : i32
        %and3A_848 = vector.broadcast %and3A_847 : i32 to vector<16xi32>
        %and3A_849 = arith.andi %get3A_818, %and3A_848 : vector<16xi32>
        %bitcast_convert_type3A_850 = tpu.bitcast %and3A_849 : vector<16xi32> -> vector<16xf32>
        %add3A_851 = arith.addf %add3A_846, %bitcast_convert_type3A_850 : vector<16xf32>
        %swap3A_852 = arith.index_cast %scan3A_608 : i32 to index
        %swap3A_853 = arith.constant 80 : index
        %swap3A_854 = tpu.vector_load %arg25[%swap3A_852, %swap3A_853] {strides = array<i32>} : memref<40x128xf32, #tpu.memory_space<vmem>>, vector<1x16xf32>,
        %swap3A_855 = vector.shape_cast %swap3A_854 : vector<1x16xf32> to vector<16xf32>
        %swap3A_856 = vector.shape_cast %add3A_851 : vector<16xf32> to vector<1x16xf32>
        tpu.vector_store %arg25[%swap3A_852, %swap3A_853], %swap3A_856 {strides = array<i32>} : memref<40x128xf32, #tpu.memory_space<vmem>>, vector<1x16xf32>,
        %get3A_857 = arith.index_cast %scan3A_608 : i32 to index
        %get3A_858 = arith.constant 96 : index
        %get3A_859 = tpu.vector_load %arg21[%get3A_857, %get3A_858] {strides = array<i32>} : memref<40x128xi32, #tpu.memory_space<vmem>>, vector<1x16xi32>,
        %get3A_860 = vector.shape_cast %get3A_859 : vector<1x16xi32> to vector<16xi32>
        %get3A_861 = arith.index_cast %scan3A_608 : i32 to index
        %get3A_862 = arith.constant 96 : index
        %get3A_863 = tpu.vector_load %arg13[%get3A_861, %get3A_862] {strides = array<i32>} : memref<40x128xf32, #tpu.memory_space<vmem>>, vector<1x16xf32>,
        %get3A_864 = vector.shape_cast %get3A_863 : vector<1x16xf32> to vector<16xf32>
        %get3A_865 = arith.index_cast %scan3A_608 : i32 to index
        %get3A_866 = arith.constant 96 : index
        %get3A_867 = tpu.vector_load %arg15[%get3A_865, %get3A_866] {strides = array<i32>} : memref<40x128xf32, #tpu.memory_space<vmem>>, vector<1x16xf32>,
        %get3A_868 = vector.shape_cast %get3A_867 : vector<1x16xf32> to vector<16xf32>
        %add3A_869 = arith.addf %get3A_864, %get3A_868 : vector<16xf32>
        %shift_left3A_870 = arith.constant 16 : i32
        %shift_left3A_871 = vector.broadcast %shift_left3A_870 : i32 to vector<16xi32>
        %shift_left3A_872 = arith.shli %get3A_860, %shift_left3A_871 : vector<16xi32>
        %bitcast_convert_type3A_873 = tpu.bitcast %shift_left3A_872 : vector<16xi32> -> vector<16xf32>
        %add3A_874 = arith.addf %add3A_869, %bitcast_convert_type3A_873 : vector<16xf32>
        %swap3A_875 = arith.index_cast %scan3A_608 : i32 to index
        %swap3A_876 = arith.constant 96 : index
        %swap3A_877 = tpu.vector_load %arg23[%swap3A_875, %swap3A_876] {strides = array<i32>} : memref<40x128xf32, #tpu.memory_space<vmem>>, vector<1x16xf32>,
        %swap3A_878 = vector.shape_cast %swap3A_877 : vector<1x16xf32> to vector<16xf32>
        %swap3A_879 = vector.shape_cast %add3A_874 : vector<16xf32> to vector<1x16xf32>
        tpu.vector_store %arg23[%swap3A_875, %swap3A_876], %swap3A_879 {strides = array<i32>} : memref<40x128xf32, #tpu.memory_space<vmem>>, vector<1x16xf32>,
        %get3A_880 = arith.index_cast %scan3A_608 : i32 to index
        %get3A_881 = arith.constant 96 : index
        %get3A_882 = tpu.vector_load %arg17[%get3A_880, %get3A_881] {strides = array<i32>} : memref<40x128xf32, #tpu.memory_space<vmem>>, vector<1x16xf32>,
        %get3A_883 = vector.shape_cast %get3A_882 : vector<1x16xf32> to vector<16xf32>
        %get3A_884 = arith.index_cast %scan3A_608 : i32 to index
        %get3A_885 = arith.constant 96 : index
        %get3A_886 = tpu.vector_load %arg19[%get3A_884, %get3A_885] {strides = array<i32>} : memref<40x128xf32, #tpu.memory_space<vmem>>, vector<1x16xf32>,
        %get3A_887 = vector.shape_cast %get3A_886 : vector<1x16xf32> to vector<16xf32>
        %add3A_888 = arith.addf %get3A_883, %get3A_887 : vector<16xf32>
        %and3A_889 = arith.constant -65536 : i32
        %and3A_890 = vector.broadcast %and3A_889 : i32 to vector<16xi32>
        %and3A_891 = arith.andi %get3A_860, %and3A_890 : vector<16xi32>
        %bitcast_convert_type3A_892 = tpu.bitcast %and3A_891 : vector<16xi32> -> vector<16xf32>
        %add3A_893 = arith.addf %add3A_888, %bitcast_convert_type3A_892 : vector<16xf32>
        %swap3A_894 = arith.index_cast %scan3A_608 : i32 to index
        %swap3A_895 = arith.constant 96 : index
        %swap3A_896 = tpu.vector_load %arg25[%swap3A_894, %swap3A_895] {strides = array<i32>} : memref<40x128xf32, #tpu.memory_space<vmem>>, vector<1x16xf32>,
        %swap3A_897 = vector.shape_cast %swap3A_896 : vector<1x16xf32> to vector<16xf32>
        %swap3A_898 = vector.shape_cast %add3A_893 : vector<16xf32> to vector<1x16xf32>
        tpu.vector_store %arg25[%swap3A_894, %swap3A_895], %swap3A_898 {strides = array<i32>} : memref<40x128xf32, #tpu.memory_space<vmem>>, vector<1x16xf32>,
        %get3A_899 = arith.index_cast %scan3A_608 : i32 to index
        %get3A_900 = arith.constant 112 : index
        %get3A_901 = tpu.vector_load %arg21[%get3A_899, %get3A_900] {strides = array<i32>} : memref<40x128xi32, #tpu.memory_space<vmem>>, vector<1x16xi32>,
        %get3A_902 = vector.shape_cast %get3A_901 : vector<1x16xi32> to vector<16xi32>
        %get3A_903 = arith.index_cast %scan3A_608 : i32 to index
        %get3A_904 = arith.constant 112 : index
        %get3A_905 = tpu.vector_load %arg13[%get3A_903, %get3A_904] {strides = array<i32>} : memref<40x128xf32, #tpu.memory_space<vmem>>, vector<1x16xf32>,
        %get3A_906 = vector.shape_cast %get3A_905 : vector<1x16xf32> to vector<16xf32>
        %get3A_907 = arith.index_cast %scan3A_608 : i32 to index
        %get3A_908 = arith.constant 112 : index
        %get3A_909 = tpu.vector_load %arg15[%get3A_907, %get3A_908] {strides = array<i32>} : memref<40x128xf32, #tpu.memory_space<vmem>>, vector<1x16xf32>,
        %get3A_910 = vector.shape_cast %get3A_909 : vector<1x16xf32> to vector<16xf32>
        %add3A_911 = arith.addf %get3A_906, %get3A_910 : vector<16xf32>
        %shift_left3A_912 = arith.constant 16 : i32
        %shift_left3A_913 = vector.broadcast %shift_left3A_912 : i32 to vector<16xi32>
        %shift_left3A_914 = arith.shli %get3A_902, %shift_left3A_913 : vector<16xi32>
        %bitcast_convert_type3A_915 = tpu.bitcast %shift_left3A_914 : vector<16xi32> -> vector<16xf32>
        %add3A_916 = arith.addf %add3A_911, %bitcast_convert_type3A_915 : vector<16xf32>
        %swap3A_917 = arith.index_cast %scan3A_608 : i32 to index
        %swap3A_918 = arith.constant 112 : index
        %swap3A_919 = tpu.vector_load %arg23[%swap3A_917, %swap3A_918] {strides = array<i32>} : memref<40x128xf32, #tpu.memory_space<vmem>>, vector<1x16xf32>,
        %swap3A_920 = vector.shape_cast %swap3A_919 : vector<1x16xf32> to vector<16xf32>
        %swap3A_921 = vector.shape_cast %add3A_916 : vector<16xf32> to vector<1x16xf32>
        tpu.vector_store %arg23[%swap3A_917, %swap3A_918], %swap3A_921 {strides = array<i32>} : memref<40x128xf32, #tpu.memory_space<vmem>>, vector<1x16xf32>,
        %get3A_922 = arith.index_cast %scan3A_608 : i32 to index
        %get3A_923 = arith.constant 112 : index
        %get3A_924 = tpu.vector_load %arg17[%get3A_922, %get3A_923] {strides = array<i32>} : memref<40x128xf32, #tpu.memory_space<vmem>>, vector<1x16xf32>,
        %get3A_925 = vector.shape_cast %get3A_924 : vector<1x16xf32> to vector<16xf32>
        %get3A_926 = arith.index_cast %scan3A_608 : i32 to index
        %get3A_927 = arith.constant 112 : index
        %get3A_928 = tpu.vector_load %arg19[%get3A_926, %get3A_927] {strides = array<i32>} : memref<40x128xf32, #tpu.memory_space<vmem>>, vector<1x16xf32>,
        %get3A_929 = vector.shape_cast %get3A_928 : vector<1x16xf32> to vector<16xf32>
        %add3A_930 = arith.addf %get3A_925, %get3A_929 : vector<16xf32>
        %and3A_931 = arith.constant -65536 : i32
        %and3A_932 = vector.broadcast %and3A_931 : i32 to vector<16xi32>
        %and3A_933 = arith.andi %get3A_902, %and3A_932 : vector<16xi32>
        %bitcast_convert_type3A_934 = tpu.bitcast %and3A_933 : vector<16xi32> -> vector<16xf32>
        %add3A_935 = arith.addf %add3A_930, %bitcast_convert_type3A_934 : vector<16xf32>
        %swap3A_936 = arith.index_cast %scan3A_608 : i32 to index
        %swap3A_937 = arith.constant 112 : index
        %swap3A_938 = tpu.vector_load %arg25[%swap3A_936, %swap3A_937] {strides = array<i32>} : memref<40x128xf32, #tpu.memory_space<vmem>>, vector<1x16xf32>,
        %swap3A_939 = vector.shape_cast %swap3A_938 : vector<1x16xf32> to vector<16xf32>
        %swap3A_940 = vector.shape_cast %add3A_935 : vector<16xf32> to vector<1x16xf32>
        tpu.vector_store %arg25[%swap3A_936, %swap3A_937], %swap3A_940 {strides = array<i32>} : memref<40x128xf32, #tpu.memory_space<vmem>>, vector<1x16xf32>,
        %scan3A_941 = arith.constant 0 : i32
        scf.yield %scan3A_941 : i32
      }
      %scan3A_566 = arith.constant 40 : i32
      %add3A_567 = arith.constant 2 : i32
      %add3A_568 = arith.addi %add3A_519, %add3A_567 : i32
      %mul3A_569 = arith.constant 40 : i32
      %mul3A_570 = arith.muli %add3A_568, %mul3A_569 : i32
      %add3A_571 = arith.addi %mul3A_2, %mul3A_570 : i32
      %mul3A_572 = arith.constant 40 : i32
      %mul3A_573 = arith.muli %add3A_568, %mul3A_572 : i32
      %dma_start3A_574 = tpu.memref_slice %arg8[%mul3A_573] : memref<5000xi32, #tpu.memory_space<vmem>> -> memref<40xi32, #tpu.memory_space<vmem>>
      %dma_start3A_575 = arith.constant 0 : i32
      %dma_start3A_576 = arith.constant 0 : i32
      %dma_start3A_577 = tpu.memref_slice %arg2[%dma_start3A_575, %dma_start3A_576] : memref<10000x128xf32, #tpu.memory_space<hbm>> -> memref<10000x128xf32, #tpu.memory_space<hbm>>
      tpu.enqueue_indirect_dma source(%dma_start3A_577 : memref<10000x128xf32, #tpu.memory_space<hbm>>) target(%arg13 : memref<40x128xf32, #tpu.memory_space<vmem>>) offsets(%dma_start3A_574 : memref<40xi32, #tpu.memory_space<vmem>>) semaphore(%arg27 : memref<!tpu.dma_semaphore, #tpu.memory_space<semaphore_mem>>)
      %dma_start3A_578 = tpu.memref_slice %arg9[%mul3A_573] : memref<5000xi32, #tpu.memory_space<vmem>> -> memref<40xi32, #tpu.memory_space<vmem>>
      %dma_start3A_579 = arith.constant 0 : i32
      %dma_start3A_580 = arith.constant 0 : i32
      %dma_start3A_581 = tpu.memref_slice %arg3[%dma_start3A_579, %dma_start3A_580] : memref<10000x128xf32, #tpu.memory_space<hbm>> -> memref<10000x128xf32, #tpu.memory_space<hbm>>
      tpu.enqueue_indirect_dma source(%dma_start3A_581 : memref<10000x128xf32, #tpu.memory_space<hbm>>) target(%arg15 : memref<40x128xf32, #tpu.memory_space<vmem>>) offsets(%dma_start3A_578 : memref<40xi32, #tpu.memory_space<vmem>>) semaphore(%arg27 : memref<!tpu.dma_semaphore, #tpu.memory_space<semaphore_mem>>)
      %dma_start3A_582 = tpu.memref_slice %arg10[%mul3A_573] : memref<5000xi32, #tpu.memory_space<vmem>> -> memref<40xi32, #tpu.memory_space<vmem>>
      %dma_start3A_583 = arith.constant 0 : i32
      %dma_start3A_584 = arith.constant 0 : i32
      %dma_start3A_585 = tpu.memref_slice %arg2[%dma_start3A_583, %dma_start3A_584] : memref<10000x128xf32, #tpu.memory_space<hbm>> -> memref<10000x128xf32, #tpu.memory_space<hbm>>
      tpu.enqueue_indirect_dma source(%dma_start3A_585 : memref<10000x128xf32, #tpu.memory_space<hbm>>) target(%arg17 : memref<40x128xf32, #tpu.memory_space<vmem>>) offsets(%dma_start3A_582 : memref<40xi32, #tpu.memory_space<vmem>>) semaphore(%arg27 : memref<!tpu.dma_semaphore, #tpu.memory_space<semaphore_mem>>)
      %dma_start3A_586 = tpu.memref_slice %arg11[%mul3A_573] : memref<5000xi32, #tpu.memory_space<vmem>> -> memref<40xi32, #tpu.memory_space<vmem>>
      %dma_start3A_587 = arith.constant 0 : i32
      %dma_start3A_588 = arith.constant 0 : i32
      %dma_start3A_589 = tpu.memref_slice %arg3[%dma_start3A_587, %dma_start3A_588] : memref<10000x128xf32, #tpu.memory_space<hbm>> -> memref<10000x128xf32, #tpu.memory_space<hbm>>
      tpu.enqueue_indirect_dma source(%dma_start3A_589 : memref<10000x128xf32, #tpu.memory_space<hbm>>) target(%arg19 : memref<40x128xf32, #tpu.memory_space<vmem>>) offsets(%dma_start3A_586 : memref<40xi32, #tpu.memory_space<vmem>>) semaphore(%arg27 : memref<!tpu.dma_semaphore, #tpu.memory_space<semaphore_mem>>)
      %dma_start3A_590 = arith.constant 0 : i32
      %dma_start3A_591 = tpu.memref_slice %arg6[%add3A_571, %dma_start3A_590] : memref<160000x128xi32, #tpu.memory_space<hbm>> -> memref<40x128xi32, #tpu.memory_space<hbm>>
      %dma_start3A_592 = arith.constant 0 : i32
      %dma_start3A_593 = tpu.memref_slice %arg6[%add3A_571, %dma_start3A_592] : memref<160000x128xi32, #tpu.memory_space<hbm>> -> memref<40x128xi32, #tpu.memory_space<hbm>>
      tpu.enqueue_dma source(%dma_start3A_593 : memref<40x128xi32, #tpu.memory_space<hbm>>) target(%arg21 : memref<40x128xi32, #tpu.memory_space<vmem>>) target_semaphore(%arg29 : memref<!tpu.dma_semaphore, #tpu.memory_space<semaphore_mem>>)
      %mul3A_594 = arith.constant 40 : i32
      %mul3A_595 = arith.muli %add3A_519, %mul3A_594 : i32
      %add3A_596 = arith.addi %mul3A_2, %mul3A_595 : i32
      %add3A_597 = arith.constant 160000 : i32
      %add3A_598 = arith.addi %add3A_597, %add3A_596 : i32
      %dma_start3A_599 = arith.constant 0 : i32
      %dma_start3A_600 = tpu.memref_slice %arg7[%add3A_596, %dma_start3A_599] : memref<320000x128xf32, #tpu.memory_space<hbm>> -> memref<40x128xf32, #tpu.memory_space<hbm>>
      %dma_start3A_601 = arith.constant 0 : i32
      %dma_start3A_602 = tpu.memref_slice %arg7[%add3A_596, %dma_start3A_601] : memref<320000x128xf32, #tpu.memory_space<hbm>> -> memref<40x128xf32, #tpu.memory_space<hbm>>
      tpu.enqueue_dma source(%arg23 : memref<40x128xf32, #tpu.memory_space<vmem>>) target(%dma_start3A_602 : memref<40x128xf32, #tpu.memory_space<hbm>>) target_semaphore(%arg31 : memref<!tpu.dma_semaphore, #tpu.memory_space<semaphore_mem>>)
      %dma_start3A_603 = arith.constant 0 : i32
      %dma_start3A_604 = tpu.memref_slice %arg7[%add3A_598, %dma_start3A_603] : memref<320000x128xf32, #tpu.memory_space<hbm>> -> memref<40x128xf32, #tpu.memory_space<hbm>>
      %dma_start3A_605 = arith.constant 0 : i32
      %dma_start3A_606 = tpu.memref_slice %arg7[%add3A_598, %dma_start3A_605] : memref<320000x128xf32, #tpu.memory_space<hbm>> -> memref<40x128xf32, #tpu.memory_space<hbm>>
      tpu.enqueue_dma source(%arg25 : memref<40x128xf32, #tpu.memory_space<vmem>>) target(%dma_start3A_606 : memref<40x128xf32, #tpu.memory_space<hbm>>) target_semaphore(%arg31 : memref<!tpu.dma_semaphore, #tpu.memory_space<semaphore_mem>>)
      %scan3A_607 = arith.constant 0 : i32
      scf.yield %scan3A_607 : i32
    }
    %scan3A_204 = arith.constant 60 : i32
    %add3A_205 = arith.constant 4880 : i32
    %add3A_206 = arith.addi %mul3A_2, %add3A_205 : i32
    %dma_wait3A_207 = arith.constant 4880 : i32
    %dma_wait3A_208 = tpu.memref_slice %arg8[%dma_wait3A_207] : memref<5000xi32, #tpu.memory_space<vmem>> -> memref<40xi32, #tpu.memory_space<vmem>>
    %dma_wait3A_209 = arith.constant 0 : i32
    %dma_wait3A_210 = arith.constant 0 : i32
    %dma_wait3A_211 = tpu.memref_slice %arg2[%dma_wait3A_209, %dma_wait3A_210] : memref<10000x128xf32, #tpu.memory_space<hbm>> -> memref<10000x128xf32, #tpu.memory_space<hbm>>
    tpu.wait_indirect_dma semaphore(%arg26 : memref<!tpu.dma_semaphore, #tpu.memory_space<semaphore_mem>>) src(%dma_wait3A_211 : memref<10000x128xf32, #tpu.memory_space<hbm>>) dst(%arg12 : memref<40x128xf32, #tpu.memory_space<vmem>>)
    %dma_wait3A_212 = arith.constant 4880 : i32
    %dma_wait3A_213 = tpu.memref_slice %arg9[%dma_wait3A_212] : memref<5000xi32, #tpu.memory_space<vmem>> -> memref<40xi32, #tpu.memory_space<vmem>>
    %dma_wait3A_214 = arith.constant 0 : i32
    %dma_wait3A_215 = arith.constant 0 : i32
    %dma_wait3A_216 = tpu.memref_slice %arg3[%dma_wait3A_214, %dma_wait3A_215] : memref<10000x128xf32, #tpu.memory_space<hbm>> -> memref<10000x128xf32, #tpu.memory_space<hbm>>
    tpu.wait_indirect_dma semaphore(%arg26 : memref<!tpu.dma_semaphore, #tpu.memory_space<semaphore_mem>>) src(%dma_wait3A_216 : memref<10000x128xf32, #tpu.memory_space<hbm>>) dst(%arg14 : memref<40x128xf32, #tpu.memory_space<vmem>>)
    %dma_wait3A_217 = arith.constant 4880 : i32
    %dma_wait3A_218 = tpu.memref_slice %arg10[%dma_wait3A_217] : memref<5000xi32, #tpu.memory_space<vmem>> -> memref<40xi32, #tpu.memory_space<vmem>>
    %dma_wait3A_219 = arith.constant 0 : i32
    %dma_wait3A_220 = arith.constant 0 : i32
    %dma_wait3A_221 = tpu.memref_slice %arg2[%dma_wait3A_219, %dma_wait3A_220] : memref<10000x128xf32, #tpu.memory_space<hbm>> -> memref<10000x128xf32, #tpu.memory_space<hbm>>
    tpu.wait_indirect_dma semaphore(%arg26 : memref<!tpu.dma_semaphore, #tpu.memory_space<semaphore_mem>>) src(%dma_wait3A_221 : memref<10000x128xf32, #tpu.memory_space<hbm>>) dst(%arg16 : memref<40x128xf32, #tpu.memory_space<vmem>>)
    %dma_wait3A_222 = arith.constant 4880 : i32
    %dma_wait3A_223 = tpu.memref_slice %arg11[%dma_wait3A_222] : memref<5000xi32, #tpu.memory_space<vmem>> -> memref<40xi32, #tpu.memory_space<vmem>>
    %dma_wait3A_224 = arith.constant 0 : i32
    %dma_wait3A_225 = arith.constant 0 : i32
    %dma_wait3A_226 = tpu.memref_slice %arg3[%dma_wait3A_224, %dma_wait3A_225] : memref<10000x128xf32, #tpu.memory_space<hbm>> -> memref<10000x128xf32, #tpu.memory_space<hbm>>
    tpu.wait_indirect_dma semaphore(%arg26 : memref<!tpu.dma_semaphore, #tpu.memory_space<semaphore_mem>>) src(%dma_wait3A_226 : memref<10000x128xf32, #tpu.memory_space<hbm>>) dst(%arg18 : memref<40x128xf32, #tpu.memory_space<vmem>>)
    %dma_wait3A_227 = arith.constant 0 : i32
    %dma_wait3A_228 = tpu.memref_slice %arg6[%add3A_206, %dma_wait3A_227] : memref<160000x128xi32, #tpu.memory_space<hbm>> -> memref<40x128xi32, #tpu.memory_space<hbm>>
    %dma_wait3A_229 = arith.constant 0 : i32
    %dma_wait3A_230 = tpu.memref_slice %arg6[%add3A_206, %dma_wait3A_229] : memref<160000x128xi32, #tpu.memory_space<hbm>> -> memref<40x128xi32, #tpu.memory_space<hbm>>
    tpu.wait_dma2 semaphore(%arg28 : memref<!tpu.dma_semaphore, #tpu.memory_space<semaphore_mem>>) src(%dma_wait3A_230 : memref<40x128xi32, #tpu.memory_space<hbm>>) dst(%arg20 : memref<40x128xi32, #tpu.memory_space<vmem>>)
    %add3A_231 = arith.constant 4800 : i32
    %add3A_232 = arith.addi %mul3A_2, %add3A_231 : i32
    %add3A_233 = arith.constant 160000 : i32
    %add3A_234 = arith.addi %add3A_233, %add3A_232 : i32
    %dma_wait3A_235 = arith.constant 0 : i32
    %dma_wait3A_236 = tpu.memref_slice %arg7[%add3A_232, %dma_wait3A_235] : memref<320000x128xf32, #tpu.memory_space<hbm>> -> memref<40x128xf32, #tpu.memory_space<hbm>>
    %dma_wait3A_237 = arith.constant 0 : i32
    %dma_wait3A_238 = tpu.memref_slice %arg7[%add3A_232, %dma_wait3A_237] : memref<320000x128xf32, #tpu.memory_space<hbm>> -> memref<40x128xf32, #tpu.memory_space<hbm>>
    tpu.wait_dma2 semaphore(%arg30 : memref<!tpu.dma_semaphore, #tpu.memory_space<semaphore_mem>>) src(%arg22 : memref<40x128xf32, #tpu.memory_space<vmem>>) dst(%dma_wait3A_238 : memref<40x128xf32, #tpu.memory_space<hbm>>)
    %dma_wait3A_239 = arith.constant 0 : i32
    %dma_wait3A_240 = tpu.memref_slice %arg7[%add3A_234, %dma_wait3A_239] : memref<320000x128xf32, #tpu.memory_space<hbm>> -> memref<40x128xf32, #tpu.memory_space<hbm>>
    %dma_wait3A_241 = arith.constant 0 : i32
    %dma_wait3A_242 = tpu.memref_slice %arg7[%add3A_234, %dma_wait3A_241] : memref<320000x128xf32, #tpu.memory_space<hbm>> -> memref<40x128xf32, #tpu.memory_space<hbm>>
    tpu.wait_dma2 semaphore(%arg30 : memref<!tpu.dma_semaphore, #tpu.memory_space<semaphore_mem>>) src(%arg24 : memref<40x128xf32, #tpu.memory_space<vmem>>) dst(%dma_wait3A_242 : memref<40x128xf32, #tpu.memory_space<hbm>>)
    %scan3A_243 = arith.constant 0 : i32
    %scan3A_244 = arith.constant 0 : i32
    %scan3A_245 = arith.constant 40 : i32
    %scan3A_246 = arith.addi %scan3A_244, %scan3A_245 : i32
    %scan3A_247 = arith.constant 1 : i32
    %scan3A_248 = scf.for %scan3A_426 = %scan3A_244 to %scan3A_246 step %scan3A_247 iter_args(%scan3A_427 = %scan3A_243) -> (i32)  : i32 {
      %get3A = arith.index_cast %scan3A_426 : i32 to index
      %get3A_428 = arith.constant 0 : index
      %get3A_429 = tpu.vector_load %arg20[%get3A, %get3A_428] {strides = array<i32>} : memref<40x128xi32, #tpu.memory_space<vmem>>, vector<1x16xi32>,
      %get3A_430 = vector.shape_cast %get3A_429 : vector<1x16xi32> to vector<16xi32>
      %get3A_431 = arith.index_cast %scan3A_426 : i32 to index
      %get3A_432 = arith.constant 0 : index
      %get3A_433 = tpu.vector_load %arg12[%get3A_431, %get3A_432] {strides = array<i32>} : memref<40x128xf32, #tpu.memory_space<vmem>>, vector<1x16xf32>,
      %get3A_434 = vector.shape_cast %get3A_433 : vector<1x16xf32> to vector<16xf32>
      %get3A_435 = arith.index_cast %scan3A_426 : i32 to index
      %get3A_436 = arith.constant 0 : index
      %get3A_437 = tpu.vector_load %arg14[%get3A_435, %get3A_436] {strides = array<i32>} : memref<40x128xf32, #tpu.memory_space<vmem>>, vector<1x16xf32>,
      %get3A_438 = vector.shape_cast %get3A_437 : vector<1x16xf32> to vector<16xf32>
      %add3A_439 = arith.addf %get3A_434, %get3A_438 : vector<16xf32>
      %shift_left3A = arith.constant 16 : i32
      %shift_left3A_440 = vector.broadcast %shift_left3A : i32 to vector<16xi32>
      %shift_left3A_441 = arith.shli %get3A_430, %shift_left3A_440 : vector<16xi32>
      %bitcast_convert_type3A = tpu.bitcast %shift_left3A_441 : vector<16xi32> -> vector<16xf32>
      %add3A_442 = arith.addf %add3A_439, %bitcast_convert_type3A : vector<16xf32>
      %swap3A = arith.index_cast %scan3A_426 : i32 to index
      %swap3A_443 = arith.constant 0 : index
      %swap3A_444 = tpu.vector_load %arg22[%swap3A, %swap3A_443] {strides = array<i32>} : memref<40x128xf32, #tpu.memory_space<vmem>>, vector<1x16xf32>,
      %swap3A_445 = vector.shape_cast %swap3A_444 : vector<1x16xf32> to vector<16xf32>
      %swap3A_446 = vector.shape_cast %add3A_442 : vector<16xf32> to vector<1x16xf32>
      tpu.vector_store %arg22[%swap3A, %swap3A_443], %swap3A_446 {strides = array<i32>} : memref<40x128xf32, #tpu.memory_space<vmem>>, vector<1x16xf32>,
      %get3A_447 = arith.index_cast %scan3A_426 : i32 to index
      %get3A_448 = arith.constant 0 : index
      %get3A_449 = tpu.vector_load %arg16[%get3A_447, %get3A_448] {strides = array<i32>} : memref<40x128xf32, #tpu.memory_space<vmem>>, vector<1x16xf32>,
      %get3A_450 = vector.shape_cast %get3A_449 : vector<1x16xf32> to vector<16xf32>
      %get3A_451 = arith.index_cast %scan3A_426 : i32 to index
      %get3A_452 = arith.constant 0 : index
      %get3A_453 = tpu.vector_load %arg18[%get3A_451, %get3A_452] {strides = array<i32>} : memref<40x128xf32, #tpu.memory_space<vmem>>, vector<1x16xf32>,
      %get3A_454 = vector.shape_cast %get3A_453 : vector<1x16xf32> to vector<16xf32>
      %add3A_455 = arith.addf %get3A_450, %get3A_454 : vector<16xf32>
      %and3A = arith.constant -65536 : i32
      %and3A_456 = vector.broadcast %and3A : i32 to vector<16xi32>
      %and3A_457 = arith.andi %get3A_430, %and3A_456 : vector<16xi32>
      %bitcast_convert_type3A_458 = tpu.bitcast %and3A_457 : vector<16xi32> -> vector<16xf32>
      %add3A_459 = arith.addf %add3A_455, %bitcast_convert_type3A_458 : vector<16xf32>
      %swap3A_460 = arith.index_cast %scan3A_426 : i32 to index
      %swap3A_461 = arith.constant 0 : index
      %swap3A_462 = tpu.vector_load %arg24[%swap3A_460, %swap3A_461] {strides = array<i32>} : memref<40x128xf32, #tpu.memory_space<vmem>>, vector<1x16xf32>,
      %swap3A_463 = vector.shape_cast %swap3A_462 : vector<1x16xf32> to vector<16xf32>
      %swap3A_464 = vector.shape_cast %add3A_459 : vector<16xf32> to vector<1x16xf32>
      tpu.vector_store %arg24[%swap3A_460, %swap3A_461], %swap3A_464 {strides = array<i32>} : memref<40x128xf32, #tpu.memory_space<vmem>>, vector<1x16xf32>,
      %get3A_465 = arith.index_cast %scan3A_426 : i32 to index
      %get3A_466 = arith.constant 16 : index
      %get3A_467 = tpu.vector_load %arg20[%get3A_465, %get3A_466] {strides = array<i32>} : memref<40x128xi32, #tpu.memory_space<vmem>>, vector<1x16xi32>,
      %get3A_468 = vector.shape_cast %get3A_467 : vector<1x16xi32> to vector<16xi32>
      %get3A_469 = arith.index_cast %scan3A_426 : i32 to index
      %get3A_470 = arith.constant 16 : index
      %get3A_471 = tpu.vector_load %arg12[%get3A_469, %get3A_470] {strides = array<i32>} : memref<40x128xf32, #tpu.memory_space<vmem>>, vector<1x16xf32>,
      %get3A_472 = vector.shape_cast %get3A_471 : vector<1x16xf32> to vector<16xf32>
      %get3A_473 = arith.index_cast %scan3A_426 : i32 to index
      %get3A_474 = arith.constant 16 : index
      %get3A_475 = tpu.vector_load %arg14[%get3A_473, %get3A_474] {strides = array<i32>} : memref<40x128xf32, #tpu.memory_space<vmem>>, vector<1x16xf32>,
      %get3A_476 = vector.shape_cast %get3A_475 : vector<1x16xf32> to vector<16xf32>
      %add3A_477 = arith.addf %get3A_472, %get3A_476 : vector<16xf32>
      %shift_left3A_478 = arith.constant 16 : i32
      %shift_left3A_479 = vector.broadcast %shift_left3A_478 : i32 to vector<16xi32>
      %shift_left3A_480 = arith.shli %get3A_468, %shift_left3A_479 : vector<16xi32>
      %bitcast_convert_type3A_481 = tpu.bitcast %shift_left3A_480 : vector<16xi32> -> vector<16xf32>
      %add3A_482 = arith.addf %add3A_477, %bitcast_convert_type3A_481 : vector<16xf32>
      %swap3A_483 = arith.index_cast %scan3A_426 : i32 to index
      %swap3A_484 = arith.constant 16 : index
      %swap3A_485 = tpu.vector_load %arg22[%swap3A_483, %swap3A_484] {strides = array<i32>} : memref<40x128xf32, #tpu.memory_space<vmem>>, vector<1x16xf32>,
      %swap3A_486 = vector.shape_cast %swap3A_485 : vector<1x16xf32> to vector<16xf32>
      %swap3A_487 = vector.shape_cast %add3A_482 : vector<16xf32> to vector<1x16xf32>
      tpu.vector_store %arg22[%swap3A_483, %swap3A_484], %swap3A_487 {strides = array<i32>} : memref<40x128xf32, #tpu.memory_space<vmem>>, vector<1x16xf32>,
      %get3A_488 = arith.index_cast %scan3A_426 : i32 to index
      %get3A_489 = arith.constant 16 : index
      %get3A_490 = tpu.vector_load %arg16[%get3A_488, %get3A_489] {strides = array<i32>} : memref<40x128xf32, #tpu.memory_space<vmem>>, vector<1x16xf32>,
      %get3A_491 = vector.shape_cast %get3A_490 : vector<1x16xf32> to vector<16xf32>
      %get3A_492 = arith.index_cast %scan3A_426 : i32 to index
      %get3A_493 = arith.constant 16 : index
      %get3A_494 = tpu.vector_load %arg18[%get3A_492, %get3A_493] {strides = array<i32>} : memref<40x128xf32, #tpu.memory_space<vmem>>, vector<1x16xf32>,
      %get3A_495 = vector.shape_cast %get3A_494 : vector<1x16xf32> to vector<16xf32>
      %add3A_496 = arith.addf %get3A_491, %get3A_495 : vector<16xf32>
      %and3A_497 = arith.constant -65536 : i32
      %and3A_498 = vector.broadcast %and3A_497 : i32 to vector<16xi32>
      %and3A_499 = arith.andi %get3A_468, %and3A_498 : vector<16xi32>
      %bitcast_convert_type3A_500 = tpu.bitcast %and3A_499 : vector<16xi32> -> vector<16xf32>
      %add3A_501 = arith.addf %add3A_496, %bitcast_convert_type3A_500 : vector<16xf32>
      %swap3A_502 = arith.index_cast %scan3A_426 : i32 to index
      %swap3A_503 = arith.constant 16 : index
      %swap3A_504 = tpu.vector_load %arg24[%swap3A_502, %swap3A_503] {strides = array<i32>} : memref<40x128xf32, #tpu.memory_space<vmem>>, vector<1x16xf32>,
      %swap3A_505 = vector.shape_cast %swap3A_504 : vector<1x16xf32> to vector<16xf32>
      %swap3A_506 = vector.shape_cast %add3A_501 : vector<16xf32> to vector<1x16xf32>
      tpu.vector_store %arg24[%swap3A_502, %swap3A_503], %swap3A_506 {strides = array<i32>} : memref<40x128xf32, #tpu.memory_space<vmem>>, vector<1x16xf32>,
      %get3A_507 = arith.index_cast %scan3A_426 : i32 to index
      %get3A_508 = arith.constant 32 : index
      %get3A_509 = tpu.vector_load %arg20[%get3A_507, %get3A_508] {strides = array<i32>} : memref<40x128xi32, #tpu.memory_space<vmem>>, vector<1x16xi32>,
      %get3A_510 = vector.shape_cast %get3A_509 : vector<1x16xi32> to vector<16xi32>
      %get3A_511 = arith.index_cast %scan3A_426 : i32 to index
      %get3A_512 = arith.constant 32 : index
      %get3A_513 = tpu.vector_load %arg12[%get3A_511, %get3A_512] {strides = array<i32>} : memref<40x128xf32, #tpu.memory_space<vmem>>, vector<1x16xf32>,
      %get3A_514 = vector.shape_cast %get3A_513 : vector<1x16xf32> to vector<16xf32>
      %get3A_515 = arith.index_cast %scan3A_426 : i32 to index
      %get3A_516 = arith.constant 32 : index
      %get3A_517 = tpu.vector_load %arg14[%get3A_515, %get3A_516] {strides = array<i32>} : memref<40x128xf32, #tpu.memory_space<vmem>>, vector<1x16xf32>,
      %get3A_518 = vector.shape_cast %get3A_517 : vector<1x16xf32> to vector<16xf32>
      %add3A_519 = arith.addf %get3A_514, %get3A_518 : vector<16xf32>
      %shift_left3A_520 = arith.constant 16 : i32
      %shift_left3A_521 = vector.broadcast %shift_left3A_520 : i32 to vector<16xi32>
      %shift_left3A_522 = arith.shli %get3A_510, %shift_left3A_521 : vector<16xi32>
      %bitcast_convert_type3A_523 = tpu.bitcast %shift_left3A_522 : vector<16xi32> -> vector<16xf32>
      %add3A_524 = arith.addf %add3A_519, %bitcast_convert_type3A_523 : vector<16xf32>
      %swap3A_525 = arith.index_cast %scan3A_426 : i32 to index
      %swap3A_526 = arith.constant 32 : index
      %swap3A_527 = tpu.vector_load %arg22[%swap3A_525, %swap3A_526] {strides = array<i32>} : memref<40x128xf32, #tpu.memory_space<vmem>>, vector<1x16xf32>,
      %swap3A_528 = vector.shape_cast %swap3A_527 : vector<1x16xf32> to vector<16xf32>
      %swap3A_529 = vector.shape_cast %add3A_524 : vector<16xf32> to vector<1x16xf32>
      tpu.vector_store %arg22[%swap3A_525, %swap3A_526], %swap3A_529 {strides = array<i32>} : memref<40x128xf32, #tpu.memory_space<vmem>>, vector<1x16xf32>,
      %get3A_530 = arith.index_cast %scan3A_426 : i32 to index
      %get3A_531 = arith.constant 32 : index
      %get3A_532 = tpu.vector_load %arg16[%get3A_530, %get3A_531] {strides = array<i32>} : memref<40x128xf32, #tpu.memory_space<vmem>>, vector<1x16xf32>,
      %get3A_533 = vector.shape_cast %get3A_532 : vector<1x16xf32> to vector<16xf32>
      %get3A_534 = arith.index_cast %scan3A_426 : i32 to index
      %get3A_535 = arith.constant 32 : index
      %get3A_536 = tpu.vector_load %arg18[%get3A_534, %get3A_535] {strides = array<i32>} : memref<40x128xf32, #tpu.memory_space<vmem>>, vector<1x16xf32>,
      %get3A_537 = vector.shape_cast %get3A_536 : vector<1x16xf32> to vector<16xf32>
      %add3A_538 = arith.addf %get3A_533, %get3A_537 : vector<16xf32>
      %and3A_539 = arith.constant -65536 : i32
      %and3A_540 = vector.broadcast %and3A_539 : i32 to vector<16xi32>
      %and3A_541 = arith.andi %get3A_510, %and3A_540 : vector<16xi32>
      %bitcast_convert_type3A_542 = tpu.bitcast %and3A_541 : vector<16xi32> -> vector<16xf32>
      %add3A_543 = arith.addf %add3A_538, %bitcast_convert_type3A_542 : vector<16xf32>
      %swap3A_544 = arith.index_cast %scan3A_426 : i32 to index
      %swap3A_545 = arith.constant 32 : index
      %swap3A_546 = tpu.vector_load %arg24[%swap3A_544, %swap3A_545] {strides = array<i32>} : memref<40x128xf32, #tpu.memory_space<vmem>>, vector<1x16xf32>,
      %swap3A_547 = vector.shape_cast %swap3A_546 : vector<1x16xf32> to vector<16xf32>
      %swap3A_548 = vector.shape_cast %add3A_543 : vector<16xf32> to vector<1x16xf32>
      tpu.vector_store %arg24[%swap3A_544, %swap3A_545], %swap3A_548 {strides = array<i32>} : memref<40x128xf32, #tpu.memory_space<vmem>>, vector<1x16xf32>,
      %get3A_549 = arith.index_cast %scan3A_426 : i32 to index
      %get3A_550 = arith.constant 48 : index
      %get3A_551 = tpu.vector_load %arg20[%get3A_549, %get3A_550] {strides = array<i32>} : memref<40x128xi32, #tpu.memory_space<vmem>>, vector<1x16xi32>,
      %get3A_552 = vector.shape_cast %get3A_551 : vector<1x16xi32> to vector<16xi32>
      %get3A_553 = arith.index_cast %scan3A_426 : i32 to index
      %get3A_554 = arith.constant 48 : index
      %get3A_555 = tpu.vector_load %arg12[%get3A_553, %get3A_554] {strides = array<i32>} : memref<40x128xf32, #tpu.memory_space<vmem>>, vector<1x16xf32>,
      %get3A_556 = vector.shape_cast %get3A_555 : vector<1x16xf32> to vector<16xf32>
      %get3A_557 = arith.index_cast %scan3A_426 : i32 to index
      %get3A_558 = arith.constant 48 : index
      %get3A_559 = tpu.vector_load %arg14[%get3A_557, %get3A_558] {strides = array<i32>} : memref<40x128xf32, #tpu.memory_space<vmem>>, vector<1x16xf32>,
      %get3A_560 = vector.shape_cast %get3A_559 : vector<1x16xf32> to vector<16xf32>
      %add3A_561 = arith.addf %get3A_556, %get3A_560 : vector<16xf32>
      %shift_left3A_562 = arith.constant 16 : i32
      %shift_left3A_563 = vector.broadcast %shift_left3A_562 : i32 to vector<16xi32>
      %shift_left3A_564 = arith.shli %get3A_552, %shift_left3A_563 : vector<16xi32>
      %bitcast_convert_type3A_565 = tpu.bitcast %shift_left3A_564 : vector<16xi32> -> vector<16xf32>
      %add3A_566 = arith.addf %add3A_561, %bitcast_convert_type3A_565 : vector<16xf32>
      %swap3A_567 = arith.index_cast %scan3A_426 : i32 to index
      %swap3A_568 = arith.constant 48 : index
      %swap3A_569 = tpu.vector_load %arg22[%swap3A_567, %swap3A_568] {strides = array<i32>} : memref<40x128xf32, #tpu.memory_space<vmem>>, vector<1x16xf32>,
      %swap3A_570 = vector.shape_cast %swap3A_569 : vector<1x16xf32> to vector<16xf32>
      %swap3A_571 = vector.shape_cast %add3A_566 : vector<16xf32> to vector<1x16xf32>
      tpu.vector_store %arg22[%swap3A_567, %swap3A_568], %swap3A_571 {strides = array<i32>} : memref<40x128xf32, #tpu.memory_space<vmem>>, vector<1x16xf32>,
      %get3A_572 = arith.index_cast %scan3A_426 : i32 to index
      %get3A_573 = arith.constant 48 : index
      %get3A_574 = tpu.vector_load %arg16[%get3A_572, %get3A_573] {strides = array<i32>} : memref<40x128xf32, #tpu.memory_space<vmem>>, vector<1x16xf32>,
      %get3A_575 = vector.shape_cast %get3A_574 : vector<1x16xf32> to vector<16xf32>
      %get3A_576 = arith.index_cast %scan3A_426 : i32 to index
      %get3A_577 = arith.constant 48 : index
      %get3A_578 = tpu.vector_load %arg18[%get3A_576, %get3A_577] {strides = array<i32>} : memref<40x128xf32, #tpu.memory_space<vmem>>, vector<1x16xf32>,
      %get3A_579 = vector.shape_cast %get3A_578 : vector<1x16xf32> to vector<16xf32>
      %add3A_580 = arith.addf %get3A_575, %get3A_579 : vector<16xf32>
      %and3A_581 = arith.constant -65536 : i32
      %and3A_582 = vector.broadcast %and3A_581 : i32 to vector<16xi32>
      %and3A_583 = arith.andi %get3A_552, %and3A_582 : vector<16xi32>
      %bitcast_convert_type3A_584 = tpu.bitcast %and3A_583 : vector<16xi32> -> vector<16xf32>
      %add3A_585 = arith.addf %add3A_580, %bitcast_convert_type3A_584 : vector<16xf32>
      %swap3A_586 = arith.index_cast %scan3A_426 : i32 to index
      %swap3A_587 = arith.constant 48 : index
      %swap3A_588 = tpu.vector_load %arg24[%swap3A_586, %swap3A_587] {strides = array<i32>} : memref<40x128xf32, #tpu.memory_space<vmem>>, vector<1x16xf32>,
      %swap3A_589 = vector.shape_cast %swap3A_588 : vector<1x16xf32> to vector<16xf32>
      %swap3A_590 = vector.shape_cast %add3A_585 : vector<16xf32> to vector<1x16xf32>
      tpu.vector_store %arg24[%swap3A_586, %swap3A_587], %swap3A_590 {strides = array<i32>} : memref<40x128xf32, #tpu.memory_space<vmem>>, vector<1x16xf32>,
      %get3A_591 = arith.index_cast %scan3A_426 : i32 to index
      %get3A_592 = arith.constant 64 : index
      %get3A_593 = tpu.vector_load %arg20[%get3A_591, %get3A_592] {strides = array<i32>} : memref<40x128xi32, #tpu.memory_space<vmem>>, vector<1x16xi32>,
      %get3A_594 = vector.shape_cast %get3A_593 : vector<1x16xi32> to vector<16xi32>
      %get3A_595 = arith.index_cast %scan3A_426 : i32 to index
      %get3A_596 = arith.constant 64 : index
      %get3A_597 = tpu.vector_load %arg12[%get3A_595, %get3A_596] {strides = array<i32>} : memref<40x128xf32, #tpu.memory_space<vmem>>, vector<1x16xf32>,
      %get3A_598 = vector.shape_cast %get3A_597 : vector<1x16xf32> to vector<16xf32>
      %get3A_599 = arith.index_cast %scan3A_426 : i32 to index
      %get3A_600 = arith.constant 64 : index
      %get3A_601 = tpu.vector_load %arg14[%get3A_599, %get3A_600] {strides = array<i32>} : memref<40x128xf32, #tpu.memory_space<vmem>>, vector<1x16xf32>,
      %get3A_602 = vector.shape_cast %get3A_601 : vector<1x16xf32> to vector<16xf32>
      %add3A_603 = arith.addf %get3A_598, %get3A_602 : vector<16xf32>
      %shift_left3A_604 = arith.constant 16 : i32
      %shift_left3A_605 = vector.broadcast %shift_left3A_604 : i32 to vector<16xi32>
      %shift_left3A_606 = arith.shli %get3A_594, %shift_left3A_605 : vector<16xi32>
      %bitcast_convert_type3A_607 = tpu.bitcast %shift_left3A_606 : vector<16xi32> -> vector<16xf32>
      %add3A_608 = arith.addf %add3A_603, %bitcast_convert_type3A_607 : vector<16xf32>
      %swap3A_609 = arith.index_cast %scan3A_426 : i32 to index
      %swap3A_610 = arith.constant 64 : index
      %swap3A_611 = tpu.vector_load %arg22[%swap3A_609, %swap3A_610] {strides = array<i32>} : memref<40x128xf32, #tpu.memory_space<vmem>>, vector<1x16xf32>,
      %swap3A_612 = vector.shape_cast %swap3A_611 : vector<1x16xf32> to vector<16xf32>
      %swap3A_613 = vector.shape_cast %add3A_608 : vector<16xf32> to vector<1x16xf32>
      tpu.vector_store %arg22[%swap3A_609, %swap3A_610], %swap3A_613 {strides = array<i32>} : memref<40x128xf32, #tpu.memory_space<vmem>>, vector<1x16xf32>,
      %get3A_614 = arith.index_cast %scan3A_426 : i32 to index
      %get3A_615 = arith.constant 64 : index
      %get3A_616 = tpu.vector_load %arg16[%get3A_614, %get3A_615] {strides = array<i32>} : memref<40x128xf32, #tpu.memory_space<vmem>>, vector<1x16xf32>,
      %get3A_617 = vector.shape_cast %get3A_616 : vector<1x16xf32> to vector<16xf32>
      %get3A_618 = arith.index_cast %scan3A_426 : i32 to index
      %get3A_619 = arith.constant 64 : index
      %get3A_620 = tpu.vector_load %arg18[%get3A_618, %get3A_619] {strides = array<i32>} : memref<40x128xf32, #tpu.memory_space<vmem>>, vector<1x16xf32>,
      %get3A_621 = vector.shape_cast %get3A_620 : vector<1x16xf32> to vector<16xf32>
      %add3A_622 = arith.addf %get3A_617, %get3A_621 : vector<16xf32>
      %and3A_623 = arith.constant -65536 : i32
      %and3A_624 = vector.broadcast %and3A_623 : i32 to vector<16xi32>
      %and3A_625 = arith.andi %get3A_594, %and3A_624 : vector<16xi32>
      %bitcast_convert_type3A_626 = tpu.bitcast %and3A_625 : vector<16xi32> -> vector<16xf32>
      %add3A_627 = arith.addf %add3A_622, %bitcast_convert_type3A_626 : vector<16xf32>
      %swap3A_628 = arith.index_cast %scan3A_426 : i32 to index
      %swap3A_629 = arith.constant 64 : index
      %swap3A_630 = tpu.vector_load %arg24[%swap3A_628, %swap3A_629] {strides = array<i32>} : memref<40x128xf32, #tpu.memory_space<vmem>>, vector<1x16xf32>,
      %swap3A_631 = vector.shape_cast %swap3A_630 : vector<1x16xf32> to vector<16xf32>
      %swap3A_632 = vector.shape_cast %add3A_627 : vector<16xf32> to vector<1x16xf32>
      tpu.vector_store %arg24[%swap3A_628, %swap3A_629], %swap3A_632 {strides = array<i32>} : memref<40x128xf32, #tpu.memory_space<vmem>>, vector<1x16xf32>,
      %get3A_633 = arith.index_cast %scan3A_426 : i32 to index
      %get3A_634 = arith.constant 80 : index
      %get3A_635 = tpu.vector_load %arg20[%get3A_633, %get3A_634] {strides = array<i32>} : memref<40x128xi32, #tpu.memory_space<vmem>>, vector<1x16xi32>,
      %get3A_636 = vector.shape_cast %get3A_635 : vector<1x16xi32> to vector<16xi32>
      %get3A_637 = arith.index_cast %scan3A_426 : i32 to index
      %get3A_638 = arith.constant 80 : index
      %get3A_639 = tpu.vector_load %arg12[%get3A_637, %get3A_638] {strides = array<i32>} : memref<40x128xf32, #tpu.memory_space<vmem>>, vector<1x16xf32>,
      %get3A_640 = vector.shape_cast %get3A_639 : vector<1x16xf32> to vector<16xf32>
      %get3A_641 = arith.index_cast %scan3A_426 : i32 to index
      %get3A_642 = arith.constant 80 : index
      %get3A_643 = tpu.vector_load %arg14[%get3A_641, %get3A_642] {strides = array<i32>} : memref<40x128xf32, #tpu.memory_space<vmem>>, vector<1x16xf32>,
      %get3A_644 = vector.shape_cast %get3A_643 : vector<1x16xf32> to vector<16xf32>
      %add3A_645 = arith.addf %get3A_640, %get3A_644 : vector<16xf32>
      %shift_left3A_646 = arith.constant 16 : i32
      %shift_left3A_647 = vector.broadcast %shift_left3A_646 : i32 to vector<16xi32>
      %shift_left3A_648 = arith.shli %get3A_636, %shift_left3A_647 : vector<16xi32>
      %bitcast_convert_type3A_649 = tpu.bitcast %shift_left3A_648 : vector<16xi32> -> vector<16xf32>
      %add3A_650 = arith.addf %add3A_645, %bitcast_convert_type3A_649 : vector<16xf32>
      %swap3A_651 = arith.index_cast %scan3A_426 : i32 to index
      %swap3A_652 = arith.constant 80 : index
      %swap3A_653 = tpu.vector_load %arg22[%swap3A_651, %swap3A_652] {strides = array<i32>} : memref<40x128xf32, #tpu.memory_space<vmem>>, vector<1x16xf32>,
      %swap3A_654 = vector.shape_cast %swap3A_653 : vector<1x16xf32> to vector<16xf32>
      %swap3A_655 = vector.shape_cast %add3A_650 : vector<16xf32> to vector<1x16xf32>
      tpu.vector_store %arg22[%swap3A_651, %swap3A_652], %swap3A_655 {strides = array<i32>} : memref<40x128xf32, #tpu.memory_space<vmem>>, vector<1x16xf32>,
      %get3A_656 = arith.index_cast %scan3A_426 : i32 to index
      %get3A_657 = arith.constant 80 : index
      %get3A_658 = tpu.vector_load %arg16[%get3A_656, %get3A_657] {strides = array<i32>} : memref<40x128xf32, #tpu.memory_space<vmem>>, vector<1x16xf32>,
      %get3A_659 = vector.shape_cast %get3A_658 : vector<1x16xf32> to vector<16xf32>
      %get3A_660 = arith.index_cast %scan3A_426 : i32 to index
      %get3A_661 = arith.constant 80 : index
      %get3A_662 = tpu.vector_load %arg18[%get3A_660, %get3A_661] {strides = array<i32>} : memref<40x128xf32, #tpu.memory_space<vmem>>, vector<1x16xf32>,
      %get3A_663 = vector.shape_cast %get3A_662 : vector<1x16xf32> to vector<16xf32>
      %add3A_664 = arith.addf %get3A_659, %get3A_663 : vector<16xf32>
      %and3A_665 = arith.constant -65536 : i32
      %and3A_666 = vector.broadcast %and3A_665 : i32 to vector<16xi32>
      %and3A_667 = arith.andi %get3A_636, %and3A_666 : vector<16xi32>
      %bitcast_convert_type3A_668 = tpu.bitcast %and3A_667 : vector<16xi32> -> vector<16xf32>
      %add3A_669 = arith.addf %add3A_664, %bitcast_convert_type3A_668 : vector<16xf32>
      %swap3A_670 = arith.index_cast %scan3A_426 : i32 to index
      %swap3A_671 = arith.constant 80 : index
      %swap3A_672 = tpu.vector_load %arg24[%swap3A_670, %swap3A_671] {strides = array<i32>} : memref<40x128xf32, #tpu.memory_space<vmem>>, vector<1x16xf32>,
      %swap3A_673 = vector.shape_cast %swap3A_672 : vector<1x16xf32> to vector<16xf32>
      %swap3A_674 = vector.shape_cast %add3A_669 : vector<16xf32> to vector<1x16xf32>
      tpu.vector_store %arg24[%swap3A_670, %swap3A_671], %swap3A_674 {strides = array<i32>} : memref<40x128xf32, #tpu.memory_space<vmem>>, vector<1x16xf32>,
      %get3A_675 = arith.index_cast %scan3A_426 : i32 to index
      %get3A_676 = arith.constant 96 : index
      %get3A_677 = tpu.vector_load %arg20[%get3A_675, %get3A_676] {strides = array<i32>} : memref<40x128xi32, #tpu.memory_space<vmem>>, vector<1x16xi32>,
      %get3A_678 = vector.shape_cast %get3A_677 : vector<1x16xi32> to vector<16xi32>
      %get3A_679 = arith.index_cast %scan3A_426 : i32 to index
      %get3A_680 = arith.constant 96 : index
      %get3A_681 = tpu.vector_load %arg12[%get3A_679, %get3A_680] {strides = array<i32>} : memref<40x128xf32, #tpu.memory_space<vmem>>, vector<1x16xf32>,
      %get3A_682 = vector.shape_cast %get3A_681 : vector<1x16xf32> to vector<16xf32>
      %get3A_683 = arith.index_cast %scan3A_426 : i32 to index
      %get3A_684 = arith.constant 96 : index
      %get3A_685 = tpu.vector_load %arg14[%get3A_683, %get3A_684] {strides = array<i32>} : memref<40x128xf32, #tpu.memory_space<vmem>>, vector<1x16xf32>,
      %get3A_686 = vector.shape_cast %get3A_685 : vector<1x16xf32> to vector<16xf32>
      %add3A_687 = arith.addf %get3A_682, %get3A_686 : vector<16xf32>
      %shift_left3A_688 = arith.constant 16 : i32
      %shift_left3A_689 = vector.broadcast %shift_left3A_688 : i32 to vector<16xi32>
      %shift_left3A_690 = arith.shli %get3A_678, %shift_left3A_689 : vector<16xi32>
      %bitcast_convert_type3A_691 = tpu.bitcast %shift_left3A_690 : vector<16xi32> -> vector<16xf32>
      %add3A_692 = arith.addf %add3A_687, %bitcast_convert_type3A_691 : vector<16xf32>
      %swap3A_693 = arith.index_cast %scan3A_426 : i32 to index
      %swap3A_694 = arith.constant 96 : index
      %swap3A_695 = tpu.vector_load %arg22[%swap3A_693, %swap3A_694] {strides = array<i32>} : memref<40x128xf32, #tpu.memory_space<vmem>>, vector<1x16xf32>,
      %swap3A_696 = vector.shape_cast %swap3A_695 : vector<1x16xf32> to vector<16xf32>
      %swap3A_697 = vector.shape_cast %add3A_692 : vector<16xf32> to vector<1x16xf32>
      tpu.vector_store %arg22[%swap3A_693, %swap3A_694], %swap3A_697 {strides = array<i32>} : memref<40x128xf32, #tpu.memory_space<vmem>>, vector<1x16xf32>,
      %get3A_698 = arith.index_cast %scan3A_426 : i32 to index
      %get3A_699 = arith.constant 96 : index
      %get3A_700 = tpu.vector_load %arg16[%get3A_698, %get3A_699] {strides = array<i32>} : memref<40x128xf32, #tpu.memory_space<vmem>>, vector<1x16xf32>,
      %get3A_701 = vector.shape_cast %get3A_700 : vector<1x16xf32> to vector<16xf32>
      %get3A_702 = arith.index_cast %scan3A_426 : i32 to index
      %get3A_703 = arith.constant 96 : index
      %get3A_704 = tpu.vector_load %arg18[%get3A_702, %get3A_703] {strides = array<i32>} : memref<40x128xf32, #tpu.memory_space<vmem>>, vector<1x16xf32>,
      %get3A_705 = vector.shape_cast %get3A_704 : vector<1x16xf32> to vector<16xf32>
      %add3A_706 = arith.addf %get3A_701, %get3A_705 : vector<16xf32>
      %and3A_707 = arith.constant -65536 : i32
      %and3A_708 = vector.broadcast %and3A_707 : i32 to vector<16xi32>
      %and3A_709 = arith.andi %get3A_678, %and3A_708 : vector<16xi32>
      %bitcast_convert_type3A_710 = tpu.bitcast %and3A_709 : vector<16xi32> -> vector<16xf32>
      %add3A_711 = arith.addf %add3A_706, %bitcast_convert_type3A_710 : vector<16xf32>
      %swap3A_712 = arith.index_cast %scan3A_426 : i32 to index
      %swap3A_713 = arith.constant 96 : index
      %swap3A_714 = tpu.vector_load %arg24[%swap3A_712, %swap3A_713] {strides = array<i32>} : memref<40x128xf32, #tpu.memory_space<vmem>>, vector<1x16xf32>,
      %swap3A_715 = vector.shape_cast %swap3A_714 : vector<1x16xf32> to vector<16xf32>
      %swap3A_716 = vector.shape_cast %add3A_711 : vector<16xf32> to vector<1x16xf32>
      tpu.vector_store %arg24[%swap3A_712, %swap3A_713], %swap3A_716 {strides = array<i32>} : memref<40x128xf32, #tpu.memory_space<vmem>>, vector<1x16xf32>,
      %get3A_717 = arith.index_cast %scan3A_426 : i32 to index
      %get3A_718 = arith.constant 112 : index
      %get3A_719 = tpu.vector_load %arg20[%get3A_717, %get3A_718] {strides = array<i32>} : memref<40x128xi32, #tpu.memory_space<vmem>>, vector<1x16xi32>,
      %get3A_720 = vector.shape_cast %get3A_719 : vector<1x16xi32> to vector<16xi32>
      %get3A_721 = arith.index_cast %scan3A_426 : i32 to index
      %get3A_722 = arith.constant 112 : index
      %get3A_723 = tpu.vector_load %arg12[%get3A_721, %get3A_722] {strides = array<i32>} : memref<40x128xf32, #tpu.memory_space<vmem>>, vector<1x16xf32>,
      %get3A_724 = vector.shape_cast %get3A_723 : vector<1x16xf32> to vector<16xf32>
      %get3A_725 = arith.index_cast %scan3A_426 : i32 to index
      %get3A_726 = arith.constant 112 : index
      %get3A_727 = tpu.vector_load %arg14[%get3A_725, %get3A_726] {strides = array<i32>} : memref<40x128xf32, #tpu.memory_space<vmem>>, vector<1x16xf32>,
      %get3A_728 = vector.shape_cast %get3A_727 : vector<1x16xf32> to vector<16xf32>
      %add3A_729 = arith.addf %get3A_724, %get3A_728 : vector<16xf32>
      %shift_left3A_730 = arith.constant 16 : i32
      %shift_left3A_731 = vector.broadcast %shift_left3A_730 : i32 to vector<16xi32>
      %shift_left3A_732 = arith.shli %get3A_720, %shift_left3A_731 : vector<16xi32>
      %bitcast_convert_type3A_733 = tpu.bitcast %shift_left3A_732 : vector<16xi32> -> vector<16xf32>
      %add3A_734 = arith.addf %add3A_729, %bitcast_convert_type3A_733 : vector<16xf32>
      %swap3A_735 = arith.index_cast %scan3A_426 : i32 to index
      %swap3A_736 = arith.constant 112 : index
      %swap3A_737 = tpu.vector_load %arg22[%swap3A_735, %swap3A_736] {strides = array<i32>} : memref<40x128xf32, #tpu.memory_space<vmem>>, vector<1x16xf32>,
      %swap3A_738 = vector.shape_cast %swap3A_737 : vector<1x16xf32> to vector<16xf32>
      %swap3A_739 = vector.shape_cast %add3A_734 : vector<16xf32> to vector<1x16xf32>
      tpu.vector_store %arg22[%swap3A_735, %swap3A_736], %swap3A_739 {strides = array<i32>} : memref<40x128xf32, #tpu.memory_space<vmem>>, vector<1x16xf32>,
      %get3A_740 = arith.index_cast %scan3A_426 : i32 to index
      %get3A_741 = arith.constant 112 : index
      %get3A_742 = tpu.vector_load %arg16[%get3A_740, %get3A_741] {strides = array<i32>} : memref<40x128xf32, #tpu.memory_space<vmem>>, vector<1x16xf32>,
      %get3A_743 = vector.shape_cast %get3A_742 : vector<1x16xf32> to vector<16xf32>
      %get3A_744 = arith.index_cast %scan3A_426 : i32 to index
      %get3A_745 = arith.constant 112 : index
      %get3A_746 = tpu.vector_load %arg18[%get3A_744, %get3A_745] {strides = array<i32>} : memref<40x128xf32, #tpu.memory_space<vmem>>, vector<1x16xf32>,
      %get3A_747 = vector.shape_cast %get3A_746 : vector<1x16xf32> to vector<16xf32>
      %add3A_748 = arith.addf %get3A_743, %get3A_747 : vector<16xf32>
      %and3A_749 = arith.constant -65536 : i32
      %and3A_750 = vector.broadcast %and3A_749 : i32 to vector<16xi32>
      %and3A_751 = arith.andi %get3A_720, %and3A_750 : vector<16xi32>
      %bitcast_convert_type3A_752 = tpu.bitcast %and3A_751 : vector<16xi32> -> vector<16xf32>
      %add3A_753 = arith.addf %add3A_748, %bitcast_convert_type3A_752 : vector<16xf32>
      %swap3A_754 = arith.index_cast %scan3A_426 : i32 to index
      %swap3A_755 = arith.constant 112 : index
      %swap3A_756 = tpu.vector_load %arg24[%swap3A_754, %swap3A_755] {strides = array<i32>} : memref<40x128xf32, #tpu.memory_space<vmem>>, vector<1x16xf32>,
      %swap3A_757 = vector.shape_cast %swap3A_756 : vector<1x16xf32> to vector<16xf32>
      %swap3A_758 = vector.shape_cast %add3A_753 : vector<16xf32> to vector<1x16xf32>
      tpu.vector_store %arg24[%swap3A_754, %swap3A_755], %swap3A_758 {strides = array<i32>} : memref<40x128xf32, #tpu.memory_space<vmem>>, vector<1x16xf32>,
      %scan3A_759 = arith.constant 0 : i32
      scf.yield %scan3A_759 : i32
    }
    %scan3A_249 = arith.constant 40 : i32
    %add3A_250 = arith.constant 4960 : i32
    %add3A_251 = arith.addi %mul3A_2, %add3A_250 : i32
    %dma_start3A_252 = arith.constant 4960 : i32
    %dma_start3A_253 = tpu.memref_slice %arg8[%dma_start3A_252] : memref<5000xi32, #tpu.memory_space<vmem>> -> memref<40xi32, #tpu.memory_space<vmem>>
    %dma_start3A_254 = arith.constant 0 : i32
    %dma_start3A_255 = arith.constant 0 : i32
    %dma_start3A_256 = tpu.memref_slice %arg2[%dma_start3A_254, %dma_start3A_255] : memref<10000x128xf32, #tpu.memory_space<hbm>> -> memref<10000x128xf32, #tpu.memory_space<hbm>>
    tpu.enqueue_indirect_dma source(%dma_start3A_256 : memref<10000x128xf32, #tpu.memory_space<hbm>>) target(%arg12 : memref<40x128xf32, #tpu.memory_space<vmem>>) offsets(%dma_start3A_253 : memref<40xi32, #tpu.memory_space<vmem>>) semaphore(%arg26 : memref<!tpu.dma_semaphore, #tpu.memory_space<semaphore_mem>>)
    %dma_start3A_257 = arith.constant 4960 : i32
    %dma_start3A_258 = tpu.memref_slice %arg9[%dma_start3A_257] : memref<5000xi32, #tpu.memory_space<vmem>> -> memref<40xi32, #tpu.memory_space<vmem>>
    %dma_start3A_259 = arith.constant 0 : i32
    %dma_start3A_260 = arith.constant 0 : i32
    %dma_start3A_261 = tpu.memref_slice %arg3[%dma_start3A_259, %dma_start3A_260] : memref<10000x128xf32, #tpu.memory_space<hbm>> -> memref<10000x128xf32, #tpu.memory_space<hbm>>
    tpu.enqueue_indirect_dma source(%dma_start3A_261 : memref<10000x128xf32, #tpu.memory_space<hbm>>) target(%arg14 : memref<40x128xf32, #tpu.memory_space<vmem>>) offsets(%dma_start3A_258 : memref<40xi32, #tpu.memory_space<vmem>>) semaphore(%arg26 : memref<!tpu.dma_semaphore, #tpu.memory_space<semaphore_mem>>)
    %dma_start3A_262 = arith.constant 4960 : i32
    %dma_start3A_263 = tpu.memref_slice %arg10[%dma_start3A_262] : memref<5000xi32, #tpu.memory_space<vmem>> -> memref<40xi32, #tpu.memory_space<vmem>>
    %dma_start3A_264 = arith.constant 0 : i32
    %dma_start3A_265 = arith.constant 0 : i32
    %dma_start3A_266 = tpu.memref_slice %arg2[%dma_start3A_264, %dma_start3A_265] : memref<10000x128xf32, #tpu.memory_space<hbm>> -> memref<10000x128xf32, #tpu.memory_space<hbm>>
    tpu.enqueue_indirect_dma source(%dma_start3A_266 : memref<10000x128xf32, #tpu.memory_space<hbm>>) target(%arg16 : memref<40x128xf32, #tpu.memory_space<vmem>>) offsets(%dma_start3A_263 : memref<40xi32, #tpu.memory_space<vmem>>) semaphore(%arg26 : memref<!tpu.dma_semaphore, #tpu.memory_space<semaphore_mem>>)
    %dma_start3A_267 = arith.constant 4960 : i32
    %dma_start3A_268 = tpu.memref_slice %arg11[%dma_start3A_267] : memref<5000xi32, #tpu.memory_space<vmem>> -> memref<40xi32, #tpu.memory_space<vmem>>
    %dma_start3A_269 = arith.constant 0 : i32
    %dma_start3A_270 = arith.constant 0 : i32
    %dma_start3A_271 = tpu.memref_slice %arg3[%dma_start3A_269, %dma_start3A_270] : memref<10000x128xf32, #tpu.memory_space<hbm>> -> memref<10000x128xf32, #tpu.memory_space<hbm>>
    tpu.enqueue_indirect_dma source(%dma_start3A_271 : memref<10000x128xf32, #tpu.memory_space<hbm>>) target(%arg18 : memref<40x128xf32, #tpu.memory_space<vmem>>) offsets(%dma_start3A_268 : memref<40xi32, #tpu.memory_space<vmem>>) semaphore(%arg26 : memref<!tpu.dma_semaphore, #tpu.memory_space<semaphore_mem>>)
    %dma_start3A_272 = arith.constant 0 : i32
    %dma_start3A_273 = tpu.memref_slice %arg6[%add3A_251, %dma_start3A_272] : memref<160000x128xi32, #tpu.memory_space<hbm>> -> memref<40x128xi32, #tpu.memory_space<hbm>>
    %dma_start3A_274 = arith.constant 0 : i32
    %dma_start3A_275 = tpu.memref_slice %arg6[%add3A_251, %dma_start3A_274] : memref<160000x128xi32, #tpu.memory_space<hbm>> -> memref<40x128xi32, #tpu.memory_space<hbm>>
    tpu.enqueue_dma source(%dma_start3A_275 : memref<40x128xi32, #tpu.memory_space<hbm>>) target(%arg20 : memref<40x128xi32, #tpu.memory_space<vmem>>) target_semaphore(%arg28 : memref<!tpu.dma_semaphore, #tpu.memory_space<semaphore_mem>>)
    %add3A_276 = arith.constant 4880 : i32
    %add3A_277 = arith.addi %mul3A_2, %add3A_276 : i32
    %add3A_278 = arith.constant 160000 : i32
    %add3A_279 = arith.addi %add3A_278, %add3A_277 : i32
    %dma_start3A_280 = arith.constant 0 : i32
    %dma_start3A_281 = tpu.memref_slice %arg7[%add3A_277, %dma_start3A_280] : memref<320000x128xf32, #tpu.memory_space<hbm>> -> memref<40x128xf32, #tpu.memory_space<hbm>>
    %dma_start3A_282 = arith.constant 0 : i32
    %dma_start3A_283 = tpu.memref_slice %arg7[%add3A_277, %dma_start3A_282] : memref<320000x128xf32, #tpu.memory_space<hbm>> -> memref<40x128xf32, #tpu.memory_space<hbm>>
    tpu.enqueue_dma source(%arg22 : memref<40x128xf32, #tpu.memory_space<vmem>>) target(%dma_start3A_283 : memref<40x128xf32, #tpu.memory_space<hbm>>) target_semaphore(%arg30 : memref<!tpu.dma_semaphore, #tpu.memory_space<semaphore_mem>>)
    %dma_start3A_284 = arith.constant 0 : i32
    %dma_start3A_285 = tpu.memref_slice %arg7[%add3A_279, %dma_start3A_284] : memref<320000x128xf32, #tpu.memory_space<hbm>> -> memref<40x128xf32, #tpu.memory_space<hbm>>
    %dma_start3A_286 = arith.constant 0 : i32
    %dma_start3A_287 = tpu.memref_slice %arg7[%add3A_279, %dma_start3A_286] : memref<320000x128xf32, #tpu.memory_space<hbm>> -> memref<40x128xf32, #tpu.memory_space<hbm>>
    tpu.enqueue_dma source(%arg24 : memref<40x128xf32, #tpu.memory_space<vmem>>) target(%dma_start3A_287 : memref<40x128xf32, #tpu.memory_space<hbm>>) target_semaphore(%arg30 : memref<!tpu.dma_semaphore, #tpu.memory_space<semaphore_mem>>)
    %add3A_288 = arith.constant 4920 : i32
    %add3A_289 = arith.addi %mul3A_2, %add3A_288 : i32
    %dma_wait3A_290 = arith.constant 4920 : i32
    %dma_wait3A_291 = tpu.memref_slice %arg8[%dma_wait3A_290] : memref<5000xi32, #tpu.memory_space<vmem>> -> memref<40xi32, #tpu.memory_space<vmem>>
    %dma_wait3A_292 = arith.constant 0 : i32
    %dma_wait3A_293 = arith.constant 0 : i32
    %dma_wait3A_294 = tpu.memref_slice %arg2[%dma_wait3A_292, %dma_wait3A_293] : memref<10000x128xf32, #tpu.memory_space<hbm>> -> memref<10000x128xf32, #tpu.memory_space<hbm>>
    tpu.wait_indirect_dma semaphore(%arg27 : memref<!tpu.dma_semaphore, #tpu.memory_space<semaphore_mem>>) src(%dma_wait3A_294 : memref<10000x128xf32, #tpu.memory_space<hbm>>) dst(%arg13 : memref<40x128xf32, #tpu.memory_space<vmem>>)
    %dma_wait3A_295 = arith.constant 4920 : i32
    %dma_wait3A_296 = tpu.memref_slice %arg9[%dma_wait3A_295] : memref<5000xi32, #tpu.memory_space<vmem>> -> memref<40xi32, #tpu.memory_space<vmem>>
    %dma_wait3A_297 = arith.constant 0 : i32
    %dma_wait3A_298 = arith.constant 0 : i32
    %dma_wait3A_299 = tpu.memref_slice %arg3[%dma_wait3A_297, %dma_wait3A_298] : memref<10000x128xf32, #tpu.memory_space<hbm>> -> memref<10000x128xf32, #tpu.memory_space<hbm>>
    tpu.wait_indirect_dma semaphore(%arg27 : memref<!tpu.dma_semaphore, #tpu.memory_space<semaphore_mem>>) src(%dma_wait3A_299 : memref<10000x128xf32, #tpu.memory_space<hbm>>) dst(%arg15 : memref<40x128xf32, #tpu.memory_space<vmem>>)
    %dma_wait3A_300 = arith.constant 4920 : i32
    %dma_wait3A_301 = tpu.memref_slice %arg10[%dma_wait3A_300] : memref<5000xi32, #tpu.memory_space<vmem>> -> memref<40xi32, #tpu.memory_space<vmem>>
    %dma_wait3A_302 = arith.constant 0 : i32
    %dma_wait3A_303 = arith.constant 0 : i32
    %dma_wait3A_304 = tpu.memref_slice %arg2[%dma_wait3A_302, %dma_wait3A_303] : memref<10000x128xf32, #tpu.memory_space<hbm>> -> memref<10000x128xf32, #tpu.memory_space<hbm>>
    tpu.wait_indirect_dma semaphore(%arg27 : memref<!tpu.dma_semaphore, #tpu.memory_space<semaphore_mem>>) src(%dma_wait3A_304 : memref<10000x128xf32, #tpu.memory_space<hbm>>) dst(%arg17 : memref<40x128xf32, #tpu.memory_space<vmem>>)
    %dma_wait3A_305 = arith.constant 4920 : i32
    %dma_wait3A_306 = tpu.memref_slice %arg11[%dma_wait3A_305] : memref<5000xi32, #tpu.memory_space<vmem>> -> memref<40xi32, #tpu.memory_space<vmem>>
    %dma_wait3A_307 = arith.constant 0 : i32
    %dma_wait3A_308 = arith.constant 0 : i32
    %dma_wait3A_309 = tpu.memref_slice %arg3[%dma_wait3A_307, %dma_wait3A_308] : memref<10000x128xf32, #tpu.memory_space<hbm>> -> memref<10000x128xf32, #tpu.memory_space<hbm>>
    tpu.wait_indirect_dma semaphore(%arg27 : memref<!tpu.dma_semaphore, #tpu.memory_space<semaphore_mem>>) src(%dma_wait3A_309 : memref<10000x128xf32, #tpu.memory_space<hbm>>) dst(%arg19 : memref<40x128xf32, #tpu.memory_space<vmem>>)
    %dma_wait3A_310 = arith.constant 0 : i32
    %dma_wait3A_311 = tpu.memref_slice %arg6[%add3A_289, %dma_wait3A_310] : memref<160000x128xi32, #tpu.memory_space<hbm>> -> memref<40x128xi32, #tpu.memory_space<hbm>>
    %dma_wait3A_312 = arith.constant 0 : i32
    %dma_wait3A_313 = tpu.memref_slice %arg6[%add3A_289, %dma_wait3A_312] : memref<160000x128xi32, #tpu.memory_space<hbm>> -> memref<40x128xi32, #tpu.memory_space<hbm>>
    tpu.wait_dma2 semaphore(%arg29 : memref<!tpu.dma_semaphore, #tpu.memory_space<semaphore_mem>>) src(%dma_wait3A_313 : memref<40x128xi32, #tpu.memory_space<hbm>>) dst(%arg21 : memref<40x128xi32, #tpu.memory_space<vmem>>)
    %add3A_314 = arith.constant 4840 : i32
    %add3A_315 = arith.addi %mul3A_2, %add3A_314 : i32
    %add3A_316 = arith.constant 160000 : i32
    %add3A_317 = arith.addi %add3A_316, %add3A_315 : i32
    %dma_wait3A_318 = arith.constant 0 : i32
    %dma_wait3A_319 = tpu.memref_slice %arg7[%add3A_315, %dma_wait3A_318] : memref<320000x128xf32, #tpu.memory_space<hbm>> -> memref<40x128xf32, #tpu.memory_space<hbm>>
    %dma_wait3A_320 = arith.constant 0 : i32
    %dma_wait3A_321 = tpu.memref_slice %arg7[%add3A_315, %dma_wait3A_320] : memref<320000x128xf32, #tpu.memory_space<hbm>> -> memref<40x128xf32, #tpu.memory_space<hbm>>
    tpu.wait_dma2 semaphore(%arg31 : memref<!tpu.dma_semaphore, #tpu.memory_space<semaphore_mem>>) src(%arg23 : memref<40x128xf32, #tpu.memory_space<vmem>>) dst(%dma_wait3A_321 : memref<40x128xf32, #tpu.memory_space<hbm>>)
    %dma_wait3A_322 = arith.constant 0 : i32
    %dma_wait3A_323 = tpu.memref_slice %arg7[%add3A_317, %dma_wait3A_322] : memref<320000x128xf32, #tpu.memory_space<hbm>> -> memref<40x128xf32, #tpu.memory_space<hbm>>
    %dma_wait3A_324 = arith.constant 0 : i32
    %dma_wait3A_325 = tpu.memref_slice %arg7[%add3A_317, %dma_wait3A_324] : memref<320000x128xf32, #tpu.memory_space<hbm>> -> memref<40x128xf32, #tpu.memory_space<hbm>>
    tpu.wait_dma2 semaphore(%arg31 : memref<!tpu.dma_semaphore, #tpu.memory_space<semaphore_mem>>) src(%arg25 : memref<40x128xf32, #tpu.memory_space<vmem>>) dst(%dma_wait3A_325 : memref<40x128xf32, #tpu.memory_space<hbm>>)
    %scan3A_326 = arith.constant 0 : i32
    %scan3A_327 = arith.constant 0 : i32
    %scan3A_328 = arith.constant 40 : i32
    %scan3A_329 = arith.addi %scan3A_327, %scan3A_328 : i32
    %scan3A_330 = arith.constant 1 : i32
    %scan3A_331 = scf.for %scan3A_426 = %scan3A_327 to %scan3A_329 step %scan3A_330 iter_args(%scan3A_427 = %scan3A_326) -> (i32)  : i32 {
      %get3A = arith.index_cast %scan3A_426 : i32 to index
      %get3A_428 = arith.constant 0 : index
      %get3A_429 = tpu.vector_load %arg21[%get3A, %get3A_428] {strides = array<i32>} : memref<40x128xi32, #tpu.memory_space<vmem>>, vector<1x16xi32>,
      %get3A_430 = vector.shape_cast %get3A_429 : vector<1x16xi32> to vector<16xi32>
      %get3A_431 = arith.index_cast %scan3A_426 : i32 to index
      %get3A_432 = arith.constant 0 : index
      %get3A_433 = tpu.vector_load %arg13[%get3A_431, %get3A_432] {strides = array<i32>} : memref<40x128xf32, #tpu.memory_space<vmem>>, vector<1x16xf32>,
      %get3A_434 = vector.shape_cast %get3A_433 : vector<1x16xf32> to vector<16xf32>
      %get3A_435 = arith.index_cast %scan3A_426 : i32 to index
      %get3A_436 = arith.constant 0 : index
      %get3A_437 = tpu.vector_load %arg15[%get3A_435, %get3A_436] {strides = array<i32>} : memref<40x128xf32, #tpu.memory_space<vmem>>, vector<1x16xf32>,
      %get3A_438 = vector.shape_cast %get3A_437 : vector<1x16xf32> to vector<16xf32>
      %add3A_439 = arith.addf %get3A_434, %get3A_438 : vector<16xf32>
      %shift_left3A = arith.constant 16 : i32
      %shift_left3A_440 = vector.broadcast %shift_left3A : i32 to vector<16xi32>
      %shift_left3A_441 = arith.shli %get3A_430, %shift_left3A_440 : vector<16xi32>
      %bitcast_convert_type3A = tpu.bitcast %shift_left3A_441 : vector<16xi32> -> vector<16xf32>
      %add3A_442 = arith.addf %add3A_439, %bitcast_convert_type3A : vector<16xf32>
      %swap3A = arith.index_cast %scan3A_426 : i32 to index
      %swap3A_443 = arith.constant 0 : index
      %swap3A_444 = tpu.vector_load %arg23[%swap3A, %swap3A_443] {strides = array<i32>} : memref<40x128xf32, #tpu.memory_space<vmem>>, vector<1x16xf32>,
      %swap3A_445 = vector.shape_cast %swap3A_444 : vector<1x16xf32> to vector<16xf32>
      %swap3A_446 = vector.shape_cast %add3A_442 : vector<16xf32> to vector<1x16xf32>
      tpu.vector_store %arg23[%swap3A, %swap3A_443], %swap3A_446 {strides = array<i32>} : memref<40x128xf32, #tpu.memory_space<vmem>>, vector<1x16xf32>,
      %get3A_447 = arith.index_cast %scan3A_426 : i32 to index
      %get3A_448 = arith.constant 0 : index
      %get3A_449 = tpu.vector_load %arg17[%get3A_447, %get3A_448] {strides = array<i32>} : memref<40x128xf32, #tpu.memory_space<vmem>>, vector<1x16xf32>,
      %get3A_450 = vector.shape_cast %get3A_449 : vector<1x16xf32> to vector<16xf32>
      %get3A_451 = arith.index_cast %scan3A_426 : i32 to index
      %get3A_452 = arith.constant 0 : index
      %get3A_453 = tpu.vector_load %arg19[%get3A_451, %get3A_452] {strides = array<i32>} : memref<40x128xf32, #tpu.memory_space<vmem>>, vector<1x16xf32>,
      %get3A_454 = vector.shape_cast %get3A_453 : vector<1x16xf32> to vector<16xf32>
      %add3A_455 = arith.addf %get3A_450, %get3A_454 : vector<16xf32>
      %and3A = arith.constant -65536 : i32
      %and3A_456 = vector.broadcast %and3A : i32 to vector<16xi32>
      %and3A_457 = arith.andi %get3A_430, %and3A_456 : vector<16xi32>
      %bitcast_convert_type3A_458 = tpu.bitcast %and3A_457 : vector<16xi32> -> vector<16xf32>
      %add3A_459 = arith.addf %add3A_455, %bitcast_convert_type3A_458 : vector<16xf32>
      %swap3A_460 = arith.index_cast %scan3A_426 : i32 to index
      %swap3A_461 = arith.constant 0 : index
      %swap3A_462 = tpu.vector_load %arg25[%swap3A_460, %swap3A_461] {strides = array<i32>} : memref<40x128xf32, #tpu.memory_space<vmem>>, vector<1x16xf32>,
      %swap3A_463 = vector.shape_cast %swap3A_462 : vector<1x16xf32> to vector<16xf32>
      %swap3A_464 = vector.shape_cast %add3A_459 : vector<16xf32> to vector<1x16xf32>
      tpu.vector_store %arg25[%swap3A_460, %swap3A_461], %swap3A_464 {strides = array<i32>} : memref<40x128xf32, #tpu.memory_space<vmem>>, vector<1x16xf32>,
      %get3A_465 = arith.index_cast %scan3A_426 : i32 to index
      %get3A_466 = arith.constant 16 : index
      %get3A_467 = tpu.vector_load %arg21[%get3A_465, %get3A_466] {strides = array<i32>} : memref<40x128xi32, #tpu.memory_space<vmem>>, vector<1x16xi32>,
      %get3A_468 = vector.shape_cast %get3A_467 : vector<1x16xi32> to vector<16xi32>
      %get3A_469 = arith.index_cast %scan3A_426 : i32 to index
      %get3A_470 = arith.constant 16 : index
      %get3A_471 = tpu.vector_load %arg13[%get3A_469, %get3A_470] {strides = array<i32>} : memref<40x128xf32, #tpu.memory_space<vmem>>, vector<1x16xf32>,
      %get3A_472 = vector.shape_cast %get3A_471 : vector<1x16xf32> to vector<16xf32>
      %get3A_473 = arith.index_cast %scan3A_426 : i32 to index
      %get3A_474 = arith.constant 16 : index
      %get3A_475 = tpu.vector_load %arg15[%get3A_473, %get3A_474] {strides = array<i32>} : memref<40x128xf32, #tpu.memory_space<vmem>>, vector<1x16xf32>,
      %get3A_476 = vector.shape_cast %get3A_475 : vector<1x16xf32> to vector<16xf32>
      %add3A_477 = arith.addf %get3A_472, %get3A_476 : vector<16xf32>
      %shift_left3A_478 = arith.constant 16 : i32
      %shift_left3A_479 = vector.broadcast %shift_left3A_478 : i32 to vector<16xi32>
      %shift_left3A_480 = arith.shli %get3A_468, %shift_left3A_479 : vector<16xi32>
      %bitcast_convert_type3A_481 = tpu.bitcast %shift_left3A_480 : vector<16xi32> -> vector<16xf32>
      %add3A_482 = arith.addf %add3A_477, %bitcast_convert_type3A_481 : vector<16xf32>
      %swap3A_483 = arith.index_cast %scan3A_426 : i32 to index
      %swap3A_484 = arith.constant 16 : index
      %swap3A_485 = tpu.vector_load %arg23[%swap3A_483, %swap3A_484] {strides = array<i32>} : memref<40x128xf32, #tpu.memory_space<vmem>>, vector<1x16xf32>,
      %swap3A_486 = vector.shape_cast %swap3A_485 : vector<1x16xf32> to vector<16xf32>
      %swap3A_487 = vector.shape_cast %add3A_482 : vector<16xf32> to vector<1x16xf32>
      tpu.vector_store %arg23[%swap3A_483, %swap3A_484], %swap3A_487 {strides = array<i32>} : memref<40x128xf32, #tpu.memory_space<vmem>>, vector<1x16xf32>,
      %get3A_488 = arith.index_cast %scan3A_426 : i32 to index
      %get3A_489 = arith.constant 16 : index
      %get3A_490 = tpu.vector_load %arg17[%get3A_488, %get3A_489] {strides = array<i32>} : memref<40x128xf32, #tpu.memory_space<vmem>>, vector<1x16xf32>,
      %get3A_491 = vector.shape_cast %get3A_490 : vector<1x16xf32> to vector<16xf32>
      %get3A_492 = arith.index_cast %scan3A_426 : i32 to index
      %get3A_493 = arith.constant 16 : index
      %get3A_494 = tpu.vector_load %arg19[%get3A_492, %get3A_493] {strides = array<i32>} : memref<40x128xf32, #tpu.memory_space<vmem>>, vector<1x16xf32>,
      %get3A_495 = vector.shape_cast %get3A_494 : vector<1x16xf32> to vector<16xf32>
      %add3A_496 = arith.addf %get3A_491, %get3A_495 : vector<16xf32>
      %and3A_497 = arith.constant -65536 : i32
      %and3A_498 = vector.broadcast %and3A_497 : i32 to vector<16xi32>
      %and3A_499 = arith.andi %get3A_468, %and3A_498 : vector<16xi32>
      %bitcast_convert_type3A_500 = tpu.bitcast %and3A_499 : vector<16xi32> -> vector<16xf32>
      %add3A_501 = arith.addf %add3A_496, %bitcast_convert_type3A_500 : vector<16xf32>
      %swap3A_502 = arith.index_cast %scan3A_426 : i32 to index
      %swap3A_503 = arith.constant 16 : index
      %swap3A_504 = tpu.vector_load %arg25[%swap3A_502, %swap3A_503] {strides = array<i32>} : memref<40x128xf32, #tpu.memory_space<vmem>>, vector<1x16xf32>,
      %swap3A_505 = vector.shape_cast %swap3A_504 : vector<1x16xf32> to vector<16xf32>
      %swap3A_506 = vector.shape_cast %add3A_501 : vector<16xf32> to vector<1x16xf32>
      tpu.vector_store %arg25[%swap3A_502, %swap3A_503], %swap3A_506 {strides = array<i32>} : memref<40x128xf32, #tpu.memory_space<vmem>>, vector<1x16xf32>,
      %get3A_507 = arith.index_cast %scan3A_426 : i32 to index
      %get3A_508 = arith.constant 32 : index
      %get3A_509 = tpu.vector_load %arg21[%get3A_507, %get3A_508] {strides = array<i32>} : memref<40x128xi32, #tpu.memory_space<vmem>>, vector<1x16xi32>,
      %get3A_510 = vector.shape_cast %get3A_509 : vector<1x16xi32> to vector<16xi32>
      %get3A_511 = arith.index_cast %scan3A_426 : i32 to index
      %get3A_512 = arith.constant 32 : index
      %get3A_513 = tpu.vector_load %arg13[%get3A_511, %get3A_512] {strides = array<i32>} : memref<40x128xf32, #tpu.memory_space<vmem>>, vector<1x16xf32>,
      %get3A_514 = vector.shape_cast %get3A_513 : vector<1x16xf32> to vector<16xf32>
      %get3A_515 = arith.index_cast %scan3A_426 : i32 to index
      %get3A_516 = arith.constant 32 : index
      %get3A_517 = tpu.vector_load %arg15[%get3A_515, %get3A_516] {strides = array<i32>} : memref<40x128xf32, #tpu.memory_space<vmem>>, vector<1x16xf32>,
      %get3A_518 = vector.shape_cast %get3A_517 : vector<1x16xf32> to vector<16xf32>
      %add3A_519 = arith.addf %get3A_514, %get3A_518 : vector<16xf32>
      %shift_left3A_520 = arith.constant 16 : i32
      %shift_left3A_521 = vector.broadcast %shift_left3A_520 : i32 to vector<16xi32>
      %shift_left3A_522 = arith.shli %get3A_510, %shift_left3A_521 : vector<16xi32>
      %bitcast_convert_type3A_523 = tpu.bitcast %shift_left3A_522 : vector<16xi32> -> vector<16xf32>
      %add3A_524 = arith.addf %add3A_519, %bitcast_convert_type3A_523 : vector<16xf32>
      %swap3A_525 = arith.index_cast %scan3A_426 : i32 to index
      %swap3A_526 = arith.constant 32 : index
      %swap3A_527 = tpu.vector_load %arg23[%swap3A_525, %swap3A_526] {strides = array<i32>} : memref<40x128xf32, #tpu.memory_space<vmem>>, vector<1x16xf32>,
      %swap3A_528 = vector.shape_cast %swap3A_527 : vector<1x16xf32> to vector<16xf32>
      %swap3A_529 = vector.shape_cast %add3A_524 : vector<16xf32> to vector<1x16xf32>
      tpu.vector_store %arg23[%swap3A_525, %swap3A_526], %swap3A_529 {strides = array<i32>} : memref<40x128xf32, #tpu.memory_space<vmem>>, vector<1x16xf32>,
      %get3A_530 = arith.index_cast %scan3A_426 : i32 to index
      %get3A_531 = arith.constant 32 : index
      %get3A_532 = tpu.vector_load %arg17[%get3A_530, %get3A_531] {strides = array<i32>} : memref<40x128xf32, #tpu.memory_space<vmem>>, vector<1x16xf32>,
      %get3A_533 = vector.shape_cast %get3A_532 : vector<1x16xf32> to vector<16xf32>
      %get3A_534 = arith.index_cast %scan3A_426 : i32 to index
      %get3A_535 = arith.constant 32 : index
      %get3A_536 = tpu.vector_load %arg19[%get3A_534, %get3A_535] {strides = array<i32>} : memref<40x128xf32, #tpu.memory_space<vmem>>, vector<1x16xf32>,
      %get3A_537 = vector.shape_cast %get3A_536 : vector<1x16xf32> to vector<16xf32>
      %add3A_538 = arith.addf %get3A_533, %get3A_537 : vector<16xf32>
      %and3A_539 = arith.constant -65536 : i32
      %and3A_540 = vector.broadcast %and3A_539 : i32 to vector<16xi32>
      %and3A_541 = arith.andi %get3A_510, %and3A_540 : vector<16xi32>
      %bitcast_convert_type3A_542 = tpu.bitcast %and3A_541 : vector<16xi32> -> vector<16xf32>
      %add3A_543 = arith.addf %add3A_538, %bitcast_convert_type3A_542 : vector<16xf32>
      %swap3A_544 = arith.index_cast %scan3A_426 : i32 to index
      %swap3A_545 = arith.constant 32 : index
      %swap3A_546 = tpu.vector_load %arg25[%swap3A_544, %swap3A_545] {strides = array<i32>} : memref<40x128xf32, #tpu.memory_space<vmem>>, vector<1x16xf32>,
      %swap3A_547 = vector.shape_cast %swap3A_546 : vector<1x16xf32> to vector<16xf32>
      %swap3A_548 = vector.shape_cast %add3A_543 : vector<16xf32> to vector<1x16xf32>
      tpu.vector_store %arg25[%swap3A_544, %swap3A_545], %swap3A_548 {strides = array<i32>} : memref<40x128xf32, #tpu.memory_space<vmem>>, vector<1x16xf32>,
      %get3A_549 = arith.index_cast %scan3A_426 : i32 to index
      %get3A_550 = arith.constant 48 : index
      %get3A_551 = tpu.vector_load %arg21[%get3A_549, %get3A_550] {strides = array<i32>} : memref<40x128xi32, #tpu.memory_space<vmem>>, vector<1x16xi32>,
      %get3A_552 = vector.shape_cast %get3A_551 : vector<1x16xi32> to vector<16xi32>
      %get3A_553 = arith.index_cast %scan3A_426 : i32 to index
      %get3A_554 = arith.constant 48 : index
      %get3A_555 = tpu.vector_load %arg13[%get3A_553, %get3A_554] {strides = array<i32>} : memref<40x128xf32, #tpu.memory_space<vmem>>, vector<1x16xf32>,
      %get3A_556 = vector.shape_cast %get3A_555 : vector<1x16xf32> to vector<16xf32>
      %get3A_557 = arith.index_cast %scan3A_426 : i32 to index
      %get3A_558 = arith.constant 48 : index
      %get3A_559 = tpu.vector_load %arg15[%get3A_557, %get3A_558] {strides = array<i32>} : memref<40x128xf32, #tpu.memory_space<vmem>>, vector<1x16xf32>,
      %get3A_560 = vector.shape_cast %get3A_559 : vector<1x16xf32> to vector<16xf32>
      %add3A_561 = arith.addf %get3A_556, %get3A_560 : vector<16xf32>
      %shift_left3A_562 = arith.constant 16 : i32
      %shift_left3A_563 = vector.broadcast %shift_left3A_562 : i32 to vector<16xi32>
      %shift_left3A_564 = arith.shli %get3A_552, %shift_left3A_563 : vector<16xi32>
      %bitcast_convert_type3A_565 = tpu.bitcast %shift_left3A_564 : vector<16xi32> -> vector<16xf32>
      %add3A_566 = arith.addf %add3A_561, %bitcast_convert_type3A_565 : vector<16xf32>
      %swap3A_567 = arith.index_cast %scan3A_426 : i32 to index
      %swap3A_568 = arith.constant 48 : index
      %swap3A_569 = tpu.vector_load %arg23[%swap3A_567, %swap3A_568] {strides = array<i32>} : memref<40x128xf32, #tpu.memory_space<vmem>>, vector<1x16xf32>,
      %swap3A_570 = vector.shape_cast %swap3A_569 : vector<1x16xf32> to vector<16xf32>
      %swap3A_571 = vector.shape_cast %add3A_566 : vector<16xf32> to vector<1x16xf32>
      tpu.vector_store %arg23[%swap3A_567, %swap3A_568], %swap3A_571 {strides = array<i32>} : memref<40x128xf32, #tpu.memory_space<vmem>>, vector<1x16xf32>,
      %get3A_572 = arith.index_cast %scan3A_426 : i32 to index
      %get3A_573 = arith.constant 48 : index
      %get3A_574 = tpu.vector_load %arg17[%get3A_572, %get3A_573] {strides = array<i32>} : memref<40x128xf32, #tpu.memory_space<vmem>>, vector<1x16xf32>,
      %get3A_575 = vector.shape_cast %get3A_574 : vector<1x16xf32> to vector<16xf32>
      %get3A_576 = arith.index_cast %scan3A_426 : i32 to index
      %get3A_577 = arith.constant 48 : index
      %get3A_578 = tpu.vector_load %arg19[%get3A_576, %get3A_577] {strides = array<i32>} : memref<40x128xf32, #tpu.memory_space<vmem>>, vector<1x16xf32>,
      %get3A_579 = vector.shape_cast %get3A_578 : vector<1x16xf32> to vector<16xf32>
      %add3A_580 = arith.addf %get3A_575, %get3A_579 : vector<16xf32>
      %and3A_581 = arith.constant -65536 : i32
      %and3A_582 = vector.broadcast %and3A_581 : i32 to vector<16xi32>
      %and3A_583 = arith.andi %get3A_552, %and3A_582 : vector<16xi32>
      %bitcast_convert_type3A_584 = tpu.bitcast %and3A_583 : vector<16xi32> -> vector<16xf32>
      %add3A_585 = arith.addf %add3A_580, %bitcast_convert_type3A_584 : vector<16xf32>
      %swap3A_586 = arith.index_cast %scan3A_426 : i32 to index
      %swap3A_587 = arith.constant 48 : index
      %swap3A_588 = tpu.vector_load %arg25[%swap3A_586, %swap3A_587] {strides = array<i32>} : memref<40x128xf32, #tpu.memory_space<vmem>>, vector<1x16xf32>,
      %swap3A_589 = vector.shape_cast %swap3A_588 : vector<1x16xf32> to vector<16xf32>
      %swap3A_590 = vector.shape_cast %add3A_585 : vector<16xf32> to vector<1x16xf32>
      tpu.vector_store %arg25[%swap3A_586, %swap3A_587], %swap3A_590 {strides = array<i32>} : memref<40x128xf32, #tpu.memory_space<vmem>>, vector<1x16xf32>,
      %get3A_591 = arith.index_cast %scan3A_426 : i32 to index
      %get3A_592 = arith.constant 64 : index
      %get3A_593 = tpu.vector_load %arg21[%get3A_591, %get3A_592] {strides = array<i32>} : memref<40x128xi32, #tpu.memory_space<vmem>>, vector<1x16xi32>,
      %get3A_594 = vector.shape_cast %get3A_593 : vector<1x16xi32> to vector<16xi32>
      %get3A_595 = arith.index_cast %scan3A_426 : i32 to index
      %get3A_596 = arith.constant 64 : index
      %get3A_597 = tpu.vector_load %arg13[%get3A_595, %get3A_596] {strides = array<i32>} : memref<40x128xf32, #tpu.memory_space<vmem>>, vector<1x16xf32>,
      %get3A_598 = vector.shape_cast %get3A_597 : vector<1x16xf32> to vector<16xf32>
      %get3A_599 = arith.index_cast %scan3A_426 : i32 to index
      %get3A_600 = arith.constant 64 : index
      %get3A_601 = tpu.vector_load %arg15[%get3A_599, %get3A_600] {strides = array<i32>} : memref<40x128xf32, #tpu.memory_space<vmem>>, vector<1x16xf32>,
      %get3A_602 = vector.shape_cast %get3A_601 : vector<1x16xf32> to vector<16xf32>
      %add3A_603 = arith.addf %get3A_598, %get3A_602 : vector<16xf32>
      %shift_left3A_604 = arith.constant 16 : i32
      %shift_left3A_605 = vector.broadcast %shift_left3A_604 : i32 to vector<16xi32>
      %shift_left3A_606 = arith.shli %get3A_594, %shift_left3A_605 : vector<16xi32>
      %bitcast_convert_type3A_607 = tpu.bitcast %shift_left3A_606 : vector<16xi32> -> vector<16xf32>
      %add3A_608 = arith.addf %add3A_603, %bitcast_convert_type3A_607 : vector<16xf32>
      %swap3A_609 = arith.index_cast %scan3A_426 : i32 to index
      %swap3A_610 = arith.constant 64 : index
      %swap3A_611 = tpu.vector_load %arg23[%swap3A_609, %swap3A_610] {strides = array<i32>} : memref<40x128xf32, #tpu.memory_space<vmem>>, vector<1x16xf32>,
      %swap3A_612 = vector.shape_cast %swap3A_611 : vector<1x16xf32> to vector<16xf32>
      %swap3A_613 = vector.shape_cast %add3A_608 : vector<16xf32> to vector<1x16xf32>
      tpu.vector_store %arg23[%swap3A_609, %swap3A_610], %swap3A_613 {strides = array<i32>} : memref<40x128xf32, #tpu.memory_space<vmem>>, vector<1x16xf32>,
      %get3A_614 = arith.index_cast %scan3A_426 : i32 to index
      %get3A_615 = arith.constant 64 : index
      %get3A_616 = tpu.vector_load %arg17[%get3A_614, %get3A_615] {strides = array<i32>} : memref<40x128xf32, #tpu.memory_space<vmem>>, vector<1x16xf32>,
      %get3A_617 = vector.shape_cast %get3A_616 : vector<1x16xf32> to vector<16xf32>
      %get3A_618 = arith.index_cast %scan3A_426 : i32 to index
      %get3A_619 = arith.constant 64 : index
      %get3A_620 = tpu.vector_load %arg19[%get3A_618, %get3A_619] {strides = array<i32>} : memref<40x128xf32, #tpu.memory_space<vmem>>, vector<1x16xf32>,
      %get3A_621 = vector.shape_cast %get3A_620 : vector<1x16xf32> to vector<16xf32>
      %add3A_622 = arith.addf %get3A_617, %get3A_621 : vector<16xf32>
      %and3A_623 = arith.constant -65536 : i32
      %and3A_624 = vector.broadcast %and3A_623 : i32 to vector<16xi32>
      %and3A_625 = arith.andi %get3A_594, %and3A_624 : vector<16xi32>
      %bitcast_convert_type3A_626 = tpu.bitcast %and3A_625 : vector<16xi32> -> vector<16xf32>
      %add3A_627 = arith.addf %add3A_622, %bitcast_convert_type3A_626 : vector<16xf32>
      %swap3A_628 = arith.index_cast %scan3A_426 : i32 to index
      %swap3A_629 = arith.constant 64 : index
      %swap3A_630 = tpu.vector_load %arg25[%swap3A_628, %swap3A_629] {strides = array<i32>} : memref<40x128xf32, #tpu.memory_space<vmem>>, vector<1x16xf32>,
      %swap3A_631 = vector.shape_cast %swap3A_630 : vector<1x16xf32> to vector<16xf32>
      %swap3A_632 = vector.shape_cast %add3A_627 : vector<16xf32> to vector<1x16xf32>
      tpu.vector_store %arg25[%swap3A_628, %swap3A_629], %swap3A_632 {strides = array<i32>} : memref<40x128xf32, #tpu.memory_space<vmem>>, vector<1x16xf32>,
      %get3A_633 = arith.index_cast %scan3A_426 : i32 to index
      %get3A_634 = arith.constant 80 : index
      %get3A_635 = tpu.vector_load %arg21[%get3A_633, %get3A_634] {strides = array<i32>} : memref<40x128xi32, #tpu.memory_space<vmem>>, vector<1x16xi32>,
      %get3A_636 = vector.shape_cast %get3A_635 : vector<1x16xi32> to vector<16xi32>
      %get3A_637 = arith.index_cast %scan3A_426 : i32 to index
      %get3A_638 = arith.constant 80 : index
      %get3A_639 = tpu.vector_load %arg13[%get3A_637, %get3A_638] {strides = array<i32>} : memref<40x128xf32, #tpu.memory_space<vmem>>, vector<1x16xf32>,
      %get3A_640 = vector.shape_cast %get3A_639 : vector<1x16xf32> to vector<16xf32>
      %get3A_641 = arith.index_cast %scan3A_426 : i32 to index
      %get3A_642 = arith.constant 80 : index
      %get3A_643 = tpu.vector_load %arg15[%get3A_641, %get3A_642] {strides = array<i32>} : memref<40x128xf32, #tpu.memory_space<vmem>>, vector<1x16xf32>,
      %get3A_644 = vector.shape_cast %get3A_643 : vector<1x16xf32> to vector<16xf32>
      %add3A_645 = arith.addf %get3A_640, %get3A_644 : vector<16xf32>
      %shift_left3A_646 = arith.constant 16 : i32
      %shift_left3A_647 = vector.broadcast %shift_left3A_646 : i32 to vector<16xi32>
      %shift_left3A_648 = arith.shli %get3A_636, %shift_left3A_647 : vector<16xi32>
      %bitcast_convert_type3A_649 = tpu.bitcast %shift_left3A_648 : vector<16xi32> -> vector<16xf32>
      %add3A_650 = arith.addf %add3A_645, %bitcast_convert_type3A_649 : vector<16xf32>
      %swap3A_651 = arith.index_cast %scan3A_426 : i32 to index
      %swap3A_652 = arith.constant 80 : index
      %swap3A_653 = tpu.vector_load %arg23[%swap3A_651, %swap3A_652] {strides = array<i32>} : memref<40x128xf32, #tpu.memory_space<vmem>>, vector<1x16xf32>,
      %swap3A_654 = vector.shape_cast %swap3A_653 : vector<1x16xf32> to vector<16xf32>
      %swap3A_655 = vector.shape_cast %add3A_650 : vector<16xf32> to vector<1x16xf32>
      tpu.vector_store %arg23[%swap3A_651, %swap3A_652], %swap3A_655 {strides = array<i32>} : memref<40x128xf32, #tpu.memory_space<vmem>>, vector<1x16xf32>,
      %get3A_656 = arith.index_cast %scan3A_426 : i32 to index
      %get3A_657 = arith.constant 80 : index
      %get3A_658 = tpu.vector_load %arg17[%get3A_656, %get3A_657] {strides = array<i32>} : memref<40x128xf32, #tpu.memory_space<vmem>>, vector<1x16xf32>,
      %get3A_659 = vector.shape_cast %get3A_658 : vector<1x16xf32> to vector<16xf32>
      %get3A_660 = arith.index_cast %scan3A_426 : i32 to index
      %get3A_661 = arith.constant 80 : index
      %get3A_662 = tpu.vector_load %arg19[%get3A_660, %get3A_661] {strides = array<i32>} : memref<40x128xf32, #tpu.memory_space<vmem>>, vector<1x16xf32>,
      %get3A_663 = vector.shape_cast %get3A_662 : vector<1x16xf32> to vector<16xf32>
      %add3A_664 = arith.addf %get3A_659, %get3A_663 : vector<16xf32>
      %and3A_665 = arith.constant -65536 : i32
      %and3A_666 = vector.broadcast %and3A_665 : i32 to vector<16xi32>
      %and3A_667 = arith.andi %get3A_636, %and3A_666 : vector<16xi32>
      %bitcast_convert_type3A_668 = tpu.bitcast %and3A_667 : vector<16xi32> -> vector<16xf32>
      %add3A_669 = arith.addf %add3A_664, %bitcast_convert_type3A_668 : vector<16xf32>
      %swap3A_670 = arith.index_cast %scan3A_426 : i32 to index
      %swap3A_671 = arith.constant 80 : index
      %swap3A_672 = tpu.vector_load %arg25[%swap3A_670, %swap3A_671] {strides = array<i32>} : memref<40x128xf32, #tpu.memory_space<vmem>>, vector<1x16xf32>,
      %swap3A_673 = vector.shape_cast %swap3A_672 : vector<1x16xf32> to vector<16xf32>
      %swap3A_674 = vector.shape_cast %add3A_669 : vector<16xf32> to vector<1x16xf32>
      tpu.vector_store %arg25[%swap3A_670, %swap3A_671], %swap3A_674 {strides = array<i32>} : memref<40x128xf32, #tpu.memory_space<vmem>>, vector<1x16xf32>,
      %get3A_675 = arith.index_cast %scan3A_426 : i32 to index
      %get3A_676 = arith.constant 96 : index
      %get3A_677 = tpu.vector_load %arg21[%get3A_675, %get3A_676] {strides = array<i32>} : memref<40x128xi32, #tpu.memory_space<vmem>>, vector<1x16xi32>,
      %get3A_678 = vector.shape_cast %get3A_677 : vector<1x16xi32> to vector<16xi32>
      %get3A_679 = arith.index_cast %scan3A_426 : i32 to index
      %get3A_680 = arith.constant 96 : index
      %get3A_681 = tpu.vector_load %arg13[%get3A_679, %get3A_680] {strides = array<i32>} : memref<40x128xf32, #tpu.memory_space<vmem>>, vector<1x16xf32>,
      %get3A_682 = vector.shape_cast %get3A_681 : vector<1x16xf32> to vector<16xf32>
      %get3A_683 = arith.index_cast %scan3A_426 : i32 to index
      %get3A_684 = arith.constant 96 : index
      %get3A_685 = tpu.vector_load %arg15[%get3A_683, %get3A_684] {strides = array<i32>} : memref<40x128xf32, #tpu.memory_space<vmem>>, vector<1x16xf32>,
      %get3A_686 = vector.shape_cast %get3A_685 : vector<1x16xf32> to vector<16xf32>
      %add3A_687 = arith.addf %get3A_682, %get3A_686 : vector<16xf32>
      %shift_left3A_688 = arith.constant 16 : i32
      %shift_left3A_689 = vector.broadcast %shift_left3A_688 : i32 to vector<16xi32>
      %shift_left3A_690 = arith.shli %get3A_678, %shift_left3A_689 : vector<16xi32>
      %bitcast_convert_type3A_691 = tpu.bitcast %shift_left3A_690 : vector<16xi32> -> vector<16xf32>
      %add3A_692 = arith.addf %add3A_687, %bitcast_convert_type3A_691 : vector<16xf32>
      %swap3A_693 = arith.index_cast %scan3A_426 : i32 to index
      %swap3A_694 = arith.constant 96 : index
      %swap3A_695 = tpu.vector_load %arg23[%swap3A_693, %swap3A_694] {strides = array<i32>} : memref<40x128xf32, #tpu.memory_space<vmem>>, vector<1x16xf32>,
      %swap3A_696 = vector.shape_cast %swap3A_695 : vector<1x16xf32> to vector<16xf32>
      %swap3A_697 = vector.shape_cast %add3A_692 : vector<16xf32> to vector<1x16xf32>
      tpu.vector_store %arg23[%swap3A_693, %swap3A_694], %swap3A_697 {strides = array<i32>} : memref<40x128xf32, #tpu.memory_space<vmem>>, vector<1x16xf32>,
      %get3A_698 = arith.index_cast %scan3A_426 : i32 to index
      %get3A_699 = arith.constant 96 : index
      %get3A_700 = tpu.vector_load %arg17[%get3A_698, %get3A_699] {strides = array<i32>} : memref<40x128xf32, #tpu.memory_space<vmem>>, vector<1x16xf32>,
      %get3A_701 = vector.shape_cast %get3A_700 : vector<1x16xf32> to vector<16xf32>
      %get3A_702 = arith.index_cast %scan3A_426 : i32 to index
      %get3A_703 = arith.constant 96 : index
      %get3A_704 = tpu.vector_load %arg19[%get3A_702, %get3A_703] {strides = array<i32>} : memref<40x128xf32, #tpu.memory_space<vmem>>, vector<1x16xf32>,
      %get3A_705 = vector.shape_cast %get3A_704 : vector<1x16xf32> to vector<16xf32>
      %add3A_706 = arith.addf %get3A_701, %get3A_705 : vector<16xf32>
      %and3A_707 = arith.constant -65536 : i32
      %and3A_708 = vector.broadcast %and3A_707 : i32 to vector<16xi32>
      %and3A_709 = arith.andi %get3A_678, %and3A_708 : vector<16xi32>
      %bitcast_convert_type3A_710 = tpu.bitcast %and3A_709 : vector<16xi32> -> vector<16xf32>
      %add3A_711 = arith.addf %add3A_706, %bitcast_convert_type3A_710 : vector<16xf32>
      %swap3A_712 = arith.index_cast %scan3A_426 : i32 to index
      %swap3A_713 = arith.constant 96 : index
      %swap3A_714 = tpu.vector_load %arg25[%swap3A_712, %swap3A_713] {strides = array<i32>} : memref<40x128xf32, #tpu.memory_space<vmem>>, vector<1x16xf32>,
      %swap3A_715 = vector.shape_cast %swap3A_714 : vector<1x16xf32> to vector<16xf32>
      %swap3A_716 = vector.shape_cast %add3A_711 : vector<16xf32> to vector<1x16xf32>
      tpu.vector_store %arg25[%swap3A_712, %swap3A_713], %swap3A_716 {strides = array<i32>} : memref<40x128xf32, #tpu.memory_space<vmem>>, vector<1x16xf32>,
      %get3A_717 = arith.index_cast %scan3A_426 : i32 to index
      %get3A_718 = arith.constant 112 : index
      %get3A_719 = tpu.vector_load %arg21[%get3A_717, %get3A_718] {strides = array<i32>} : memref<40x128xi32, #tpu.memory_space<vmem>>, vector<1x16xi32>,
      %get3A_720 = vector.shape_cast %get3A_719 : vector<1x16xi32> to vector<16xi32>
      %get3A_721 = arith.index_cast %scan3A_426 : i32 to index
      %get3A_722 = arith.constant 112 : index
      %get3A_723 = tpu.vector_load %arg13[%get3A_721, %get3A_722] {strides = array<i32>} : memref<40x128xf32, #tpu.memory_space<vmem>>, vector<1x16xf32>,
      %get3A_724 = vector.shape_cast %get3A_723 : vector<1x16xf32> to vector<16xf32>
      %get3A_725 = arith.index_cast %scan3A_426 : i32 to index
      %get3A_726 = arith.constant 112 : index
      %get3A_727 = tpu.vector_load %arg15[%get3A_725, %get3A_726] {strides = array<i32>} : memref<40x128xf32, #tpu.memory_space<vmem>>, vector<1x16xf32>,
      %get3A_728 = vector.shape_cast %get3A_727 : vector<1x16xf32> to vector<16xf32>
      %add3A_729 = arith.addf %get3A_724, %get3A_728 : vector<16xf32>
      %shift_left3A_730 = arith.constant 16 : i32
      %shift_left3A_731 = vector.broadcast %shift_left3A_730 : i32 to vector<16xi32>
      %shift_left3A_732 = arith.shli %get3A_720, %shift_left3A_731 : vector<16xi32>
      %bitcast_convert_type3A_733 = tpu.bitcast %shift_left3A_732 : vector<16xi32> -> vector<16xf32>
      %add3A_734 = arith.addf %add3A_729, %bitcast_convert_type3A_733 : vector<16xf32>
      %swap3A_735 = arith.index_cast %scan3A_426 : i32 to index
      %swap3A_736 = arith.constant 112 : index
      %swap3A_737 = tpu.vector_load %arg23[%swap3A_735, %swap3A_736] {strides = array<i32>} : memref<40x128xf32, #tpu.memory_space<vmem>>, vector<1x16xf32>,
      %swap3A_738 = vector.shape_cast %swap3A_737 : vector<1x16xf32> to vector<16xf32>
      %swap3A_739 = vector.shape_cast %add3A_734 : vector<16xf32> to vector<1x16xf32>
      tpu.vector_store %arg23[%swap3A_735, %swap3A_736], %swap3A_739 {strides = array<i32>} : memref<40x128xf32, #tpu.memory_space<vmem>>, vector<1x16xf32>,
      %get3A_740 = arith.index_cast %scan3A_426 : i32 to index
      %get3A_741 = arith.constant 112 : index
      %get3A_742 = tpu.vector_load %arg17[%get3A_740, %get3A_741] {strides = array<i32>} : memref<40x128xf32, #tpu.memory_space<vmem>>, vector<1x16xf32>,
      %get3A_743 = vector.shape_cast %get3A_742 : vector<1x16xf32> to vector<16xf32>
      %get3A_744 = arith.index_cast %scan3A_426 : i32 to index
      %get3A_745 = arith.constant 112 : index
      %get3A_746 = tpu.vector_load %arg19[%get3A_744, %get3A_745] {strides = array<i32>} : memref<40x128xf32, #tpu.memory_space<vmem>>, vector<1x16xf32>,
      %get3A_747 = vector.shape_cast %get3A_746 : vector<1x16xf32> to vector<16xf32>
      %add3A_748 = arith.addf %get3A_743, %get3A_747 : vector<16xf32>
      %and3A_749 = arith.constant -65536 : i32
      %and3A_750 = vector.broadcast %and3A_749 : i32 to vector<16xi32>
      %and3A_751 = arith.andi %get3A_720, %and3A_750 : vector<16xi32>
      %bitcast_convert_type3A_752 = tpu.bitcast %and3A_751 : vector<16xi32> -> vector<16xf32>
      %add3A_753 = arith.addf %add3A_748, %bitcast_convert_type3A_752 : vector<16xf32>
      %swap3A_754 = arith.index_cast %scan3A_426 : i32 to index
      %swap3A_755 = arith.constant 112 : index
      %swap3A_756 = tpu.vector_load %arg25[%swap3A_754, %swap3A_755] {strides = array<i32>} : memref<40x128xf32, #tpu.memory_space<vmem>>, vector<1x16xf32>,
      %swap3A_757 = vector.shape_cast %swap3A_756 : vector<1x16xf32> to vector<16xf32>
      %swap3A_758 = vector.shape_cast %add3A_753 : vector<16xf32> to vector<1x16xf32>
      tpu.vector_store %arg25[%swap3A_754, %swap3A_755], %swap3A_758 {strides = array<i32>} : memref<40x128xf32, #tpu.memory_space<vmem>>, vector<1x16xf32>,
      %scan3A_759 = arith.constant 0 : i32
      scf.yield %scan3A_759 : i32
    }
    %scan3A_332 = arith.constant 40 : i32
    %add3A_333 = arith.constant 4920 : i32
    %add3A_334 = arith.addi %mul3A_2, %add3A_333 : i32
    %add3A_335 = arith.constant 160000 : i32
    %add3A_336 = arith.addi %add3A_335, %add3A_334 : i32
    %dma_start3A_337 = arith.constant 0 : i32
    %dma_start3A_338 = tpu.memref_slice %arg7[%add3A_334, %dma_start3A_337] : memref<320000x128xf32, #tpu.memory_space<hbm>> -> memref<40x128xf32, #tpu.memory_space<hbm>>
    %dma_start3A_339 = arith.constant 0 : i32
    %dma_start3A_340 = tpu.memref_slice %arg7[%add3A_334, %dma_start3A_339] : memref<320000x128xf32, #tpu.memory_space<hbm>> -> memref<40x128xf32, #tpu.memory_space<hbm>>
    tpu.enqueue_dma source(%arg23 : memref<40x128xf32, #tpu.memory_space<vmem>>) target(%dma_start3A_340 : memref<40x128xf32, #tpu.memory_space<hbm>>) target_semaphore(%arg31 : memref<!tpu.dma_semaphore, #tpu.memory_space<semaphore_mem>>)
    %dma_start3A_341 = arith.constant 0 : i32
    %dma_start3A_342 = tpu.memref_slice %arg7[%add3A_336, %dma_start3A_341] : memref<320000x128xf32, #tpu.memory_space<hbm>> -> memref<40x128xf32, #tpu.memory_space<hbm>>
    %dma_start3A_343 = arith.constant 0 : i32
    %dma_start3A_344 = tpu.memref_slice %arg7[%add3A_336, %dma_start3A_343] : memref<320000x128xf32, #tpu.memory_space<hbm>> -> memref<40x128xf32, #tpu.memory_space<hbm>>
    tpu.enqueue_dma source(%arg25 : memref<40x128xf32, #tpu.memory_space<vmem>>) target(%dma_start3A_344 : memref<40x128xf32, #tpu.memory_space<hbm>>) target_semaphore(%arg31 : memref<!tpu.dma_semaphore, #tpu.memory_space<semaphore_mem>>)
    %add3A_345 = arith.constant 4960 : i32
    %add3A_346 = arith.addi %mul3A_2, %add3A_345 : i32
    %dma_wait3A_347 = arith.constant 4960 : i32
    %dma_wait3A_348 = tpu.memref_slice %arg8[%dma_wait3A_347] : memref<5000xi32, #tpu.memory_space<vmem>> -> memref<40xi32, #tpu.memory_space<vmem>>
    %dma_wait3A_349 = arith.constant 0 : i32
    %dma_wait3A_350 = arith.constant 0 : i32
    %dma_wait3A_351 = tpu.memref_slice %arg2[%dma_wait3A_349, %dma_wait3A_350] : memref<10000x128xf32, #tpu.memory_space<hbm>> -> memref<10000x128xf32, #tpu.memory_space<hbm>>
    tpu.wait_indirect_dma semaphore(%arg26 : memref<!tpu.dma_semaphore, #tpu.memory_space<semaphore_mem>>) src(%dma_wait3A_351 : memref<10000x128xf32, #tpu.memory_space<hbm>>) dst(%arg12 : memref<40x128xf32, #tpu.memory_space<vmem>>)
    %dma_wait3A_352 = arith.constant 4960 : i32
    %dma_wait3A_353 = tpu.memref_slice %arg9[%dma_wait3A_352] : memref<5000xi32, #tpu.memory_space<vmem>> -> memref<40xi32, #tpu.memory_space<vmem>>
    %dma_wait3A_354 = arith.constant 0 : i32
    %dma_wait3A_355 = arith.constant 0 : i32
    %dma_wait3A_356 = tpu.memref_slice %arg3[%dma_wait3A_354, %dma_wait3A_355] : memref<10000x128xf32, #tpu.memory_space<hbm>> -> memref<10000x128xf32, #tpu.memory_space<hbm>>
    tpu.wait_indirect_dma semaphore(%arg26 : memref<!tpu.dma_semaphore, #tpu.memory_space<semaphore_mem>>) src(%dma_wait3A_356 : memref<10000x128xf32, #tpu.memory_space<hbm>>) dst(%arg14 : memref<40x128xf32, #tpu.memory_space<vmem>>)
    %dma_wait3A_357 = arith.constant 4960 : i32
    %dma_wait3A_358 = tpu.memref_slice %arg10[%dma_wait3A_357] : memref<5000xi32, #tpu.memory_space<vmem>> -> memref<40xi32, #tpu.memory_space<vmem>>
    %dma_wait3A_359 = arith.constant 0 : i32
    %dma_wait3A_360 = arith.constant 0 : i32
    %dma_wait3A_361 = tpu.memref_slice %arg2[%dma_wait3A_359, %dma_wait3A_360] : memref<10000x128xf32, #tpu.memory_space<hbm>> -> memref<10000x128xf32, #tpu.memory_space<hbm>>
    tpu.wait_indirect_dma semaphore(%arg26 : memref<!tpu.dma_semaphore, #tpu.memory_space<semaphore_mem>>) src(%dma_wait3A_361 : memref<10000x128xf32, #tpu.memory_space<hbm>>) dst(%arg16 : memref<40x128xf32, #tpu.memory_space<vmem>>)
    %dma_wait3A_362 = arith.constant 4960 : i32
    %dma_wait3A_363 = tpu.memref_slice %arg11[%dma_wait3A_362] : memref<5000xi32, #tpu.memory_space<vmem>> -> memref<40xi32, #tpu.memory_space<vmem>>
    %dma_wait3A_364 = arith.constant 0 : i32
    %dma_wait3A_365 = arith.constant 0 : i32
    %dma_wait3A_366 = tpu.memref_slice %arg3[%dma_wait3A_364, %dma_wait3A_365] : memref<10000x128xf32, #tpu.memory_space<hbm>> -> memref<10000x128xf32, #tpu.memory_space<hbm>>
    tpu.wait_indirect_dma semaphore(%arg26 : memref<!tpu.dma_semaphore, #tpu.memory_space<semaphore_mem>>) src(%dma_wait3A_366 : memref<10000x128xf32, #tpu.memory_space<hbm>>) dst(%arg18 : memref<40x128xf32, #tpu.memory_space<vmem>>)
    %dma_wait3A_367 = arith.constant 0 : i32
    %dma_wait3A_368 = tpu.memref_slice %arg6[%add3A_346, %dma_wait3A_367] : memref<160000x128xi32, #tpu.memory_space<hbm>> -> memref<40x128xi32, #tpu.memory_space<hbm>>
    %dma_wait3A_369 = arith.constant 0 : i32
    %dma_wait3A_370 = tpu.memref_slice %arg6[%add3A_346, %dma_wait3A_369] : memref<160000x128xi32, #tpu.memory_space<hbm>> -> memref<40x128xi32, #tpu.memory_space<hbm>>
    tpu.wait_dma2 semaphore(%arg28 : memref<!tpu.dma_semaphore, #tpu.memory_space<semaphore_mem>>) src(%dma_wait3A_370 : memref<40x128xi32, #tpu.memory_space<hbm>>) dst(%arg20 : memref<40x128xi32, #tpu.memory_space<vmem>>)
    %add3A_371 = arith.constant 4880 : i32
    %add3A_372 = arith.addi %mul3A_2, %add3A_371 : i32
    %add3A_373 = arith.constant 160000 : i32
    %add3A_374 = arith.addi %add3A_373, %add3A_372 : i32
    %dma_wait3A_375 = arith.constant 0 : i32
    %dma_wait3A_376 = tpu.memref_slice %arg7[%add3A_372, %dma_wait3A_375] : memref<320000x128xf32, #tpu.memory_space<hbm>> -> memref<40x128xf32, #tpu.memory_space<hbm>>
    %dma_wait3A_377 = arith.constant 0 : i32
    %dma_wait3A_378 = tpu.memref_slice %arg7[%add3A_372, %dma_wait3A_377] : memref<320000x128xf32, #tpu.memory_space<hbm>> -> memref<40x128xf32, #tpu.memory_space<hbm>>
    tpu.wait_dma2 semaphore(%arg30 : memref<!tpu.dma_semaphore, #tpu.memory_space<semaphore_mem>>) src(%arg22 : memref<40x128xf32, #tpu.memory_space<vmem>>) dst(%dma_wait3A_378 : memref<40x128xf32, #tpu.memory_space<hbm>>)
    %dma_wait3A_379 = arith.constant 0 : i32
    %dma_wait3A_380 = tpu.memref_slice %arg7[%add3A_374, %dma_wait3A_379] : memref<320000x128xf32, #tpu.memory_space<hbm>> -> memref<40x128xf32, #tpu.memory_space<hbm>>
    %dma_wait3A_381 = arith.constant 0 : i32
    %dma_wait3A_382 = tpu.memref_slice %arg7[%add3A_374, %dma_wait3A_381] : memref<320000x128xf32, #tpu.memory_space<hbm>> -> memref<40x128xf32, #tpu.memory_space<hbm>>
    tpu.wait_dma2 semaphore(%arg30 : memref<!tpu.dma_semaphore, #tpu.memory_space<semaphore_mem>>) src(%arg24 : memref<40x128xf32, #tpu.memory_space<vmem>>) dst(%dma_wait3A_382 : memref<40x128xf32, #tpu.memory_space<hbm>>)
    %scan3A_383 = arith.constant 0 : i32
    %scan3A_384 = arith.constant 0 : i32
    %scan3A_385 = arith.constant 40 : i32
    %scan3A_386 = arith.addi %scan3A_384, %scan3A_385 : i32
    %scan3A_387 = arith.constant 1 : i32
    %scan3A_388 = scf.for %scan3A_426 = %scan3A_384 to %scan3A_386 step %scan3A_387 iter_args(%scan3A_427 = %scan3A_383) -> (i32)  : i32 {
      %get3A = arith.index_cast %scan3A_426 : i32 to index
      %get3A_428 = arith.constant 0 : index
      %get3A_429 = tpu.vector_load %arg20[%get3A, %get3A_428] {strides = array<i32>} : memref<40x128xi32, #tpu.memory_space<vmem>>, vector<1x16xi32>,
      %get3A_430 = vector.shape_cast %get3A_429 : vector<1x16xi32> to vector<16xi32>
      %get3A_431 = arith.index_cast %scan3A_426 : i32 to index
      %get3A_432 = arith.constant 0 : index
      %get3A_433 = tpu.vector_load %arg12[%get3A_431, %get3A_432] {strides = array<i32>} : memref<40x128xf32, #tpu.memory_space<vmem>>, vector<1x16xf32>,
      %get3A_434 = vector.shape_cast %get3A_433 : vector<1x16xf32> to vector<16xf32>
      %get3A_435 = arith.index_cast %scan3A_426 : i32 to index
      %get3A_436 = arith.constant 0 : index
      %get3A_437 = tpu.vector_load %arg14[%get3A_435, %get3A_436] {strides = array<i32>} : memref<40x128xf32, #tpu.memory_space<vmem>>, vector<1x16xf32>,
      %get3A_438 = vector.shape_cast %get3A_437 : vector<1x16xf32> to vector<16xf32>
      %add3A_439 = arith.addf %get3A_434, %get3A_438 : vector<16xf32>
      %shift_left3A = arith.constant 16 : i32
      %shift_left3A_440 = vector.broadcast %shift_left3A : i32 to vector<16xi32>
      %shift_left3A_441 = arith.shli %get3A_430, %shift_left3A_440 : vector<16xi32>
      %bitcast_convert_type3A = tpu.bitcast %shift_left3A_441 : vector<16xi32> -> vector<16xf32>
      %add3A_442 = arith.addf %add3A_439, %bitcast_convert_type3A : vector<16xf32>
      %swap3A = arith.index_cast %scan3A_426 : i32 to index
      %swap3A_443 = arith.constant 0 : index
      %swap3A_444 = tpu.vector_load %arg22[%swap3A, %swap3A_443] {strides = array<i32>} : memref<40x128xf32, #tpu.memory_space<vmem>>, vector<1x16xf32>,
      %swap3A_445 = vector.shape_cast %swap3A_444 : vector<1x16xf32> to vector<16xf32>
      %swap3A_446 = vector.shape_cast %add3A_442 : vector<16xf32> to vector<1x16xf32>
      tpu.vector_store %arg22[%swap3A, %swap3A_443], %swap3A_446 {strides = array<i32>} : memref<40x128xf32, #tpu.memory_space<vmem>>, vector<1x16xf32>,
      %get3A_447 = arith.index_cast %scan3A_426 : i32 to index
      %get3A_448 = arith.constant 0 : index
      %get3A_449 = tpu.vector_load %arg16[%get3A_447, %get3A_448] {strides = array<i32>} : memref<40x128xf32, #tpu.memory_space<vmem>>, vector<1x16xf32>,
      %get3A_450 = vector.shape_cast %get3A_449 : vector<1x16xf32> to vector<16xf32>
      %get3A_451 = arith.index_cast %scan3A_426 : i32 to index
      %get3A_452 = arith.constant 0 : index
      %get3A_453 = tpu.vector_load %arg18[%get3A_451, %get3A_452] {strides = array<i32>} : memref<40x128xf32, #tpu.memory_space<vmem>>, vector<1x16xf32>,
      %get3A_454 = vector.shape_cast %get3A_453 : vector<1x16xf32> to vector<16xf32>
      %add3A_455 = arith.addf %get3A_450, %get3A_454 : vector<16xf32>
      %and3A = arith.constant -65536 : i32
      %and3A_456 = vector.broadcast %and3A : i32 to vector<16xi32>
      %and3A_457 = arith.andi %get3A_430, %and3A_456 : vector<16xi32>
      %bitcast_convert_type3A_458 = tpu.bitcast %and3A_457 : vector<16xi32> -> vector<16xf32>
      %add3A_459 = arith.addf %add3A_455, %bitcast_convert_type3A_458 : vector<16xf32>
      %swap3A_460 = arith.index_cast %scan3A_426 : i32 to index
      %swap3A_461 = arith.constant 0 : index
      %swap3A_462 = tpu.vector_load %arg24[%swap3A_460, %swap3A_461] {strides = array<i32>} : memref<40x128xf32, #tpu.memory_space<vmem>>, vector<1x16xf32>,
      %swap3A_463 = vector.shape_cast %swap3A_462 : vector<1x16xf32> to vector<16xf32>
      %swap3A_464 = vector.shape_cast %add3A_459 : vector<16xf32> to vector<1x16xf32>
      tpu.vector_store %arg24[%swap3A_460, %swap3A_461], %swap3A_464 {strides = array<i32>} : memref<40x128xf32, #tpu.memory_space<vmem>>, vector<1x16xf32>,
      %get3A_465 = arith.index_cast %scan3A_426 : i32 to index
      %get3A_466 = arith.constant 16 : index
      %get3A_467 = tpu.vector_load %arg20[%get3A_465, %get3A_466] {strides = array<i32>} : memref<40x128xi32, #tpu.memory_space<vmem>>, vector<1x16xi32>,
      %get3A_468 = vector.shape_cast %get3A_467 : vector<1x16xi32> to vector<16xi32>
      %get3A_469 = arith.index_cast %scan3A_426 : i32 to index
      %get3A_470 = arith.constant 16 : index
      %get3A_471 = tpu.vector_load %arg12[%get3A_469, %get3A_470] {strides = array<i32>} : memref<40x128xf32, #tpu.memory_space<vmem>>, vector<1x16xf32>,
      %get3A_472 = vector.shape_cast %get3A_471 : vector<1x16xf32> to vector<16xf32>
      %get3A_473 = arith.index_cast %scan3A_426 : i32 to index
      %get3A_474 = arith.constant 16 : index
      %get3A_475 = tpu.vector_load %arg14[%get3A_473, %get3A_474] {strides = array<i32>} : memref<40x128xf32, #tpu.memory_space<vmem>>, vector<1x16xf32>,
      %get3A_476 = vector.shape_cast %get3A_475 : vector<1x16xf32> to vector<16xf32>
      %add3A_477 = arith.addf %get3A_472, %get3A_476 : vector<16xf32>
      %shift_left3A_478 = arith.constant 16 : i32
      %shift_left3A_479 = vector.broadcast %shift_left3A_478 : i32 to vector<16xi32>
      %shift_left3A_480 = arith.shli %get3A_468, %shift_left3A_479 : vector<16xi32>
      %bitcast_convert_type3A_481 = tpu.bitcast %shift_left3A_480 : vector<16xi32> -> vector<16xf32>
      %add3A_482 = arith.addf %add3A_477, %bitcast_convert_type3A_481 : vector<16xf32>
      %swap3A_483 = arith.index_cast %scan3A_426 : i32 to index
      %swap3A_484 = arith.constant 16 : index
      %swap3A_485 = tpu.vector_load %arg22[%swap3A_483, %swap3A_484] {strides = array<i32>} : memref<40x128xf32, #tpu.memory_space<vmem>>, vector<1x16xf32>,
      %swap3A_486 = vector.shape_cast %swap3A_485 : vector<1x16xf32> to vector<16xf32>
      %swap3A_487 = vector.shape_cast %add3A_482 : vector<16xf32> to vector<1x16xf32>
      tpu.vector_store %arg22[%swap3A_483, %swap3A_484], %swap3A_487 {strides = array<i32>} : memref<40x128xf32, #tpu.memory_space<vmem>>, vector<1x16xf32>,
      %get3A_488 = arith.index_cast %scan3A_426 : i32 to index
      %get3A_489 = arith.constant 16 : index
      %get3A_490 = tpu.vector_load %arg16[%get3A_488, %get3A_489] {strides = array<i32>} : memref<40x128xf32, #tpu.memory_space<vmem>>, vector<1x16xf32>,
      %get3A_491 = vector.shape_cast %get3A_490 : vector<1x16xf32> to vector<16xf32>
      %get3A_492 = arith.index_cast %scan3A_426 : i32 to index
      %get3A_493 = arith.constant 16 : index
      %get3A_494 = tpu.vector_load %arg18[%get3A_492, %get3A_493] {strides = array<i32>} : memref<40x128xf32, #tpu.memory_space<vmem>>, vector<1x16xf32>,
      %get3A_495 = vector.shape_cast %get3A_494 : vector<1x16xf32> to vector<16xf32>
      %add3A_496 = arith.addf %get3A_491, %get3A_495 : vector<16xf32>
      %and3A_497 = arith.constant -65536 : i32
      %and3A_498 = vector.broadcast %and3A_497 : i32 to vector<16xi32>
      %and3A_499 = arith.andi %get3A_468, %and3A_498 : vector<16xi32>
      %bitcast_convert_type3A_500 = tpu.bitcast %and3A_499 : vector<16xi32> -> vector<16xf32>
      %add3A_501 = arith.addf %add3A_496, %bitcast_convert_type3A_500 : vector<16xf32>
      %swap3A_502 = arith.index_cast %scan3A_426 : i32 to index
      %swap3A_503 = arith.constant 16 : index
      %swap3A_504 = tpu.vector_load %arg24[%swap3A_502, %swap3A_503] {strides = array<i32>} : memref<40x128xf32, #tpu.memory_space<vmem>>, vector<1x16xf32>,
      %swap3A_505 = vector.shape_cast %swap3A_504 : vector<1x16xf32> to vector<16xf32>
      %swap3A_506 = vector.shape_cast %add3A_501 : vector<16xf32> to vector<1x16xf32>
      tpu.vector_store %arg24[%swap3A_502, %swap3A_503], %swap3A_506 {strides = array<i32>} : memref<40x128xf32, #tpu.memory_space<vmem>>, vector<1x16xf32>,
      %get3A_507 = arith.index_cast %scan3A_426 : i32 to index
      %get3A_508 = arith.constant 32 : index
      %get3A_509 = tpu.vector_load %arg20[%get3A_507, %get3A_508] {strides = array<i32>} : memref<40x128xi32, #tpu.memory_space<vmem>>, vector<1x16xi32>,
      %get3A_510 = vector.shape_cast %get3A_509 : vector<1x16xi32> to vector<16xi32>
      %get3A_511 = arith.index_cast %scan3A_426 : i32 to index
      %get3A_512 = arith.constant 32 : index
      %get3A_513 = tpu.vector_load %arg12[%get3A_511, %get3A_512] {strides = array<i32>} : memref<40x128xf32, #tpu.memory_space<vmem>>, vector<1x16xf32>,
      %get3A_514 = vector.shape_cast %get3A_513 : vector<1x16xf32> to vector<16xf32>
      %get3A_515 = arith.index_cast %scan3A_426 : i32 to index
      %get3A_516 = arith.constant 32 : index
      %get3A_517 = tpu.vector_load %arg14[%get3A_515, %get3A_516] {strides = array<i32>} : memref<40x128xf32, #tpu.memory_space<vmem>>, vector<1x16xf32>,
      %get3A_518 = vector.shape_cast %get3A_517 : vector<1x16xf32> to vector<16xf32>
      %add3A_519 = arith.addf %get3A_514, %get3A_518 : vector<16xf32>
      %shift_left3A_520 = arith.constant 16 : i32
      %shift_left3A_521 = vector.broadcast %shift_left3A_520 : i32 to vector<16xi32>
      %shift_left3A_522 = arith.shli %get3A_510, %shift_left3A_521 : vector<16xi32>
      %bitcast_convert_type3A_523 = tpu.bitcast %shift_left3A_522 : vector<16xi32> -> vector<16xf32>
      %add3A_524 = arith.addf %add3A_519, %bitcast_convert_type3A_523 : vector<16xf32>
      %swap3A_525 = arith.index_cast %scan3A_426 : i32 to index
      %swap3A_526 = arith.constant 32 : index
      %swap3A_527 = tpu.vector_load %arg22[%swap3A_525, %swap3A_526] {strides = array<i32>} : memref<40x128xf32, #tpu.memory_space<vmem>>, vector<1x16xf32>,
      %swap3A_528 = vector.shape_cast %swap3A_527 : vector<1x16xf32> to vector<16xf32>
      %swap3A_529 = vector.shape_cast %add3A_524 : vector<16xf32> to vector<1x16xf32>
      tpu.vector_store %arg22[%swap3A_525, %swap3A_526], %swap3A_529 {strides = array<i32>} : memref<40x128xf32, #tpu.memory_space<vmem>>, vector<1x16xf32>,
      %get3A_530 = arith.index_cast %scan3A_426 : i32 to index
      %get3A_531 = arith.constant 32 : index
      %get3A_532 = tpu.vector_load %arg16[%get3A_530, %get3A_531] {strides = array<i32>} : memref<40x128xf32, #tpu.memory_space<vmem>>, vector<1x16xf32>,
      %get3A_533 = vector.shape_cast %get3A_532 : vector<1x16xf32> to vector<16xf32>
      %get3A_534 = arith.index_cast %scan3A_426 : i32 to index
      %get3A_535 = arith.constant 32 : index
      %get3A_536 = tpu.vector_load %arg18[%get3A_534, %get3A_535] {strides = array<i32>} : memref<40x128xf32, #tpu.memory_space<vmem>>, vector<1x16xf32>,
      %get3A_537 = vector.shape_cast %get3A_536 : vector<1x16xf32> to vector<16xf32>
      %add3A_538 = arith.addf %get3A_533, %get3A_537 : vector<16xf32>
      %and3A_539 = arith.constant -65536 : i32
      %and3A_540 = vector.broadcast %and3A_539 : i32 to vector<16xi32>
      %and3A_541 = arith.andi %get3A_510, %and3A_540 : vector<16xi32>
      %bitcast_convert_type3A_542 = tpu.bitcast %and3A_541 : vector<16xi32> -> vector<16xf32>
      %add3A_543 = arith.addf %add3A_538, %bitcast_convert_type3A_542 : vector<16xf32>
      %swap3A_544 = arith.index_cast %scan3A_426 : i32 to index
      %swap3A_545 = arith.constant 32 : index
      %swap3A_546 = tpu.vector_load %arg24[%swap3A_544, %swap3A_545] {strides = array<i32>} : memref<40x128xf32, #tpu.memory_space<vmem>>, vector<1x16xf32>,
      %swap3A_547 = vector.shape_cast %swap3A_546 : vector<1x16xf32> to vector<16xf32>
      %swap3A_548 = vector.shape_cast %add3A_543 : vector<16xf32> to vector<1x16xf32>
      tpu.vector_store %arg24[%swap3A_544, %swap3A_545], %swap3A_548 {strides = array<i32>} : memref<40x128xf32, #tpu.memory_space<vmem>>, vector<1x16xf32>,
      %get3A_549 = arith.index_cast %scan3A_426 : i32 to index
      %get3A_550 = arith.constant 48 : index
      %get3A_551 = tpu.vector_load %arg20[%get3A_549, %get3A_550] {strides = array<i32>} : memref<40x128xi32, #tpu.memory_space<vmem>>, vector<1x16xi32>,
      %get3A_552 = vector.shape_cast %get3A_551 : vector<1x16xi32> to vector<16xi32>
      %get3A_553 = arith.index_cast %scan3A_426 : i32 to index
      %get3A_554 = arith.constant 48 : index
      %get3A_555 = tpu.vector_load %arg12[%get3A_553, %get3A_554] {strides = array<i32>} : memref<40x128xf32, #tpu.memory_space<vmem>>, vector<1x16xf32>,
      %get3A_556 = vector.shape_cast %get3A_555 : vector<1x16xf32> to vector<16xf32>
      %get3A_557 = arith.index_cast %scan3A_426 : i32 to index
      %get3A_558 = arith.constant 48 : index
      %get3A_559 = tpu.vector_load %arg14[%get3A_557, %get3A_558] {strides = array<i32>} : memref<40x128xf32, #tpu.memory_space<vmem>>, vector<1x16xf32>,
      %get3A_560 = vector.shape_cast %get3A_559 : vector<1x16xf32> to vector<16xf32>
      %add3A_561 = arith.addf %get3A_556, %get3A_560 : vector<16xf32>
      %shift_left3A_562 = arith.constant 16 : i32
      %shift_left3A_563 = vector.broadcast %shift_left3A_562 : i32 to vector<16xi32>
      %shift_left3A_564 = arith.shli %get3A_552, %shift_left3A_563 : vector<16xi32>
      %bitcast_convert_type3A_565 = tpu.bitcast %shift_left3A_564 : vector<16xi32> -> vector<16xf32>
      %add3A_566 = arith.addf %add3A_561, %bitcast_convert_type3A_565 : vector<16xf32>
      %swap3A_567 = arith.index_cast %scan3A_426 : i32 to index
      %swap3A_568 = arith.constant 48 : index
      %swap3A_569 = tpu.vector_load %arg22[%swap3A_567, %swap3A_568] {strides = array<i32>} : memref<40x128xf32, #tpu.memory_space<vmem>>, vector<1x16xf32>,
      %swap3A_570 = vector.shape_cast %swap3A_569 : vector<1x16xf32> to vector<16xf32>
      %swap3A_571 = vector.shape_cast %add3A_566 : vector<16xf32> to vector<1x16xf32>
      tpu.vector_store %arg22[%swap3A_567, %swap3A_568], %swap3A_571 {strides = array<i32>} : memref<40x128xf32, #tpu.memory_space<vmem>>, vector<1x16xf32>,
      %get3A_572 = arith.index_cast %scan3A_426 : i32 to index
      %get3A_573 = arith.constant 48 : index
      %get3A_574 = tpu.vector_load %arg16[%get3A_572, %get3A_573] {strides = array<i32>} : memref<40x128xf32, #tpu.memory_space<vmem>>, vector<1x16xf32>,
      %get3A_575 = vector.shape_cast %get3A_574 : vector<1x16xf32> to vector<16xf32>
      %get3A_576 = arith.index_cast %scan3A_426 : i32 to index
      %get3A_577 = arith.constant 48 : index
      %get3A_578 = tpu.vector_load %arg18[%get3A_576, %get3A_577] {strides = array<i32>} : memref<40x128xf32, #tpu.memory_space<vmem>>, vector<1x16xf32>,
      %get3A_579 = vector.shape_cast %get3A_578 : vector<1x16xf32> to vector<16xf32>
      %add3A_580 = arith.addf %get3A_575, %get3A_579 : vector<16xf32>
      %and3A_581 = arith.constant -65536 : i32
      %and3A_582 = vector.broadcast %and3A_581 : i32 to vector<16xi32>
      %and3A_583 = arith.andi %get3A_552, %and3A_582 : vector<16xi32>
      %bitcast_convert_type3A_584 = tpu.bitcast %and3A_583 : vector<16xi32> -> vector<16xf32>
      %add3A_585 = arith.addf %add3A_580, %bitcast_convert_type3A_584 : vector<16xf32>
      %swap3A_586 = arith.index_cast %scan3A_426 : i32 to index
      %swap3A_587 = arith.constant 48 : index
      %swap3A_588 = tpu.vector_load %arg24[%swap3A_586, %swap3A_587] {strides = array<i32>} : memref<40x128xf32, #tpu.memory_space<vmem>>, vector<1x16xf32>,
      %swap3A_589 = vector.shape_cast %swap3A_588 : vector<1x16xf32> to vector<16xf32>
      %swap3A_590 = vector.shape_cast %add3A_585 : vector<16xf32> to vector<1x16xf32>
      tpu.vector_store %arg24[%swap3A_586, %swap3A_587], %swap3A_590 {strides = array<i32>} : memref<40x128xf32, #tpu.memory_space<vmem>>, vector<1x16xf32>,
      %get3A_591 = arith.index_cast %scan3A_426 : i32 to index
      %get3A_592 = arith.constant 64 : index
      %get3A_593 = tpu.vector_load %arg20[%get3A_591, %get3A_592] {strides = array<i32>} : memref<40x128xi32, #tpu.memory_space<vmem>>, vector<1x16xi32>,
      %get3A_594 = vector.shape_cast %get3A_593 : vector<1x16xi32> to vector<16xi32>
      %get3A_595 = arith.index_cast %scan3A_426 : i32 to index
      %get3A_596 = arith.constant 64 : index
      %get3A_597 = tpu.vector_load %arg12[%get3A_595, %get3A_596] {strides = array<i32>} : memref<40x128xf32, #tpu.memory_space<vmem>>, vector<1x16xf32>,
      %get3A_598 = vector.shape_cast %get3A_597 : vector<1x16xf32> to vector<16xf32>
      %get3A_599 = arith.index_cast %scan3A_426 : i32 to index
      %get3A_600 = arith.constant 64 : index
      %get3A_601 = tpu.vector_load %arg14[%get3A_599, %get3A_600] {strides = array<i32>} : memref<40x128xf32, #tpu.memory_space<vmem>>, vector<1x16xf32>,
      %get3A_602 = vector.shape_cast %get3A_601 : vector<1x16xf32> to vector<16xf32>
      %add3A_603 = arith.addf %get3A_598, %get3A_602 : vector<16xf32>
      %shift_left3A_604 = arith.constant 16 : i32
      %shift_left3A_605 = vector.broadcast %shift_left3A_604 : i32 to vector<16xi32>
      %shift_left3A_606 = arith.shli %get3A_594, %shift_left3A_605 : vector<16xi32>
      %bitcast_convert_type3A_607 = tpu.bitcast %shift_left3A_606 : vector<16xi32> -> vector<16xf32>
      %add3A_608 = arith.addf %add3A_603, %bitcast_convert_type3A_607 : vector<16xf32>
      %swap3A_609 = arith.index_cast %scan3A_426 : i32 to index
      %swap3A_610 = arith.constant 64 : index
      %swap3A_611 = tpu.vector_load %arg22[%swap3A_609, %swap3A_610] {strides = array<i32>} : memref<40x128xf32, #tpu.memory_space<vmem>>, vector<1x16xf32>,
      %swap3A_612 = vector.shape_cast %swap3A_611 : vector<1x16xf32> to vector<16xf32>
      %swap3A_613 = vector.shape_cast %add3A_608 : vector<16xf32> to vector<1x16xf32>
      tpu.vector_store %arg22[%swap3A_609, %swap3A_610], %swap3A_613 {strides = array<i32>} : memref<40x128xf32, #tpu.memory_space<vmem>>, vector<1x16xf32>,
      %get3A_614 = arith.index_cast %scan3A_426 : i32 to index
      %get3A_615 = arith.constant 64 : index
      %get3A_616 = tpu.vector_load %arg16[%get3A_614, %get3A_615] {strides = array<i32>} : memref<40x128xf32, #tpu.memory_space<vmem>>, vector<1x16xf32>,
      %get3A_617 = vector.shape_cast %get3A_616 : vector<1x16xf32> to vector<16xf32>
      %get3A_618 = arith.index_cast %scan3A_426 : i32 to index
      %get3A_619 = arith.constant 64 : index
      %get3A_620 = tpu.vector_load %arg18[%get3A_618, %get3A_619] {strides = array<i32>} : memref<40x128xf32, #tpu.memory_space<vmem>>, vector<1x16xf32>,
      %get3A_621 = vector.shape_cast %get3A_620 : vector<1x16xf32> to vector<16xf32>
      %add3A_622 = arith.addf %get3A_617, %get3A_621 : vector<16xf32>
      %and3A_623 = arith.constant -65536 : i32
      %and3A_624 = vector.broadcast %and3A_623 : i32 to vector<16xi32>
      %and3A_625 = arith.andi %get3A_594, %and3A_624 : vector<16xi32>
      %bitcast_convert_type3A_626 = tpu.bitcast %and3A_625 : vector<16xi32> -> vector<16xf32>
      %add3A_627 = arith.addf %add3A_622, %bitcast_convert_type3A_626 : vector<16xf32>
      %swap3A_628 = arith.index_cast %scan3A_426 : i32 to index
      %swap3A_629 = arith.constant 64 : index
      %swap3A_630 = tpu.vector_load %arg24[%swap3A_628, %swap3A_629] {strides = array<i32>} : memref<40x128xf32, #tpu.memory_space<vmem>>, vector<1x16xf32>,
      %swap3A_631 = vector.shape_cast %swap3A_630 : vector<1x16xf32> to vector<16xf32>
      %swap3A_632 = vector.shape_cast %add3A_627 : vector<16xf32> to vector<1x16xf32>
      tpu.vector_store %arg24[%swap3A_628, %swap3A_629], %swap3A_632 {strides = array<i32>} : memref<40x128xf32, #tpu.memory_space<vmem>>, vector<1x16xf32>,
      %get3A_633 = arith.index_cast %scan3A_426 : i32 to index
      %get3A_634 = arith.constant 80 : index
      %get3A_635 = tpu.vector_load %arg20[%get3A_633, %get3A_634] {strides = array<i32>} : memref<40x128xi32, #tpu.memory_space<vmem>>, vector<1x16xi32>,
      %get3A_636 = vector.shape_cast %get3A_635 : vector<1x16xi32> to vector<16xi32>
      %get3A_637 = arith.index_cast %scan3A_426 : i32 to index
      %get3A_638 = arith.constant 80 : index
      %get3A_639 = tpu.vector_load %arg12[%get3A_637, %get3A_638] {strides = array<i32>} : memref<40x128xf32, #tpu.memory_space<vmem>>, vector<1x16xf32>,
      %get3A_640 = vector.shape_cast %get3A_639 : vector<1x16xf32> to vector<16xf32>
      %get3A_641 = arith.index_cast %scan3A_426 : i32 to index
      %get3A_642 = arith.constant 80 : index
      %get3A_643 = tpu.vector_load %arg14[%get3A_641, %get3A_642] {strides = array<i32>} : memref<40x128xf32, #tpu.memory_space<vmem>>, vector<1x16xf32>,
      %get3A_644 = vector.shape_cast %get3A_643 : vector<1x16xf32> to vector<16xf32>
      %add3A_645 = arith.addf %get3A_640, %get3A_644 : vector<16xf32>
      %shift_left3A_646 = arith.constant 16 : i32
      %shift_left3A_647 = vector.broadcast %shift_left3A_646 : i32 to vector<16xi32>
      %shift_left3A_648 = arith.shli %get3A_636, %shift_left3A_647 : vector<16xi32>
      %bitcast_convert_type3A_649 = tpu.bitcast %shift_left3A_648 : vector<16xi32> -> vector<16xf32>
      %add3A_650 = arith.addf %add3A_645, %bitcast_convert_type3A_649 : vector<16xf32>
      %swap3A_651 = arith.index_cast %scan3A_426 : i32 to index
      %swap3A_652 = arith.constant 80 : index
      %swap3A_653 = tpu.vector_load %arg22[%swap3A_651, %swap3A_652] {strides = array<i32>} : memref<40x128xf32, #tpu.memory_space<vmem>>, vector<1x16xf32>,
      %swap3A_654 = vector.shape_cast %swap3A_653 : vector<1x16xf32> to vector<16xf32>
      %swap3A_655 = vector.shape_cast %add3A_650 : vector<16xf32> to vector<1x16xf32>
      tpu.vector_store %arg22[%swap3A_651, %swap3A_652], %swap3A_655 {strides = array<i32>} : memref<40x128xf32, #tpu.memory_space<vmem>>, vector<1x16xf32>,
      %get3A_656 = arith.index_cast %scan3A_426 : i32 to index
      %get3A_657 = arith.constant 80 : index
      %get3A_658 = tpu.vector_load %arg16[%get3A_656, %get3A_657] {strides = array<i32>} : memref<40x128xf32, #tpu.memory_space<vmem>>, vector<1x16xf32>,
      %get3A_659 = vector.shape_cast %get3A_658 : vector<1x16xf32> to vector<16xf32>
      %get3A_660 = arith.index_cast %scan3A_426 : i32 to index
      %get3A_661 = arith.constant 80 : index
      %get3A_662 = tpu.vector_load %arg18[%get3A_660, %get3A_661] {strides = array<i32>} : memref<40x128xf32, #tpu.memory_space<vmem>>, vector<1x16xf32>,
      %get3A_663 = vector.shape_cast %get3A_662 : vector<1x16xf32> to vector<16xf32>
      %add3A_664 = arith.addf %get3A_659, %get3A_663 : vector<16xf32>
      %and3A_665 = arith.constant -65536 : i32
      %and3A_666 = vector.broadcast %and3A_665 : i32 to vector<16xi32>
      %and3A_667 = arith.andi %get3A_636, %and3A_666 : vector<16xi32>
      %bitcast_convert_type3A_668 = tpu.bitcast %and3A_667 : vector<16xi32> -> vector<16xf32>
      %add3A_669 = arith.addf %add3A_664, %bitcast_convert_type3A_668 : vector<16xf32>
      %swap3A_670 = arith.index_cast %scan3A_426 : i32 to index
      %swap3A_671 = arith.constant 80 : index
      %swap3A_672 = tpu.vector_load %arg24[%swap3A_670, %swap3A_671] {strides = array<i32>} : memref<40x128xf32, #tpu.memory_space<vmem>>, vector<1x16xf32>,
      %swap3A_673 = vector.shape_cast %swap3A_672 : vector<1x16xf32> to vector<16xf32>
      %swap3A_674 = vector.shape_cast %add3A_669 : vector<16xf32> to vector<1x16xf32>
      tpu.vector_store %arg24[%swap3A_670, %swap3A_671], %swap3A_674 {strides = array<i32>} : memref<40x128xf32, #tpu.memory_space<vmem>>, vector<1x16xf32>,
      %get3A_675 = arith.index_cast %scan3A_426 : i32 to index
      %get3A_676 = arith.constant 96 : index
      %get3A_677 = tpu.vector_load %arg20[%get3A_675, %get3A_676] {strides = array<i32>} : memref<40x128xi32, #tpu.memory_space<vmem>>, vector<1x16xi32>,
      %get3A_678 = vector.shape_cast %get3A_677 : vector<1x16xi32> to vector<16xi32>
      %get3A_679 = arith.index_cast %scan3A_426 : i32 to index
      %get3A_680 = arith.constant 96 : index
      %get3A_681 = tpu.vector_load %arg12[%get3A_679, %get3A_680] {strides = array<i32>} : memref<40x128xf32, #tpu.memory_space<vmem>>, vector<1x16xf32>,
      %get3A_682 = vector.shape_cast %get3A_681 : vector<1x16xf32> to vector<16xf32>
      %get3A_683 = arith.index_cast %scan3A_426 : i32 to index
      %get3A_684 = arith.constant 96 : index
      %get3A_685 = tpu.vector_load %arg14[%get3A_683, %get3A_684] {strides = array<i32>} : memref<40x128xf32, #tpu.memory_space<vmem>>, vector<1x16xf32>,
      %get3A_686 = vector.shape_cast %get3A_685 : vector<1x16xf32> to vector<16xf32>
      %add3A_687 = arith.addf %get3A_682, %get3A_686 : vector<16xf32>
      %shift_left3A_688 = arith.constant 16 : i32
      %shift_left3A_689 = vector.broadcast %shift_left3A_688 : i32 to vector<16xi32>
      %shift_left3A_690 = arith.shli %get3A_678, %shift_left3A_689 : vector<16xi32>
      %bitcast_convert_type3A_691 = tpu.bitcast %shift_left3A_690 : vector<16xi32> -> vector<16xf32>
      %add3A_692 = arith.addf %add3A_687, %bitcast_convert_type3A_691 : vector<16xf32>
      %swap3A_693 = arith.index_cast %scan3A_426 : i32 to index
      %swap3A_694 = arith.constant 96 : index
      %swap3A_695 = tpu.vector_load %arg22[%swap3A_693, %swap3A_694] {strides = array<i32>} : memref<40x128xf32, #tpu.memory_space<vmem>>, vector<1x16xf32>,
      %swap3A_696 = vector.shape_cast %swap3A_695 : vector<1x16xf32> to vector<16xf32>
      %swap3A_697 = vector.shape_cast %add3A_692 : vector<16xf32> to vector<1x16xf32>
      tpu.vector_store %arg22[%swap3A_693, %swap3A_694], %swap3A_697 {strides = array<i32>} : memref<40x128xf32, #tpu.memory_space<vmem>>, vector<1x16xf32>,
      %get3A_698 = arith.index_cast %scan3A_426 : i32 to index
      %get3A_699 = arith.constant 96 : index
      %get3A_700 = tpu.vector_load %arg16[%get3A_698, %get3A_699] {strides = array<i32>} : memref<40x128xf32, #tpu.memory_space<vmem>>, vector<1x16xf32>,
      %get3A_701 = vector.shape_cast %get3A_700 : vector<1x16xf32> to vector<16xf32>
      %get3A_702 = arith.index_cast %scan3A_426 : i32 to index
      %get3A_703 = arith.constant 96 : index
      %get3A_704 = tpu.vector_load %arg18[%get3A_702, %get3A_703] {strides = array<i32>} : memref<40x128xf32, #tpu.memory_space<vmem>>, vector<1x16xf32>,
      %get3A_705 = vector.shape_cast %get3A_704 : vector<1x16xf32> to vector<16xf32>
      %add3A_706 = arith.addf %get3A_701, %get3A_705 : vector<16xf32>
      %and3A_707 = arith.constant -65536 : i32
      %and3A_708 = vector.broadcast %and3A_707 : i32 to vector<16xi32>
      %and3A_709 = arith.andi %get3A_678, %and3A_708 : vector<16xi32>
      %bitcast_convert_type3A_710 = tpu.bitcast %and3A_709 : vector<16xi32> -> vector<16xf32>
      %add3A_711 = arith.addf %add3A_706, %bitcast_convert_type3A_710 : vector<16xf32>
      %swap3A_712 = arith.index_cast %scan3A_426 : i32 to index
      %swap3A_713 = arith.constant 96 : index
      %swap3A_714 = tpu.vector_load %arg24[%swap3A_712, %swap3A_713] {strides = array<i32>} : memref<40x128xf32, #tpu.memory_space<vmem>>, vector<1x16xf32>,
      %swap3A_715 = vector.shape_cast %swap3A_714 : vector<1x16xf32> to vector<16xf32>
      %swap3A_716 = vector.shape_cast %add3A_711 : vector<16xf32> to vector<1x16xf32>
      tpu.vector_store %arg24[%swap3A_712, %swap3A_713], %swap3A_716 {strides = array<i32>} : memref<40x128xf32, #tpu.memory_space<vmem>>, vector<1x16xf32>,
      %get3A_717 = arith.index_cast %scan3A_426 : i32 to index
      %get3A_718 = arith.constant 112 : index
      %get3A_719 = tpu.vector_load %arg20[%get3A_717, %get3A_718] {strides = array<i32>} : memref<40x128xi32, #tpu.memory_space<vmem>>, vector<1x16xi32>,
      %get3A_720 = vector.shape_cast %get3A_719 : vector<1x16xi32> to vector<16xi32>
      %get3A_721 = arith.index_cast %scan3A_426 : i32 to index
      %get3A_722 = arith.constant 112 : index
      %get3A_723 = tpu.vector_load %arg12[%get3A_721, %get3A_722] {strides = array<i32>} : memref<40x128xf32, #tpu.memory_space<vmem>>, vector<1x16xf32>,
      %get3A_724 = vector.shape_cast %get3A_723 : vector<1x16xf32> to vector<16xf32>
      %get3A_725 = arith.index_cast %scan3A_426 : i32 to index
      %get3A_726 = arith.constant 112 : index
      %get3A_727 = tpu.vector_load %arg14[%get3A_725, %get3A_726] {strides = array<i32>} : memref<40x128xf32, #tpu.memory_space<vmem>>, vector<1x16xf32>,
      %get3A_728 = vector.shape_cast %get3A_727 : vector<1x16xf32> to vector<16xf32>
      %add3A_729 = arith.addf %get3A_724, %get3A_728 : vector<16xf32>
      %shift_left3A_730 = arith.constant 16 : i32
      %shift_left3A_731 = vector.broadcast %shift_left3A_730 : i32 to vector<16xi32>
      %shift_left3A_732 = arith.shli %get3A_720, %shift_left3A_731 : vector<16xi32>
      %bitcast_convert_type3A_733 = tpu.bitcast %shift_left3A_732 : vector<16xi32> -> vector<16xf32>
      %add3A_734 = arith.addf %add3A_729, %bitcast_convert_type3A_733 : vector<16xf32>
      %swap3A_735 = arith.index_cast %scan3A_426 : i32 to index
      %swap3A_736 = arith.constant 112 : index
      %swap3A_737 = tpu.vector_load %arg22[%swap3A_735, %swap3A_736] {strides = array<i32>} : memref<40x128xf32, #tpu.memory_space<vmem>>, vector<1x16xf32>,
      %swap3A_738 = vector.shape_cast %swap3A_737 : vector<1x16xf32> to vector<16xf32>
      %swap3A_739 = vector.shape_cast %add3A_734 : vector<16xf32> to vector<1x16xf32>
      tpu.vector_store %arg22[%swap3A_735, %swap3A_736], %swap3A_739 {strides = array<i32>} : memref<40x128xf32, #tpu.memory_space<vmem>>, vector<1x16xf32>,
      %get3A_740 = arith.index_cast %scan3A_426 : i32 to index
      %get3A_741 = arith.constant 112 : index
      %get3A_742 = tpu.vector_load %arg16[%get3A_740, %get3A_741] {strides = array<i32>} : memref<40x128xf32, #tpu.memory_space<vmem>>, vector<1x16xf32>,
      %get3A_743 = vector.shape_cast %get3A_742 : vector<1x16xf32> to vector<16xf32>
      %get3A_744 = arith.index_cast %scan3A_426 : i32 to index
      %get3A_745 = arith.constant 112 : index
      %get3A_746 = tpu.vector_load %arg18[%get3A_744, %get3A_745] {strides = array<i32>} : memref<40x128xf32, #tpu.memory_space<vmem>>, vector<1x16xf32>,
      %get3A_747 = vector.shape_cast %get3A_746 : vector<1x16xf32> to vector<16xf32>
      %add3A_748 = arith.addf %get3A_743, %get3A_747 : vector<16xf32>
      %and3A_749 = arith.constant -65536 : i32
      %and3A_750 = vector.broadcast %and3A_749 : i32 to vector<16xi32>
      %and3A_751 = arith.andi %get3A_720, %and3A_750 : vector<16xi32>
      %bitcast_convert_type3A_752 = tpu.bitcast %and3A_751 : vector<16xi32> -> vector<16xf32>
      %add3A_753 = arith.addf %add3A_748, %bitcast_convert_type3A_752 : vector<16xf32>
      %swap3A_754 = arith.index_cast %scan3A_426 : i32 to index
      %swap3A_755 = arith.constant 112 : index
      %swap3A_756 = tpu.vector_load %arg24[%swap3A_754, %swap3A_755] {strides = array<i32>} : memref<40x128xf32, #tpu.memory_space<vmem>>, vector<1x16xf32>,
      %swap3A_757 = vector.shape_cast %swap3A_756 : vector<1x16xf32> to vector<16xf32>
      %swap3A_758 = vector.shape_cast %add3A_753 : vector<16xf32> to vector<1x16xf32>
      tpu.vector_store %arg24[%swap3A_754, %swap3A_755], %swap3A_758 {strides = array<i32>} : memref<40x128xf32, #tpu.memory_space<vmem>>, vector<1x16xf32>,
      %scan3A_759 = arith.constant 0 : i32
      scf.yield %scan3A_759 : i32
    }
    %scan3A_389 = arith.constant 40 : i32
    %add3A_390 = arith.constant 4960 : i32
    %add3A_391 = arith.addi %mul3A_2, %add3A_390 : i32
    %add3A_392 = arith.constant 160000 : i32
    %add3A_393 = arith.addi %add3A_392, %add3A_391 : i32
    %dma_start3A_394 = arith.constant 0 : i32
    %dma_start3A_395 = tpu.memref_slice %arg7[%add3A_391, %dma_start3A_394] : memref<320000x128xf32, #tpu.memory_space<hbm>> -> memref<40x128xf32, #tpu.memory_space<hbm>>
    %dma_start3A_396 = arith.constant 0 : i32
    %dma_start3A_397 = tpu.memref_slice %arg7[%add3A_391, %dma_start3A_396] : memref<320000x128xf32, #tpu.memory_space<hbm>> -> memref<40x128xf32, #tpu.memory_space<hbm>>
    tpu.enqueue_dma source(%arg22 : memref<40x128xf32, #tpu.memory_space<vmem>>) target(%dma_start3A_397 : memref<40x128xf32, #tpu.memory_space<hbm>>) target_semaphore(%arg30 : memref<!tpu.dma_semaphore, #tpu.memory_space<semaphore_mem>>)
    %dma_start3A_398 = arith.constant 0 : i32
    %dma_start3A_399 = tpu.memref_slice %arg7[%add3A_393, %dma_start3A_398] : memref<320000x128xf32, #tpu.memory_space<hbm>> -> memref<40x128xf32, #tpu.memory_space<hbm>>
    %dma_start3A_400 = arith.constant 0 : i32
    %dma_start3A_401 = tpu.memref_slice %arg7[%add3A_393, %dma_start3A_400] : memref<320000x128xf32, #tpu.memory_space<hbm>> -> memref<40x128xf32, #tpu.memory_space<hbm>>
    tpu.enqueue_dma source(%arg24 : memref<40x128xf32, #tpu.memory_space<vmem>>) target(%dma_start3A_401 : memref<40x128xf32, #tpu.memory_space<hbm>>) target_semaphore(%arg30 : memref<!tpu.dma_semaphore, #tpu.memory_space<semaphore_mem>>)
    %add3A_402 = arith.constant 4920 : i32
    %add3A_403 = arith.addi %mul3A_2, %add3A_402 : i32
    %add3A_404 = arith.constant 160000 : i32
    %add3A_405 = arith.addi %add3A_404, %add3A_403 : i32
    %dma_wait3A_406 = arith.constant 0 : i32
    %dma_wait3A_407 = tpu.memref_slice %arg7[%add3A_403, %dma_wait3A_406] : memref<320000x128xf32, #tpu.memory_space<hbm>> -> memref<40x128xf32, #tpu.memory_space<hbm>>
    %dma_wait3A_408 = arith.constant 0 : i32
    %dma_wait3A_409 = tpu.memref_slice %arg7[%add3A_403, %dma_wait3A_408] : memref<320000x128xf32, #tpu.memory_space<hbm>> -> memref<40x128xf32, #tpu.memory_space<hbm>>
    tpu.wait_dma2 semaphore(%arg31 : memref<!tpu.dma_semaphore, #tpu.memory_space<semaphore_mem>>) src(%arg23 : memref<40x128xf32, #tpu.memory_space<vmem>>) dst(%dma_wait3A_409 : memref<40x128xf32, #tpu.memory_space<hbm>>)
    %dma_wait3A_410 = arith.constant 0 : i32
    %dma_wait3A_411 = tpu.memref_slice %arg7[%add3A_405, %dma_wait3A_410] : memref<320000x128xf32, #tpu.memory_space<hbm>> -> memref<40x128xf32, #tpu.memory_space<hbm>>
    %dma_wait3A_412 = arith.constant 0 : i32
    %dma_wait3A_413 = tpu.memref_slice %arg7[%add3A_405, %dma_wait3A_412] : memref<320000x128xf32, #tpu.memory_space<hbm>> -> memref<40x128xf32, #tpu.memory_space<hbm>>
    tpu.wait_dma2 semaphore(%arg31 : memref<!tpu.dma_semaphore, #tpu.memory_space<semaphore_mem>>) src(%arg25 : memref<40x128xf32, #tpu.memory_space<vmem>>) dst(%dma_wait3A_413 : memref<40x128xf32, #tpu.memory_space<hbm>>)
    %add3A_414 = arith.constant 4960 : i32
    %add3A_415 = arith.addi %mul3A_2, %add3A_414 : i32
    %add3A_416 = arith.constant 160000 : i32
    %add3A_417 = arith.addi %add3A_416, %add3A_415 : i32
    %dma_wait3A_418 = arith.constant 0 : i32
    %dma_wait3A_419 = tpu.memref_slice %arg7[%add3A_415, %dma_wait3A_418] : memref<320000x128xf32, #tpu.memory_space<hbm>> -> memref<40x128xf32, #tpu.memory_space<hbm>>
    %dma_wait3A_420 = arith.constant 0 : i32
    %dma_wait3A_421 = tpu.memref_slice %arg7[%add3A_415, %dma_wait3A_420] : memref<320000x128xf32, #tpu.memory_space<hbm>> -> memref<40x128xf32, #tpu.memory_space<hbm>>
    tpu.wait_dma2 semaphore(%arg30 : memref<!tpu.dma_semaphore, #tpu.memory_space<semaphore_mem>>) src(%arg22 : memref<40x128xf32, #tpu.memory_space<vmem>>) dst(%dma_wait3A_421 : memref<40x128xf32, #tpu.memory_space<hbm>>)
    %dma_wait3A_422 = arith.constant 0 : i32
    %dma_wait3A_423 = tpu.memref_slice %arg7[%add3A_417, %dma_wait3A_422] : memref<320000x128xf32, #tpu.memory_space<hbm>> -> memref<40x128xf32, #tpu.memory_space<hbm>>
    %dma_wait3A_424 = arith.constant 0 : i32
    %dma_wait3A_425 = tpu.memref_slice %arg7[%add3A_417, %dma_wait3A_424] : memref<320000x128xf32, #tpu.memory_space<hbm>> -> memref<40x128xf32, #tpu.memory_space<hbm>>
    tpu.wait_dma2 semaphore(%arg30 : memref<!tpu.dma_semaphore, #tpu.memory_space<semaphore_mem>>) src(%arg24 : memref<40x128xf32, #tpu.memory_space<vmem>>) dst(%dma_wait3A_425 : memref<40x128xf32, #tpu.memory_space<hbm>>)
    return
  }
}

module attributes {stable_mosaic.version = 14 : i64} {
  func.func @_tc_body(%arg0: i32, %arg1: memref<10000x128xf32, #tpu.memory_space<vmem>>, %arg2: memref<128x128xf32, #tpu.memory_space<vmem>>, %arg3: memref<128x128xf32, #tpu.memory_space<vmem>>, %arg4: memref<1x128xf32, #tpu.memory_space<vmem>>, %arg5: memref<8000x16xf32, #tpu.memory_space<vmem>>, %arg6: memref<8000x16xf32, #tpu.memory_space<vmem>>, %arg7: memref<16x128xf32, #tpu.memory_space<vmem>>, %arg8: memref<10000x128xf32, #tpu.memory_space<vmem>>, %arg9: memref<10000x128xf32, #tpu.memory_space<vmem>>, %arg10: memref<8000x128xi32, #tpu.memory_space<vmem>>) attributes {dimension_semantics = [#tpu.dimension_semantics<arbitrary>], iteration_bounds = array<i64: 20>, scalar_prefetch = 0 : i64, scratch_operands = 0 : i64, tpu.core_type = #tpu.core_type<tc>, window_params = [{pipeline_mode = #tpu.pipeline_mode<synchronous>, transform_indices = @transform_0, window_bounds = array<i64: 10000, 128>}, {pipeline_mode = #tpu.pipeline_mode<synchronous>, transform_indices = @transform_1, window_bounds = array<i64: 128, 128>}, {pipeline_mode = #tpu.pipeline_mode<synchronous>, transform_indices = @transform_2, window_bounds = array<i64: 128, 128>}, {pipeline_mode = #tpu.pipeline_mode<synchronous>, transform_indices = @transform_3, window_bounds = array<i64: 1, 128>}, {transform_indices = @transform_4, window_bounds = array<i64: 8000, 16>}, {transform_indices = @transform_5, window_bounds = array<i64: 8000, 16>}, {pipeline_mode = #tpu.pipeline_mode<synchronous>, transform_indices = @transform_6, window_bounds = array<i64: 16, 128>}, {pipeline_mode = #tpu.pipeline_mode<synchronous>, transform_indices = @transform_7, window_bounds = array<i64: 10000, 128>}, {pipeline_mode = #tpu.pipeline_mode<synchronous>, transform_indices = @transform_8, window_bounds = array<i64: 10000, 128>}, {transform_indices = @transform_9, window_bounds = array<i64: 8000, 128>}]} {
    %eq3A = arith.constant 0 : i32
    %eq3A_0 = arith.cmpi eq, %arg0, %eq3A : i32
    %convert_element_type3A = arith.extui %eq3A_0 : i1 to i32
    %cond3A = arith.constant 0 : i32
    %cond3A_1 = arith.cmpi ne, %convert_element_type3A, %cond3A : i32
    scf.if %cond3A_1 {
      %get3A_25 = arith.constant 0 : index
      %get3A_26 = arith.constant 0 : index
      %get3A_27 = vector.load %arg1[%get3A_25, %get3A_26] : memref<10000x128xf32, #tpu.memory_space<vmem>>, vector<10000x128xf32>
      %get3A_28 = arith.constant 0 : index
      %get3A_29 = arith.constant 0 : index
      %get3A_30 = vector.load %arg2[%get3A_28, %get3A_29] : memref<128x128xf32, #tpu.memory_space<vmem>>, vector<128x128xf32>
      %dot_general3A_31 = arith.constant dense<0.000000e+00> : vector<10000x128xf32>
      %dot_general3A_32 = tpu.matmul %get3A_27, %get3A_30, %dot_general3A_31 {dimension_numbers = #tpu.dot_dimension_numbers<[1], [0], [0], [1], [0, 0, 1, 1], [], []>, transpose_lhs_hint = false} : vector<10000x128xf32>, vector<128x128xf32>, vector<10000x128xf32> -> vector<10000x128xf32>
      %get3A_33 = arith.constant 0 : index
      %get3A_34 = arith.constant 0 : index
      %get3A_35 = vector.load %arg4[%get3A_33, %get3A_34] : memref<1x128xf32, #tpu.memory_space<vmem>>, vector<1x128xf32>
      %add3A_36 = vector.broadcast %get3A_35 : vector<1x128xf32> to vector<10000x128xf32>
      %add3A_37 = arith.addf %dot_general3A_32, %add3A_36 : vector<10000x128xf32>
      %swap3A_38 = arith.constant 0 : index
      %swap3A_39 = arith.constant 0 : index
      %swap3A_40 = vector.load %arg8[%swap3A_38, %swap3A_39] : memref<10000x128xf32, #tpu.memory_space<vmem>>, vector<10000x128xf32>
      tpu.vector_store %arg8[%swap3A_38, %swap3A_39], %add3A_37 {strides = array<i32>} : memref<10000x128xf32, #tpu.memory_space<vmem>>, vector<10000x128xf32>,
      %get3A_41 = arith.constant 0 : index
      %get3A_42 = arith.constant 0 : index
      %get3A_43 = vector.load %arg3[%get3A_41, %get3A_42] : memref<128x128xf32, #tpu.memory_space<vmem>>, vector<128x128xf32>
      %dot_general3A_44 = arith.constant dense<0.000000e+00> : vector<10000x128xf32>
      %dot_general3A_45 = tpu.matmul %get3A_27, %get3A_43, %dot_general3A_44 {dimension_numbers = #tpu.dot_dimension_numbers<[1], [0], [0], [1], [0, 0, 1, 1], [], []>, transpose_lhs_hint = false} : vector<10000x128xf32>, vector<128x128xf32>, vector<10000x128xf32> -> vector<10000x128xf32>
      %swap3A_46 = arith.constant 0 : index
      %swap3A_47 = arith.constant 0 : index
      %swap3A_48 = vector.load %arg9[%swap3A_46, %swap3A_47] : memref<10000x128xf32, #tpu.memory_space<vmem>>, vector<10000x128xf32>
      tpu.vector_store %arg9[%swap3A_46, %swap3A_47], %dot_general3A_45 {strides = array<i32>} : memref<10000x128xf32, #tpu.memory_space<vmem>>, vector<10000x128xf32>,
    } else {
    }
    %get3A = arith.constant 0 : index
    %get3A_2 = arith.constant 0 : index
    %get3A_3 = vector.load %arg7[%get3A, %get3A_2] : memref<16x128xf32, #tpu.memory_space<vmem>>, vector<16x128xf32>
    %get3A_4 = arith.constant 0 : index
    %get3A_5 = arith.constant 0 : index
    %get3A_6 = vector.load %arg5[%get3A_4, %get3A_5] : memref<8000x16xf32, #tpu.memory_space<vmem>>, vector<8000x16xf32>
    %dot_general3A = arith.constant dense<0.000000e+00> : vector<8000x128xf32>
    %dot_general3A_7 = tpu.matmul %get3A_6, %get3A_3, %dot_general3A {dimension_numbers = #tpu.dot_dimension_numbers<[1], [0], [0], [1], [0, 0, 1, 1], [], []>, transpose_lhs_hint = false} : vector<8000x16xf32>, vector<16x128xf32>, vector<8000x128xf32> -> vector<8000x128xf32>
    %get3A_8 = arith.constant 0 : index
    %get3A_9 = arith.constant 0 : index
    %get3A_10 = vector.load %arg6[%get3A_8, %get3A_9] : memref<8000x16xf32, #tpu.memory_space<vmem>>, vector<8000x16xf32>
    %dot_general3A_11 = arith.constant dense<0.000000e+00> : vector<8000x128xf32>
    %dot_general3A_12 = tpu.matmul %get3A_10, %get3A_3, %dot_general3A_11 {dimension_numbers = #tpu.dot_dimension_numbers<[1], [0], [0], [1], [0, 0, 1, 1], [], []>, transpose_lhs_hint = false} : vector<8000x16xf32>, vector<16x128xf32>, vector<8000x128xf32> -> vector<8000x128xf32>
    %bitcast_convert_type3A = tpu.bitcast %dot_general3A_7 : vector<8000x128xf32> -> vector<8000x128xi32>
    %add3A = arith.constant 32768 : i32
    %add3A_13 = vector.broadcast %add3A : i32 to vector<8000x128xi32>
    %add3A_14 = arith.addi %bitcast_convert_type3A, %add3A_13 : vector<8000x128xi32>
    %bitcast_convert_type3A_15 = tpu.bitcast %dot_general3A_12 : vector<8000x128xf32> -> vector<8000x128xi32>
    %add3A_16 = arith.constant 32768 : i32
    %add3A_17 = vector.broadcast %add3A_16 : i32 to vector<8000x128xi32>
    %add3A_18 = arith.addi %bitcast_convert_type3A_15, %add3A_17 : vector<8000x128xi32>
    %shift_right_logical3A = arith.constant 16 : i32
    %shift_right_logical3A_19 = vector.broadcast %shift_right_logical3A : i32 to vector<8000x128xi32>
    %shift_right_logical3A_20 = arith.shrui %add3A_14, %shift_right_logical3A_19 : vector<8000x128xi32>
    %and3A = arith.constant -65536 : i32
    %and3A_21 = vector.broadcast %and3A : i32 to vector<8000x128xi32>
    %and3A_22 = arith.andi %add3A_18, %and3A_21 : vector<8000x128xi32>
    %or3A = arith.ori %shift_right_logical3A_20, %and3A_22 : vector<8000x128xi32>
    %swap3A = arith.constant 0 : index
    %swap3A_23 = arith.constant 0 : index
    %swap3A_24 = vector.load %arg10[%swap3A, %swap3A_23] : memref<8000x128xi32, #tpu.memory_space<vmem>>, vector<8000x128xi32>
    tpu.vector_store %arg10[%swap3A, %swap3A_23], %or3A {strides = array<i32>} : memref<8000x128xi32, #tpu.memory_space<vmem>>, vector<8000x128xi32>,
    return
  }
  func.func @transform_0(%arg0: i32) -> (i32, i32) {
    %c0_i32 = arith.constant 0 : i32
    %c0_i32_0 = arith.constant 0 : i32
    %c0_i32_1 = arith.constant 0 : i32
    return %c0_i32, %c0_i32_0 : i32, i32
  }
  func.func @transform_1(%arg0: i32) -> (i32, i32) {
    %c0_i32 = arith.constant 0 : i32
    %c0_i32_0 = arith.constant 0 : i32
    %c0_i32_1 = arith.constant 0 : i32
    return %c0_i32, %c0_i32_0 : i32, i32
  }
  func.func @transform_2(%arg0: i32) -> (i32, i32) {
    %c0_i32 = arith.constant 0 : i32
    %c0_i32_0 = arith.constant 0 : i32
    %c0_i32_1 = arith.constant 0 : i32
    return %c0_i32, %c0_i32_0 : i32, i32
  }
  func.func @transform_3(%arg0: i32) -> (i32, i32) {
    %c0_i32 = arith.constant 0 : i32
    %c0_i32_0 = arith.constant 0 : i32
    %c0_i32_1 = arith.constant 0 : i32
    return %c0_i32, %c0_i32_0 : i32, i32
  }
  func.func @transform_4(%arg0: i32) -> (i32, i32) {
    %c0_i32 = arith.constant 0 : i32
    %c0_i32_0 = arith.constant 0 : i32
    return %arg0, %c0_i32 : i32, i32
  }
  func.func @transform_5(%arg0: i32) -> (i32, i32) {
    %add3A = arith.constant 20 : i32
    %add3A_0 = arith.addi %arg0, %add3A : i32
    %c0_i32 = arith.constant 0 : i32
    %c0_i32_1 = arith.constant 0 : i32
    return %add3A_0, %c0_i32 : i32, i32
  }
  func.func @transform_6(%arg0: i32) -> (i32, i32) {
    %c0_i32 = arith.constant 0 : i32
    %c0_i32_0 = arith.constant 0 : i32
    %c0_i32_1 = arith.constant 0 : i32
    return %c0_i32, %c0_i32_0 : i32, i32
  }
  func.func @transform_7(%arg0: i32) -> (i32, i32) {
    %c0_i32 = arith.constant 0 : i32
    %c0_i32_0 = arith.constant 0 : i32
    %c0_i32_1 = arith.constant 0 : i32
    return %c0_i32, %c0_i32_0 : i32, i32
  }
  func.func @transform_8(%arg0: i32) -> (i32, i32) {
    %c0_i32 = arith.constant 0 : i32
    %c0_i32_0 = arith.constant 0 : i32
    %c0_i32_1 = arith.constant 0 : i32
    return %c0_i32, %c0_i32_0 : i32, i32
  }
  func.func @transform_9(%arg0: i32) -> (i32, i32) {
    %c0_i32 = arith.constant 0 : i32
    %c0_i32_0 = arith.constant 0 : i32
    return %arg0, %c0_i32 : i32, i32
  }
}

</mosaic_0001>

<sc_bundles>
// kernel: kernel.4.cloned.1.call-start
scs
__scs_entry_jumppad:
0x0: {  	(pc) =	sbr.rel $0x88, $3  }
0x1: {  	(tag) =	ssettag $0x0;
	lr =	simm.s32 $0x1  }
0x2: {  	[smem:$0x3F9C] =	sst lr;
	_ =	strace $0xD0000000  }
0x3: {  	_ = 	snop  }
0x4: {  	_ = 	snop  }
0x5: {  	_ = 	snop  }
0x6: {  	_ = 	snop  }
0x7: {  	_ = 	snop  }
__scs_overlays_trampoline_lowered:
0x8: {  	[smem:$0x3FAB] =	sst s0  }
0x9: {  	[smem:$0x3FAC] =	sst s1  }
0xa: {  	[smem:$0x3FAD] =	sst s2  }
0xb: {  	[smem:$0x3FAE] =	sst s3  }
0xc: {  	[smem:$0x3FAF] =	sst s4  }
0xd: {  	[smem:$0x3FB0] =	sst s5  }
0xe: {  	[smem:$0x3FB1] =	sst s6  }
0xf: {  	[smem:$0x3FB2] =	sst s7  }
0x10: {  	[smem:$0x3FB3] =	sst s8  }
0x11: {  	[smem:$0x3FB4] =	sst s9;
	s0 =	simm.s32 @!p0 $0x0  }
0x12: {  	s1 =	sld [smem:$0x3F9A];
	s0 =	simm.s32 @p0 $0x1  }
0x13: {  	[smem:$0x3FB5] =	sst s0;
	s0 =	simm.s32 @!p1 $0x0  }
0x14: {  	s2 =	sld [smem:$0x3F99];
	s0 =	simm.s32 @p1 $0x1  }
0x15: {  	[smem:$0x3FB6] =	sst s0;
	s0 =	simm.s32 @!p2 $0x0  }
0x16: {  	s3 =	sld [smem:$0x3FDB];
	s0 =	simm.s32 @p2 $0x1  }
0x17: {  	s4 =	simm.s32 $0x1BF5;
	[smem:$0x3FB8] =	sst s0  }
0x18: {  	s0 =	sld [smem:$0x3F9B];
	_ =	swait.ge [sflag:s4], $0x0  }
0x19: {  	s7 =	sld [smem:$0x3F9C]  }
0x1a: {  	s8 =	sadd.s32 $0xFFFFE003, lr  }
0x1b: {  	s9 =	sadd.s32 $0xFFFFFEF7, lr;
	s5 =	simm.s32 $0xFFFFFFFF;
	p2 =	slt.u32 s8, $0xFFFFF086  }
0x1c: {  	p1 =	slt.u32 s9, $0xF7A;
	s5 =	simm.s32 @!p2 $0x0  }
0x1d: {  	s5 =	simm.s32 @p1 $0x1;
	p0 =	seq.s32 s7, s2  }
0x1e: {  	s7 =	smul.u32 @!p0 $0xF7A, s2;
	p2 =	seq.s32 @!p0 s5, $0x0  }
0x1f: {  	s9 =	smul.u32 $0xF7A, s1;
	s8 =	simm.s32 @!p0 $0x1BF5;
	p2 =	por !p2, p0  }
0x20: {  	[sflag:s8] =	ssyncset.s32 @!p0 $0xFFFFF086;
	s6 =	sadd.s32 @!p0 s3, s7;
	s7 =	simm.s32 @!p0 $0x108  }
0x21: {  	s3 =	sadd.s32 s3, s9;
	s6 =	sadd.s32 @!p0 $0x88, s6;
	s7 =	simm.s32 @p2 $0x1082  }
0x22: {  	[simem:s7], [sflag:s8] =	dma.local @!p0 [hbm:s6], $0xF7A  }
0x23: {  	s9 =	sor.u32 $0xD0000000, s2;
	s6 =	simm.s32 $0x108;
	_ =	swait.ge @!p0 [sflag:s8], $0x0  }
0x24: {  	s3 =	sadd.s32 $0x88, s3;
	s6 =	simm.s32 @!p1 $0x1082;
	[sflag:s4] =	ssyncset.s32 $0xFFFFF086  }
0x25: {  	[simem:s6], [sflag:s4] =	dma.local [hbm:s3], $0xF7A  }
0x26: {  	[smem:$0x3F9C] =	sst s1;
	(tag) =	ssettag s2;
	_ =	strace s9  }
0x27: {  	s1 =	sld [smem:$0x3FAC]  }
0x28: {  	s2 =	sld [smem:$0x3FAD]  }
0x29: {  	s4 =	sld [smem:$0x3FAF]  }
0x2a: {  	p0 =	seq.s32 s5, $0x0;
	s5 =	sld [smem:$0x3FB0]  }
0x2b: {  	s6 =	sld [smem:$0x3FB1]  }
0x2c: {  	s7 =	sld [smem:$0x3FB2]  }
0x2d: {  	s3 =	simm.s32 $0x108;
	s8 =	sld [smem:$0x3FB3]  }
0x2e: {  	s3 =	simm.s32 @!p0 $0x1082;
	s9 =	sld [smem:$0x3FB4]  }
0x2f: {  	lr =	sadd.s32 s0, s3;
	s0 =	sld [smem:$0x3FAB]  }
0x30: {  	s3 =	sld [smem:$0x3FAE]  }
0x31: {  	[smem:$0x3FB7] =	sst s10  }
0x32: {  	s10 =	sld [smem:$0x3FB5];
	_ =	sdelay $0x3  }
0x33: {  	p0 =	seq.s32 s10, $0x1;
	s10 =	sld [smem:$0x3FB7];
	_ =	sdelay $0x3  }
0x34: {  	[smem:$0x3FB7] =	sst s10  }
0x35: {  	s10 =	sld [smem:$0x3FB6];
	_ =	sdelay $0x3  }
0x36: {  	p1 =	seq.s32 s10, $0x1;
	s10 =	sld [smem:$0x3FB7];
	_ =	sdelay $0x3  }
0x37: {  	[smem:$0x3FB7] =	sst s10  }
0x38: {  	s10 =	sld [smem:$0x3FB8]  }
0x39: {  	_ = 	snop;
	(pc) =	sbr.ind lr, $3  }
0x3a: {  	_ = 	snop  }
0x3b: {  	_ = 	snop  }
0x3c: {  	p2 =	seq.s32 s10, $0x1;
	s10 =	sld [smem:$0x3FB7]  }
0x3d: {  	_ =	shalt  }
0x3e: {  	_ =	shalt  }
0x3f: {  	_ =	shalt  }
0x40: {  	_ =	shalt  }
0x41: {  	_ =	shalt  }
0x42: {  	_ =	shalt  }
0x43: {  	_ =	shalt  }
0x44: {  	_ =	shalt  }
0x45: {  	_ =	shalt  }
0x46: {  	_ =	shalt  }
0x47: {  	_ =	shalt  }
0x48: {  	_ =	shalt  }
0x49: {  	_ =	shalt  }
0x4a: {  	_ =	shalt  }
0x4b: {  	_ =	shalt  }
0x4c: {  	_ =	shalt  }
0x4d: {  	_ =	shalt  }
0x4e: {  	_ =	shalt  }
0x4f: {  	_ =	shalt  }
0x50: {  	_ =	shalt  }
0x51: {  	_ =	shalt  }
0x52: {  	_ =	shalt  }
0x53: {  	_ =	shalt  }
0x54: {  	_ =	shalt  }
0x55: {  	_ =	shalt  }
0x56: {  	_ =	shalt  }
0x57: {  	_ =	shalt  }
0x58: {  	_ =	shalt  }
0x59: {  	_ =	shalt  }
0x5a: {  	_ =	shalt  }
0x5b: {  	_ =	shalt  }
0x5c: {  	_ =	shalt  }
0x5d: {  	_ =	shalt  }
0x5e: {  	_ =	shalt  }
0x5f: {  	_ =	shalt  }
0x60: {  	_ =	shalt  }
0x61: {  	_ =	shalt  }
0x62: {  	_ =	shalt  }
0x63: {  	_ =	shalt  }
0x64: {  	_ =	shalt  }
0x65: {  	_ =	shalt  }
0x66: {  	_ =	shalt  }
0x67: {  	_ =	shalt  }
0x68: {  	_ =	shalt  }
0x69: {  	_ =	shalt  }
0x6a: {  	_ =	shalt  }
0x6b: {  	_ =	shalt  }
0x6c: {  	_ =	shalt  }
0x6d: {  	_ =	shalt  }
0x6e: {  	_ =	shalt  }
0x6f: {  	_ =	shalt  }
0x70: {  	_ =	shalt  }
0x71: {  	_ =	shalt  }
0x72: {  	_ =	shalt  }
0x73: {  	_ =	shalt  }
0x74: {  	_ =	shalt  }
0x75: {  	_ =	shalt  }
0x76: {  	_ =	shalt  }
0x77: {  	_ =	shalt  }
0x78: {  	_ =	shalt  }
0x79: {  	_ =	shalt  }
0x7a: {  	_ =	shalt  }
0x7b: {  	_ =	shalt  }
0x7c: {  	_ =	shalt  }
0x7d: {  	_ =	shalt  }
0x7e: {  	_ =	shalt  }
0x7f: {  	_ =	shalt  }
0x80: {  	_ =	shalt  }
0x81: {  	_ =	shalt  }
0x82: {  	_ =	shalt  }
0x83: {  	_ =	shalt  }
0x84: {  	_ =	shalt  }
0x85: {  	_ =	shalt  }
0x86: {  	_ =	shalt  }
0x87: {  	_ =	shalt  }
.Lfunc_end0:
.L_simem_size_0:
called_computation_lowered:
.L_overlay_start_0:
0x88: {  	s2 =	sld [smem:$0x3FD9]  }
0x89: {  	s3 =	sld [smem:$0x3FFE];
	_ =	sdelay $0x1  }
0x8a: {  	s1 =	srdreg.scid  }
0x8b: {  	s0 =	sand.u32 $0x1, s1  }
0x8c: {  	s17 =	sshll.u32 s0, $0xA;
	s2 =	sadd.s32 s3, s2  }
0x8d: {  	s2 =	sadd.s32 s2, s17  }
0x8e: {  	[smem:$0x3FC3] =	sst s2  }
0x8f: {  	_ = 	snop  }
0x90: {  	s2 =	sld [smem:$0x3FD0];
	(tm) =	ssettm $0x1  }
0x91: {  	s18 =	sld [smem:$0x3FFB];
	_ =	sdelay $0x3  }
0x92: {  	_ =	strace s18  }
0x93: {  	s3 =	sld [smem:$0x3FFC];
	_ =	sdelay $0x3  }
0x94: {  	_ =	strace s3  }
0x95: {  	s3 =	sld [smem:$0x3FFD];
	_ =	sdelay $0x3  }
0x96: {  	_ =	strace s3  }
0x97: {  	_ =	strace $0x8FFFFFFF  }
0x98: {  	s19 =	sld [smem:$0x3FDB];
	_ =	sdelay $0x1  }
0x99: {  	s4 =	simm.s32 $_scs_section_size  }
0x9a: {  	s5 =	simm.s32 $_size__tile_overlayer_lowered;
	s6 =	simm.s32 $_tile_overlayer_lowered  }
0x9b: {  	s22 =	simm.s32 $0x1BFF;
	s21 =	sshll.u32 s6, $0x1;
	s3 =	sadd.s32 s4, s19  }
0x9c: {  	s7 =	simm.s32 $0x0;
	s20 =	sshll.u32 s5, $0x1;
	s5 =	sadd.s32 s21, s3  }
0x9d: {  	[timem:s7], [sflag:s22] =	dma.local [hbm:s5], s20  }
0x9e: {  	_ =	swait.ge [sflag:s22], s20  }
0x9f: {  	s4 =	ssub.s32 $0x0, s20;
	[sflag:s22] =	ssyncset.done $0x0  }
0xa0: {  	[sflag:s22] =	ssyncadd.s32 s4;
	_ =	sdelay $0x1  }
0xa1: {  	s23 =	simm.s32 $0x1B8B  }
0xa2: {  	_ =	swait.ge [sflag:s23], $0x1  }
0xa3: {  	[sflag:s23] =	ssyncset.done $0x0  }
0xa4: {  	s25 =	simm.s32 $0x1B8E;
	s24 =	sld [smem:$0x3FFE];
	[sflag:s23] =	ssyncadd.s32 $0xFFFFFFFF  }
0xa5: {  	s26 =	simm.s32 $execute0_lowered;
	[smem:$0x3FD2] =	sst s25  }
0xa6: {  	s5 =	sshll.u32 s26, $0x1;
	_ =	strace $0x80000046;
	[dreg:$0x1] =	wrdreg $0xFFFFFFFF  }
0xa7: {  	s28 =	simm.s32 $_size_execute0_lowered;
	s3 =	sadd.s32 s3, s5;
	[dreg:$0x0] =	wrdreg $0x0  }
0xa8: {  	s5 =	sshll.u32 s28, $0x1;
	[dreg:$0x2] =	wrdreg s3  }
0xa9: {  	[dreg:$0x3] =	wrdreg s5  }
0xaa: {  	[dreg:$0x4] =	wrdreg $0xC0  }
0xab: {  	_ =	task [dreg:s7], $0x5FFFF  }
0xac: {  	[dreg:$0x1] =	wrdreg $0xFFFFFFFF  }
0xad: {  	[dreg:$0x0] =	wrdreg $0x60  }
0xae: {  	[dreg:$0x2] =	wrdreg s24  }
0xaf: {  	[dreg:$0x3] =	wrdreg s2  }
0xb0: {  	[dreg:$0x4] =	wrdreg $0x9  }
0xb1: {  	_ =	task.clear_ibuf [dreg:s7], $0x5FFFF;
	_ =	strace $0x90000046  }
0xb2: {  	s29 =	simm.s32 $0x9;
	_ =	strace $0x80000048  }
0xb3: {  	_ =	swait.ge [sflag:s29], $0x1  }
0xb4: {  	[sflag:s29] =	ssyncadd.s32 $0xFFFFFFFF  }
0xb5: {  	_ =	strace $0x90000048  }
0xb6: {  	_ =	sfence  }
0xb7: {  	s30 =	sld [smem:$0x0];
	_ =	sdelay $0x2  }
0xb8: {  	s31 =	sshll.u32 s1, $0xD;
	s1 =	sshrl.u32 s1, $0x2  }
0xb9: {  	s3 =	sand.u32 $0x4000, s31;
	s1 =	sadd.s32 s1, s30  }
0xba: {  	s0 =	sor.u32 s3, s0;
	s1 =	sshll.u32 s1, $0x11  }
0xbb: {  	s0 =	sor.u32 s1, s0  }
0xbc: {  	s0 =	sadd.s32 $0x8F2B, s0  }
0xbd: {  	[sflag:s0] =	ssyncadd.remote.s32 $0x1  }
0xbe: {  	_ =	sfence.sel $0xFFFF  }
0xbf: {  	[dreg:$0x0] =	wrdreg $0xFFFFFFFF;
	(pc) =	sbr.abs _section_cstart, $3  }
0xc0: {  	[dreg:$0x1] =	wrdreg $0xFFFFFFFF  }
0xc1: {  	_ =	task.clear_ibuf [dreg:s7], $0x2FFFF;
	_ =	strace $0x9FFFFFFF  }
0xc2: {  	(tm) =	ssettm $0x7FFFFFFF  }
0xc3: {  	_ =	shalt  }
tec
execute0_lowered:
.L_overlay_start_1:
0x0: {  	(tag) =	ssettag $0x1  }
0x1: {  	s2 =	srdreg.scid;
	s4 =	stileid.u32  }
0x2: {  	s0 =	rddreg [dreg:$0x0];
	s2 =	sand.u32 $0x1, s2;
	s6 =	sshll.u32 s4, $0x1  }
0x3: {  	s1 =	rddreg [dreg:$0x1];
	s8 =	sor.u32 s2, s6  }
0x4: {  	s3 =	simm.s32 $0x0;
	s4 =	sadd.s32 $0x285C00, s0;
	s6 =	smul.u32 $0x1388, s8  }
0x5: {  	[smem:$0x7FF] =	sst s3;
	s5 =	sadd.s32 $0x2ACE00, s0;
	s11 =	smul.u32 $0x9C400, s8  }
0x6: {  	s9 =	sadd.s32 $0xAE00, s0;
	s10 =	sadd.s32 $0x1000, s0;
	s8 =	smul.u32 $0x13880, s8  }
0x7: {  	s7 =	sadd.s32 $0x14C00, s0;
	s29 =	sadd.s32 $0x271000, s1;
	s2 =	ssub.s32 $0x2, s2  }
0x8: {  	_ =	strace $0x80000047;
	s25 =	sshrl.u32 s2, $0x1;
	s15 =	sadd.s32 s7, s8  }
0x9: {  	s0 =	ssub.s32 s2, s25;
	s8 =	sadd.s32 s1, s8;
	[dreg:$0x7] =	wrdreg s15  }
0xa: {  	s26 =	sshrl.u32 s6, $0x3;
	s0 =	smax.u32 s0, $0x1;
	[dreg:$0xa] =	wrdreg s8  }
0xb: {  	s28 =	sadd.s32 $0x27100, s6;
	s12 =	sadd.s32 s9, s26;
	[dreg:$0x16] =	wrdreg s0  }
0xc: {  	s2 =	sadd.s32 s10, s26;
	s31 =	sshrl.u32 s28, $0x3;
	[dreg:$0x3] =	wrdreg s12  }
0xd: {  	s11 =	sshrl.u32 s11, $0x3;
	[dreg:$0x4] =	wrdreg s2;
	s9 =	sadd.s32 s9, s31  }
0xe: {  	s14 =	sadd.s32 $0x280, s11;
	s13 =	sadd.s32 s10, s31;
	[dreg:$0x5] =	wrdreg s9  }
0xf: {  	s17 =	sadd.s32 s7, s11;
	s16 =	sadd.s32 s7, s14;
	[dreg:$0x6] =	wrdreg s13  }
0x10: {  	s30 =	sadd.s32 $0x28, s6;
	s18 =	sadd.s32 $0x500, s17;
	[dreg:$0x8] =	wrdreg s16  }
0x11: {  	s20 =	sadd.s32 s1, s11;
	s19 =	sadd.s32 $0x780, s17;
	[dreg:$0x9] =	wrdreg s18  }
0x12: {  	s23 =	sadd.s32 $0x13600, s11;
	s21 =	sadd.s32 s1, s14;
	[dreg:$0xc] =	wrdreg s19  }
0x13: {  	s0 =	simm.s32 $0x5000;
	s22 =	sadd.s32 $0x271280, s20;
	[dreg:$0xd] =	wrdreg s21  }
0x14: {  	s11 =	simm.s32 $0xF000;
	s24 =	sadd.s32 s7, s23;
	[dreg:$0xe] =	wrdreg s22  }
0x15: {  	s15 =	simm.s32 $0xDC00;
	s25 =	sadd.s32 $0x13100, s20;
	[dreg:$0xf] =	wrdreg s24  }
0x16: {  	s2 =	sshll.u32 s28, $0x4;
	s26 =	sadd.s32 $0x284100, s20;
	[dreg:$0x10] =	wrdreg s25  }
0x17: {  	s8 =	sadd.s32 s1, s23;
	s28 =	sadd.s32 $0x13380, s20;
	[dreg:$0x11] =	wrdreg s26  }
0x18: {  	s31 =	sadd.s32 $0x284380, s20;
	s10 =	simm.s32 $0xC800;
	[dreg:$0x12] =	wrdreg s8  }
0x19: {  	s17 =	simm.s32 $0x1;
	s23 =	simm.s32 $0x12C00;
	[dreg:$0x13] =	wrdreg s28  }
0x1a: {  	s2 =	sadd.s32 s1, s2;
	[dreg:$0x14] =	wrdreg s31;
	s8 =	simm.s32 $0x7800  }
0x1b: {  	s9 =	simm.s32 $0xA000;
	s16 =	simm.s32 $0x10400;
	s18 =	simm.s32 $0x3  }
0x1c: {  	s19 =	simm.s32 $0x11800;
	s21 =	simm.s32 $0x2;
	s22 =	simm.s32 $0x4  }
0x1d: {  	s24 =	simm.s32 $0x15400;
	s25 =	simm.s32 $0x5;
	s26 =	simm.s32 $0x6  }
0x1e: {  	s13 =	simm.s32 $0x0;
	[dreg:$0xb] =	wrdreg s2;
	s2 =	sadd.s32 $0x284600, s20  }
0x1f: {  	s20 =	simm.s32 $0x14000;
	[dreg:$0x15] =	wrdreg s2;
	s2 =	simm.s32 $0x28  }
.LBB2_1:
0x20: {  	[dreg:$0x17] =	wrdreg s13  }
0x21: {  	s12 =	rddreg [dreg:$0x3];
	s13 =	simm.s32 $0x7  }
0x22: {  	[tilespmem:s3], [sflag:$0x7] =	stream.linear.gather [hbm4b:s12+s3], $0x1388, $0x38;
	[tilespmem:$0x16800] =	vst v63  }
0x23: {  	_ =	swait.ge [sflag:s13], $0x1388  }
0x24: {  	[sflag:s13] =	ssyncset.done $0x0  }
0x25: {  	s14 =	simm.s32 $0x1400;
	s31 =	rddreg [dreg:$0x4];
	[sflag:s13] =	ssyncadd.s32 $0xFFFFEC78  }
0x26: {  	[tilespmem:s14], [sflag:$0x7] =	stream.linear.gather [hbm4b:s31+s3], $0x1388, $0x38;
	[tilespmem:$0x16800] =	vst v63  }
0x27: {  	_ =	swait.ge [sflag:s13], $0x1388  }
0x28: {  	[sflag:s13] =	ssyncset.done $0x0  }
0x29: {  	s28 =	simm.s32 $0x2800;
	s31 =	rddreg [dreg:$0x5];
	[sflag:s13] =	ssyncadd.s32 $0xFFFFEC78  }
0x2a: {  	[tilespmem:s28], [sflag:$0x7] =	stream.linear.gather [hbm4b:s31+s3], $0x1388, $0x38;
	[tilespmem:$0x16800] =	vst v63  }
0x2b: {  	_ =	swait.ge [sflag:s13], $0x1388  }
0x2c: {  	[sflag:s13] =	ssyncset.done $0x0  }
0x2d: {  	s31 =	simm.s32 $0x3C00;
	s12 =	rddreg [dreg:$0x6];
	[sflag:s13] =	ssyncadd.s32 $0xFFFFEC78  }
0x2e: {  	[tilespmem:s31], [sflag:$0x7] =	stream.linear.gather [hbm4b:s12+s3], $0x1388, $0x38;
	[tilespmem:$0x16800] =	vst v63  }
0x2f: {  	_ =	swait.ge [sflag:s13], $0x1388  }
0x30: {  	[sflag:s13] =	ssyncset.done $0x0  }
0x31: {  	[sflag:s13] =	ssyncadd.s32 $0xFFFFEC78  }
0x32: {  	[tilespmem:s0], [sflag:$0x1] =	stream.indirect.gather [hbm4b:s4+s2], $0x80, s3, s2, $0xb8;
	[tilespmem:$0x16800] =	vst v63  }
0x33: {  	_ = 	snop  }
0x34: {  	[tilespmem:s8], [sflag:$0x1] =	stream.indirect.gather [hbm4b:s5+s2], $0x80, s14, s2, $0xb8;
	[tilespmem:$0x16800] =	vst v63  }
0x35: {  	_ = 	snop  }
0x36: {  	[tilespmem:s9], [sflag:$0x1] =	stream.indirect.gather [hbm4b:s4+s2], $0x80, s28, s2, $0xb8;
	[tilespmem:$0x16800] =	vst v63  }
0x37: {  	_ = 	snop  }
0x38: {  	[tilespmem:s10], [sflag:$0x1] =	stream.indirect.gather [hbm4b:s5+s2], $0x80, s31, s2, $0xb8;
	[tilespmem:$0x16800] =	vst v63  }
0x39: {  	s31 =	rddreg [dreg:$0x7]  }
0x3a: {  	[tilespmem:s11], [sflag:$0x3] =	stream.linear.gather [hbm4b:s31+s3], $0x1400, $0x38;
	[tilespmem:$0x16800] =	vst v63  }
0x3b: {  	s13 =	simm.s32 $0x6400  }
0x3c: {  	[tilespmem:s13], [sflag:$0x2] =	stream.indirect.gather [hbm4b:s4+s2], $0x80, s2, s2, $0xb8;
	[tilespmem:$0x16800] =	vst v63  }
0x3d: {  	s14 =	simm.s32 $0x1428;
	s31 =	simm.s32 $0x8C00  }
0x3e: {  	[tilespmem:s31], [sflag:$0x2] =	stream.indirect.gather [hbm4b:s5+s2], $0x80, s14, s2, $0xb8;
	[tilespmem:$0x16800] =	vst v63  }
0x3f: {  	s14 =	simm.s32 $0x2828;
	s31 =	simm.s32 $0xB400  }
0x40: {  	[tilespmem:s31], [sflag:$0x2] =	stream.indirect.gather [hbm4b:s4+s2], $0x80, s14, s2, $0xb8;
	[tilespmem:$0x16800] =	vst v63  }
0x41: {  	s14 =	simm.s32 $0x3C28  }
0x42: {  	[tilespmem:s15], [sflag:$0x2] =	stream.indirect.gather [hbm4b:s5+s2], $0x80, s14, s2, $0xb8;
	[tilespmem:$0x16800] =	vst v63  }
0x43: {  	s31 =	rddreg [dreg:$0x8]  }
0x44: {  	[tilespmem:s16], [sflag:$0x4] =	stream.linear.gather [hbm4b:s31+s3], $0x1400, $0x38;
	[tilespmem:$0x16800] =	vst v63  }
0x45: {  	_ =	swait.ge [sflag:s17], $0x1400  }
0x46: {  	[sflag:s17] =	ssyncset.done $0x0  }
0x47: {  	[sflag:s17] =	ssyncadd.s32 $0xFFFFEC00  }
0x48: {  	_ =	swait.ge [sflag:s17], $0x1400  }
0x49: {  	[sflag:s17] =	ssyncset.done $0x0  }
0x4a: {  	[sflag:s17] =	ssyncadd.s32 $0xFFFFEC00  }
0x4b: {  	_ =	swait.ge [sflag:s17], $0x1400  }
0x4c: {  	[sflag:s17] =	ssyncset.done $0x0  }
0x4d: {  	[sflag:s17] =	ssyncadd.s32 $0xFFFFEC00  }
0x4e: {  	_ =	swait.ge [sflag:s17], $0x1400  }
0x4f: {  	[sflag:s17] =	ssyncset.done $0x0  }
0x50: {  	[sflag:s17] =	ssyncadd.s32 $0xFFFFEC00  }
0x51: {  	_ =	swait.ge [sflag:s18], $0x1400  }
0x52: {  	[sflag:s18] =	ssyncset.done $0x0  }
0x53: {  	s28 =	simm.s32 $0x0;
	[sflag:s18] =	ssyncadd.s32 $0xFFFFEC00  }
0x54: {  	v0 =	vld [tilespmem:s28+$0xA070]  }
0x55: {  	v1 =	vld [tilespmem:s28+$0xC870]  }
0x56: {  	v2 =	vld [tilespmem:s28+$0xF070]  }
0x57: {  	v3 =	vld [tilespmem:s28+$0x5000]  }
0x58: {  	v4 =	vld [tilespmem:s28+$0x7800]  }
0x59: {  	v5 =	vld [tilespmem:s28+$0xA000]  }
0x5a: {  	v6 =	vld [tilespmem:s28+$0xC800]  }
0x5b: {  	v8 =	vld [tilespmem:s28+$0x7810]  }
0x5c: {  	v9 =	vld [tilespmem:s28+$0xC810]  }
0x5d: {  	v10 =	vld [tilespmem:s28+$0x7820]  }
0x5e: {  	v11 =	vld [tilespmem:s28+$0xA020]  }
0x5f: {  	v15 =	vld [tilespmem:s28+$0xC820]  }
0x60: {  	v16 =	vld [tilespmem:s28+$0x5030]  }
0x61: {  	v17 =	vld [tilespmem:s28+$0x7830]  }
0x62: {  	v18 =	vld [tilespmem:s28+$0xA030]  }
0x63: {  	v19 =	vld [tilespmem:s28+$0xC830]  }
0x64: {  	v20 =	vld [tilespmem:s28+$0x5040]  }
0x65: {  	v21 =	vld [tilespmem:s28+$0x7840]  }
0x66: {  	v22 =	vld [tilespmem:s28+$0xA040]  }
0x67: {  	v23 =	vld [tilespmem:s28+$0xC840]  }
0x68: {  	v24 =	vld [tilespmem:s28+$0x5050]  }
0x69: {  	v25 =	vld [tilespmem:s28+$0x7850]  }
0x6a: {  	v26 =	vld [tilespmem:s28+$0xA050]  }
0x6b: {  	v27 =	vld [tilespmem:s28+$0xC850]  }
0x6c: {  	v28 =	vld [tilespmem:s28+$0x5060];
	v0 =	vadd.f32 v1, v0  }
0x6d: {  	v30 =	vld [tilespmem:s28+$0xA060];
	v7 =	vand.u32 $0xFFFF0000, v2  }
0x6e: {  	v31 =	vld [tilespmem:s28+$0xC860];
	v0 =	vadd.f32 v7, v0  }
0x6f: {  	v34 =	vld [tilespmem:s28+$0x7870]  }
0x70: {  	[tilespmem:s28+$0x14070] =	vst v0;
	v0 =	vld [tilespmem:s28+$0x5020]  }
0x71: {  	v1 =	vld [tilespmem:s28+$0x5010]  }
0x72: {  	v7 =	vld [tilespmem:s28+$0xA010]  }
0x73: {  	v32 =	vadd.f32 v4, v3;
	v33 =	vadd.f32 v6, v5;
	v3 =	vld [tilespmem:s28+$0x5070]  }
0x74: {  	v11 =	vadd.f32 v15, v11;
	v15 =	vld [tilespmem:s28+$0xF010];
	v6 =	vadd.f32 v23, v22  }
0x75: {  	v5 =	vadd.f32 v25, v24;
	v14 =	vadd.f32 v10, v0;
	v10 =	vld [tilespmem:s28+$0xF000]  }
0x76: {  	v29 =	vld [tilespmem:s28+$0x7860];
	v4 =	vadd.f32 v31, v30;
	v13 =	vadd.f32 v8, v1  }
0x77: {  	v12 =	vadd.f32 v9, v7;
	v7 =	vadd.f32 v21, v20;
	v20 =	vld [tilespmem:s28+$0xF020]  }
0x78: {  	v8 =	vadd.f32 v17, v16;
	v9 =	vadd.f32 v19, v18;
	v19 =	vld [tilespmem:s28+$0xF030]  }
0x79: {  	v1 =	vadd.f32 v27, v26;
	v17 =	vld [tilespmem:s28+$0xF040];
	v3 =	vadd.f32 v34, v3;
	v23 =	vshll.u32 v15, $0x10  }
0x7a: {  	v16 =	vld [tilespmem:s28+$0xF050];
	v21 =	vand.u32 $0xFFFF0000, v15;
	v0 =	vshll.u32 v2, $0x10;
	v18 =	vshll.u32 v10, $0x10  }
0x7b: {  	s12 =	simm.s32 $0x80;
	v15 =	vld [tilespmem:s28+$0xF060];
	v2 =	vadd.f32 v29, v28;
	v22 =	vand.u32 $0xFFFF0000, v10;
	v10 =	vadd.f32 v18, v32  }
0x7c: {  	s13 =	simm.s32 $0x400;
	v18 =	vld [tilespmem:s12+$0xA070];
	v24 =	vadd.f32 v22, v33;
	v22 =	vshll.u32 v20, $0x10;
	v20 =	vand.u32 $0xFFFF0000, v20  }
.LBB2_2:
0x7d: {  	p0 =	sne.s32 s13, $0x4E00;
	v25 =	vld [tilespmem:s12+$0xC870];
	[tilespmem:s28+$0x11800] =	vst v10;
	v10 =	vadd.f32 v23, v13;
	v13 =	vshll.u32 v19, $0x10;
	v19 =	vand.u32 $0xFFFF0000, v19  }
0x7e: {  	v12 =	vadd.f32 v21, v12;
	v23 =	vld [tilespmem:s12+$0xF070];
	[tilespmem:s28+$0x14000] =	vst v24;
	v21 =	vshll.u32 v17, $0x10;
	v17 =	vand.u32 $0xFFFF0000, v17  }
0x7f: {  	v24 =	vld [tilespmem:s12+$0x5000];
	[tilespmem:s28+$0x11810] =	vst v10;
	v10 =	vadd.f32 v22, v14;
	v14 =	vshll.u32 v16, $0x10;
	v16 =	vand.u32 $0xFFFF0000, v16  }
0x80: {  	v11 =	vadd.f32 v20, v11;
	v22 =	vld [tilespmem:s12+$0x7800];
	[tilespmem:s28+$0x14010] =	vst v12;
	v12 =	vshll.u32 v15, $0x10;
	v15 =	vand.u32 $0xFFFF0000, v15  }
0x81: {  	v8 =	vadd.f32 v13, v8;
	v9 =	vadd.f32 v19, v9;
	v20 =	vld [tilespmem:s12+$0xA000];
	[tilespmem:s28+$0x11820] =	vst v10  }
0x82: {  	v7 =	vadd.f32 v21, v7;
	v10 =	vld [tilespmem:s12+$0xC800];
	v13 =	vadd.f32 v25, v18;
	[tilespmem:s28+$0x14020] =	vst v11  }
0x83: {  	v6 =	vadd.f32 v17, v6;
	v11 =	vld [tilespmem:s12+$0x5010];
	v18 =	vshll.u32 v23, $0x10;
	v19 =	vand.u32 $0xFFFF0000, v23;
	[tilespmem:s28+$0x11830] =	vst v8  }
0x84: {  	v5 =	vadd.f32 v14, v5;
	v8 =	vld [tilespmem:s12+$0x7810];
	v13 =	vadd.f32 v19, v13;
	[tilespmem:s28+$0x14030] =	vst v9  }
0x85: {  	v1 =	vadd.f32 v16, v1;
	v21 =	vadd.f32 v22, v24;
	v9 =	vld [tilespmem:s12+$0xA010];
	[tilespmem:s28+$0x11840] =	vst v7  }
0x86: {  	v2 =	vadd.f32 v12, v2;
	v4 =	vadd.f32 v15, v4;
	v7 =	vld [tilespmem:s12+$0xC810];
	[tilespmem:s12+$0x14070] =	vst v13  }
0x87: {  	v3 =	vadd.f32 v0, v3;
	v0 =	vmov v18;
	v20 =	vadd.f32 v10, v20;
	v10 =	vld [tilespmem:s12+$0x5020];
	[tilespmem:s28+$0x14040] =	vst v6  }
0x88: {  	v6 =	vld [tilespmem:s12+$0x7820];
	[tilespmem:s28+$0x11850] =	vst v5  }
0x89: {  	v13 =	vadd.f32 v8, v11;
	v5 =	vld [tilespmem:s12+$0xA020];
	[tilespmem:s28+$0x14050] =	vst v1  }
0x8a: {  	v1 =	vld [tilespmem:s12+$0xC820];
	[tilespmem:s28+$0x11860] =	vst v2  }
0x8b: {  	v12 =	vadd.f32 v7, v9;
	v2 =	vld [tilespmem:s12+$0x5030];
	[tilespmem:s28+$0x14060] =	vst v4  }
0x8c: {  	v4 =	vld [tilespmem:s12+$0x7830];
	[tilespmem:s28+$0x11870] =	vst v3;
	s28 =	smov.u32 s12  }
0x8d: {  	v14 =	vadd.f32 v6, v10;
	v3 =	vld [tilespmem:s28+$0xA030]  }
0x8e: {  	v6 =	vld [tilespmem:s28+$0xC830]  }
0x8f: {  	v11 =	vadd.f32 v1, v5;
	v1 =	vld [tilespmem:s28+$0x5040]  }
0x90: {  	v5 =	vld [tilespmem:s28+$0x7840]  }
0x91: {  	v8 =	vadd.f32 v4, v2;
	v2 =	vld [tilespmem:s28+$0xA040]  }
0x92: {  	v4 =	vld [tilespmem:s28+$0xC840]  }
0x93: {  	v9 =	vadd.f32 v6, v3;
	v3 =	vld [tilespmem:s28+$0x5050]  }
0x94: {  	v10 =	vld [tilespmem:s28+$0x7850]  }
0x95: {  	v7 =	vadd.f32 v5, v1;
	v1 =	vld [tilespmem:s28+$0xA050]  }
0x96: {  	v15 =	vld [tilespmem:s28+$0xC850]  }
0x97: {  	v6 =	vadd.f32 v4, v2;
	v2 =	vld [tilespmem:s28+$0x5060]  }
0x98: {  	v4 =	vld [tilespmem:s28+$0x7860]  }
0x99: {  	v5 =	vadd.f32 v10, v3;
	v3 =	vld [tilespmem:s28+$0xA060]  }
0x9a: {  	v10 =	vld [tilespmem:s28+$0xC860]  }
0x9b: {  	v1 =	vadd.f32 v15, v1;
	v15 =	vld [tilespmem:s28+$0x5070]  }
0x9c: {  	v16 =	vld [tilespmem:s28+$0x7870]  }
0x9d: {  	v18 =	vld [tilespmem:s28+$0xF000];
	v2 =	vadd.f32 v4, v2  }
0x9e: {  	v22 =	vld [tilespmem:s28+$0xF010]  }
0x9f: {  	v25 =	vld [tilespmem:s28+$0xF020];
	v4 =	vadd.f32 v10, v3  }
.Ltmp0:
0xa0: {  	v19 =	vld [tilespmem:s28+$0xF030];
	(pc) =	sbr.rel @p0 .LBB2_2-.Ltmp0, $4  }
0xa1: {  	v17 =	vld [tilespmem:s28+$0xF040];
	v3 =	vadd.f32 v16, v15  }
0xa2: {  	v10 =	vshll.u32 v18, $0x10;
	v24 =	vand.u32 $0xFFFF0000, v18;
	v16 =	vld [tilespmem:s28+$0xF050]  }
0xa3: {  	s12 =	sshra.s32 s13, $0x2;
	v10 =	vadd.f32 v10, v21;
	v23 =	vshll.u32 v22, $0x10;
	v21 =	vand.u32 $0xFFFF0000, v22;
	v15 =	vld [tilespmem:s28+$0xF060]  }
0xa4: {  	s13 =	sadd.s32 $0x200, s13;
	v24 =	vadd.f32 v24, v20;
	v18 =	vld [tilespmem:s12+$0xA070];
	v22 =	vshll.u32 v25, $0x10;
	v20 =	vand.u32 $0xFFFF0000, v25  }
0xa5: {  	v25 =	vld [tilespmem:s12+$0xC870];
	[tilespmem:s28+$0x11800] =	vst v10;
	v13 =	vadd.f32 v23, v13  }
0xa6: {  	v12 =	vadd.f32 v21, v12;
	v10 =	vld [tilespmem:s12+$0xF070];
	[tilespmem:s28+$0x14000] =	vst v24  }
0xa7: {  	v14 =	vadd.f32 v22, v14;
	v23 =	vld [tilespmem:s12+$0x5000];
	[tilespmem:s28+$0x11810] =	vst v13  }
0xa8: {  	v13 =	vld [tilespmem:s12+$0x7800];
	[tilespmem:s28+$0x14010] =	vst v12  }
0xa9: {  	v11 =	vadd.f32 v20, v11;
	v12 =	vld [tilespmem:s12+$0xA000];
	[tilespmem:s28+$0x11820] =	vst v14;
	v14 =	vshll.u32 v19, $0x10  }
0xaa: {  	v8 =	vadd.f32 v14, v8  }
0xab: {  	v20 =	vld [tilespmem:s12+$0xC800];
	[tilespmem:s28+$0x14020] =	vst v11;
	v11 =	vand.u32 $0xFFFF0000, v19  }
0xac: {  	v14 =	vld [tilespmem:s12+$0x5010];
	v9 =	vadd.f32 v11, v9;
	[tilespmem:s28+$0x11830] =	vst v8;
	v8 =	vshll.u32 v17, $0x10  }
0xad: {  	v18 =	vadd.f32 v25, v18;
	v7 =	vadd.f32 v8, v7  }
0xae: {  	v11 =	vld [tilespmem:s12+$0x7810];
	[tilespmem:s28+$0x14030] =	vst v9;
	v8 =	vand.u32 $0xFFFF0000, v10  }
0xaf: {  	v9 =	vld [tilespmem:s12+$0xA010];
	v8 =	vadd.f32 v8, v18;
	[tilespmem:s28+$0x11840] =	vst v7;
	v7 =	vand.u32 $0xFFFF0000, v17  }
0xb0: {  	v6 =	vadd.f32 v7, v6  }
0xb1: {  	v17 =	vld [tilespmem:s12+$0xC810];
	[tilespmem:s12+$0x14070] =	vst v8;
	v7 =	vshll.u32 v16, $0x10  }
0xb2: {  	v8 =	vld [tilespmem:s12+$0x5020];
	v5 =	vadd.f32 v7, v5;
	[tilespmem:s28+$0x14040] =	vst v6;
	v6 =	vand.u32 $0xFFFF0000, v16  }
0xb3: {  	v1 =	vadd.f32 v6, v1  }
0xb4: {  	v7 =	vld [tilespmem:s12+$0x7820];
	[tilespmem:s28+$0x11850] =	vst v5;
	v5 =	vshll.u32 v15, $0x10  }
0xb5: {  	v6 =	vld [tilespmem:s12+$0xA020];
	v2 =	vadd.f32 v5, v2;
	[tilespmem:s28+$0x14050] =	vst v1;
	v1 =	vand.u32 $0xFFFF0000, v15  }
0xb6: {  	v1 =	vadd.f32 v1, v4  }
0xb7: {  	v0 =	vadd.f32 v0, v3;
	v5 =	vld [tilespmem:s12+$0xC820];
	[tilespmem:s28+$0x11860] =	vst v2  }
0xb8: {  	v2 =	vld [tilespmem:s12+$0x5030];
	[tilespmem:s28+$0x14060] =	vst v1  }
0xb9: {  	v1 =	vld [tilespmem:s12+$0x7830];
	[tilespmem:s28+$0x11870] =	vst v0  }
0xba: {  	v0 =	vld [tilespmem:s12+$0xA030]  }
0xbb: {  	v3 =	vld [tilespmem:s12+$0xC830]  }
0xbc: {  	v4 =	vld [tilespmem:s12+$0x5040]  }
0xbd: {  	v15 =	vld [tilespmem:s12+$0x7840]  }
0xbe: {  	v16 =	vld [tilespmem:s12+$0xA040]  }
0xbf: {  	v18 =	vld [tilespmem:s12+$0xC840]  }
0xc0: {  	v19 =	vld [tilespmem:s12+$0x5050]  }
0xc1: {  	v21 =	vld [tilespmem:s12+$0x7850]  }
0xc2: {  	v22 =	vld [tilespmem:s12+$0xA050]  }
0xc3: {  	v30 =	vld [tilespmem:s12+$0xF000]  }
0xc4: {  	v24 =	vld [tilespmem:s12+$0xC850]  }
0xc5: {  	v32 =	vld [tilespmem:s12+$0xF010]  }
0xc6: {  	v33 =	vld [tilespmem:s12+$0xF020]  }
0xc7: {  	v13 =	vadd.f32 v13, v23;
	v12 =	vadd.f32 v20, v12;
	v23 =	vld [tilespmem:s12+$0xF030]  }
0xc8: {  	v11 =	vadd.f32 v11, v14;
	v9 =	vadd.f32 v17, v9;
	v25 =	vld [tilespmem:s12+$0x5060];
	v34 =	vshll.u32 v30, $0x10  }
0xc9: {  	v7 =	vadd.f32 v7, v8;
	v26 =	vld [tilespmem:s12+$0x7860];
	v14 =	vand.u32 $0xFFFF0000, v30;
	v13 =	vadd.f32 v34, v13  }
0xca: {  	v27 =	vld [tilespmem:s12+$0xA060];
	v5 =	vadd.f32 v5, v6;
	v17 =	vshll.u32 v32, $0x10;
	v12 =	vadd.f32 v14, v12  }
0xcb: {  	v20 =	vld [tilespmem:s12+$0xF040];
	v1 =	vadd.f32 v1, v2;
	v2 =	vand.u32 $0xFFFF0000, v33;
	v8 =	vadd.f32 v17, v11;
	[tilespmem:s12+$0x11800] =	vst v13  }
0xcc: {  	v28 =	vld [tilespmem:s12+$0xC860];
	v0 =	vadd.f32 v3, v0;
	v3 =	vshll.u32 v23, $0x10;
	v2 =	vadd.f32 v2, v5;
	[tilespmem:s12+$0x14000] =	vst v12  }
0xcd: {  	v56 =	vld [tilespmem:s12+$0xF050];
	v11 =	vand.u32 $0xFFFF0000, v32;
	v1 =	vadd.f32 v3, v1;
	[tilespmem:s12+$0x11810] =	vst v8  }
0xce: {  	v29 =	vld [tilespmem:s12+$0x5070];
	v5 =	vand.u32 $0xFFFF0000, v23;
	v6 =	vadd.f32 v11, v9;
	[tilespmem:s12+$0x14020] =	vst v2  }
0xcf: {  	v14 =	vld [tilespmem:s12+$0xF060];
	v3 =	vadd.f32 v18, v16;
	v9 =	vshll.u32 v33, $0x10;
	v0 =	vadd.f32 v5, v0;
	[tilespmem:s12+$0x11830] =	vst v1  }
0xd0: {  	v31 =	vld [tilespmem:s12+$0x7870];
	v4 =	vadd.f32 v15, v4;
	v5 =	vand.u32 $0xFFFF0000, v20;
	v7 =	vadd.f32 v9, v7;
	[tilespmem:s12+$0x14010] =	vst v6  }
0xd1: {  	v1 =	vadd.f32 v24, v22;
	v3 =	vadd.f32 v5, v3;
	v6 =	vshll.u32 v20, $0x10;
	[tilespmem:s12+$0x14030] =	vst v0  }
0xd2: {  	v2 =	vadd.f32 v21, v19;
	v5 =	vand.u32 $0xFFFF0000, v56;
	[tilespmem:s12+$0x11820] =	vst v7;
	v4 =	vadd.f32 v6, v4  }
0xd3: {  	v0 =	vadd.f32 v26, v25;
	v6 =	vshll.u32 v56, $0x10;
	v1 =	vadd.f32 v5, v1;
	[tilespmem:s12+$0x14040] =	vst v3  }
0xd4: {  	v2 =	vadd.f32 v6, v2;
	v6 =	vshll.u32 v14, $0x10;
	[tilespmem:s12+$0x11840] =	vst v4;
	v4 =	vadd.f32 v28, v27  }
0xd5: {  	v3 =	vadd.f32 v31, v29;
	v5 =	vand.u32 $0xFFFF0000, v14;
	v0 =	vadd.f32 v6, v0;
	[tilespmem:s12+$0x14050] =	vst v1  }
0xd6: {  	[tilespmem:s12+$0x11850] =	vst v2;
	v2 =	vshll.u32 v10, $0x10;
	v4 =	vadd.f32 v5, v4  }
0xd7: {  	v1 =	vadd.f32 v2, v3;
	[tilespmem:s12+$0x11860] =	vst v0  }
0xd8: {  	[tilespmem:s12+$0x14060] =	vst v4  }
0xd9: {  	s13 =	simm.s32 $0x50;
	[tilespmem:s12+$0x11870] =	vst v1  }
0xda: {  	[tilespmem:s0], [sflag:$0x1] =	stream.indirect.gather [hbm4b:s4+s2], $0x80, s13, s2, $0xb8;
	[tilespmem:$0x16800] =	vst v63  }
0xdb: {  	s14 =	simm.s32 $0x1450  }
0xdc: {  	[tilespmem:s8], [sflag:$0x1] =	stream.indirect.gather [hbm4b:s5+s2], $0x80, s14, s2, $0xb8;
	[tilespmem:$0x16800] =	vst v63  }
0xdd: {  	s31 =	simm.s32 $0x2850  }
0xde: {  	[tilespmem:s9], [sflag:$0x1] =	stream.indirect.gather [hbm4b:s4+s2], $0x80, s31, s2, $0xb8;
	[tilespmem:$0x16800] =	vst v63  }
0xdf: {  	s13 =	simm.s32 $0x3C50  }
0xe0: {  	[tilespmem:s10], [sflag:$0x1] =	stream.indirect.gather [hbm4b:s5+s2], $0x80, s13, s2, $0xb8;
	[tilespmem:$0x16800] =	vst v63  }
0xe1: {  	s12 =	simm.s32 $0x0;
	s13 =	rddreg [dreg:$0x9]  }
0xe2: {  	[tilespmem:s11], [sflag:$0x3] =	stream.linear.gather [hbm4b:s13+s12], $0x1400, $0x38;
	[tilespmem:$0x16800] =	vst v63  }
0xe3: {  	s14 =	rddreg [dreg:$0xa]  }
0xe4: {  	[hbm4b:s14+s12] =	stream.linear.scatter [tilespmem:s19], [sflag:$0x5], $0x1400, $0x38;
	[tilespmem:$0x16800] =	vst v63  }
0xe5: {  	s31 =	rddreg [dreg:$0xb]  }
0xe6: {  	[hbm4b:s31+s12] =	stream.linear.scatter [tilespmem:s20], [sflag:$0x5], $0x1400, $0x38;
	[tilespmem:$0x16800] =	vst v63  }
0xe7: {  	_ =	swait.ge [sflag:s21], $0x1400  }
0xe8: {  	[sflag:s21] =	ssyncset.done $0x0  }
0xe9: {  	[sflag:s21] =	ssyncadd.s32 $0xFFFFEC00  }
0xea: {  	_ =	swait.ge [sflag:s21], $0x1400  }
0xeb: {  	[sflag:s21] =	ssyncset.done $0x0  }
0xec: {  	[sflag:s21] =	ssyncadd.s32 $0xFFFFEC00  }
0xed: {  	_ =	swait.ge [sflag:s21], $0x1400  }
0xee: {  	[sflag:s21] =	ssyncset.done $0x0  }
0xef: {  	[sflag:s21] =	ssyncadd.s32 $0xFFFFEC00  }
0xf0: {  	_ =	swait.ge [sflag:s21], $0x1400  }
0xf1: {  	[sflag:s21] =	ssyncset.done $0x0  }
0xf2: {  	[sflag:s21] =	ssyncadd.s32 $0xFFFFEC00  }
0xf3: {  	_ =	swait.ge [sflag:s22], $0x1400  }
0xf4: {  	[sflag:s22] =	ssyncset.done $0x0  }
0xf5: {  	s28 =	simm.s32 $0x0;
	[sflag:s22] =	ssyncadd.s32 $0xFFFFEC00  }
0xf6: {  	v0 =	vld [tilespmem:s28+$0xB470]  }
0xf7: {  	v1 =	vld [tilespmem:s28+$0xDC70]  }
0xf8: {  	v2 =	vld [tilespmem:s28+$0x10470]  }
0xf9: {  	v3 =	vld [tilespmem:s28+$0x6400]  }
0xfa: {  	v4 =	vld [tilespmem:s28+$0x8C00]  }
0xfb: {  	v5 =	vld [tilespmem:s28+$0xB400]  }
0xfc: {  	v6 =	vld [tilespmem:s28+$0xDC00]  }
0xfd: {  	v8 =	vld [tilespmem:s28+$0x8C10]  }
0xfe: {  	v9 =	vld [tilespmem:s28+$0xDC10]  }
0xff: {  	v10 =	vld [tilespmem:s28+$0x8C20]  }
0x100: {  	v11 =	vld [tilespmem:s28+$0xB420]  }
0x101: {  	v15 =	vld [tilespmem:s28+$0xDC20]  }
0x102: {  	v16 =	vld [tilespmem:s28+$0x6430]  }
0x103: {  	v17 =	vld [tilespmem:s28+$0x8C30]  }
0x104: {  	v18 =	vld [tilespmem:s28+$0xB430]  }
0x105: {  	v19 =	vld [tilespmem:s28+$0xDC30]  }
0x106: {  	v20 =	vld [tilespmem:s28+$0x6440]  }
0x107: {  	v21 =	vld [tilespmem:s28+$0x8C40]  }
0x108: {  	v22 =	vld [tilespmem:s28+$0xB440]  }
0x109: {  	v23 =	vld [tilespmem:s28+$0xDC40]  }
0x10a: {  	v24 =	vld [tilespmem:s28+$0x6450]  }
0x10b: {  	v25 =	vld [tilespmem:s28+$0x8C50]  }
0x10c: {  	v26 =	vld [tilespmem:s28+$0xB450]  }
0x10d: {  	v27 =	vld [tilespmem:s28+$0xDC50]  }
0x10e: {  	v57 =	vld [tilespmem:s28+$0x6460];
	v0 =	vadd.f32 v1, v0  }
0x10f: {  	v59 =	vld [tilespmem:s28+$0xB460];
	v7 =	vand.u32 $0xFFFF0000, v2  }
0x110: {  	v60 =	vld [tilespmem:s28+$0xDC60];
	v0 =	vadd.f32 v7, v0  }
0x111: {  	v63 =	vld [tilespmem:s28+$0x8C70]  }
0x112: {  	[tilespmem:s28+$0x15470] =	vst v0;
	v0 =	vld [tilespmem:s28+$0x6420]  }
0x113: {  	v1 =	vld [tilespmem:s28+$0x6410]  }
0x114: {  	v7 =	vld [tilespmem:s28+$0xB410]  }
0x115: {  	v61 =	vadd.f32 v4, v3;
	v62 =	vadd.f32 v6, v5;
	v3 =	vld [tilespmem:s28+$0x6470]  }
0x116: {  	v11 =	vadd.f32 v15, v11;
	v15 =	vld [tilespmem:s28+$0x10410];
	v6 =	vadd.f32 v23, v22  }
0x117: {  	v5 =	vadd.f32 v25, v24;
	v14 =	vadd.f32 v10, v0;
	v10 =	vld [tilespmem:s28+$0x10400]  }
0x118: {  	v58 =	vld [tilespmem:s28+$0x8C60];
	v4 =	vadd.f32 v60, v59;
	v13 =	vadd.f32 v8, v1  }
0x119: {  	v12 =	vadd.f32 v9, v7;
	v7 =	vadd.f32 v21, v20;
	v20 =	vld [tilespmem:s28+$0x10420]  }
0x11a: {  	v8 =	vadd.f32 v17, v16;
	v9 =	vadd.f32 v19, v18;
	v19 =	vld [tilespmem:s28+$0x10430]  }
0x11b: {  	v1 =	vadd.f32 v27, v26;
	v17 =	vld [tilespmem:s28+$0x10440];
	v3 =	vadd.f32 v63, v3;
	v23 =	vshll.u32 v15, $0x10  }
0x11c: {  	v16 =	vld [tilespmem:s28+$0x10450];
	v21 =	vand.u32 $0xFFFF0000, v15;
	v0 =	vshll.u32 v2, $0x10;
	v18 =	vshll.u32 v10, $0x10  }
0x11d: {  	s12 =	simm.s32 $0x80;
	v15 =	vld [tilespmem:s28+$0x10460];
	v2 =	vadd.f32 v58, v57;
	v22 =	vand.u32 $0xFFFF0000, v10;
	v10 =	vadd.f32 v18, v61  }
0x11e: {  	s13 =	simm.s32 $0x400;
	v18 =	vld [tilespmem:s12+$0xB470];
	v24 =	vadd.f32 v22, v62;
	v22 =	vshll.u32 v20, $0x10;
	v20 =	vand.u32 $0xFFFF0000, v20  }
.LBB2_4:
0x11f: {  	p0 =	sne.s32 s13, $0x4E00;
	v25 =	vld [tilespmem:s12+$0xDC70];
	[tilespmem:s28+$0x12C00] =	vst v10;
	v10 =	vadd.f32 v23, v13;
	v13 =	vshll.u32 v19, $0x10;
	v19 =	vand.u32 $0xFFFF0000, v19  }
0x120: {  	v12 =	vadd.f32 v21, v12;
	v23 =	vld [tilespmem:s12+$0x10470];
	[tilespmem:s28+$0x15400] =	vst v24;
	v21 =	vshll.u32 v17, $0x10;
	v17 =	vand.u32 $0xFFFF0000, v17  }
0x121: {  	v24 =	vld [tilespmem:s12+$0x6400];
	[tilespmem:s28+$0x12C10] =	vst v10;
	v10 =	vadd.f32 v22, v14;
	v14 =	vshll.u32 v16, $0x10;
	v16 =	vand.u32 $0xFFFF0000, v16  }
0x122: {  	v11 =	vadd.f32 v20, v11;
	v22 =	vld [tilespmem:s12+$0x8C00];
	[tilespmem:s28+$0x15410] =	vst v12;
	v12 =	vshll.u32 v15, $0x10;
	v15 =	vand.u32 $0xFFFF0000, v15  }
0x123: {  	v8 =	vadd.f32 v13, v8;
	v9 =	vadd.f32 v19, v9;
	v20 =	vld [tilespmem:s12+$0xB400];
	[tilespmem:s28+$0x12C20] =	vst v10  }
0x124: {  	v7 =	vadd.f32 v21, v7;
	v10 =	vld [tilespmem:s12+$0xDC00];
	v13 =	vadd.f32 v25, v18;
	[tilespmem:s28+$0x15420] =	vst v11  }
0x125: {  	v6 =	vadd.f32 v17, v6;
	v11 =	vld [tilespmem:s12+$0x6410];
	v18 =	vshll.u32 v23, $0x10;
	v19 =	vand.u32 $0xFFFF0000, v23;
	[tilespmem:s28+$0x12C30] =	vst v8  }
0x126: {  	v5 =	vadd.f32 v14, v5;
	v8 =	vld [tilespmem:s12+$0x8C10];
	v13 =	vadd.f32 v19, v13;
	[tilespmem:s28+$0x15430] =	vst v9  }
0x127: {  	v1 =	vadd.f32 v16, v1;
	v21 =	vadd.f32 v22, v24;
	v9 =	vld [tilespmem:s12+$0xB410];
	[tilespmem:s28+$0x12C40] =	vst v7  }
0x128: {  	v2 =	vadd.f32 v12, v2;
	v4 =	vadd.f32 v15, v4;
	v7 =	vld [tilespmem:s12+$0xDC10];
	[tilespmem:s12+$0x15470] =	vst v13  }
0x129: {  	v3 =	vadd.f32 v0, v3;
	v0 =	vmov v18;
	v20 =	vadd.f32 v10, v20;
	v10 =	vld [tilespmem:s12+$0x6420];
	[tilespmem:s28+$0x15440] =	vst v6  }
0x12a: {  	v6 =	vld [tilespmem:s12+$0x8C20];
	[tilespmem:s28+$0x12C50] =	vst v5  }
0x12b: {  	v13 =	vadd.f32 v8, v11;
	v5 =	vld [tilespmem:s12+$0xB420];
	[tilespmem:s28+$0x15450] =	vst v1  }
0x12c: {  	v1 =	vld [tilespmem:s12+$0xDC20];
	[tilespmem:s28+$0x12C60] =	vst v2  }
0x12d: {  	v12 =	vadd.f32 v7, v9;
	v2 =	vld [tilespmem:s12+$0x6430];
	[tilespmem:s28+$0x15460] =	vst v4  }
0x12e: {  	v4 =	vld [tilespmem:s12+$0x8C30];
	[tilespmem:s28+$0x12C70] =	vst v3;
	s28 =	smov.u32 s12  }
0x12f: {  	v14 =	vadd.f32 v6, v10;
	v3 =	vld [tilespmem:s28+$0xB430]  }
0x130: {  	v6 =	vld [tilespmem:s28+$0xDC30]  }
0x131: {  	v11 =	vadd.f32 v1, v5;
	v1 =	vld [tilespmem:s28+$0x6440]  }
0x132: {  	v5 =	vld [tilespmem:s28+$0x8C40]  }
0x133: {  	v8 =	vadd.f32 v4, v2;
	v2 =	vld [tilespmem:s28+$0xB440]  }
0x134: {  	v4 =	vld [tilespmem:s28+$0xDC40]  }
0x135: {  	v9 =	vadd.f32 v6, v3;
	v3 =	vld [tilespmem:s28+$0x6450]  }
0x136: {  	v10 =	vld [tilespmem:s28+$0x8C50]  }
0x137: {  	v7 =	vadd.f32 v5, v1;
	v1 =	vld [tilespmem:s28+$0xB450]  }
0x138: {  	v15 =	vld [tilespmem:s28+$0xDC50]  }
0x139: {  	v6 =	vadd.f32 v4, v2;
	v2 =	vld [tilespmem:s28+$0x6460]  }
0x13a: {  	v4 =	vld [tilespmem:s28+$0x8C60]  }
0x13b: {  	v5 =	vadd.f32 v10, v3;
	v3 =	vld [tilespmem:s28+$0xB460]  }
0x13c: {  	v10 =	vld [tilespmem:s28+$0xDC60]  }
0x13d: {  	v1 =	vadd.f32 v15, v1;
	v15 =	vld [tilespmem:s28+$0x6470]  }
0x13e: {  	v16 =	vld [tilespmem:s28+$0x8C70]  }
0x13f: {  	v18 =	vld [tilespmem:s28+$0x10400];
	v2 =	vadd.f32 v4, v2  }
0x140: {  	v22 =	vld [tilespmem:s28+$0x10410]  }
0x141: {  	v25 =	vld [tilespmem:s28+$0x10420];
	v4 =	vadd.f32 v10, v3  }
.Ltmp1:
0x142: {  	v19 =	vld [tilespmem:s28+$0x10430];
	(pc) =	sbr.rel @p0 .LBB2_4-.Ltmp1, $4  }
0x143: {  	v17 =	vld [tilespmem:s28+$0x10440];
	v3 =	vadd.f32 v16, v15  }
0x144: {  	v10 =	vshll.u32 v18, $0x10;
	v24 =	vand.u32 $0xFFFF0000, v18;
	v16 =	vld [tilespmem:s28+$0x10450]  }
0x145: {  	s12 =	sshra.s32 s13, $0x2;
	v10 =	vadd.f32 v10, v21;
	v23 =	vshll.u32 v22, $0x10;
	v21 =	vand.u32 $0xFFFF0000, v22;
	v15 =	vld [tilespmem:s28+$0x10460]  }
0x146: {  	s13 =	sadd.s32 $0x200, s13;
	v24 =	vadd.f32 v24, v20;
	v18 =	vld [tilespmem:s12+$0xB470];
	v22 =	vshll.u32 v25, $0x10;
	v20 =	vand.u32 $0xFFFF0000, v25  }
0x147: {  	v25 =	vld [tilespmem:s12+$0xDC70];
	[tilespmem:s28+$0x12C00] =	vst v10;
	v13 =	vadd.f32 v23, v13  }
0x148: {  	v12 =	vadd.f32 v21, v12;
	v10 =	vld [tilespmem:s12+$0x10470];
	[tilespmem:s28+$0x15400] =	vst v24  }
0x149: {  	v14 =	vadd.f32 v22, v14;
	v37 =	vld [tilespmem:s12+$0x6400];
	[tilespmem:s28+$0x12C10] =	vst v13  }
0x14a: {  	v11 =	vadd.f32 v20, v11;
	v38 =	vshll.u32 v19, $0x10;
	v13 =	vld [tilespmem:s12+$0x8C00];
	[tilespmem:s28+$0x15410] =	vst v12  }
0x14b: {  	v40 =	vand.u32 $0xFFFF0000, v19;
	v8 =	vadd.f32 v38, v8;
	v12 =	vld [tilespmem:s12+$0xB400];
	[tilespmem:s28+$0x12C20] =	vst v14  }
0x14c: {  	v9 =	vadd.f32 v40, v9;
	v42 =	vshll.u32 v17, $0x10;
	v39 =	vld [tilespmem:s12+$0xDC00];
	[tilespmem:s28+$0x15420] =	vst v11;
	v18 =	vadd.f32 v25, v18  }
0x14d: {  	v7 =	vadd.f32 v42, v7;
	v41 =	vld [tilespmem:s12+$0x6410];
	[tilespmem:s28+$0x12C30] =	vst v8;
	v44 =	vand.u32 $0xFFFF0000, v10  }
0x14e: {  	v45 =	vand.u32 $0xFFFF0000, v17;
	v43 =	vld [tilespmem:s12+$0x8C10];
	[tilespmem:s28+$0x15430] =	vst v9;
	v8 =	vadd.f32 v44, v18  }
0x14f: {  	v6 =	vadd.f32 v45, v6;
	v47 =	vshll.u32 v16, $0x10;
	v9 =	vld [tilespmem:s12+$0xB410];
	[tilespmem:s28+$0x12C40] =	vst v7  }
0x150: {  	v49 =	vand.u32 $0xFFFF0000, v16;
	v5 =	vadd.f32 v47, v5;
	v46 =	vld [tilespmem:s12+$0xDC10];
	[tilespmem:s12+$0x15470] =	vst v8  }
0x151: {  	v1 =	vadd.f32 v49, v1;
	v51 =	vshll.u32 v15, $0x10;
	v48 =	vld [tilespmem:s12+$0x6420];
	[tilespmem:s28+$0x15440] =	vst v6  }
0x152: {  	v53 =	vand.u32 $0xFFFF0000, v15;
	v2 =	vadd.f32 v51, v2;
	v50 =	vld [tilespmem:s12+$0x8C20];
	[tilespmem:s28+$0x12C50] =	vst v5  }
0x153: {  	v52 =	vld [tilespmem:s12+$0xB420];
	[tilespmem:s28+$0x15450] =	vst v1;
	v1 =	vadd.f32 v53, v4  }
0x154: {  	v0 =	vadd.f32 v0, v3;
	v54 =	vld [tilespmem:s12+$0xDC20];
	[tilespmem:s28+$0x12C60] =	vst v2  }
0x155: {  	v2 =	vld [tilespmem:s12+$0x6430];
	[tilespmem:s28+$0x15460] =	vst v1  }
0x156: {  	v1 =	vld [tilespmem:s12+$0x8C30];
	[tilespmem:s28+$0x12C70] =	vst v0  }
0x157: {  	v0 =	vld [tilespmem:s12+$0xB430]  }
0x158: {  	v55 =	vld [tilespmem:s12+$0xDC30]  }
0x159: {  	v56 =	vld [tilespmem:s12+$0x6440]  }
0x15a: {  	v57 =	vld [tilespmem:s12+$0x8C40]  }
0x15b: {  	v58 =	vld [tilespmem:s12+$0xB440]  }
0x15c: {  	v59 =	vld [tilespmem:s12+$0xDC40]  }
0x15d: {  	v60 =	vld [tilespmem:s12+$0x6450]  }
0x15e: {  	v61 =	vld [tilespmem:s12+$0x8C50]  }
0x15f: {  	v62 =	vld [tilespmem:s12+$0xB450]  }
0x160: {  	v30 =	vld [tilespmem:s12+$0x10400]  }
0x161: {  	v24 =	vld [tilespmem:s12+$0xDC50]  }
0x162: {  	v32 =	vld [tilespmem:s12+$0x10410]  }
0x163: {  	v63 =	vld [tilespmem:s12+$0x6460]  }
0x164: {  	v13 =	vadd.f32 v13, v37;
	v33 =	vld [tilespmem:s12+$0x10420]  }
0x165: {  	v12 =	vadd.f32 v39, v12;
	v26 =	vld [tilespmem:s12+$0x8C60];
	v34 =	vshll.u32 v30, $0x10  }
0x166: {  	v11 =	vadd.f32 v43, v41;
	v36 =	vld [tilespmem:s12+$0x10430];
	v38 =	vand.u32 $0xFFFF0000, v30;
	v13 =	vadd.f32 v34, v13  }
0x167: {  	v9 =	vadd.f32 v46, v9;
	v29 =	vld [tilespmem:s12+$0x6470];
	v40 =	vshll.u32 v32, $0x10;
	v12 =	vadd.f32 v38, v12  }
0x168: {  	v37 =	vld [tilespmem:s12+$0x10440];
	v7 =	vadd.f32 v50, v48;
	v43 =	vand.u32 $0xFFFF0000, v32;
	v42 =	vadd.f32 v40, v11;
	[tilespmem:s12+$0x12C00] =	vst v13  }
0x169: {  	v31 =	vld [tilespmem:s12+$0x8C70];
	v5 =	vadd.f32 v54, v52;
	v45 =	vshll.u32 v33, $0x10;
	v44 =	vadd.f32 v43, v9;
	[tilespmem:s12+$0x15400] =	vst v12  }
0x16a: {  	v39 =	vld [tilespmem:s12+$0x10450];
	v1 =	vadd.f32 v1, v2;
	v47 =	vand.u32 $0xFFFF0000, v33;
	v46 =	vadd.f32 v45, v7;
	[tilespmem:s12+$0x12C10] =	vst v42  }
0x16b: {  	v27 =	vld [tilespmem:s12+$0xB460];
	v0 =	vadd.f32 v55, v0;
	v48 =	vshll.u32 v36, $0x10;
	v5 =	vadd.f32 v47, v5;
	[tilespmem:s12+$0x15410] =	vst v44  }
0x16c: {  	v28 =	vld [tilespmem:s12+$0xDC60];
	v4 =	vadd.f32 v57, v56;
	v49 =	vand.u32 $0xFFFF0000, v36;
	v1 =	vadd.f32 v48, v1;
	[tilespmem:s12+$0x12C20] =	vst v46  }
0x16d: {  	v41 =	vld [tilespmem:s12+$0x10460];
	v50 =	vadd.f32 v59, v58;
	v51 =	vshll.u32 v37, $0x10;
	v0 =	vadd.f32 v49, v0;
	[tilespmem:s12+$0x15420] =	vst v5  }
0x16e: {  	v52 =	vadd.f32 v61, v60;
	v53 =	vand.u32 $0xFFFF0000, v37;
	v3 =	vadd.f32 v51, v4;
	[tilespmem:s12+$0x12C30] =	vst v1  }
0x16f: {  	v55 =	vshll.u32 v39, $0x10;
	v60 =	vadd.f32 v31, v29;
	v2 =	vadd.f32 v53, v50;
	[tilespmem:s12+$0x15430] =	vst v0  }
0x170: {  	v54 =	vadd.f32 v24, v62;
	v62 =	vshll.u32 v10, $0x10;
	v4 =	vadd.f32 v55, v52;
	[tilespmem:s12+$0x12C40] =	vst v3  }
0x171: {  	v56 =	vadd.f32 v26, v63;
	v57 =	vand.u32 $0xFFFF0000, v39;
	v63 =	vadd.f32 v62, v60;
	[tilespmem:s12+$0x15440] =	vst v2  }
0x172: {  	v58 =	vadd.f32 v28, v27;
	v59 =	vshll.u32 v41, $0x10;
	v1 =	vadd.f32 v57, v54;
	[tilespmem:s12+$0x12C50] =	vst v4  }
0x173: {  	v61 =	vand.u32 $0xFFFF0000, v41;
	v0 =	vadd.f32 v59, v56;
	[tilespmem:s12+$0x12C70] =	vst v63  }
0x174: {  	v3 =	vadd.f32 v61, v58;
	[tilespmem:s12+$0x15450] =	vst v1  }
0x175: {  	[tilespmem:s12+$0x12C60] =	vst v0  }
0x176: {  	s13 =	simm.s32 $0x78;
	s28 =	simm.s32 $0x6400;
	[tilespmem:s12+$0x15460] =	vst v3  }
0x177: {  	[tilespmem:s28], [sflag:$0x2] =	stream.indirect.gather [hbm4b:s4+s2], $0x80, s13, s2, $0xb8;
	[tilespmem:$0x16800] =	vst v63  }
0x178: {  	s14 =	simm.s32 $0x8C00;
	s28 =	simm.s32 $0x1478  }
0x179: {  	[tilespmem:s14], [sflag:$0x2] =	stream.indirect.gather [hbm4b:s5+s2], $0x80, s28, s2, $0xb8;
	[tilespmem:$0x16800] =	vst v63  }
0x17a: {  	s13 =	simm.s32 $0xB400;
	s14 =	simm.s32 $0x2878  }
0x17b: {  	[tilespmem:s13], [sflag:$0x2] =	stream.indirect.gather [hbm4b:s4+s2], $0x80, s14, s2, $0xb8;
	[tilespmem:$0x16800] =	vst v63  }
0x17c: {  	s28 =	simm.s32 $0x3C78  }
0x17d: {  	[tilespmem:s15], [sflag:$0x2] =	stream.indirect.gather [hbm4b:s5+s2], $0x80, s28, s2, $0xb8;
	[tilespmem:$0x16800] =	vst v63  }
0x17e: {  	s13 =	rddreg [dreg:$0xc]  }
0x17f: {  	[tilespmem:s16], [sflag:$0x4] =	stream.linear.gather [hbm4b:s13+s3], $0x1400, $0x38;
	[tilespmem:$0x16800] =	vst v63  }
0x180: {  	s14 =	rddreg [dreg:$0xd]  }
0x181: {  	[hbm4b:s14+s3] =	stream.linear.scatter [tilespmem:s23], [sflag:$0x6], $0x1400, $0x38;
	[tilespmem:$0x16800] =	vst v63  }
0x182: {  	s31 =	simm.s32 $0x1;
	s28 =	rddreg [dreg:$0xe]  }
0x183: {  	[hbm4b:s28+s3] =	stream.linear.scatter [tilespmem:s24], [sflag:$0x6], $0x1400, $0x38;
	[tilespmem:$0x16800] =	vst v63  }
.LBB2_6:
0x184: {  	_ =	swait.ge [sflag:s17], $0x1400  }
0x185: {  	[sflag:s17] =	ssyncset.done $0x0  }
0x186: {  	[sflag:s17] =	ssyncadd.s32 $0xFFFFEC00  }
0x187: {  	_ =	swait.ge [sflag:s17], $0x1400  }
0x188: {  	[sflag:s17] =	ssyncset.done $0x0  }
0x189: {  	[sflag:s17] =	ssyncadd.s32 $0xFFFFEC00  }
0x18a: {  	_ =	swait.ge [sflag:s17], $0x1400  }
0x18b: {  	[sflag:s17] =	ssyncset.done $0x0  }
0x18c: {  	[sflag:s17] =	ssyncadd.s32 $0xFFFFEC00  }
0x18d: {  	_ =	swait.ge [sflag:s17], $0x1400  }
0x18e: {  	[sflag:s17] =	ssyncset.done $0x0  }
0x18f: {  	[sflag:s17] =	ssyncadd.s32 $0xFFFFEC00  }
0x190: {  	_ =	swait.ge [sflag:s18], $0x1400  }
0x191: {  	[sflag:s18] =	ssyncset.done $0x0  }
0x192: {  	[sflag:s18] =	ssyncadd.s32 $0xFFFFEC00  }
0x193: {  	_ =	swait.ge [sflag:s25], $0x1400  }
0x194: {  	[sflag:s25] =	ssyncset.done $0x0  }
0x195: {  	[sflag:s25] =	ssyncadd.s32 $0xFFFFEC00  }
0x196: {  	_ =	swait.ge [sflag:s25], $0x1400  }
0x197: {  	[sflag:s25] =	ssyncset.done $0x0  }
0x198: {  	s28 =	simm.s32 $0x0;
	[sflag:s25] =	ssyncadd.s32 $0xFFFFEC00  }
0x199: {  	v0 =	vld [tilespmem:s28+$0xA070]  }
0x19a: {  	v1 =	vld [tilespmem:s28+$0xC870]  }
0x19b: {  	v2 =	vld [tilespmem:s28+$0xF070]  }
0x19c: {  	v3 =	vld [tilespmem:s28+$0x5000]  }
0x19d: {  	v4 =	vld [tilespmem:s28+$0x7800]  }
0x19e: {  	v5 =	vld [tilespmem:s28+$0xA000]  }
0x19f: {  	v6 =	vld [tilespmem:s28+$0xC800]  }
0x1a0: {  	v8 =	vld [tilespmem:s28+$0x7810]  }
0x1a1: {  	v9 =	vld [tilespmem:s28+$0xC810]  }
0x1a2: {  	v10 =	vld [tilespmem:s28+$0x7820]  }
0x1a3: {  	v11 =	vld [tilespmem:s28+$0xA020]  }
0x1a4: {  	v15 =	vld [tilespmem:s28+$0xC820]  }
0x1a5: {  	v16 =	vld [tilespmem:s28+$0x5030]  }
0x1a6: {  	v17 =	vld [tilespmem:s28+$0x7830]  }
0x1a7: {  	v18 =	vld [tilespmem:s28+$0xA030]  }
0x1a8: {  	v19 =	vld [tilespmem:s28+$0xC830]  }
0x1a9: {  	v20 =	vld [tilespmem:s28+$0x5040]  }
0x1aa: {  	v21 =	vld [tilespmem:s28+$0x7840]  }
0x1ab: {  	v22 =	vld [tilespmem:s28+$0xA040]  }
0x1ac: {  	v23 =	vld [tilespmem:s28+$0xC840]  }
0x1ad: {  	v24 =	vld [tilespmem:s28+$0x5050]  }
0x1ae: {  	v25 =	vld [tilespmem:s28+$0x7850]  }
0x1af: {  	v26 =	vld [tilespmem:s28+$0xA050]  }
0x1b0: {  	v27 =	vld [tilespmem:s28+$0xC850]  }
0x1b1: {  	v28 =	vld [tilespmem:s28+$0x5060];
	v0 =	vadd.f32 v1, v0  }
0x1b2: {  	v30 =	vld [tilespmem:s28+$0xA060];
	v7 =	vand.u32 $0xFFFF0000, v2  }
0x1b3: {  	v31 =	vld [tilespmem:s28+$0xC860];
	v0 =	vadd.f32 v7, v0  }
0x1b4: {  	v34 =	vld [tilespmem:s28+$0x7870]  }
0x1b5: {  	[tilespmem:s28+$0x14070] =	vst v0;
	v0 =	vld [tilespmem:s28+$0x5020]  }
0x1b6: {  	v1 =	vld [tilespmem:s28+$0x5010]  }
0x1b7: {  	v7 =	vld [tilespmem:s28+$0xA010]  }
0x1b8: {  	v32 =	vadd.f32 v4, v3;
	v33 =	vadd.f32 v6, v5;
	v3 =	vld [tilespmem:s28+$0x5070]  }
0x1b9: {  	v11 =	vadd.f32 v15, v11;
	v15 =	vld [tilespmem:s28+$0xF010];
	v6 =	vadd.f32 v23, v22  }
0x1ba: {  	v5 =	vadd.f32 v25, v24;
	v14 =	vadd.f32 v10, v0;
	v10 =	vld [tilespmem:s28+$0xF000]  }
0x1bb: {  	v29 =	vld [tilespmem:s28+$0x7860];
	v4 =	vadd.f32 v31, v30;
	v13 =	vadd.f32 v8, v1  }
0x1bc: {  	v12 =	vadd.f32 v9, v7;
	v7 =	vadd.f32 v21, v20;
	v20 =	vld [tilespmem:s28+$0xF020]  }
0x1bd: {  	v8 =	vadd.f32 v17, v16;
	v9 =	vadd.f32 v19, v18;
	v19 =	vld [tilespmem:s28+$0xF030]  }
0x1be: {  	v1 =	vadd.f32 v27, v26;
	v17 =	vld [tilespmem:s28+$0xF040];
	v3 =	vadd.f32 v34, v3;
	v23 =	vshll.u32 v15, $0x10  }
0x1bf: {  	v16 =	vld [tilespmem:s28+$0xF050];
	v21 =	vand.u32 $0xFFFF0000, v15;
	v0 =	vshll.u32 v2, $0x10;
	v18 =	vshll.u32 v10, $0x10  }
0x1c0: {  	s12 =	simm.s32 $0x80;
	v15 =	vld [tilespmem:s28+$0xF060];
	v2 =	vadd.f32 v29, v28;
	v22 =	vand.u32 $0xFFFF0000, v10;
	v10 =	vadd.f32 v18, v32  }
0x1c1: {  	s13 =	simm.s32 $0x400;
	v18 =	vld [tilespmem:s12+$0xA070];
	v24 =	vadd.f32 v22, v33;
	v22 =	vshll.u32 v20, $0x10;
	v20 =	vand.u32 $0xFFFF0000, v20  }
.LBB2_7:
0x1c2: {  	p0 =	sne.s32 s13, $0x4E00;
	v25 =	vld [tilespmem:s12+$0xC870];
	[tilespmem:s28+$0x11800] =	vst v10;
	v10 =	vadd.f32 v23, v13;
	v13 =	vshll.u32 v19, $0x10;
	v19 =	vand.u32 $0xFFFF0000, v19  }
0x1c3: {  	v12 =	vadd.f32 v21, v12;
	v23 =	vld [tilespmem:s12+$0xF070];
	[tilespmem:s28+$0x14000] =	vst v24;
	v21 =	vshll.u32 v17, $0x10;
	v17 =	vand.u32 $0xFFFF0000, v17  }
0x1c4: {  	v24 =	vld [tilespmem:s12+$0x5000];
	[tilespmem:s28+$0x11810] =	vst v10;
	v10 =	vadd.f32 v22, v14;
	v14 =	vshll.u32 v16, $0x10;
	v16 =	vand.u32 $0xFFFF0000, v16  }
0x1c5: {  	v11 =	vadd.f32 v20, v11;
	v22 =	vld [tilespmem:s12+$0x7800];
	[tilespmem:s28+$0x14010] =	vst v12;
	v12 =	vshll.u32 v15, $0x10;
	v15 =	vand.u32 $0xFFFF0000, v15  }
0x1c6: {  	v8 =	vadd.f32 v13, v8;
	v9 =	vadd.f32 v19, v9;
	v20 =	vld [tilespmem:s12+$0xA000];
	[tilespmem:s28+$0x11820] =	vst v10  }
0x1c7: {  	v7 =	vadd.f32 v21, v7;
	v10 =	vld [tilespmem:s12+$0xC800];
	v13 =	vadd.f32 v25, v18;
	[tilespmem:s28+$0x14020] =	vst v11  }
0x1c8: {  	v6 =	vadd.f32 v17, v6;
	v11 =	vld [tilespmem:s12+$0x5010];
	v18 =	vshll.u32 v23, $0x10;
	v19 =	vand.u32 $0xFFFF0000, v23;
	[tilespmem:s28+$0x11830] =	vst v8  }
0x1c9: {  	v5 =	vadd.f32 v14, v5;
	v8 =	vld [tilespmem:s12+$0x7810];
	v13 =	vadd.f32 v19, v13;
	[tilespmem:s28+$0x14030] =	vst v9  }
0x1ca: {  	v1 =	vadd.f32 v16, v1;
	v21 =	vadd.f32 v22, v24;
	v9 =	vld [tilespmem:s12+$0xA010];
	[tilespmem:s28+$0x11840] =	vst v7  }
0x1cb: {  	v2 =	vadd.f32 v12, v2;
	v4 =	vadd.f32 v15, v4;
	v7 =	vld [tilespmem:s12+$0xC810];
	[tilespmem:s12+$0x14070] =	vst v13  }
0x1cc: {  	v3 =	vadd.f32 v0, v3;
	v0 =	vmov v18;
	v20 =	vadd.f32 v10, v20;
	v10 =	vld [tilespmem:s12+$0x5020];
	[tilespmem:s28+$0x14040] =	vst v6  }
0x1cd: {  	v6 =	vld [tilespmem:s12+$0x7820];
	[tilespmem:s28+$0x11850] =	vst v5  }
0x1ce: {  	v13 =	vadd.f32 v8, v11;
	v5 =	vld [tilespmem:s12+$0xA020];
	[tilespmem:s28+$0x14050] =	vst v1  }
0x1cf: {  	v1 =	vld [tilespmem:s12+$0xC820];
	[tilespmem:s28+$0x11860] =	vst v2  }
0x1d0: {  	v12 =	vadd.f32 v7, v9;
	v2 =	vld [tilespmem:s12+$0x5030];
	[tilespmem:s28+$0x14060] =	vst v4  }
0x1d1: {  	v4 =	vld [tilespmem:s12+$0x7830];
	[tilespmem:s28+$0x11870] =	vst v3;
	s28 =	smov.u32 s12  }
0x1d2: {  	v14 =	vadd.f32 v6, v10;
	v3 =	vld [tilespmem:s28+$0xA030]  }
0x1d3: {  	v6 =	vld [tilespmem:s28+$0xC830]  }
0x1d4: {  	v11 =	vadd.f32 v1, v5;
	v1 =	vld [tilespmem:s28+$0x5040]  }
0x1d5: {  	v5 =	vld [tilespmem:s28+$0x7840]  }
0x1d6: {  	v8 =	vadd.f32 v4, v2;
	v2 =	vld [tilespmem:s28+$0xA040]  }
0x1d7: {  	v4 =	vld [tilespmem:s28+$0xC840]  }
0x1d8: {  	v9 =	vadd.f32 v6, v3;
	v3 =	vld [tilespmem:s28+$0x5050]  }
0x1d9: {  	v10 =	vld [tilespmem:s28+$0x7850]  }
0x1da: {  	v7 =	vadd.f32 v5, v1;
	v1 =	vld [tilespmem:s28+$0xA050]  }
0x1db: {  	v15 =	vld [tilespmem:s28+$0xC850]  }
0x1dc: {  	v6 =	vadd.f32 v4, v2;
	v2 =	vld [tilespmem:s28+$0x5060]  }
0x1dd: {  	v4 =	vld [tilespmem:s28+$0x7860]  }
0x1de: {  	v5 =	vadd.f32 v10, v3;
	v3 =	vld [tilespmem:s28+$0xA060]  }
0x1df: {  	v10 =	vld [tilespmem:s28+$0xC860]  }
0x1e0: {  	v1 =	vadd.f32 v15, v1;
	v15 =	vld [tilespmem:s28+$0x5070]  }
0x1e1: {  	v16 =	vld [tilespmem:s28+$0x7870]  }
0x1e2: {  	v18 =	vld [tilespmem:s28+$0xF000];
	v2 =	vadd.f32 v4, v2  }
0x1e3: {  	v22 =	vld [tilespmem:s28+$0xF010]  }
0x1e4: {  	v25 =	vld [tilespmem:s28+$0xF020];
	v4 =	vadd.f32 v10, v3  }
.Ltmp2:
0x1e5: {  	v19 =	vld [tilespmem:s28+$0xF030];
	(pc) =	sbr.rel @p0 .LBB2_7-.Ltmp2, $4  }
0x1e6: {  	v17 =	vld [tilespmem:s28+$0xF040];
	v3 =	vadd.f32 v16, v15  }
0x1e7: {  	v10 =	vshll.u32 v18, $0x10;
	v24 =	vand.u32 $0xFFFF0000, v18;
	v16 =	vld [tilespmem:s28+$0xF050]  }
0x1e8: {  	s12 =	sshra.s32 s13, $0x2;
	v10 =	vadd.f32 v10, v21;
	v23 =	vshll.u32 v22, $0x10;
	v21 =	vand.u32 $0xFFFF0000, v22;
	v15 =	vld [tilespmem:s28+$0xF060]  }
0x1e9: {  	s13 =	sadd.s32 $0x200, s13;
	v24 =	vadd.f32 v24, v20;
	v18 =	vld [tilespmem:s12+$0xA070];
	v22 =	vshll.u32 v25, $0x10;
	v20 =	vand.u32 $0xFFFF0000, v25  }
0x1ea: {  	v25 =	vld [tilespmem:s12+$0xC870];
	[tilespmem:s28+$0x11800] =	vst v10;
	v13 =	vadd.f32 v23, v13  }
0x1eb: {  	v12 =	vadd.f32 v21, v12;
	v10 =	vld [tilespmem:s12+$0xF070];
	[tilespmem:s28+$0x14000] =	vst v24  }
0x1ec: {  	v14 =	vadd.f32 v22, v14;
	v23 =	vld [tilespmem:s12+$0x5000];
	[tilespmem:s28+$0x11810] =	vst v13  }
0x1ed: {  	v13 =	vld [tilespmem:s12+$0x7800];
	[tilespmem:s28+$0x14010] =	vst v12  }
0x1ee: {  	v11 =	vadd.f32 v20, v11;
	v12 =	vld [tilespmem:s12+$0xA000];
	[tilespmem:s28+$0x11820] =	vst v14;
	v14 =	vshll.u32 v19, $0x10  }
0x1ef: {  	v8 =	vadd.f32 v14, v8  }
0x1f0: {  	v20 =	vld [tilespmem:s12+$0xC800];
	[tilespmem:s28+$0x14020] =	vst v11;
	v11 =	vand.u32 $0xFFFF0000, v19  }
0x1f1: {  	v14 =	vld [tilespmem:s12+$0x5010];
	v9 =	vadd.f32 v11, v9;
	[tilespmem:s28+$0x11830] =	vst v8;
	v8 =	vshll.u32 v17, $0x10  }
0x1f2: {  	v18 =	vadd.f32 v25, v18;
	v7 =	vadd.f32 v8, v7  }
0x1f3: {  	v11 =	vld [tilespmem:s12+$0x7810];
	[tilespmem:s28+$0x14030] =	vst v9;
	v8 =	vand.u32 $0xFFFF0000, v10  }
0x1f4: {  	v9 =	vld [tilespmem:s12+$0xA010];
	v8 =	vadd.f32 v8, v18;
	[tilespmem:s28+$0x11840] =	vst v7;
	v7 =	vand.u32 $0xFFFF0000, v17  }
0x1f5: {  	v6 =	vadd.f32 v7, v6  }
0x1f6: {  	v17 =	vld [tilespmem:s12+$0xC810];
	[tilespmem:s12+$0x14070] =	vst v8;
	v7 =	vshll.u32 v16, $0x10  }
0x1f7: {  	v8 =	vld [tilespmem:s12+$0x5020];
	v5 =	vadd.f32 v7, v5;
	[tilespmem:s28+$0x14040] =	vst v6;
	v6 =	vand.u32 $0xFFFF0000, v16  }
0x1f8: {  	v1 =	vadd.f32 v6, v1  }
0x1f9: {  	v7 =	vld [tilespmem:s12+$0x7820];
	[tilespmem:s28+$0x11850] =	vst v5;
	v5 =	vshll.u32 v15, $0x10  }
0x1fa: {  	v6 =	vld [tilespmem:s12+$0xA020];
	v2 =	vadd.f32 v5, v2;
	[tilespmem:s28+$0x14050] =	vst v1;
	v1 =	vand.u32 $0xFFFF0000, v15  }
0x1fb: {  	v1 =	vadd.f32 v1, v4  }
0x1fc: {  	v0 =	vadd.f32 v0, v3;
	v5 =	vld [tilespmem:s12+$0xC820];
	[tilespmem:s28+$0x11860] =	vst v2  }
0x1fd: {  	v2 =	vld [tilespmem:s12+$0x5030];
	[tilespmem:s28+$0x14060] =	vst v1  }
0x1fe: {  	v1 =	vld [tilespmem:s12+$0x7830];
	[tilespmem:s28+$0x11870] =	vst v0  }
0x1ff: {  	v0 =	vld [tilespmem:s12+$0xA030]  }
0x200: {  	v3 =	vld [tilespmem:s12+$0xC830]  }
0x201: {  	v4 =	vld [tilespmem:s12+$0x5040]  }
0x202: {  	v15 =	vld [tilespmem:s12+$0x7840]  }
0x203: {  	v16 =	vld [tilespmem:s12+$0xA040]  }
0x204: {  	v18 =	vld [tilespmem:s12+$0xC840]  }
0x205: {  	v19 =	vld [tilespmem:s12+$0x5050]  }
0x206: {  	v21 =	vld [tilespmem:s12+$0x7850]  }
0x207: {  	v22 =	vld [tilespmem:s12+$0xA050]  }
0x208: {  	v30 =	vld [tilespmem:s12+$0xF000]  }
0x209: {  	v24 =	vld [tilespmem:s12+$0xC850]  }
0x20a: {  	v32 =	vld [tilespmem:s12+$0xF010]  }
0x20b: {  	v33 =	vld [tilespmem:s12+$0xF020]  }
0x20c: {  	v13 =	vadd.f32 v13, v23;
	v12 =	vadd.f32 v20, v12;
	v23 =	vld [tilespmem:s12+$0xF030]  }
0x20d: {  	v11 =	vadd.f32 v11, v14;
	v9 =	vadd.f32 v17, v9;
	v25 =	vld [tilespmem:s12+$0x5060];
	v34 =	vshll.u32 v30, $0x10  }
0x20e: {  	v7 =	vadd.f32 v7, v8;
	v26 =	vld [tilespmem:s12+$0x7860];
	v14 =	vand.u32 $0xFFFF0000, v30;
	v13 =	vadd.f32 v34, v13  }
0x20f: {  	v27 =	vld [tilespmem:s12+$0xA060];
	v5 =	vadd.f32 v5, v6;
	v17 =	vshll.u32 v32, $0x10;
	v12 =	vadd.f32 v14, v12  }
0x210: {  	v20 =	vld [tilespmem:s12+$0xF040];
	v1 =	vadd.f32 v1, v2;
	v2 =	vand.u32 $0xFFFF0000, v33;
	v8 =	vadd.f32 v17, v11;
	[tilespmem:s12+$0x11800] =	vst v13  }
0x211: {  	v28 =	vld [tilespmem:s12+$0xC860];
	v0 =	vadd.f32 v3, v0;
	v3 =	vshll.u32 v23, $0x10;
	v2 =	vadd.f32 v2, v5;
	[tilespmem:s12+$0x14000] =	vst v12  }
0x212: {  	v56 =	vld [tilespmem:s12+$0xF050];
	v11 =	vand.u32 $0xFFFF0000, v32;
	v1 =	vadd.f32 v3, v1;
	[tilespmem:s12+$0x11810] =	vst v8  }
0x213: {  	v29 =	vld [tilespmem:s12+$0x5070];
	v5 =	vand.u32 $0xFFFF0000, v23;
	v6 =	vadd.f32 v11, v9;
	[tilespmem:s12+$0x14020] =	vst v2  }
0x214: {  	v14 =	vld [tilespmem:s12+$0xF060];
	v3 =	vadd.f32 v18, v16;
	v9 =	vshll.u32 v33, $0x10;
	v0 =	vadd.f32 v5, v0;
	[tilespmem:s12+$0x11830] =	vst v1  }
0x215: {  	v31 =	vld [tilespmem:s12+$0x7870];
	v4 =	vadd.f32 v15, v4;
	v5 =	vand.u32 $0xFFFF0000, v20;
	v7 =	vadd.f32 v9, v7;
	[tilespmem:s12+$0x14010] =	vst v6  }
0x216: {  	v1 =	vadd.f32 v24, v22;
	v3 =	vadd.f32 v5, v3;
	v6 =	vshll.u32 v20, $0x10;
	[tilespmem:s12+$0x14030] =	vst v0  }
0x217: {  	v2 =	vadd.f32 v21, v19;
	v5 =	vand.u32 $0xFFFF0000, v56;
	[tilespmem:s12+$0x11820] =	vst v7;
	v4 =	vadd.f32 v6, v4  }
0x218: {  	v0 =	vadd.f32 v26, v25;
	v6 =	vshll.u32 v56, $0x10;
	v1 =	vadd.f32 v5, v1;
	[tilespmem:s12+$0x14040] =	vst v3  }
0x219: {  	v2 =	vadd.f32 v6, v2;
	v6 =	vshll.u32 v14, $0x10;
	[tilespmem:s12+$0x11840] =	vst v4;
	v4 =	vadd.f32 v28, v27  }
0x21a: {  	v3 =	vadd.f32 v31, v29;
	v5 =	vand.u32 $0xFFFF0000, v14;
	v0 =	vadd.f32 v6, v0;
	[tilespmem:s12+$0x14050] =	vst v1  }
0x21b: {  	[tilespmem:s12+$0x11850] =	vst v2;
	v2 =	vshll.u32 v10, $0x10;
	v4 =	vadd.f32 v5, v4  }
0x21c: {  	s28 =	smul.u32 $0x50, s31;
	v1 =	vadd.f32 v2, v3;
	[tilespmem:s12+$0x11860] =	vst v0  }
0x21d: {  	[tilespmem:s12+$0x14060] =	vst v4  }
0x21e: {  	[tilespmem:s12+$0x11870] =	vst v1;
	s12 =	sadd.s32 $0x50, s28  }
0x21f: {  	[tilespmem:s0], [sflag:$0x1] =	stream.indirect.gather [hbm4b:s4+s2], $0x80, s12, s2, $0xb8;
	[tilespmem:$0x16800] =	vst v63  }
0x220: {  	s13 =	sadd.s32 $0x1450, s28  }
0x221: {  	[tilespmem:s8], [sflag:$0x1] =	stream.indirect.gather [hbm4b:s5+s2], $0x80, s13, s2, $0xb8;
	[tilespmem:$0x16800] =	vst v63  }
0x222: {  	s14 =	sadd.s32 $0x2850, s28;
	s12 =	sadd.s32 s6, s12  }
0x223: {  	[tilespmem:s9], [sflag:$0x1] =	stream.indirect.gather [hbm4b:s4+s2], $0x80, s14, s2, $0xb8;
	[tilespmem:$0x16800] =	vst v63  }
0x224: {  	s12 =	sshll.u32 s12, $0x4;
	s14 =	sadd.s32 $0x3C50, s28  }
0x225: {  	[tilespmem:s10], [sflag:$0x1] =	stream.indirect.gather [hbm4b:s5+s2], $0x80, s14, s2, $0xb8;
	[tilespmem:$0x16800] =	vst v63  }
0x226: {  	s13 =	sadd.s32 s6, s28;
	s12 =	sadd.s32 s7, s12;
	s14 =	simm.s32 $0x0  }
0x227: {  	[tilespmem:s11], [sflag:$0x3] =	stream.linear.gather [hbm4b:s12+s14], $0x1400, $0x38;
	[tilespmem:$0x16800] =	vst v63  }
0x228: {  	s12 =	sshll.u32 s13, $0x4  }
0x229: {  	s13 =	sadd.s32 s1, s12  }
0x22a: {  	[hbm4b:s13+s14] =	stream.linear.scatter [tilespmem:s19], [sflag:$0x5], $0x1400, $0x38;
	[tilespmem:$0x16800] =	vst v63  }
0x22b: {  	s12 =	sadd.s32 s12, s29  }
0x22c: {  	[hbm4b:s12+s14] =	stream.linear.scatter [tilespmem:s20], [sflag:$0x5], $0x1400, $0x38;
	[tilespmem:$0x16800] =	vst v63  }
0x22d: {  	_ =	swait.ge [sflag:s21], $0x1400  }
0x22e: {  	[sflag:s21] =	ssyncset.done $0x0  }
0x22f: {  	[sflag:s21] =	ssyncadd.s32 $0xFFFFEC00  }
0x230: {  	_ =	swait.ge [sflag:s21], $0x1400  }
0x231: {  	[sflag:s21] =	ssyncset.done $0x0  }
0x232: {  	[sflag:s21] =	ssyncadd.s32 $0xFFFFEC00  }
0x233: {  	_ =	swait.ge [sflag:s21], $0x1400  }
0x234: {  	[sflag:s21] =	ssyncset.done $0x0  }
0x235: {  	[sflag:s21] =	ssyncadd.s32 $0xFFFFEC00  }
0x236: {  	_ =	swait.ge [sflag:s21], $0x1400  }
0x237: {  	[sflag:s21] =	ssyncset.done $0x0  }
0x238: {  	[sflag:s21] =	ssyncadd.s32 $0xFFFFEC00  }
0x239: {  	_ =	swait.ge [sflag:s22], $0x1400  }
0x23a: {  	[sflag:s22] =	ssyncset.done $0x0  }
0x23b: {  	[sflag:s22] =	ssyncadd.s32 $0xFFFFEC00  }
0x23c: {  	_ =	swait.ge [sflag:s26], $0x1400  }
0x23d: {  	[sflag:s26] =	ssyncset.done $0x0  }
0x23e: {  	[sflag:s26] =	ssyncadd.s32 $0xFFFFEC00  }
0x23f: {  	_ =	swait.ge [sflag:s26], $0x1400  }
0x240: {  	[sflag:s26] =	ssyncset.done $0x0  }
0x241: {  	s12 =	simm.s32 $0x0;
	[sflag:s26] =	ssyncadd.s32 $0xFFFFEC00  }
0x242: {  	v0 =	vld [tilespmem:s12+$0xB470]  }
0x243: {  	v1 =	vld [tilespmem:s12+$0xDC70]  }
0x244: {  	v2 =	vld [tilespmem:s12+$0x10470]  }
0x245: {  	v3 =	vld [tilespmem:s12+$0x6400]  }
0x246: {  	v4 =	vld [tilespmem:s12+$0x8C00]  }
0x247: {  	v5 =	vld [tilespmem:s12+$0xB400]  }
0x248: {  	v6 =	vld [tilespmem:s12+$0xDC00]  }
0x249: {  	v8 =	vld [tilespmem:s12+$0x8C10]  }
0x24a: {  	v9 =	vld [tilespmem:s12+$0xDC10]  }
0x24b: {  	v10 =	vld [tilespmem:s12+$0x8C20]  }
0x24c: {  	v11 =	vld [tilespmem:s12+$0xB420]  }
0x24d: {  	v15 =	vld [tilespmem:s12+$0xDC20]  }
0x24e: {  	v16 =	vld [tilespmem:s12+$0x6430]  }
0x24f: {  	v17 =	vld [tilespmem:s12+$0x8C30]  }
0x250: {  	v18 =	vld [tilespmem:s12+$0xB430]  }
0x251: {  	v19 =	vld [tilespmem:s12+$0xDC30]  }
0x252: {  	v20 =	vld [tilespmem:s12+$0x6440]  }
0x253: {  	v21 =	vld [tilespmem:s12+$0x8C40]  }
0x254: {  	v22 =	vld [tilespmem:s12+$0xB440]  }
0x255: {  	v23 =	vld [tilespmem:s12+$0xDC40]  }
0x256: {  	v24 =	vld [tilespmem:s12+$0x6450]  }
0x257: {  	v25 =	vld [tilespmem:s12+$0x8C50]  }
0x258: {  	v26 =	vld [tilespmem:s12+$0xB450]  }
0x259: {  	v27 =	vld [tilespmem:s12+$0xDC50]  }
0x25a: {  	v57 =	vld [tilespmem:s12+$0x6460];
	v0 =	vadd.f32 v1, v0  }
0x25b: {  	v59 =	vld [tilespmem:s12+$0xB460];
	v7 =	vand.u32 $0xFFFF0000, v2  }
0x25c: {  	v60 =	vld [tilespmem:s12+$0xDC60];
	v0 =	vadd.f32 v7, v0  }
0x25d: {  	v63 =	vld [tilespmem:s12+$0x8C70]  }
0x25e: {  	[tilespmem:s12+$0x15470] =	vst v0;
	v0 =	vld [tilespmem:s12+$0x6420]  }
0x25f: {  	v1 =	vld [tilespmem:s12+$0x6410]  }
0x260: {  	v7 =	vld [tilespmem:s12+$0xB410]  }
0x261: {  	v61 =	vadd.f32 v4, v3;
	v62 =	vadd.f32 v6, v5;
	v3 =	vld [tilespmem:s12+$0x6470]  }
0x262: {  	v11 =	vadd.f32 v15, v11;
	v15 =	vld [tilespmem:s12+$0x10410];
	v6 =	vadd.f32 v23, v22  }
0x263: {  	v5 =	vadd.f32 v25, v24;
	v14 =	vadd.f32 v10, v0;
	v10 =	vld [tilespmem:s12+$0x10400]  }
0x264: {  	v58 =	vld [tilespmem:s12+$0x8C60];
	v4 =	vadd.f32 v60, v59;
	v13 =	vadd.f32 v8, v1  }
0x265: {  	v12 =	vadd.f32 v9, v7;
	v7 =	vadd.f32 v21, v20;
	v20 =	vld [tilespmem:s12+$0x10420]  }
0x266: {  	v8 =	vadd.f32 v17, v16;
	v9 =	vadd.f32 v19, v18;
	v19 =	vld [tilespmem:s12+$0x10430]  }
0x267: {  	v1 =	vadd.f32 v27, v26;
	v17 =	vld [tilespmem:s12+$0x10440];
	v3 =	vadd.f32 v63, v3;
	v23 =	vshll.u32 v15, $0x10  }
0x268: {  	v16 =	vld [tilespmem:s12+$0x10450];
	v21 =	vand.u32 $0xFFFF0000, v15;
	v0 =	vshll.u32 v2, $0x10;
	v18 =	vshll.u32 v10, $0x10  }
0x269: {  	s13 =	simm.s32 $0x80;
	v15 =	vld [tilespmem:s12+$0x10460];
	v2 =	vadd.f32 v58, v57;
	v22 =	vand.u32 $0xFFFF0000, v10;
	v10 =	vadd.f32 v18, v61  }
0x26a: {  	s14 =	simm.s32 $0x400;
	v18 =	vld [tilespmem:s13+$0xB470];
	v24 =	vadd.f32 v22, v62;
	v22 =	vshll.u32 v20, $0x10;
	v20 =	vand.u32 $0xFFFF0000, v20  }
.LBB2_9:
0x26b: {  	p0 =	sne.s32 s14, $0x4E00;
	v25 =	vld [tilespmem:s13+$0xDC70];
	[tilespmem:s12+$0x12C00] =	vst v10;
	v10 =	vadd.f32 v23, v13;
	v13 =	vshll.u32 v19, $0x10;
	v19 =	vand.u32 $0xFFFF0000, v19  }
0x26c: {  	v12 =	vadd.f32 v21, v12;
	v23 =	vld [tilespmem:s13+$0x10470];
	[tilespmem:s12+$0x15400] =	vst v24;
	v21 =	vshll.u32 v17, $0x10;
	v17 =	vand.u32 $0xFFFF0000, v17  }
0x26d: {  	v24 =	vld [tilespmem:s13+$0x6400];
	[tilespmem:s12+$0x12C10] =	vst v10;
	v10 =	vadd.f32 v22, v14;
	v14 =	vshll.u32 v16, $0x10;
	v16 =	vand.u32 $0xFFFF0000, v16  }
0x26e: {  	v11 =	vadd.f32 v20, v11;
	v22 =	vld [tilespmem:s13+$0x8C00];
	[tilespmem:s12+$0x15410] =	vst v12;
	v12 =	vshll.u32 v15, $0x10;
	v15 =	vand.u32 $0xFFFF0000, v15  }
0x26f: {  	v8 =	vadd.f32 v13, v8;
	v9 =	vadd.f32 v19, v9;
	v20 =	vld [tilespmem:s13+$0xB400];
	[tilespmem:s12+$0x12C20] =	vst v10  }
0x270: {  	v7 =	vadd.f32 v21, v7;
	v10 =	vld [tilespmem:s13+$0xDC00];
	v13 =	vadd.f32 v25, v18;
	[tilespmem:s12+$0x15420] =	vst v11  }
0x271: {  	v6 =	vadd.f32 v17, v6;
	v11 =	vld [tilespmem:s13+$0x6410];
	v18 =	vshll.u32 v23, $0x10;
	v19 =	vand.u32 $0xFFFF0000, v23;
	[tilespmem:s12+$0x12C30] =	vst v8  }
0x272: {  	v5 =	vadd.f32 v14, v5;
	v8 =	vld [tilespmem:s13+$0x8C10];
	v13 =	vadd.f32 v19, v13;
	[tilespmem:s12+$0x15430] =	vst v9  }
0x273: {  	v1 =	vadd.f32 v16, v1;
	v21 =	vadd.f32 v22, v24;
	v9 =	vld [tilespmem:s13+$0xB410];
	[tilespmem:s12+$0x12C40] =	vst v7  }
0x274: {  	v2 =	vadd.f32 v12, v2;
	v4 =	vadd.f32 v15, v4;
	v7 =	vld [tilespmem:s13+$0xDC10];
	[tilespmem:s13+$0x15470] =	vst v13  }
0x275: {  	v3 =	vadd.f32 v0, v3;
	v0 =	vmov v18;
	v20 =	vadd.f32 v10, v20;
	v10 =	vld [tilespmem:s13+$0x6420];
	[tilespmem:s12+$0x15440] =	vst v6  }
0x276: {  	v6 =	vld [tilespmem:s13+$0x8C20];
	[tilespmem:s12+$0x12C50] =	vst v5  }
0x277: {  	v13 =	vadd.f32 v8, v11;
	v5 =	vld [tilespmem:s13+$0xB420];
	[tilespmem:s12+$0x15450] =	vst v1  }
0x278: {  	v1 =	vld [tilespmem:s13+$0xDC20];
	[tilespmem:s12+$0x12C60] =	vst v2  }
0x279: {  	v12 =	vadd.f32 v7, v9;
	v2 =	vld [tilespmem:s13+$0x6430];
	[tilespmem:s12+$0x15460] =	vst v4  }
0x27a: {  	v4 =	vld [tilespmem:s13+$0x8C30];
	[tilespmem:s12+$0x12C70] =	vst v3;
	s12 =	smov.u32 s13  }
0x27b: {  	v14 =	vadd.f32 v6, v10;
	v3 =	vld [tilespmem:s12+$0xB430]  }
0x27c: {  	v6 =	vld [tilespmem:s12+$0xDC30]  }
0x27d: {  	v11 =	vadd.f32 v1, v5;
	v1 =	vld [tilespmem:s12+$0x6440]  }
0x27e: {  	v5 =	vld [tilespmem:s12+$0x8C40]  }
0x27f: {  	v8 =	vadd.f32 v4, v2;
	v2 =	vld [tilespmem:s12+$0xB440]  }
0x280: {  	v4 =	vld [tilespmem:s12+$0xDC40]  }
0x281: {  	v9 =	vadd.f32 v6, v3;
	v3 =	vld [tilespmem:s12+$0x6450]  }
0x282: {  	v10 =	vld [tilespmem:s12+$0x8C50]  }
0x283: {  	v7 =	vadd.f32 v5, v1;
	v1 =	vld [tilespmem:s12+$0xB450]  }
0x284: {  	v15 =	vld [tilespmem:s12+$0xDC50]  }
0x285: {  	v6 =	vadd.f32 v4, v2;
	v2 =	vld [tilespmem:s12+$0x6460]  }
0x286: {  	v4 =	vld [tilespmem:s12+$0x8C60]  }
0x287: {  	v5 =	vadd.f32 v10, v3;
	v3 =	vld [tilespmem:s12+$0xB460]  }
0x288: {  	v10 =	vld [tilespmem:s12+$0xDC60]  }
0x289: {  	v1 =	vadd.f32 v15, v1;
	v15 =	vld [tilespmem:s12+$0x6470]  }
0x28a: {  	v16 =	vld [tilespmem:s12+$0x8C70]  }
0x28b: {  	v18 =	vld [tilespmem:s12+$0x10400];
	v2 =	vadd.f32 v4, v2  }
0x28c: {  	v22 =	vld [tilespmem:s12+$0x10410]  }
0x28d: {  	v25 =	vld [tilespmem:s12+$0x10420];
	v4 =	vadd.f32 v10, v3  }
.Ltmp3:
0x28e: {  	v19 =	vld [tilespmem:s12+$0x10430];
	(pc) =	sbr.rel @p0 .LBB2_9-.Ltmp3, $4  }
0x28f: {  	v17 =	vld [tilespmem:s12+$0x10440];
	v3 =	vadd.f32 v16, v15  }
0x290: {  	v10 =	vshll.u32 v18, $0x10;
	v24 =	vand.u32 $0xFFFF0000, v18;
	v16 =	vld [tilespmem:s12+$0x10450]  }
0x291: {  	s13 =	sshra.s32 s14, $0x2;
	v10 =	vadd.f32 v10, v21;
	v23 =	vshll.u32 v22, $0x10;
	v21 =	vand.u32 $0xFFFF0000, v22;
	v15 =	vld [tilespmem:s12+$0x10460]  }
0x292: {  	s14 =	sadd.s32 $0x200, s14;
	v24 =	vadd.f32 v24, v20;
	v18 =	vld [tilespmem:s13+$0xB470];
	v22 =	vshll.u32 v25, $0x10;
	v20 =	vand.u32 $0xFFFF0000, v25  }
0x293: {  	v25 =	vld [tilespmem:s13+$0xDC70];
	[tilespmem:s12+$0x12C00] =	vst v10;
	v13 =	vadd.f32 v23, v13  }
0x294: {  	v12 =	vadd.f32 v21, v12;
	v10 =	vld [tilespmem:s13+$0x10470];
	[tilespmem:s12+$0x15400] =	vst v24  }
0x295: {  	v14 =	vadd.f32 v22, v14;
	v37 =	vld [tilespmem:s13+$0x6400];
	[tilespmem:s12+$0x12C10] =	vst v13  }
0x296: {  	v11 =	vadd.f32 v20, v11;
	v38 =	vshll.u32 v19, $0x10;
	v13 =	vld [tilespmem:s13+$0x8C00];
	[tilespmem:s12+$0x15410] =	vst v12  }
0x297: {  	v40 =	vand.u32 $0xFFFF0000, v19;
	v8 =	vadd.f32 v38, v8;
	v12 =	vld [tilespmem:s13+$0xB400];
	[tilespmem:s12+$0x12C20] =	vst v14  }
0x298: {  	v9 =	vadd.f32 v40, v9;
	v42 =	vshll.u32 v17, $0x10;
	v39 =	vld [tilespmem:s13+$0xDC00];
	[tilespmem:s12+$0x15420] =	vst v11;
	v18 =	vadd.f32 v25, v18  }
0x299: {  	v7 =	vadd.f32 v42, v7;
	v41 =	vld [tilespmem:s13+$0x6410];
	[tilespmem:s12+$0x12C30] =	vst v8;
	v44 =	vand.u32 $0xFFFF0000, v10  }
0x29a: {  	v45 =	vand.u32 $0xFFFF0000, v17;
	v43 =	vld [tilespmem:s13+$0x8C10];
	[tilespmem:s12+$0x15430] =	vst v9;
	v8 =	vadd.f32 v44, v18  }
0x29b: {  	v6 =	vadd.f32 v45, v6;
	v47 =	vshll.u32 v16, $0x10;
	v9 =	vld [tilespmem:s13+$0xB410];
	[tilespmem:s12+$0x12C40] =	vst v7  }
0x29c: {  	v49 =	vand.u32 $0xFFFF0000, v16;
	v5 =	vadd.f32 v47, v5;
	v46 =	vld [tilespmem:s13+$0xDC10];
	[tilespmem:s13+$0x15470] =	vst v8  }
0x29d: {  	v1 =	vadd.f32 v49, v1;
	v51 =	vshll.u32 v15, $0x10;
	v48 =	vld [tilespmem:s13+$0x6420];
	[tilespmem:s12+$0x15440] =	vst v6  }
0x29e: {  	v53 =	vand.u32 $0xFFFF0000, v15;
	v2 =	vadd.f32 v51, v2;
	v50 =	vld [tilespmem:s13+$0x8C20];
	[tilespmem:s12+$0x12C50] =	vst v5  }
0x29f: {  	v52 =	vld [tilespmem:s13+$0xB420];
	[tilespmem:s12+$0x15450] =	vst v1;
	v1 =	vadd.f32 v53, v4  }
0x2a0: {  	v0 =	vadd.f32 v0, v3;
	v54 =	vld [tilespmem:s13+$0xDC20];
	[tilespmem:s12+$0x12C60] =	vst v2  }
0x2a1: {  	v2 =	vld [tilespmem:s13+$0x6430];
	[tilespmem:s12+$0x15460] =	vst v1  }
0x2a2: {  	v1 =	vld [tilespmem:s13+$0x8C30];
	[tilespmem:s12+$0x12C70] =	vst v0  }
0x2a3: {  	v0 =	vld [tilespmem:s13+$0xB430]  }
0x2a4: {  	v55 =	vld [tilespmem:s13+$0xDC30]  }
0x2a5: {  	v56 =	vld [tilespmem:s13+$0x6440]  }
0x2a6: {  	v57 =	vld [tilespmem:s13+$0x8C40]  }
0x2a7: {  	v58 =	vld [tilespmem:s13+$0xB440]  }
0x2a8: {  	v59 =	vld [tilespmem:s13+$0xDC40]  }
0x2a9: {  	v60 =	vld [tilespmem:s13+$0x6450]  }
0x2aa: {  	v61 =	vld [tilespmem:s13+$0x8C50]  }
0x2ab: {  	v62 =	vld [tilespmem:s13+$0xB450]  }
0x2ac: {  	v30 =	vld [tilespmem:s13+$0x10400]  }
0x2ad: {  	v24 =	vld [tilespmem:s13+$0xDC50]  }
0x2ae: {  	v32 =	vld [tilespmem:s13+$0x10410]  }
0x2af: {  	v63 =	vld [tilespmem:s13+$0x6460]  }
0x2b0: {  	v13 =	vadd.f32 v13, v37;
	v33 =	vld [tilespmem:s13+$0x10420]  }
0x2b1: {  	v12 =	vadd.f32 v39, v12;
	v26 =	vld [tilespmem:s13+$0x8C60];
	v34 =	vshll.u32 v30, $0x10  }
0x2b2: {  	v11 =	vadd.f32 v43, v41;
	v36 =	vld [tilespmem:s13+$0x10430];
	v38 =	vand.u32 $0xFFFF0000, v30;
	v13 =	vadd.f32 v34, v13  }
0x2b3: {  	v9 =	vadd.f32 v46, v9;
	v29 =	vld [tilespmem:s13+$0x6470];
	v40 =	vshll.u32 v32, $0x10;
	v12 =	vadd.f32 v38, v12  }
0x2b4: {  	v37 =	vld [tilespmem:s13+$0x10440];
	v7 =	vadd.f32 v50, v48;
	v43 =	vand.u32 $0xFFFF0000, v32;
	v42 =	vadd.f32 v40, v11;
	[tilespmem:s13+$0x12C00] =	vst v13  }
0x2b5: {  	v31 =	vld [tilespmem:s13+$0x8C70];
	v5 =	vadd.f32 v54, v52;
	v45 =	vshll.u32 v33, $0x10;
	v44 =	vadd.f32 v43, v9;
	[tilespmem:s13+$0x15400] =	vst v12  }
0x2b6: {  	v39 =	vld [tilespmem:s13+$0x10450];
	v1 =	vadd.f32 v1, v2;
	v47 =	vand.u32 $0xFFFF0000, v33;
	v46 =	vadd.f32 v45, v7;
	[tilespmem:s13+$0x12C10] =	vst v42  }
0x2b7: {  	v27 =	vld [tilespmem:s13+$0xB460];
	v0 =	vadd.f32 v55, v0;
	v48 =	vshll.u32 v36, $0x10;
	v5 =	vadd.f32 v47, v5;
	[tilespmem:s13+$0x15410] =	vst v44  }
0x2b8: {  	v28 =	vld [tilespmem:s13+$0xDC60];
	v4 =	vadd.f32 v57, v56;
	v49 =	vand.u32 $0xFFFF0000, v36;
	v1 =	vadd.f32 v48, v1;
	[tilespmem:s13+$0x12C20] =	vst v46  }
0x2b9: {  	v41 =	vld [tilespmem:s13+$0x10460];
	v50 =	vadd.f32 v59, v58;
	v51 =	vshll.u32 v37, $0x10;
	v0 =	vadd.f32 v49, v0;
	[tilespmem:s13+$0x15420] =	vst v5  }
0x2ba: {  	v52 =	vadd.f32 v61, v60;
	v53 =	vand.u32 $0xFFFF0000, v37;
	v3 =	vadd.f32 v51, v4;
	[tilespmem:s13+$0x12C30] =	vst v1  }
0x2bb: {  	v55 =	vshll.u32 v39, $0x10;
	v60 =	vadd.f32 v31, v29;
	v2 =	vadd.f32 v53, v50;
	[tilespmem:s13+$0x15430] =	vst v0  }
0x2bc: {  	v54 =	vadd.f32 v24, v62;
	v62 =	vshll.u32 v10, $0x10;
	v4 =	vadd.f32 v55, v52;
	[tilespmem:s13+$0x12C40] =	vst v3  }
0x2bd: {  	v56 =	vadd.f32 v26, v63;
	v57 =	vand.u32 $0xFFFF0000, v39;
	v63 =	vadd.f32 v62, v60;
	[tilespmem:s13+$0x15440] =	vst v2  }
0x2be: {  	v58 =	vadd.f32 v28, v27;
	v59 =	vshll.u32 v41, $0x10;
	v1 =	vadd.f32 v57, v54;
	[tilespmem:s13+$0x12C50] =	vst v4  }
0x2bf: {  	v61 =	vand.u32 $0xFFFF0000, v41;
	v0 =	vadd.f32 v59, v56;
	[tilespmem:s13+$0x12C70] =	vst v63  }
0x2c0: {  	v3 =	vadd.f32 v61, v58;
	[tilespmem:s13+$0x15450] =	vst v1  }
0x2c1: {  	[tilespmem:s13+$0x12C60] =	vst v0  }
0x2c2: {  	s14 =	simm.s32 $0x6400;
	s12 =	sadd.s32 $0x78, s28;
	[tilespmem:s13+$0x15460] =	vst v3  }
0x2c3: {  	[tilespmem:s14], [sflag:$0x2] =	stream.indirect.gather [hbm4b:s4+s2], $0x80, s12, s2, $0xb8;
	[tilespmem:$0x16800] =	vst v63  }
0x2c4: {  	s13 =	sadd.s32 $0x1478, s28;
	s14 =	simm.s32 $0x8C00  }
0x2c5: {  	[tilespmem:s14], [sflag:$0x2] =	stream.indirect.gather [hbm4b:s5+s2], $0x80, s13, s2, $0xb8;
	[tilespmem:$0x16800] =	vst v63  }
0x2c6: {  	s12 =	sadd.s32 s6, s12;
	s13 =	sadd.s32 $0x2878, s28;
	s14 =	simm.s32 $0xB400  }
0x2c7: {  	[tilespmem:s14], [sflag:$0x2] =	stream.indirect.gather [hbm4b:s4+s2], $0x80, s13, s2, $0xb8;
	[tilespmem:$0x16800] =	vst v63  }
0x2c8: {  	s31 =	sadd.s32 $0x1, s31;
	s12 =	sshll.u32 s12, $0x4;
	s14 =	sadd.s32 $0x3C78, s28  }
0x2c9: {  	[tilespmem:s15], [sflag:$0x2] =	stream.indirect.gather [hbm4b:s5+s2], $0x80, s14, s2, $0xb8;
	[tilespmem:$0x16800] =	vst v63  }
0x2ca: {  	p0 =	sne.s32 s31, $0x3D;
	s12 =	sadd.s32 s7, s12;
	s14 =	sadd.s32 s28, s30  }
0x2cb: {  	[tilespmem:s16], [sflag:$0x4] =	stream.linear.gather [hbm4b:s12+s3], $0x1400, $0x38;
	[tilespmem:$0x16800] =	vst v63  }
.Ltmp4:
0x2cc: {  	s28 =	sshll.u32 s14, $0x4;
	(pc) =	sbr.rel @p0 .LBB2_6-.Ltmp4, $4  }
0x2cd: {  	s13 =	sadd.s32 s1, s28  }
0x2ce: {  	[hbm4b:s13+s3] =	stream.linear.scatter [tilespmem:s23], [sflag:$0x6], $0x1400, $0x38;
	[tilespmem:$0x16800] =	vst v63  }
0x2cf: {  	s12 =	sadd.s32 s28, s29  }
0x2d0: {  	[hbm4b:s12+s3] =	stream.linear.scatter [tilespmem:s24], [sflag:$0x6], $0x1400, $0x38;
	[tilespmem:$0x16800] =	vst v63  }
0x2d1: {  	_ =	swait.ge [sflag:s17], $0x1400  }
0x2d2: {  	[sflag:s17] =	ssyncset.done $0x0  }
0x2d3: {  	[sflag:s17] =	ssyncadd.s32 $0xFFFFEC00  }
0x2d4: {  	_ =	swait.ge [sflag:s17], $0x1400  }
0x2d5: {  	[sflag:s17] =	ssyncset.done $0x0  }
0x2d6: {  	[sflag:s17] =	ssyncadd.s32 $0xFFFFEC00  }
0x2d7: {  	_ =	swait.ge [sflag:s17], $0x1400  }
0x2d8: {  	[sflag:s17] =	ssyncset.done $0x0  }
0x2d9: {  	[sflag:s17] =	ssyncadd.s32 $0xFFFFEC00  }
0x2da: {  	_ =	swait.ge [sflag:s17], $0x1400  }
0x2db: {  	[sflag:s17] =	ssyncset.done $0x0  }
0x2dc: {  	[sflag:s17] =	ssyncadd.s32 $0xFFFFEC00  }
0x2dd: {  	_ =	swait.ge [sflag:s18], $0x1400  }
0x2de: {  	[sflag:s18] =	ssyncset.done $0x0  }
0x2df: {  	[sflag:s18] =	ssyncadd.s32 $0xFFFFEC00  }
0x2e0: {  	_ =	swait.ge [sflag:s25], $0x1400  }
0x2e1: {  	[sflag:s25] =	ssyncset.done $0x0  }
0x2e2: {  	[sflag:s25] =	ssyncadd.s32 $0xFFFFEC00  }
0x2e3: {  	_ =	swait.ge [sflag:s25], $0x1400  }
0x2e4: {  	[sflag:s25] =	ssyncset.done $0x0  }
0x2e5: {  	s12 =	simm.s32 $0x0;
	[sflag:s25] =	ssyncadd.s32 $0xFFFFEC00  }
0x2e6: {  	v0 =	vld [tilespmem:s12+$0xA070]  }
0x2e7: {  	v1 =	vld [tilespmem:s12+$0xC870]  }
0x2e8: {  	v2 =	vld [tilespmem:s12+$0xF070]  }
0x2e9: {  	v3 =	vld [tilespmem:s12+$0x5000]  }
0x2ea: {  	v4 =	vld [tilespmem:s12+$0x7800]  }
0x2eb: {  	v5 =	vld [tilespmem:s12+$0xA000]  }
0x2ec: {  	v6 =	vld [tilespmem:s12+$0xC800]  }
0x2ed: {  	v8 =	vld [tilespmem:s12+$0x7810]  }
0x2ee: {  	v9 =	vld [tilespmem:s12+$0xC810]  }
0x2ef: {  	v10 =	vld [tilespmem:s12+$0x7820]  }
0x2f0: {  	v11 =	vld [tilespmem:s12+$0xA020]  }
0x2f1: {  	v15 =	vld [tilespmem:s12+$0xC820]  }
0x2f2: {  	v16 =	vld [tilespmem:s12+$0x5030]  }
0x2f3: {  	v17 =	vld [tilespmem:s12+$0x7830]  }
0x2f4: {  	v18 =	vld [tilespmem:s12+$0xA030]  }
0x2f5: {  	v19 =	vld [tilespmem:s12+$0xC830]  }
0x2f6: {  	v20 =	vld [tilespmem:s12+$0x5040]  }
0x2f7: {  	v21 =	vld [tilespmem:s12+$0x7840]  }
0x2f8: {  	v22 =	vld [tilespmem:s12+$0xA040]  }
0x2f9: {  	v23 =	vld [tilespmem:s12+$0xC840]  }
0x2fa: {  	v24 =	vld [tilespmem:s12+$0x5050]  }
0x2fb: {  	v25 =	vld [tilespmem:s12+$0x7850]  }
0x2fc: {  	v26 =	vld [tilespmem:s12+$0xA050]  }
0x2fd: {  	v27 =	vld [tilespmem:s12+$0xC850]  }
0x2fe: {  	v28 =	vld [tilespmem:s12+$0x5060];
	v0 =	vadd.f32 v1, v0  }
0x2ff: {  	v30 =	vld [tilespmem:s12+$0xA060];
	v7 =	vand.u32 $0xFFFF0000, v2  }
0x300: {  	v31 =	vld [tilespmem:s12+$0xC860];
	v0 =	vadd.f32 v7, v0  }
0x301: {  	v34 =	vld [tilespmem:s12+$0x7870]  }
0x302: {  	[tilespmem:s12+$0x14070] =	vst v0;
	v0 =	vld [tilespmem:s12+$0x5020]  }
0x303: {  	v1 =	vld [tilespmem:s12+$0x5010]  }
0x304: {  	v7 =	vld [tilespmem:s12+$0xA010]  }
0x305: {  	v32 =	vadd.f32 v4, v3;
	v33 =	vadd.f32 v6, v5;
	v3 =	vld [tilespmem:s12+$0x5070]  }
0x306: {  	v11 =	vadd.f32 v15, v11;
	v15 =	vld [tilespmem:s12+$0xF010];
	v6 =	vadd.f32 v23, v22  }
0x307: {  	v5 =	vadd.f32 v25, v24;
	v14 =	vadd.f32 v10, v0;
	v10 =	vld [tilespmem:s12+$0xF000]  }
0x308: {  	v29 =	vld [tilespmem:s12+$0x7860];
	v4 =	vadd.f32 v31, v30;
	v13 =	vadd.f32 v8, v1  }
0x309: {  	v12 =	vadd.f32 v9, v7;
	v7 =	vadd.f32 v21, v20;
	v20 =	vld [tilespmem:s12+$0xF020]  }
0x30a: {  	v8 =	vadd.f32 v17, v16;
	v9 =	vadd.f32 v19, v18;
	v19 =	vld [tilespmem:s12+$0xF030]  }
0x30b: {  	v1 =	vadd.f32 v27, v26;
	v17 =	vld [tilespmem:s12+$0xF040];
	v3 =	vadd.f32 v34, v3;
	v23 =	vshll.u32 v15, $0x10  }
0x30c: {  	v16 =	vld [tilespmem:s12+$0xF050];
	v21 =	vand.u32 $0xFFFF0000, v15;
	v0 =	vshll.u32 v2, $0x10;
	v18 =	vshll.u32 v10, $0x10  }
0x30d: {  	s13 =	simm.s32 $0x80;
	v15 =	vld [tilespmem:s12+$0xF060];
	v2 =	vadd.f32 v29, v28;
	v22 =	vand.u32 $0xFFFF0000, v10;
	v10 =	vadd.f32 v18, v32  }
0x30e: {  	s14 =	simm.s32 $0x400;
	v18 =	vld [tilespmem:s13+$0xA070];
	v24 =	vadd.f32 v22, v33;
	v22 =	vshll.u32 v20, $0x10;
	v20 =	vand.u32 $0xFFFF0000, v20  }
.LBB2_12:
0x30f: {  	p0 =	sne.s32 s14, $0x4E00;
	v25 =	vld [tilespmem:s13+$0xC870];
	[tilespmem:s12+$0x11800] =	vst v10;
	v10 =	vadd.f32 v23, v13;
	v13 =	vshll.u32 v19, $0x10;
	v19 =	vand.u32 $0xFFFF0000, v19  }
0x310: {  	v12 =	vadd.f32 v21, v12;
	v23 =	vld [tilespmem:s13+$0xF070];
	[tilespmem:s12+$0x14000] =	vst v24;
	v21 =	vshll.u32 v17, $0x10;
	v17 =	vand.u32 $0xFFFF0000, v17  }
0x311: {  	v24 =	vld [tilespmem:s13+$0x5000];
	[tilespmem:s12+$0x11810] =	vst v10;
	v10 =	vadd.f32 v22, v14;
	v14 =	vshll.u32 v16, $0x10;
	v16 =	vand.u32 $0xFFFF0000, v16  }
0x312: {  	v11 =	vadd.f32 v20, v11;
	v22 =	vld [tilespmem:s13+$0x7800];
	[tilespmem:s12+$0x14010] =	vst v12;
	v12 =	vshll.u32 v15, $0x10;
	v15 =	vand.u32 $0xFFFF0000, v15  }
0x313: {  	v8 =	vadd.f32 v13, v8;
	v9 =	vadd.f32 v19, v9;
	v20 =	vld [tilespmem:s13+$0xA000];
	[tilespmem:s12+$0x11820] =	vst v10  }
0x314: {  	v7 =	vadd.f32 v21, v7;
	v10 =	vld [tilespmem:s13+$0xC800];
	v13 =	vadd.f32 v25, v18;
	[tilespmem:s12+$0x14020] =	vst v11  }
0x315: {  	v6 =	vadd.f32 v17, v6;
	v11 =	vld [tilespmem:s13+$0x5010];
	v18 =	vshll.u32 v23, $0x10;
	v19 =	vand.u32 $0xFFFF0000, v23;
	[tilespmem:s12+$0x11830] =	vst v8  }
0x316: {  	v5 =	vadd.f32 v14, v5;
	v8 =	vld [tilespmem:s13+$0x7810];
	v13 =	vadd.f32 v19, v13;
	[tilespmem:s12+$0x14030] =	vst v9  }
0x317: {  	v1 =	vadd.f32 v16, v1;
	v21 =	vadd.f32 v22, v24;
	v9 =	vld [tilespmem:s13+$0xA010];
	[tilespmem:s12+$0x11840] =	vst v7  }
0x318: {  	v2 =	vadd.f32 v12, v2;
	v4 =	vadd.f32 v15, v4;
	v7 =	vld [tilespmem:s13+$0xC810];
	[tilespmem:s13+$0x14070] =	vst v13  }
0x319: {  	v3 =	vadd.f32 v0, v3;
	v0 =	vmov v18;
	v20 =	vadd.f32 v10, v20;
	v10 =	vld [tilespmem:s13+$0x5020];
	[tilespmem:s12+$0x14040] =	vst v6  }
0x31a: {  	v6 =	vld [tilespmem:s13+$0x7820];
	[tilespmem:s12+$0x11850] =	vst v5  }
0x31b: {  	v13 =	vadd.f32 v8, v11;
	v5 =	vld [tilespmem:s13+$0xA020];
	[tilespmem:s12+$0x14050] =	vst v1  }
0x31c: {  	v1 =	vld [tilespmem:s13+$0xC820];
	[tilespmem:s12+$0x11860] =	vst v2  }
0x31d: {  	v12 =	vadd.f32 v7, v9;
	v2 =	vld [tilespmem:s13+$0x5030];
	[tilespmem:s12+$0x14060] =	vst v4  }
0x31e: {  	v4 =	vld [tilespmem:s13+$0x7830];
	[tilespmem:s12+$0x11870] =	vst v3;
	s12 =	smov.u32 s13  }
0x31f: {  	v14 =	vadd.f32 v6, v10;
	v3 =	vld [tilespmem:s12+$0xA030]  }
0x320: {  	v6 =	vld [tilespmem:s12+$0xC830]  }
0x321: {  	v11 =	vadd.f32 v1, v5;
	v1 =	vld [tilespmem:s12+$0x5040]  }
0x322: {  	v5 =	vld [tilespmem:s12+$0x7840]  }
0x323: {  	v8 =	vadd.f32 v4, v2;
	v2 =	vld [tilespmem:s12+$0xA040]  }
0x324: {  	v4 =	vld [tilespmem:s12+$0xC840]  }
0x325: {  	v9 =	vadd.f32 v6, v3;
	v3 =	vld [tilespmem:s12+$0x5050]  }
0x326: {  	v10 =	vld [tilespmem:s12+$0x7850]  }
0x327: {  	v7 =	vadd.f32 v5, v1;
	v1 =	vld [tilespmem:s12+$0xA050]  }
0x328: {  	v15 =	vld [tilespmem:s12+$0xC850]  }
0x329: {  	v6 =	vadd.f32 v4, v2;
	v2 =	vld [tilespmem:s12+$0x5060]  }
0x32a: {  	v4 =	vld [tilespmem:s12+$0x7860]  }
0x32b: {  	v5 =	vadd.f32 v10, v3;
	v3 =	vld [tilespmem:s12+$0xA060]  }
0x32c: {  	v10 =	vld [tilespmem:s12+$0xC860]  }
0x32d: {  	v1 =	vadd.f32 v15, v1;
	v15 =	vld [tilespmem:s12+$0x5070]  }
0x32e: {  	v16 =	vld [tilespmem:s12+$0x7870]  }
0x32f: {  	v18 =	vld [tilespmem:s12+$0xF000];
	v2 =	vadd.f32 v4, v2  }
0x330: {  	v22 =	vld [tilespmem:s12+$0xF010]  }
0x331: {  	v25 =	vld [tilespmem:s12+$0xF020];
	v4 =	vadd.f32 v10, v3  }
.Ltmp5:
0x332: {  	v19 =	vld [tilespmem:s12+$0xF030];
	(pc) =	sbr.rel @p0 .LBB2_12-.Ltmp5, $4  }
0x333: {  	v17 =	vld [tilespmem:s12+$0xF040];
	v3 =	vadd.f32 v16, v15  }
0x334: {  	v10 =	vshll.u32 v18, $0x10;
	v24 =	vand.u32 $0xFFFF0000, v18;
	v16 =	vld [tilespmem:s12+$0xF050]  }
0x335: {  	s13 =	sshra.s32 s14, $0x2;
	v10 =	vadd.f32 v10, v21;
	v23 =	vshll.u32 v22, $0x10;
	v21 =	vand.u32 $0xFFFF0000, v22;
	v15 =	vld [tilespmem:s12+$0xF060]  }
0x336: {  	s14 =	sadd.s32 $0x200, s14;
	v24 =	vadd.f32 v24, v20;
	v18 =	vld [tilespmem:s13+$0xA070];
	v22 =	vshll.u32 v25, $0x10;
	v20 =	vand.u32 $0xFFFF0000, v25  }
0x337: {  	v25 =	vld [tilespmem:s13+$0xC870];
	[tilespmem:s12+$0x11800] =	vst v10;
	v13 =	vadd.f32 v23, v13  }
0x338: {  	v12 =	vadd.f32 v21, v12;
	v10 =	vld [tilespmem:s13+$0xF070];
	[tilespmem:s12+$0x14000] =	vst v24  }
0x339: {  	v14 =	vadd.f32 v22, v14;
	v23 =	vld [tilespmem:s13+$0x5000];
	[tilespmem:s12+$0x11810] =	vst v13  }
0x33a: {  	v13 =	vld [tilespmem:s13+$0x7800];
	[tilespmem:s12+$0x14010] =	vst v12  }
0x33b: {  	v11 =	vadd.f32 v20, v11;
	v12 =	vld [tilespmem:s13+$0xA000];
	[tilespmem:s12+$0x11820] =	vst v14;
	v14 =	vshll.u32 v19, $0x10  }
0x33c: {  	v8 =	vadd.f32 v14, v8  }
0x33d: {  	v20 =	vld [tilespmem:s13+$0xC800];
	[tilespmem:s12+$0x14020] =	vst v11;
	v11 =	vand.u32 $0xFFFF0000, v19  }
0x33e: {  	v14 =	vld [tilespmem:s13+$0x5010];
	v9 =	vadd.f32 v11, v9;
	[tilespmem:s12+$0x11830] =	vst v8;
	v8 =	vshll.u32 v17, $0x10  }
0x33f: {  	v18 =	vadd.f32 v25, v18;
	v7 =	vadd.f32 v8, v7  }
0x340: {  	v11 =	vld [tilespmem:s13+$0x7810];
	[tilespmem:s12+$0x14030] =	vst v9;
	v8 =	vand.u32 $0xFFFF0000, v10  }
0x341: {  	v9 =	vld [tilespmem:s13+$0xA010];
	v8 =	vadd.f32 v8, v18;
	[tilespmem:s12+$0x11840] =	vst v7;
	v7 =	vand.u32 $0xFFFF0000, v17  }
0x342: {  	v6 =	vadd.f32 v7, v6  }
0x343: {  	v17 =	vld [tilespmem:s13+$0xC810];
	[tilespmem:s13+$0x14070] =	vst v8;
	v7 =	vshll.u32 v16, $0x10  }
0x344: {  	v8 =	vld [tilespmem:s13+$0x5020];
	v5 =	vadd.f32 v7, v5;
	[tilespmem:s12+$0x14040] =	vst v6;
	v6 =	vand.u32 $0xFFFF0000, v16  }
0x345: {  	v1 =	vadd.f32 v6, v1  }
0x346: {  	v7 =	vld [tilespmem:s13+$0x7820];
	[tilespmem:s12+$0x11850] =	vst v5;
	v5 =	vshll.u32 v15, $0x10  }
0x347: {  	v6 =	vld [tilespmem:s13+$0xA020];
	v2 =	vadd.f32 v5, v2;
	[tilespmem:s12+$0x14050] =	vst v1;
	v1 =	vand.u32 $0xFFFF0000, v15  }
0x348: {  	v1 =	vadd.f32 v1, v4  }
0x349: {  	v0 =	vadd.f32 v0, v3;
	v5 =	vld [tilespmem:s13+$0xC820];
	[tilespmem:s12+$0x11860] =	vst v2  }
0x34a: {  	v2 =	vld [tilespmem:s13+$0x5030];
	[tilespmem:s12+$0x14060] =	vst v1  }
0x34b: {  	v1 =	vld [tilespmem:s13+$0x7830];
	[tilespmem:s12+$0x11870] =	vst v0  }
0x34c: {  	v0 =	vld [tilespmem:s13+$0xA030]  }
0x34d: {  	v3 =	vld [tilespmem:s13+$0xC830]  }
0x34e: {  	v4 =	vld [tilespmem:s13+$0x5040]  }
0x34f: {  	v15 =	vld [tilespmem:s13+$0x7840]  }
0x350: {  	v16 =	vld [tilespmem:s13+$0xA040]  }
0x351: {  	v18 =	vld [tilespmem:s13+$0xC840]  }
0x352: {  	v19 =	vld [tilespmem:s13+$0x5050]  }
0x353: {  	v21 =	vld [tilespmem:s13+$0x7850]  }
0x354: {  	v22 =	vld [tilespmem:s13+$0xA050]  }
0x355: {  	v30 =	vld [tilespmem:s13+$0xF000]  }
0x356: {  	v24 =	vld [tilespmem:s13+$0xC850]  }
0x357: {  	v32 =	vld [tilespmem:s13+$0xF010]  }
0x358: {  	v33 =	vld [tilespmem:s13+$0xF020]  }
0x359: {  	v13 =	vadd.f32 v13, v23;
	v12 =	vadd.f32 v20, v12;
	v23 =	vld [tilespmem:s13+$0xF030]  }
0x35a: {  	v11 =	vadd.f32 v11, v14;
	v9 =	vadd.f32 v17, v9;
	v25 =	vld [tilespmem:s13+$0x5060];
	v34 =	vshll.u32 v30, $0x10  }
0x35b: {  	v7 =	vadd.f32 v7, v8;
	v26 =	vld [tilespmem:s13+$0x7860];
	v14 =	vand.u32 $0xFFFF0000, v30;
	v13 =	vadd.f32 v34, v13  }
0x35c: {  	v27 =	vld [tilespmem:s13+$0xA060];
	v5 =	vadd.f32 v5, v6;
	v17 =	vshll.u32 v32, $0x10;
	v12 =	vadd.f32 v14, v12  }
0x35d: {  	v20 =	vld [tilespmem:s13+$0xF040];
	v1 =	vadd.f32 v1, v2;
	v2 =	vand.u32 $0xFFFF0000, v33;
	v8 =	vadd.f32 v17, v11;
	[tilespmem:s13+$0x11800] =	vst v13  }
0x35e: {  	v28 =	vld [tilespmem:s13+$0xC860];
	v0 =	vadd.f32 v3, v0;
	v3 =	vshll.u32 v23, $0x10;
	v2 =	vadd.f32 v2, v5;
	[tilespmem:s13+$0x14000] =	vst v12  }
0x35f: {  	v56 =	vld [tilespmem:s13+$0xF050];
	v11 =	vand.u32 $0xFFFF0000, v32;
	v1 =	vadd.f32 v3, v1;
	[tilespmem:s13+$0x11810] =	vst v8  }
0x360: {  	v29 =	vld [tilespmem:s13+$0x5070];
	v5 =	vand.u32 $0xFFFF0000, v23;
	v6 =	vadd.f32 v11, v9;
	[tilespmem:s13+$0x14020] =	vst v2  }
0x361: {  	v14 =	vld [tilespmem:s13+$0xF060];
	v3 =	vadd.f32 v18, v16;
	v9 =	vshll.u32 v33, $0x10;
	v0 =	vadd.f32 v5, v0;
	[tilespmem:s13+$0x11830] =	vst v1  }
0x362: {  	v31 =	vld [tilespmem:s13+$0x7870];
	v4 =	vadd.f32 v15, v4;
	v5 =	vand.u32 $0xFFFF0000, v20;
	v7 =	vadd.f32 v9, v7;
	[tilespmem:s13+$0x14010] =	vst v6  }
0x363: {  	v1 =	vadd.f32 v24, v22;
	v3 =	vadd.f32 v5, v3;
	v6 =	vshll.u32 v20, $0x10;
	[tilespmem:s13+$0x14030] =	vst v0  }
0x364: {  	v2 =	vadd.f32 v21, v19;
	v5 =	vand.u32 $0xFFFF0000, v56;
	[tilespmem:s13+$0x11820] =	vst v7;
	v4 =	vadd.f32 v6, v4  }
0x365: {  	v0 =	vadd.f32 v26, v25;
	v6 =	vshll.u32 v56, $0x10;
	v1 =	vadd.f32 v5, v1;
	[tilespmem:s13+$0x14040] =	vst v3  }
0x366: {  	v2 =	vadd.f32 v6, v2;
	v6 =	vshll.u32 v14, $0x10;
	[tilespmem:s13+$0x11840] =	vst v4;
	v4 =	vadd.f32 v28, v27  }
0x367: {  	v3 =	vadd.f32 v31, v29;
	v5 =	vand.u32 $0xFFFF0000, v14;
	v0 =	vadd.f32 v6, v0;
	[tilespmem:s13+$0x14050] =	vst v1  }
0x368: {  	[tilespmem:s13+$0x11850] =	vst v2;
	v2 =	vshll.u32 v10, $0x10;
	v4 =	vadd.f32 v5, v4  }
0x369: {  	v1 =	vadd.f32 v2, v3;
	[tilespmem:s13+$0x11860] =	vst v0  }
0x36a: {  	[tilespmem:s13+$0x14060] =	vst v4  }
0x36b: {  	s14 =	simm.s32 $0x1360;
	[tilespmem:s13+$0x11870] =	vst v1  }
0x36c: {  	[tilespmem:s0], [sflag:$0x1] =	stream.indirect.gather [hbm4b:s4+s2], $0x80, s14, s2, $0xb8;
	[tilespmem:$0x16800] =	vst v63  }
0x36d: {  	s28 =	simm.s32 $0x2760  }
0x36e: {  	[tilespmem:s8], [sflag:$0x1] =	stream.indirect.gather [hbm4b:s5+s2], $0x80, s28, s2, $0xb8;
	[tilespmem:$0x16800] =	vst v63  }
0x36f: {  	s31 =	simm.s32 $0x3B60  }
0x370: {  	[tilespmem:s9], [sflag:$0x1] =	stream.indirect.gather [hbm4b:s4+s2], $0x80, s31, s2, $0xb8;
	[tilespmem:$0x16800] =	vst v63  }
0x371: {  	s13 =	simm.s32 $0x4F60  }
0x372: {  	[tilespmem:s10], [sflag:$0x1] =	stream.indirect.gather [hbm4b:s5+s2], $0x80, s13, s2, $0xb8;
	[tilespmem:$0x16800] =	vst v63  }
0x373: {  	s12 =	simm.s32 $0x0;
	s14 =	rddreg [dreg:$0xf]  }
0x374: {  	[tilespmem:s11], [sflag:$0x3] =	stream.linear.gather [hbm4b:s14+s12], $0x1400, $0x38;
	[tilespmem:$0x16800] =	vst v63  }
0x375: {  	s28 =	rddreg [dreg:$0x10]  }
0x376: {  	[hbm4b:s28+s12] =	stream.linear.scatter [tilespmem:s19], [sflag:$0x5], $0x1400, $0x38;
	[tilespmem:$0x16800] =	vst v63  }
0x377: {  	s31 =	rddreg [dreg:$0x11]  }
0x378: {  	[hbm4b:s31+s12] =	stream.linear.scatter [tilespmem:s20], [sflag:$0x5], $0x1400, $0x38;
	[tilespmem:$0x16800] =	vst v63  }
0x379: {  	_ =	swait.ge [sflag:s21], $0x1400  }
0x37a: {  	[sflag:s21] =	ssyncset.done $0x0  }
0x37b: {  	[sflag:s21] =	ssyncadd.s32 $0xFFFFEC00  }
0x37c: {  	_ =	swait.ge [sflag:s21], $0x1400  }
0x37d: {  	[sflag:s21] =	ssyncset.done $0x0  }
0x37e: {  	[sflag:s21] =	ssyncadd.s32 $0xFFFFEC00  }
0x37f: {  	_ =	swait.ge [sflag:s21], $0x1400  }
0x380: {  	[sflag:s21] =	ssyncset.done $0x0  }
0x381: {  	[sflag:s21] =	ssyncadd.s32 $0xFFFFEC00  }
0x382: {  	_ =	swait.ge [sflag:s21], $0x1400  }
0x383: {  	[sflag:s21] =	ssyncset.done $0x0  }
0x384: {  	[sflag:s21] =	ssyncadd.s32 $0xFFFFEC00  }
0x385: {  	_ =	swait.ge [sflag:s22], $0x1400  }
0x386: {  	[sflag:s22] =	ssyncset.done $0x0  }
0x387: {  	[sflag:s22] =	ssyncadd.s32 $0xFFFFEC00  }
0x388: {  	_ =	swait.ge [sflag:s26], $0x1400  }
0x389: {  	[sflag:s26] =	ssyncset.done $0x0  }
0x38a: {  	[sflag:s26] =	ssyncadd.s32 $0xFFFFEC00  }
0x38b: {  	_ =	swait.ge [sflag:s26], $0x1400  }
0x38c: {  	[sflag:s26] =	ssyncset.done $0x0  }
0x38d: {  	s12 =	simm.s32 $0x0;
	[sflag:s26] =	ssyncadd.s32 $0xFFFFEC00  }
0x38e: {  	v0 =	vld [tilespmem:s12+$0xB470]  }
0x38f: {  	v1 =	vld [tilespmem:s12+$0xDC70]  }
0x390: {  	v2 =	vld [tilespmem:s12+$0x10470]  }
0x391: {  	v3 =	vld [tilespmem:s12+$0x6400]  }
0x392: {  	v4 =	vld [tilespmem:s12+$0x8C00]  }
0x393: {  	v5 =	vld [tilespmem:s12+$0xB400]  }
0x394: {  	v6 =	vld [tilespmem:s12+$0xDC00]  }
0x395: {  	v8 =	vld [tilespmem:s12+$0x8C10]  }
0x396: {  	v9 =	vld [tilespmem:s12+$0xDC10]  }
0x397: {  	v10 =	vld [tilespmem:s12+$0x8C20]  }
0x398: {  	v11 =	vld [tilespmem:s12+$0xB420]  }
0x399: {  	v15 =	vld [tilespmem:s12+$0xDC20]  }
0x39a: {  	v16 =	vld [tilespmem:s12+$0x6430]  }
0x39b: {  	v17 =	vld [tilespmem:s12+$0x8C30]  }
0x39c: {  	v18 =	vld [tilespmem:s12+$0xB430]  }
0x39d: {  	v19 =	vld [tilespmem:s12+$0xDC30]  }
0x39e: {  	v20 =	vld [tilespmem:s12+$0x6440]  }
0x39f: {  	v21 =	vld [tilespmem:s12+$0x8C40]  }
0x3a0: {  	v22 =	vld [tilespmem:s12+$0xB440]  }
0x3a1: {  	v23 =	vld [tilespmem:s12+$0xDC40]  }
0x3a2: {  	v24 =	vld [tilespmem:s12+$0x6450]  }
0x3a3: {  	v25 =	vld [tilespmem:s12+$0x8C50]  }
0x3a4: {  	v26 =	vld [tilespmem:s12+$0xB450]  }
0x3a5: {  	v27 =	vld [tilespmem:s12+$0xDC50]  }
0x3a6: {  	v57 =	vld [tilespmem:s12+$0x6460];
	v0 =	vadd.f32 v1, v0  }
0x3a7: {  	v59 =	vld [tilespmem:s12+$0xB460];
	v7 =	vand.u32 $0xFFFF0000, v2  }
0x3a8: {  	v60 =	vld [tilespmem:s12+$0xDC60];
	v0 =	vadd.f32 v7, v0  }
0x3a9: {  	v63 =	vld [tilespmem:s12+$0x8C70]  }
0x3aa: {  	[tilespmem:s12+$0x15470] =	vst v0;
	v0 =	vld [tilespmem:s12+$0x6420]  }
0x3ab: {  	v1 =	vld [tilespmem:s12+$0x6410]  }
0x3ac: {  	v7 =	vld [tilespmem:s12+$0xB410]  }
0x3ad: {  	v61 =	vadd.f32 v4, v3;
	v62 =	vadd.f32 v6, v5;
	v3 =	vld [tilespmem:s12+$0x6470]  }
0x3ae: {  	v11 =	vadd.f32 v15, v11;
	v15 =	vld [tilespmem:s12+$0x10410];
	v6 =	vadd.f32 v23, v22  }
0x3af: {  	v5 =	vadd.f32 v25, v24;
	v14 =	vadd.f32 v10, v0;
	v10 =	vld [tilespmem:s12+$0x10400]  }
0x3b0: {  	v58 =	vld [tilespmem:s12+$0x8C60];
	v4 =	vadd.f32 v60, v59;
	v13 =	vadd.f32 v8, v1  }
0x3b1: {  	v12 =	vadd.f32 v9, v7;
	v7 =	vadd.f32 v21, v20;
	v20 =	vld [tilespmem:s12+$0x10420]  }
0x3b2: {  	v8 =	vadd.f32 v17, v16;
	v9 =	vadd.f32 v19, v18;
	v19 =	vld [tilespmem:s12+$0x10430]  }
0x3b3: {  	v1 =	vadd.f32 v27, v26;
	v17 =	vld [tilespmem:s12+$0x10440];
	v3 =	vadd.f32 v63, v3;
	v23 =	vshll.u32 v15, $0x10  }
0x3b4: {  	v16 =	vld [tilespmem:s12+$0x10450];
	v21 =	vand.u32 $0xFFFF0000, v15;
	v0 =	vshll.u32 v2, $0x10;
	v18 =	vshll.u32 v10, $0x10  }
0x3b5: {  	s13 =	simm.s32 $0x80;
	v15 =	vld [tilespmem:s12+$0x10460];
	v2 =	vadd.f32 v58, v57;
	v22 =	vand.u32 $0xFFFF0000, v10;
	v10 =	vadd.f32 v18, v61  }
0x3b6: {  	s14 =	simm.s32 $0x400;
	v18 =	vld [tilespmem:s13+$0xB470];
	v24 =	vadd.f32 v22, v62;
	v22 =	vshll.u32 v20, $0x10;
	v20 =	vand.u32 $0xFFFF0000, v20  }
.LBB2_14:
0x3b7: {  	p0 =	sne.s32 s14, $0x4E00;
	v25 =	vld [tilespmem:s13+$0xDC70];
	[tilespmem:s12+$0x12C00] =	vst v10;
	v10 =	vadd.f32 v23, v13;
	v13 =	vshll.u32 v19, $0x10;
	v19 =	vand.u32 $0xFFFF0000, v19  }
0x3b8: {  	v12 =	vadd.f32 v21, v12;
	v23 =	vld [tilespmem:s13+$0x10470];
	[tilespmem:s12+$0x15400] =	vst v24;
	v21 =	vshll.u32 v17, $0x10;
	v17 =	vand.u32 $0xFFFF0000, v17  }
0x3b9: {  	v24 =	vld [tilespmem:s13+$0x6400];
	[tilespmem:s12+$0x12C10] =	vst v10;
	v10 =	vadd.f32 v22, v14;
	v14 =	vshll.u32 v16, $0x10;
	v16 =	vand.u32 $0xFFFF0000, v16  }
0x3ba: {  	v11 =	vadd.f32 v20, v11;
	v22 =	vld [tilespmem:s13+$0x8C00];
	[tilespmem:s12+$0x15410] =	vst v12;
	v12 =	vshll.u32 v15, $0x10;
	v15 =	vand.u32 $0xFFFF0000, v15  }
0x3bb: {  	v8 =	vadd.f32 v13, v8;
	v9 =	vadd.f32 v19, v9;
	v20 =	vld [tilespmem:s13+$0xB400];
	[tilespmem:s12+$0x12C20] =	vst v10  }
0x3bc: {  	v7 =	vadd.f32 v21, v7;
	v10 =	vld [tilespmem:s13+$0xDC00];
	v13 =	vadd.f32 v25, v18;
	[tilespmem:s12+$0x15420] =	vst v11  }
0x3bd: {  	v6 =	vadd.f32 v17, v6;
	v11 =	vld [tilespmem:s13+$0x6410];
	v18 =	vshll.u32 v23, $0x10;
	v19 =	vand.u32 $0xFFFF0000, v23;
	[tilespmem:s12+$0x12C30] =	vst v8  }
0x3be: {  	v5 =	vadd.f32 v14, v5;
	v8 =	vld [tilespmem:s13+$0x8C10];
	v13 =	vadd.f32 v19, v13;
	[tilespmem:s12+$0x15430] =	vst v9  }
0x3bf: {  	v1 =	vadd.f32 v16, v1;
	v21 =	vadd.f32 v22, v24;
	v9 =	vld [tilespmem:s13+$0xB410];
	[tilespmem:s12+$0x12C40] =	vst v7  }
0x3c0: {  	v2 =	vadd.f32 v12, v2;
	v4 =	vadd.f32 v15, v4;
	v7 =	vld [tilespmem:s13+$0xDC10];
	[tilespmem:s13+$0x15470] =	vst v13  }
0x3c1: {  	v3 =	vadd.f32 v0, v3;
	v0 =	vmov v18;
	v20 =	vadd.f32 v10, v20;
	v10 =	vld [tilespmem:s13+$0x6420];
	[tilespmem:s12+$0x15440] =	vst v6  }
0x3c2: {  	v6 =	vld [tilespmem:s13+$0x8C20];
	[tilespmem:s12+$0x12C50] =	vst v5  }
0x3c3: {  	v13 =	vadd.f32 v8, v11;
	v5 =	vld [tilespmem:s13+$0xB420];
	[tilespmem:s12+$0x15450] =	vst v1  }
0x3c4: {  	v1 =	vld [tilespmem:s13+$0xDC20];
	[tilespmem:s12+$0x12C60] =	vst v2  }
0x3c5: {  	v12 =	vadd.f32 v7, v9;
	v2 =	vld [tilespmem:s13+$0x6430];
	[tilespmem:s12+$0x15460] =	vst v4  }
0x3c6: {  	v4 =	vld [tilespmem:s13+$0x8C30];
	[tilespmem:s12+$0x12C70] =	vst v3;
	s12 =	smov.u32 s13  }
0x3c7: {  	v14 =	vadd.f32 v6, v10;
	v3 =	vld [tilespmem:s12+$0xB430]  }
0x3c8: {  	v6 =	vld [tilespmem:s12+$0xDC30]  }
0x3c9: {  	v11 =	vadd.f32 v1, v5;
	v1 =	vld [tilespmem:s12+$0x6440]  }
0x3ca: {  	v5 =	vld [tilespmem:s12+$0x8C40]  }
0x3cb: {  	v8 =	vadd.f32 v4, v2;
	v2 =	vld [tilespmem:s12+$0xB440]  }
0x3cc: {  	v4 =	vld [tilespmem:s12+$0xDC40]  }
0x3cd: {  	v9 =	vadd.f32 v6, v3;
	v3 =	vld [tilespmem:s12+$0x6450]  }
0x3ce: {  	v10 =	vld [tilespmem:s12+$0x8C50]  }
0x3cf: {  	v7 =	vadd.f32 v5, v1;
	v1 =	vld [tilespmem:s12+$0xB450]  }
0x3d0: {  	v15 =	vld [tilespmem:s12+$0xDC50]  }
0x3d1: {  	v6 =	vadd.f32 v4, v2;
	v2 =	vld [tilespmem:s12+$0x6460]  }
0x3d2: {  	v4 =	vld [tilespmem:s12+$0x8C60]  }
0x3d3: {  	v5 =	vadd.f32 v10, v3;
	v3 =	vld [tilespmem:s12+$0xB460]  }
0x3d4: {  	v10 =	vld [tilespmem:s12+$0xDC60]  }
0x3d5: {  	v1 =	vadd.f32 v15, v1;
	v15 =	vld [tilespmem:s12+$0x6470]  }
0x3d6: {  	v16 =	vld [tilespmem:s12+$0x8C70]  }
0x3d7: {  	v18 =	vld [tilespmem:s12+$0x10400];
	v2 =	vadd.f32 v4, v2  }
0x3d8: {  	v22 =	vld [tilespmem:s12+$0x10410]  }
0x3d9: {  	v25 =	vld [tilespmem:s12+$0x10420];
	v4 =	vadd.f32 v10, v3  }
.Ltmp6:
0x3da: {  	v19 =	vld [tilespmem:s12+$0x10430];
	(pc) =	sbr.rel @p0 .LBB2_14-.Ltmp6, $4  }
0x3db: {  	v17 =	vld [tilespmem:s12+$0x10440];
	v3 =	vadd.f32 v16, v15  }
0x3dc: {  	v10 =	vshll.u32 v18, $0x10;
	v24 =	vand.u32 $0xFFFF0000, v18;
	v16 =	vld [tilespmem:s12+$0x10450]  }
0x3dd: {  	s13 =	sshra.s32 s14, $0x2;
	v10 =	vadd.f32 v10, v21;
	v23 =	vshll.u32 v22, $0x10;
	v21 =	vand.u32 $0xFFFF0000, v22;
	v15 =	vld [tilespmem:s12+$0x10460]  }
0x3de: {  	s14 =	sadd.s32 $0x200, s14;
	v24 =	vadd.f32 v24, v20;
	v18 =	vld [tilespmem:s13+$0xB470];
	v22 =	vshll.u32 v25, $0x10;
	v20 =	vand.u32 $0xFFFF0000, v25  }
0x3df: {  	v25 =	vld [tilespmem:s13+$0xDC70];
	[tilespmem:s12+$0x12C00] =	vst v10;
	v13 =	vadd.f32 v23, v13  }
0x3e0: {  	v12 =	vadd.f32 v21, v12;
	v10 =	vld [tilespmem:s13+$0x10470];
	[tilespmem:s12+$0x15400] =	vst v24  }
0x3e1: {  	v14 =	vadd.f32 v22, v14;
	v23 =	vld [tilespmem:s13+$0x6400];
	[tilespmem:s12+$0x12C10] =	vst v13  }
0x3e2: {  	v13 =	vld [tilespmem:s13+$0x8C00];
	[tilespmem:s12+$0x15410] =	vst v12  }
0x3e3: {  	v11 =	vadd.f32 v20, v11;
	v12 =	vld [tilespmem:s13+$0xB400];
	[tilespmem:s12+$0x12C20] =	vst v14;
	v14 =	vshll.u32 v19, $0x10  }
0x3e4: {  	v8 =	vadd.f32 v14, v8  }
0x3e5: {  	v20 =	vld [tilespmem:s13+$0xDC00];
	[tilespmem:s12+$0x15420] =	vst v11;
	v11 =	vand.u32 $0xFFFF0000, v19  }
0x3e6: {  	v14 =	vld [tilespmem:s13+$0x6410];
	v9 =	vadd.f32 v11, v9;
	[tilespmem:s12+$0x12C30] =	vst v8;
	v8 =	vshll.u32 v17, $0x10  }
0x3e7: {  	v18 =	vadd.f32 v25, v18;
	v7 =	vadd.f32 v8, v7  }
0x3e8: {  	v11 =	vld [tilespmem:s13+$0x8C10];
	[tilespmem:s12+$0x15430] =	vst v9;
	v8 =	vand.u32 $0xFFFF0000, v10  }
0x3e9: {  	v9 =	vld [tilespmem:s13+$0xB410];
	v8 =	vadd.f32 v8, v18;
	[tilespmem:s12+$0x12C40] =	vst v7;
	v7 =	vand.u32 $0xFFFF0000, v17  }
0x3ea: {  	v6 =	vadd.f32 v7, v6  }
0x3eb: {  	v17 =	vld [tilespmem:s13+$0xDC10];
	[tilespmem:s13+$0x15470] =	vst v8;
	v7 =	vshll.u32 v16, $0x10  }
0x3ec: {  	v8 =	vld [tilespmem:s13+$0x6420];
	v5 =	vadd.f32 v7, v5;
	[tilespmem:s12+$0x15440] =	vst v6;
	v6 =	vand.u32 $0xFFFF0000, v16  }
0x3ed: {  	v1 =	vadd.f32 v6, v1  }
0x3ee: {  	v7 =	vld [tilespmem:s13+$0x8C20];
	[tilespmem:s12+$0x12C50] =	vst v5;
	v5 =	vshll.u32 v15, $0x10  }
0x3ef: {  	v6 =	vld [tilespmem:s13+$0xB420];
	v2 =	vadd.f32 v5, v2;
	[tilespmem:s12+$0x15450] =	vst v1;
	v1 =	vand.u32 $0xFFFF0000, v15  }
0x3f0: {  	v1 =	vadd.f32 v1, v4  }
0x3f1: {  	v0 =	vadd.f32 v0, v3;
	v5 =	vld [tilespmem:s13+$0xDC20];
	[tilespmem:s12+$0x12C60] =	vst v2  }
0x3f2: {  	v2 =	vld [tilespmem:s13+$0x6430];
	[tilespmem:s12+$0x15460] =	vst v1  }
0x3f3: {  	v1 =	vld [tilespmem:s13+$0x8C30];
	[tilespmem:s12+$0x12C70] =	vst v0  }
0x3f4: {  	v0 =	vld [tilespmem:s13+$0xB430]  }
0x3f5: {  	v3 =	vld [tilespmem:s13+$0xDC30]  }
0x3f6: {  	v4 =	vld [tilespmem:s13+$0x6440]  }
0x3f7: {  	v15 =	vld [tilespmem:s13+$0x8C40]  }
0x3f8: {  	v16 =	vld [tilespmem:s13+$0xB440]  }
0x3f9: {  	v18 =	vld [tilespmem:s13+$0xDC40]  }
0x3fa: {  	v19 =	vld [tilespmem:s13+$0x6450]  }
0x3fb: {  	v21 =	vld [tilespmem:s13+$0x8C50]  }
0x3fc: {  	v22 =	vld [tilespmem:s13+$0xB450]  }
0x3fd: {  	v30 =	vld [tilespmem:s13+$0x10400]  }
0x3fe: {  	v24 =	vld [tilespmem:s13+$0xDC50]  }
0x3ff: {  	v32 =	vld [tilespmem:s13+$0x10410]  }
0x400: {  	v33 =	vld [tilespmem:s13+$0x10420]  }
0x401: {  	v13 =	vadd.f32 v13, v23;
	v12 =	vadd.f32 v20, v12;
	v23 =	vld [tilespmem:s13+$0x10430]  }
0x402: {  	v11 =	vadd.f32 v11, v14;
	v9 =	vadd.f32 v17, v9;
	v25 =	vld [tilespmem:s13+$0x6460];
	v34 =	vshll.u32 v30, $0x10  }
0x403: {  	v7 =	vadd.f32 v7, v8;
	v26 =	vld [tilespmem:s13+$0x8C60];
	v14 =	vand.u32 $0xFFFF0000, v30;
	v13 =	vadd.f32 v34, v13  }
0x404: {  	v27 =	vld [tilespmem:s13+$0xB460];
	v5 =	vadd.f32 v5, v6;
	v17 =	vshll.u32 v32, $0x10;
	v12 =	vadd.f32 v14, v12  }
0x405: {  	v20 =	vld [tilespmem:s13+$0x10440];
	v1 =	vadd.f32 v1, v2;
	v2 =	vand.u32 $0xFFFF0000, v33;
	v8 =	vadd.f32 v17, v11;
	[tilespmem:s13+$0x12C00] =	vst v13  }
0x406: {  	v28 =	vld [tilespmem:s13+$0xDC60];
	v0 =	vadd.f32 v3, v0;
	v3 =	vshll.u32 v23, $0x10;
	v2 =	vadd.f32 v2, v5;
	[tilespmem:s13+$0x15400] =	vst v12  }
0x407: {  	v56 =	vld [tilespmem:s13+$0x10450];
	v11 =	vand.u32 $0xFFFF0000, v32;
	v1 =	vadd.f32 v3, v1;
	[tilespmem:s13+$0x12C10] =	vst v8  }
0x408: {  	v29 =	vld [tilespmem:s13+$0x6470];
	v5 =	vand.u32 $0xFFFF0000, v23;
	v6 =	vadd.f32 v11, v9;
	[tilespmem:s13+$0x15420] =	vst v2  }
0x409: {  	v14 =	vld [tilespmem:s13+$0x10460];
	v3 =	vadd.f32 v18, v16;
	v9 =	vshll.u32 v33, $0x10;
	v0 =	vadd.f32 v5, v0;
	[tilespmem:s13+$0x12C30] =	vst v1  }
0x40a: {  	v31 =	vld [tilespmem:s13+$0x8C70];
	v4 =	vadd.f32 v15, v4;
	v5 =	vand.u32 $0xFFFF0000, v20;
	v7 =	vadd.f32 v9, v7;
	[tilespmem:s13+$0x15410] =	vst v6  }
0x40b: {  	v1 =	vadd.f32 v24, v22;
	v3 =	vadd.f32 v5, v3;
	v6 =	vshll.u32 v20, $0x10;
	[tilespmem:s13+$0x15430] =	vst v0  }
0x40c: {  	v2 =	vadd.f32 v21, v19;
	v5 =	vand.u32 $0xFFFF0000, v56;
	[tilespmem:s13+$0x12C20] =	vst v7;
	v4 =	vadd.f32 v6, v4  }
0x40d: {  	v0 =	vadd.f32 v26, v25;
	v6 =	vshll.u32 v56, $0x10;
	v1 =	vadd.f32 v5, v1;
	[tilespmem:s13+$0x15440] =	vst v3  }
0x40e: {  	v2 =	vadd.f32 v6, v2;
	v6 =	vshll.u32 v14, $0x10;
	[tilespmem:s13+$0x12C40] =	vst v4;
	v4 =	vadd.f32 v28, v27  }
0x40f: {  	v3 =	vadd.f32 v31, v29;
	v5 =	vand.u32 $0xFFFF0000, v14;
	v0 =	vadd.f32 v6, v0;
	[tilespmem:s13+$0x15450] =	vst v1  }
0x410: {  	[tilespmem:s13+$0x12C50] =	vst v2;
	v2 =	vshll.u32 v10, $0x10;
	v4 =	vadd.f32 v5, v4  }
0x411: {  	v1 =	vadd.f32 v2, v3;
	[tilespmem:s13+$0x12C60] =	vst v0  }
0x412: {  	[tilespmem:s13+$0x15460] =	vst v4  }
0x413: {  	s14 =	simm.s32 $0x0;
	s28 =	rddreg [dreg:$0x13];
	[tilespmem:s13+$0x12C70] =	vst v1  }
0x414: {  	[hbm4b:s28+s14] =	stream.linear.scatter [tilespmem:s23], [sflag:$0x6], $0x1400, $0x38;
	[tilespmem:$0x16800] =	vst v63  }
0x415: {  	s31 =	rddreg [dreg:$0x14]  }
0x416: {  	[hbm4b:s31+s14] =	stream.linear.scatter [tilespmem:s24], [sflag:$0x6], $0x1400, $0x38;
	[tilespmem:$0x16800] =	vst v63  }
0x417: {  	_ =	swait.ge [sflag:s17], $0x1400  }
0x418: {  	[sflag:s17] =	ssyncset.done $0x0  }
0x419: {  	[sflag:s17] =	ssyncadd.s32 $0xFFFFEC00  }
0x41a: {  	_ =	swait.ge [sflag:s17], $0x1400  }
0x41b: {  	[sflag:s17] =	ssyncset.done $0x0  }
0x41c: {  	[sflag:s17] =	ssyncadd.s32 $0xFFFFEC00  }
0x41d: {  	_ =	swait.ge [sflag:s17], $0x1400  }
0x41e: {  	[sflag:s17] =	ssyncset.done $0x0  }
0x41f: {  	[sflag:s17] =	ssyncadd.s32 $0xFFFFEC00  }
0x420: {  	_ =	swait.ge [sflag:s17], $0x1400  }
0x421: {  	[sflag:s17] =	ssyncset.done $0x0  }
0x422: {  	[sflag:s17] =	ssyncadd.s32 $0xFFFFEC00  }
0x423: {  	_ =	swait.ge [sflag:s18], $0x1400  }
0x424: {  	[sflag:s18] =	ssyncset.done $0x0  }
0x425: {  	[sflag:s18] =	ssyncadd.s32 $0xFFFFEC00  }
0x426: {  	_ =	swait.ge [sflag:s25], $0x1400  }
0x427: {  	[sflag:s25] =	ssyncset.done $0x0  }
0x428: {  	[sflag:s25] =	ssyncadd.s32 $0xFFFFEC00  }
0x429: {  	_ =	swait.ge [sflag:s25], $0x1400  }
0x42a: {  	[sflag:s25] =	ssyncset.done $0x0  }
0x42b: {  	s12 =	simm.s32 $0x0;
	[sflag:s25] =	ssyncadd.s32 $0xFFFFEC00  }
0x42c: {  	v0 =	vld [tilespmem:s12+$0xA070]  }
0x42d: {  	v1 =	vld [tilespmem:s12+$0xC870]  }
0x42e: {  	v2 =	vld [tilespmem:s12+$0xF070]  }
0x42f: {  	v3 =	vld [tilespmem:s12+$0x5000]  }
0x430: {  	v4 =	vld [tilespmem:s12+$0x7800]  }
0x431: {  	v5 =	vld [tilespmem:s12+$0xA000]  }
0x432: {  	v6 =	vld [tilespmem:s12+$0xC800]  }
0x433: {  	v8 =	vld [tilespmem:s12+$0x7810]  }
0x434: {  	v9 =	vld [tilespmem:s12+$0xC810]  }
0x435: {  	v10 =	vld [tilespmem:s12+$0x7820]  }
0x436: {  	v11 =	vld [tilespmem:s12+$0xA020]  }
0x437: {  	v15 =	vld [tilespmem:s12+$0xC820]  }
0x438: {  	v16 =	vld [tilespmem:s12+$0x5030]  }
0x439: {  	v17 =	vld [tilespmem:s12+$0x7830]  }
0x43a: {  	v18 =	vld [tilespmem:s12+$0xA030]  }
0x43b: {  	v19 =	vld [tilespmem:s12+$0xC830]  }
0x43c: {  	v20 =	vld [tilespmem:s12+$0x5040]  }
0x43d: {  	v21 =	vld [tilespmem:s12+$0x7840]  }
0x43e: {  	v22 =	vld [tilespmem:s12+$0xA040]  }
0x43f: {  	v23 =	vld [tilespmem:s12+$0xC840]  }
0x440: {  	v24 =	vld [tilespmem:s12+$0x5050]  }
0x441: {  	v25 =	vld [tilespmem:s12+$0x7850]  }
0x442: {  	v26 =	vld [tilespmem:s12+$0xA050]  }
0x443: {  	v27 =	vld [tilespmem:s12+$0xC850]  }
0x444: {  	v57 =	vld [tilespmem:s12+$0x5060];
	v0 =	vadd.f32 v1, v0  }
0x445: {  	v59 =	vld [tilespmem:s12+$0xA060];
	v7 =	vand.u32 $0xFFFF0000, v2  }
0x446: {  	v60 =	vld [tilespmem:s12+$0xC860];
	v0 =	vadd.f32 v7, v0  }
0x447: {  	v63 =	vld [tilespmem:s12+$0x7870]  }
0x448: {  	[tilespmem:s12+$0x14070] =	vst v0;
	v0 =	vld [tilespmem:s12+$0x5020]  }
0x449: {  	v1 =	vld [tilespmem:s12+$0x5010]  }
0x44a: {  	v7 =	vld [tilespmem:s12+$0xA010]  }
0x44b: {  	v61 =	vadd.f32 v4, v3;
	v62 =	vadd.f32 v6, v5;
	v3 =	vld [tilespmem:s12+$0x5070]  }
0x44c: {  	v11 =	vadd.f32 v15, v11;
	v15 =	vld [tilespmem:s12+$0xF010];
	v6 =	vadd.f32 v23, v22  }
0x44d: {  	v5 =	vadd.f32 v25, v24;
	v14 =	vadd.f32 v10, v0;
	v10 =	vld [tilespmem:s12+$0xF000]  }
0x44e: {  	v58 =	vld [tilespmem:s12+$0x7860];
	v4 =	vadd.f32 v60, v59;
	v13 =	vadd.f32 v8, v1  }
0x44f: {  	v12 =	vadd.f32 v9, v7;
	v7 =	vadd.f32 v21, v20;
	v20 =	vld [tilespmem:s12+$0xF020]  }
0x450: {  	v8 =	vadd.f32 v17, v16;
	v9 =	vadd.f32 v19, v18;
	v19 =	vld [tilespmem:s12+$0xF030]  }
0x451: {  	v1 =	vadd.f32 v27, v26;
	v17 =	vld [tilespmem:s12+$0xF040];
	v3 =	vadd.f32 v63, v3;
	v23 =	vshll.u32 v15, $0x10  }
0x452: {  	v16 =	vld [tilespmem:s12+$0xF050];
	v21 =	vand.u32 $0xFFFF0000, v15;
	v0 =	vshll.u32 v2, $0x10;
	v18 =	vshll.u32 v10, $0x10  }
0x453: {  	s13 =	simm.s32 $0x80;
	v15 =	vld [tilespmem:s12+$0xF060];
	v2 =	vadd.f32 v58, v57;
	v22 =	vand.u32 $0xFFFF0000, v10;
	v10 =	vadd.f32 v18, v61  }
0x454: {  	s14 =	simm.s32 $0x400;
	v18 =	vld [tilespmem:s13+$0xA070];
	v24 =	vadd.f32 v22, v62;
	v22 =	vshll.u32 v20, $0x10;
	v20 =	vand.u32 $0xFFFF0000, v20  }
.LBB2_16:
0x455: {  	p0 =	sne.s32 s14, $0x4E00;
	v25 =	vld [tilespmem:s13+$0xC870];
	[tilespmem:s12+$0x11800] =	vst v10;
	v10 =	vadd.f32 v23, v13;
	v13 =	vshll.u32 v19, $0x10;
	v19 =	vand.u32 $0xFFFF0000, v19  }
0x456: {  	v12 =	vadd.f32 v21, v12;
	v23 =	vld [tilespmem:s13+$0xF070];
	[tilespmem:s12+$0x14000] =	vst v24;
	v21 =	vshll.u32 v17, $0x10;
	v17 =	vand.u32 $0xFFFF0000, v17  }
0x457: {  	v24 =	vld [tilespmem:s13+$0x5000];
	[tilespmem:s12+$0x11810] =	vst v10;
	v10 =	vadd.f32 v22, v14;
	v14 =	vshll.u32 v16, $0x10;
	v16 =	vand.u32 $0xFFFF0000, v16  }
0x458: {  	v11 =	vadd.f32 v20, v11;
	v22 =	vld [tilespmem:s13+$0x7800];
	[tilespmem:s12+$0x14010] =	vst v12;
	v12 =	vshll.u32 v15, $0x10;
	v15 =	vand.u32 $0xFFFF0000, v15  }
0x459: {  	v8 =	vadd.f32 v13, v8;
	v9 =	vadd.f32 v19, v9;
	v20 =	vld [tilespmem:s13+$0xA000];
	[tilespmem:s12+$0x11820] =	vst v10  }
0x45a: {  	v7 =	vadd.f32 v21, v7;
	v10 =	vld [tilespmem:s13+$0xC800];
	v13 =	vadd.f32 v25, v18;
	[tilespmem:s12+$0x14020] =	vst v11  }
0x45b: {  	v6 =	vadd.f32 v17, v6;
	v11 =	vld [tilespmem:s13+$0x5010];
	v18 =	vshll.u32 v23, $0x10;
	v19 =	vand.u32 $0xFFFF0000, v23;
	[tilespmem:s12+$0x11830] =	vst v8  }
0x45c: {  	v5 =	vadd.f32 v14, v5;
	v8 =	vld [tilespmem:s13+$0x7810];
	v13 =	vadd.f32 v19, v13;
	[tilespmem:s12+$0x14030] =	vst v9  }
0x45d: {  	v1 =	vadd.f32 v16, v1;
	v21 =	vadd.f32 v22, v24;
	v9 =	vld [tilespmem:s13+$0xA010];
	[tilespmem:s12+$0x11840] =	vst v7  }
0x45e: {  	v2 =	vadd.f32 v12, v2;
	v4 =	vadd.f32 v15, v4;
	v7 =	vld [tilespmem:s13+$0xC810];
	[tilespmem:s13+$0x14070] =	vst v13  }
0x45f: {  	v3 =	vadd.f32 v0, v3;
	v0 =	vmov v18;
	v20 =	vadd.f32 v10, v20;
	v10 =	vld [tilespmem:s13+$0x5020];
	[tilespmem:s12+$0x14040] =	vst v6  }
0x460: {  	v6 =	vld [tilespmem:s13+$0x7820];
	[tilespmem:s12+$0x11850] =	vst v5  }
0x461: {  	v13 =	vadd.f32 v8, v11;
	v5 =	vld [tilespmem:s13+$0xA020];
	[tilespmem:s12+$0x14050] =	vst v1  }
0x462: {  	v1 =	vld [tilespmem:s13+$0xC820];
	[tilespmem:s12+$0x11860] =	vst v2  }
0x463: {  	v12 =	vadd.f32 v7, v9;
	v2 =	vld [tilespmem:s13+$0x5030];
	[tilespmem:s12+$0x14060] =	vst v4  }
0x464: {  	v4 =	vld [tilespmem:s13+$0x7830];
	[tilespmem:s12+$0x11870] =	vst v3;
	s12 =	smov.u32 s13  }
0x465: {  	v14 =	vadd.f32 v6, v10;
	v3 =	vld [tilespmem:s12+$0xA030]  }
0x466: {  	v6 =	vld [tilespmem:s12+$0xC830]  }
0x467: {  	v11 =	vadd.f32 v1, v5;
	v1 =	vld [tilespmem:s12+$0x5040]  }
0x468: {  	v5 =	vld [tilespmem:s12+$0x7840]  }
0x469: {  	v8 =	vadd.f32 v4, v2;
	v2 =	vld [tilespmem:s12+$0xA040]  }
0x46a: {  	v4 =	vld [tilespmem:s12+$0xC840]  }
0x46b: {  	v9 =	vadd.f32 v6, v3;
	v3 =	vld [tilespmem:s12+$0x5050]  }
0x46c: {  	v10 =	vld [tilespmem:s12+$0x7850]  }
0x46d: {  	v7 =	vadd.f32 v5, v1;
	v1 =	vld [tilespmem:s12+$0xA050]  }
0x46e: {  	v15 =	vld [tilespmem:s12+$0xC850]  }
0x46f: {  	v6 =	vadd.f32 v4, v2;
	v2 =	vld [tilespmem:s12+$0x5060]  }
0x470: {  	v4 =	vld [tilespmem:s12+$0x7860]  }
0x471: {  	v5 =	vadd.f32 v10, v3;
	v3 =	vld [tilespmem:s12+$0xA060]  }
0x472: {  	v10 =	vld [tilespmem:s12+$0xC860]  }
0x473: {  	v1 =	vadd.f32 v15, v1;
	v15 =	vld [tilespmem:s12+$0x5070]  }
0x474: {  	v16 =	vld [tilespmem:s12+$0x7870]  }
0x475: {  	v18 =	vld [tilespmem:s12+$0xF000];
	v2 =	vadd.f32 v4, v2  }
0x476: {  	v22 =	vld [tilespmem:s12+$0xF010]  }
0x477: {  	v25 =	vld [tilespmem:s12+$0xF020];
	v4 =	vadd.f32 v10, v3  }
.Ltmp7:
0x478: {  	v19 =	vld [tilespmem:s12+$0xF030];
	(pc) =	sbr.rel @p0 .LBB2_16-.Ltmp7, $4  }
0x479: {  	v17 =	vld [tilespmem:s12+$0xF040];
	v3 =	vadd.f32 v16, v15  }
0x47a: {  	v10 =	vshll.u32 v18, $0x10;
	v24 =	vand.u32 $0xFFFF0000, v18;
	v16 =	vld [tilespmem:s12+$0xF050]  }
0x47b: {  	s13 =	sshra.s32 s14, $0x2;
	v10 =	vadd.f32 v10, v21;
	v23 =	vshll.u32 v22, $0x10;
	v21 =	vand.u32 $0xFFFF0000, v22;
	v15 =	vld [tilespmem:s12+$0xF060]  }
0x47c: {  	s14 =	sadd.s32 $0x200, s14;
	v24 =	vadd.f32 v24, v20;
	v18 =	vld [tilespmem:s13+$0xA070];
	v22 =	vshll.u32 v25, $0x10;
	v20 =	vand.u32 $0xFFFF0000, v25  }
0x47d: {  	v25 =	vld [tilespmem:s13+$0xC870];
	[tilespmem:s12+$0x11800] =	vst v10;
	v13 =	vadd.f32 v23, v13  }
0x47e: {  	v12 =	vadd.f32 v21, v12;
	v10 =	vld [tilespmem:s13+$0xF070];
	[tilespmem:s12+$0x14000] =	vst v24  }
0x47f: {  	v14 =	vadd.f32 v22, v14;
	v37 =	vld [tilespmem:s13+$0x5000];
	[tilespmem:s12+$0x11810] =	vst v13  }
0x480: {  	v11 =	vadd.f32 v20, v11;
	v38 =	vshll.u32 v19, $0x10;
	v13 =	vld [tilespmem:s13+$0x7800];
	[tilespmem:s12+$0x14010] =	vst v12  }
0x481: {  	v40 =	vand.u32 $0xFFFF0000, v19;
	v8 =	vadd.f32 v38, v8;
	v12 =	vld [tilespmem:s13+$0xA000];
	[tilespmem:s12+$0x11820] =	vst v14  }
0x482: {  	v9 =	vadd.f32 v40, v9;
	v42 =	vshll.u32 v17, $0x10;
	v39 =	vld [tilespmem:s13+$0xC800];
	[tilespmem:s12+$0x14020] =	vst v11;
	v18 =	vadd.f32 v25, v18  }
0x483: {  	v7 =	vadd.f32 v42, v7;
	v41 =	vld [tilespmem:s13+$0x5010];
	[tilespmem:s12+$0x11830] =	vst v8;
	v44 =	vand.u32 $0xFFFF0000, v10  }
0x484: {  	v45 =	vand.u32 $0xFFFF0000, v17;
	v43 =	vld [tilespmem:s13+$0x7810];
	[tilespmem:s12+$0x14030] =	vst v9;
	v8 =	vadd.f32 v44, v18  }
0x485: {  	v6 =	vadd.f32 v45, v6;
	v47 =	vshll.u32 v16, $0x10;
	v9 =	vld [tilespmem:s13+$0xA010];
	[tilespmem:s12+$0x11840] =	vst v7  }
0x486: {  	v49 =	vand.u32 $0xFFFF0000, v16;
	v5 =	vadd.f32 v47, v5;
	v46 =	vld [tilespmem:s13+$0xC810];
	[tilespmem:s13+$0x14070] =	vst v8  }
0x487: {  	v1 =	vadd.f32 v49, v1;
	v51 =	vshll.u32 v15, $0x10;
	v48 =	vld [tilespmem:s13+$0x5020];
	[tilespmem:s12+$0x14040] =	vst v6  }
0x488: {  	v53 =	vand.u32 $0xFFFF0000, v15;
	v2 =	vadd.f32 v51, v2;
	v50 =	vld [tilespmem:s13+$0x7820];
	[tilespmem:s12+$0x11850] =	vst v5  }
0x489: {  	v52 =	vld [tilespmem:s13+$0xA020];
	[tilespmem:s12+$0x14050] =	vst v1;
	v1 =	vadd.f32 v53, v4  }
0x48a: {  	v0 =	vadd.f32 v0, v3;
	v54 =	vld [tilespmem:s13+$0xC820];
	[tilespmem:s12+$0x11860] =	vst v2  }
0x48b: {  	v2 =	vld [tilespmem:s13+$0x5030];
	[tilespmem:s12+$0x14060] =	vst v1  }
0x48c: {  	v1 =	vld [tilespmem:s13+$0x7830];
	[tilespmem:s12+$0x11870] =	vst v0  }
0x48d: {  	v0 =	vld [tilespmem:s13+$0xA030]  }
0x48e: {  	v55 =	vld [tilespmem:s13+$0xC830]  }
0x48f: {  	v56 =	vld [tilespmem:s13+$0x5040]  }
0x490: {  	v57 =	vld [tilespmem:s13+$0x7840]  }
0x491: {  	v58 =	vld [tilespmem:s13+$0xA040]  }
0x492: {  	v59 =	vld [tilespmem:s13+$0xC840]  }
0x493: {  	v60 =	vld [tilespmem:s13+$0x5050]  }
0x494: {  	v61 =	vld [tilespmem:s13+$0x7850]  }
0x495: {  	v62 =	vld [tilespmem:s13+$0xA050]  }
0x496: {  	v30 =	vld [tilespmem:s13+$0xF000]  }
0x497: {  	v24 =	vld [tilespmem:s13+$0xC850]  }
0x498: {  	v32 =	vld [tilespmem:s13+$0xF010]  }
0x499: {  	v63 =	vld [tilespmem:s13+$0x5060]  }
0x49a: {  	v13 =	vadd.f32 v13, v37;
	v33 =	vld [tilespmem:s13+$0xF020]  }
0x49b: {  	v12 =	vadd.f32 v39, v12;
	v26 =	vld [tilespmem:s13+$0x7860];
	v34 =	vshll.u32 v30, $0x10  }
0x49c: {  	v11 =	vadd.f32 v43, v41;
	v36 =	vld [tilespmem:s13+$0xF030];
	v38 =	vand.u32 $0xFFFF0000, v30;
	v13 =	vadd.f32 v34, v13  }
0x49d: {  	v9 =	vadd.f32 v46, v9;
	v29 =	vld [tilespmem:s13+$0x5070];
	v40 =	vshll.u32 v32, $0x10;
	v12 =	vadd.f32 v38, v12  }
0x49e: {  	v37 =	vld [tilespmem:s13+$0xF040];
	v7 =	vadd.f32 v50, v48;
	v43 =	vand.u32 $0xFFFF0000, v32;
	v42 =	vadd.f32 v40, v11;
	[tilespmem:s13+$0x11800] =	vst v13  }
0x49f: {  	v31 =	vld [tilespmem:s13+$0x7870];
	v5 =	vadd.f32 v54, v52;
	v45 =	vshll.u32 v33, $0x10;
	v44 =	vadd.f32 v43, v9;
	[tilespmem:s13+$0x14000] =	vst v12  }
0x4a0: {  	v39 =	vld [tilespmem:s13+$0xF050];
	v1 =	vadd.f32 v1, v2;
	v47 =	vand.u32 $0xFFFF0000, v33;
	v46 =	vadd.f32 v45, v7;
	[tilespmem:s13+$0x11810] =	vst v42  }
0x4a1: {  	v27 =	vld [tilespmem:s13+$0xA060];
	v0 =	vadd.f32 v55, v0;
	v48 =	vshll.u32 v36, $0x10;
	v5 =	vadd.f32 v47, v5;
	[tilespmem:s13+$0x14010] =	vst v44  }
0x4a2: {  	v28 =	vld [tilespmem:s13+$0xC860];
	v4 =	vadd.f32 v57, v56;
	v49 =	vand.u32 $0xFFFF0000, v36;
	v1 =	vadd.f32 v48, v1;
	[tilespmem:s13+$0x11820] =	vst v46  }
0x4a3: {  	v41 =	vld [tilespmem:s13+$0xF060];
	v50 =	vadd.f32 v59, v58;
	v51 =	vshll.u32 v37, $0x10;
	v0 =	vadd.f32 v49, v0;
	[tilespmem:s13+$0x14020] =	vst v5  }
0x4a4: {  	v52 =	vadd.f32 v61, v60;
	v53 =	vand.u32 $0xFFFF0000, v37;
	v3 =	vadd.f32 v51, v4;
	[tilespmem:s13+$0x11830] =	vst v1  }
0x4a5: {  	v55 =	vshll.u32 v39, $0x10;
	v60 =	vadd.f32 v31, v29;
	v2 =	vadd.f32 v53, v50;
	[tilespmem:s13+$0x14030] =	vst v0  }
0x4a6: {  	v54 =	vadd.f32 v24, v62;
	v62 =	vshll.u32 v10, $0x10;
	v4 =	vadd.f32 v55, v52;
	[tilespmem:s13+$0x11840] =	vst v3  }
0x4a7: {  	v56 =	vadd.f32 v26, v63;
	v57 =	vand.u32 $0xFFFF0000, v39;
	v63 =	vadd.f32 v62, v60;
	[tilespmem:s13+$0x14040] =	vst v2  }
0x4a8: {  	v58 =	vadd.f32 v28, v27;
	v59 =	vshll.u32 v41, $0x10;
	v1 =	vadd.f32 v57, v54;
	[tilespmem:s13+$0x11850] =	vst v4  }
0x4a9: {  	v61 =	vand.u32 $0xFFFF0000, v41;
	v0 =	vadd.f32 v59, v56;
	[tilespmem:s13+$0x11870] =	vst v63  }
0x4aa: {  	v3 =	vadd.f32 v61, v58;
	[tilespmem:s13+$0x14050] =	vst v1  }
0x4ab: {  	[tilespmem:s13+$0x11860] =	vst v0  }
0x4ac: {  	[tilespmem:s13+$0x14060] =	vst v3;
	s13 =	rddreg [dreg:$0x12]  }
0x4ad: {  	[hbm4b:s13+s3] =	stream.linear.scatter [tilespmem:s19], [sflag:$0x5], $0x1400, $0x38;
	[tilespmem:$0x16800] =	vst v63  }
0x4ae: {  	s14 =	rddreg [dreg:$0x15]  }
0x4af: {  	[hbm4b:s14+s3] =	stream.linear.scatter [tilespmem:s20], [sflag:$0x5], $0x1400, $0x38;
	[tilespmem:$0x16800] =	vst v63  }
0x4b0: {  	_ =	swait.ge [sflag:s26], $0x1400  }
0x4b1: {  	[sflag:s26] =	ssyncset.done $0x0  }
0x4b2: {  	[sflag:s26] =	ssyncadd.s32 $0xFFFFEC00  }
0x4b3: {  	_ =	swait.ge [sflag:s26], $0x1400  }
0x4b4: {  	[sflag:s26] =	ssyncset.done $0x0  }
0x4b5: {  	[sflag:s26] =	ssyncadd.s32 $0xFFFFEC00  }
0x4b6: {  	_ =	swait.ge [sflag:s25], $0x1400  }
0x4b7: {  	[sflag:s25] =	ssyncset.done $0x0  }
0x4b8: {  	[sflag:s25] =	ssyncadd.s32 $0xFFFFEC00  }
0x4b9: {  	_ =	swait.ge [sflag:s25], $0x1400  }
0x4ba: {  	s28 =	rddreg [dreg:$0x17]  }
0x4bb: {  	s31 =	rddreg [dreg:$0x16];
	s13 =	sadd.s32 $0x1, s28  }
0x4bc: {  	p0 =	sne.s32 s13, s31  }
.Ltmp8:
0x4bd: {  	_ = 	snop;
	(pc) =	sbr.rel @p0 .LBB2_1-.Ltmp8, $3  }
0x4be: {  	_ =	sdelay $0x1  }
0x4bf: {  	[sflag:s25] =	ssyncset.done $0x0  }
0x4c0: {  	[sflag:s25] =	ssyncadd.s32 $0xFFFFEC00  }
0x4c1: {  	_ =	sfence.sel $0x180000  }
0x4c2: {  	[bflag:$0x0] =	sbarrier.arrive $0xFFFF  }
0x4c3: {  	_ =	strace $0x90000047  }
0x4c4: {  	s0 =	stileid.u32;
	[bflag:$0x2] =	sbarrier.arrive $0xFFFF  }
0x4c5: {  	p0 =	sne.s32 s0, $0x0;
	s0 =	rddreg [dreg:$0x2]  }
0x4c6: {  	s0 =	sadd.s32 @!p0 $0x100000, s0  }
0x4c7: {  	[sflag:s0] =	ssyncadd.tile.s32 @!p0 $0x1;
	_ =	shalt  }
.Lfunc_end2:
_tile_overlayer_lowered:
.L_overlay_start_2:
0x4c8: {  	(tag) =	ssettag $0x2  }
0x4c9: {  	s0 =	rddreg [dreg:$0x0];
	s2 =	stileid.u32  }
0x4ca: {  	s1 =	rddreg [dreg:$0x1];
	p0 =	sne.s32 s2, $0x0  }
0x4cb: {  	s3 =	rddreg [dreg:$0x2];
	[bflag:$0x3] =	sbarrier.arrive $0xFFFF;
	s2 =	simm.s32 @!p0 $0x1C07  }
0x4cc: {  	[timem:s3], [sflag:s2] =	dma.local @!p0 [hbm:s0], s1  }
0x4cd: {  	s0 =	simm.s32 @!p0 $0x7  }
0x4ce: {  	_ =	swait.ge @!p0 [sflag:s0], s1  }
0x4cf: {  	s1 =	ssub.s32 @!p0 $0x0, s1;
	[sflag:s0] =	ssyncset.done @!p0 $0x0  }
0x4d0: {  	[sflag:s0] =	ssyncadd.s32 @!p0 s1  }
0x4d1: {  	[bflag:$0x3] =	sbarrier.arrive $0xFFFF  }
0x4d2: {  	_ =	shalt  }

</sc_bundles>
